<compile_context>
chip_gen: v7x
topology: tpu7x:2x2x1
jax: 0.10.2.dev20260603
libtpu: 0.0.44.dev20260713+nightly
codegen_flags: <defaults>
</compile_context>

<pallas_src>
import functools

import jax
import jax.numpy as jnp
from jax import lax
from jax.experimental import pallas as pl
from jax.experimental.pallas import tpu as pltpu
from jax.experimental.pallas import tpu_sc as plsc

EMB_DIM = 64
SCALE = 8.0

NUM_CORES = 2
NUM_SUBCORES = 16
NUM_WORKERS = NUM_CORES * NUM_SUBCORES

HALF = 64
NBUF = 8

NC = 16384
TB = 8


def _tc_transpose(table_t):
    d, v = table_t.shape

    def body(in_ref, out_ref):
        t = in_ref[...].T
        t3 = t.reshape(NC // 2, 2, d)
        out_ref[:, 0:d] = t3[:, 0, :]
        out_ref[:, d : 2 * d] = t3[:, 1, :]

    return pl.pallas_call(
        body,
        grid=(pl.cdiv(v, NC),),
        in_specs=[pl.BlockSpec((d, NC), lambda i: (0, i))],
        out_specs=pl.BlockSpec((NC // 2, 2 * d), lambda i: (i, 0)),
        out_shape=jax.ShapeDtypeStruct((v // 2, 2 * d), jnp.float32),
        compiler_params=pltpu.CompilerParams(vmem_limit_bytes=100 * 2**20),
    )(table_t)


def _tc_pack(outg, s0, s1):
    hb = s0 // 2

    def body(in_ref, out_ref):
        for t in range(TB):
            sub = in_ref[t * hb : (t + 1) * hb, :]
            out_ref[t, :, 0:hb] = sub[:, 0:EMB_DIM].T * SCALE
            out_ref[t, :, hb : 2 * hb] = sub[:, EMB_DIM:128].T * SCALE

    return pl.pallas_call(
        body,
        grid=(s1 // TB,),
        in_specs=[pl.BlockSpec((TB * hb, 128), lambda i: (i, 0))],
        out_specs=pl.BlockSpec((TB, EMB_DIM, s0), lambda i: (i, 0, 0)),
        out_shape=jax.ShapeDtypeStruct((s1, EMB_DIM, s0), jnp.float32),
        compiler_params=pltpu.CompilerParams(vmem_limit_bytes=100 * 2**20),
    )(outg)


def _make_gather(s0, s1):
    hb = s0 // 2
    assert hb == HALF * NUM_WORKERS and s1 % NBUF == 0
    mesh = plsc.VectorSubcoreMesh(core_axis_name="c", subcore_axis_name="s")

    @functools.partial(
        pl.kernel,
        mesh=mesh,
        out_type=jax.ShapeDtypeStruct((s0 * s1, EMB_DIM), jnp.float32),
        scratch_types=[
            pltpu.VMEM((s1, 2, HALF), jnp.int32),
            pltpu.VMEM((NBUF, 2 * HALF), jnp.int32),
            pltpu.VMEM((NBUF, 2 * HALF, EMB_DIM), jnp.float32),
            [pltpu.SemaphoreType.DMA] * NBUF,
            [pltpu.SemaphoreType.DMA] * NBUF,
        ],
        compiler_params=pltpu.CompilerParams(
            use_tc_tiling_on_sc=False, needs_layout_passes=False),
    )
    def gather_kernel(table_hbm, xt_hbm, out_hbm, ibuf, idx_v, g_v,
                      gsems, ssems):
        wid = lax.axis_index("s") * NUM_CORES + lax.axis_index("c")
        u0 = wid * HALF

        pltpu.sync_copy(xt_hbm.at[:, pl.ds(u0, HALF)], ibuf.at[:, 0])
        pltpu.sync_copy(xt_hbm.at[:, pl.ds(hb + u0, HALF)], ibuf.at[:, 1])

        lanes = lax.iota(jnp.int32, 16)
        h_vec = lanes & 1
        j_half = lax.shift_right_logical(lanes, 1)

        def start_gather(s, t):
            t_vec = jnp.full((16,), 0, jnp.int32) + t
            for k in range(2 * HALF // 16):
                idx_v.at[s][pl.ds(16 * k, 16)] = plsc.load_gather(
                    ibuf, [t_vec, h_vec, j_half + 8 * k])
            pltpu.make_async_copy(
                table_hbm.at[idx_v.at[s]], g_v.at[s], gsems[s]
            ).start()

        def process(s, t, prefetch):
            pltpu.make_async_copy(
                table_hbm.at[idx_v.at[s]], g_v.at[s], gsems[s]
            ).wait()
            dst = out_hbm.at[pl.ds(2 * (t * hb + u0), 2 * HALF)]
            pltpu.make_async_copy(g_v.at[s], dst, ssems[s]).start()
            pltpu.make_async_copy(g_v.at[s], dst, ssems[s]).wait()
            if prefetch:
                start_gather(s, t + NBUF)

        for s in range(NBUF):
            start_gather(s, s)

        def body(i, _):
            t = i * NBUF
            for s in range(NBUF):
                process(s, t + s, prefetch=True)
            return 0

        n_groups = s1 // NBUF
        lax.fori_loop(0, n_groups - 1, body, 0, unroll=False)
        tail = (n_groups - 1) * NBUF
        for s in range(NBUF):
            process(s, tail + s, prefetch=False)

    return gather_kernel


def kernel(x, table):
    S0, S1 = x.shape
    t2 = _tc_transpose(table.T)
    t4 = t2.reshape(table.shape[0], EMB_DIM)
    xt = x.T
    outg = _make_gather(S0, S1)(t4, xt)
    outp = _tc_pack(outg.reshape(S0 * S1 // 2, 128), S0, S1)
    return outp.transpose(2, 0, 1)

# --- scband reference (transcript-rebuilt; emitter-appended) ---
"""Pipeline reference for scband-embedding-block-6313601925142 (READ-ONLY COPY).

The authoritative reference and input builder live on the scoring server;
editing this copy changes nothing except your own understanding.
"""

import jax, jax.numpy as jnp
import numpy as np
import math

DICT_SIZE = 1000000
EMB_DIM = 64

def setup_inputs(seed: int = 0) -> dict:
    key = jax.random.key(seed)
    k1, k2 = jax.random.split(key)
    x = jax.random.randint(k1, (4096, 200), 0, DICT_SIZE, dtype=jnp.int64 if jax.config.jax_enable_x64 else jnp.int32)
    table = jax.random.normal(k2, (DICT_SIZE, EMB_DIM), dtype=jnp.float32)
    return {"x": x, "table": table}

def reference(x, table):
    emb = jnp.take(table, x, axis=0)
    return emb * math.sqrt(EMB_DIM)

if __name__ == "__main__":
    import jax
    _d = setup_inputs()
    print(jax.jit(kernel)(*tuple(_d.values())))

</pallas_src>

<mosaic_0001>
#map = affine_map<(d0, d1) -> (0, 0)>
module attributes {stable_mosaic.version = 14 : i64} {
  func.func @gather_kernel(%arg0: i32, %arg1: i32, %arg2: memref<1000000x64xf32, #tpu.memory_space<hbm>>, %arg3: memref<200x4096xi32, #tpu.memory_space<hbm>>, %arg4: memref<819200x64xf32, #tpu.memory_space<hbm>>, %arg5: memref<200x2x64xi32, #tpu.memory_space<vmem>>, %arg6: memref<8x128xi32, #tpu.memory_space<vmem>>, %arg7: memref<8x128x64xf32, #tpu.memory_space<vmem>>, %arg8: memref<!tpu.dma_semaphore, #tpu.memory_space<semaphore_mem>>, %arg9: memref<!tpu.dma_semaphore, #tpu.memory_space<semaphore_mem>>, %arg10: memref<!tpu.dma_semaphore, #tpu.memory_space<semaphore_mem>>, %arg11: memref<!tpu.dma_semaphore, #tpu.memory_space<semaphore_mem>>, %arg12: memref<!tpu.dma_semaphore, #tpu.memory_space<semaphore_mem>>, %arg13: memref<!tpu.dma_semaphore, #tpu.memory_space<semaphore_mem>>, %arg14: memref<!tpu.dma_semaphore, #tpu.memory_space<semaphore_mem>>, %arg15: memref<!tpu.dma_semaphore, #tpu.memory_space<semaphore_mem>>, %arg16: memref<!tpu.dma_semaphore, #tpu.memory_space<semaphore_mem>>, %arg17: memref<!tpu.dma_semaphore, #tpu.memory_space<semaphore_mem>>, %arg18: memref<!tpu.dma_semaphore, #tpu.memory_space<semaphore_mem>>, %arg19: memref<!tpu.dma_semaphore, #tpu.memory_space<semaphore_mem>>, %arg20: memref<!tpu.dma_semaphore, #tpu.memory_space<semaphore_mem>>, %arg21: memref<!tpu.dma_semaphore, #tpu.memory_space<semaphore_mem>>, %arg22: memref<!tpu.dma_semaphore, #tpu.memory_space<semaphore_mem>>, %arg23: memref<!tpu.dma_semaphore, #tpu.memory_space<semaphore_mem>>) attributes {dimension_semantics = [#tpu.dimension_semantics<core_parallel>, #tpu.dimension_semantics<subcore_parallel>], iteration_bounds = array<i64: 2, 16>, scalar_prefetch = 0 : i64, scratch_operands = 19 : i64, tpu.core_type = #tpu.core_type<sc_vector_subcore>, window_params = [{transform_indices = #map}, {transform_indices = #map}, {transform_indices = #map}]} {
    %mul3A = arith.constant 2 : i32
    %mul3A_0 = arith.muli %arg1, %mul3A : i32
    %add3A = arith.addi %mul3A_0, %arg0 : i32
    %mul3A_1 = arith.constant 64 : i32
    %mul3A_2 = arith.muli %add3A, %mul3A_1 : i32
    %run_scoped3A = arith.constant 0 : i32
    "tpu.region"() ({
      %run_scoped3A_1123 = tpu.sem_alloc : memref<!tpu.dma_semaphore, #tpu.memory_space<semaphore_mem>>
      %dma_start3A_1124 = arith.constant 0 : i32
      %dma_start3A_1125 = arith.constant 0 : i32
      %dma_start3A_1126 = tpu.memref_slice %arg5[%dma_start3A_1124, %run_scoped3A, %dma_start3A_1125] : memref<200x2x64xi32, #tpu.memory_space<vmem>> -> memref<200x1x64xi32, #tpu.memory_space<vmem>>
      %dma_start3A_1127 = tpu.memref_squeeze %dma_start3A_1126 : memref<200x1x64xi32, #tpu.memory_space<vmem>> -> memref<200x64xi32, #tpu.memory_space<vmem>>
      %dma_start3A_1128 = arith.constant 0 : i32
      %dma_start3A_1129 = tpu.memref_slice %arg3[%dma_start3A_1128, %mul3A_2] : memref<200x4096xi32, #tpu.memory_space<hbm>> -> memref<200x64xi32, #tpu.memory_space<hbm>>
      %dma_start3A_1130 = arith.constant 0 : i32
      %dma_start3A_1131 = arith.constant 0 : i32
      %dma_start3A_1132 = tpu.memref_slice %arg5[%dma_start3A_1130, %run_scoped3A, %dma_start3A_1131] : memref<200x2x64xi32, #tpu.memory_space<vmem>> -> memref<200x1x64xi32, #tpu.memory_space<vmem>>
      %dma_start3A_1133 = tpu.memref_squeeze %dma_start3A_1132 : memref<200x1x64xi32, #tpu.memory_space<vmem>> -> memref<200x64xi32, #tpu.memory_space<vmem>>
      %dma_start3A_1134 = arith.constant 0 : i32
      %dma_start3A_1135 = tpu.memref_slice %arg3[%dma_start3A_1134, %mul3A_2] : memref<200x4096xi32, #tpu.memory_space<hbm>> -> memref<200x64xi32, #tpu.memory_space<hbm>>
      tpu.enqueue_dma source(%dma_start3A_1135 : memref<200x64xi32, #tpu.memory_space<hbm>>) target(%dma_start3A_1133 : memref<200x64xi32, #tpu.memory_space<vmem>>) target_semaphore(%run_scoped3A_1123 : memref<!tpu.dma_semaphore, #tpu.memory_space<semaphore_mem>>)
      %dma_wait3A_1136 = arith.constant 0 : i32
      %dma_wait3A_1137 = arith.constant 0 : i32
      %dma_wait3A_1138 = tpu.memref_slice %arg5[%dma_wait3A_1136, %run_scoped3A, %dma_wait3A_1137] : memref<200x2x64xi32, #tpu.memory_space<vmem>> -> memref<200x1x64xi32, #tpu.memory_space<vmem>>
      %dma_wait3A_1139 = tpu.memref_squeeze %dma_wait3A_1138 : memref<200x1x64xi32, #tpu.memory_space<vmem>> -> memref<200x64xi32, #tpu.memory_space<vmem>>
      %dma_wait3A_1140 = arith.constant 0 : i32
      %dma_wait3A_1141 = tpu.memref_slice %arg3[%dma_wait3A_1140, %mul3A_2] : memref<200x4096xi32, #tpu.memory_space<hbm>> -> memref<200x64xi32, #tpu.memory_space<hbm>>
      %dma_wait3A_1142 = arith.constant 0 : i32
      %dma_wait3A_1143 = arith.constant 0 : i32
      %dma_wait3A_1144 = tpu.memref_slice %arg5[%dma_wait3A_1142, %run_scoped3A, %dma_wait3A_1143] : memref<200x2x64xi32, #tpu.memory_space<vmem>> -> memref<200x1x64xi32, #tpu.memory_space<vmem>>
      %dma_wait3A_1145 = tpu.memref_squeeze %dma_wait3A_1144 : memref<200x1x64xi32, #tpu.memory_space<vmem>> -> memref<200x64xi32, #tpu.memory_space<vmem>>
      %dma_wait3A_1146 = arith.constant 0 : i32
      %dma_wait3A_1147 = tpu.memref_slice %arg3[%dma_wait3A_1146, %mul3A_2] : memref<200x4096xi32, #tpu.memory_space<hbm>> -> memref<200x64xi32, #tpu.memory_space<hbm>>
      tpu.wait_dma2 semaphore(%run_scoped3A_1123 : memref<!tpu.dma_semaphore, #tpu.memory_space<semaphore_mem>>) src(%dma_wait3A_1147 : memref<200x64xi32, #tpu.memory_space<hbm>>) dst(%dma_wait3A_1145 : memref<200x64xi32, #tpu.memory_space<vmem>>)
      tpu.yield
    }) : () -> ()
    %add3A_3 = arith.constant 2048 : i32
    %add3A_4 = arith.addi %add3A_3, %mul3A_2 : i32
    %run_scoped3A_5 = arith.constant 1 : i32
    "tpu.region"() ({
      %run_scoped3A_1123 = tpu.sem_alloc : memref<!tpu.dma_semaphore, #tpu.memory_space<semaphore_mem>>
      %dma_start3A_1124 = arith.constant 0 : i32
      %dma_start3A_1125 = arith.constant 0 : i32
      %dma_start3A_1126 = tpu.memref_slice %arg5[%dma_start3A_1124, %run_scoped3A_5, %dma_start3A_1125] : memref<200x2x64xi32, #tpu.memory_space<vmem>> -> memref<200x1x64xi32, #tpu.memory_space<vmem>>
      %dma_start3A_1127 = tpu.memref_squeeze %dma_start3A_1126 : memref<200x1x64xi32, #tpu.memory_space<vmem>> -> memref<200x64xi32, #tpu.memory_space<vmem>>
      %dma_start3A_1128 = arith.constant 0 : i32
      %dma_start3A_1129 = tpu.memref_slice %arg3[%dma_start3A_1128, %add3A_4] : memref<200x4096xi32, #tpu.memory_space<hbm>> -> memref<200x64xi32, #tpu.memory_space<hbm>>
      %dma_start3A_1130 = arith.constant 0 : i32
      %dma_start3A_1131 = arith.constant 0 : i32
      %dma_start3A_1132 = tpu.memref_slice %arg5[%dma_start3A_1130, %run_scoped3A_5, %dma_start3A_1131] : memref<200x2x64xi32, #tpu.memory_space<vmem>> -> memref<200x1x64xi32, #tpu.memory_space<vmem>>
      %dma_start3A_1133 = tpu.memref_squeeze %dma_start3A_1132 : memref<200x1x64xi32, #tpu.memory_space<vmem>> -> memref<200x64xi32, #tpu.memory_space<vmem>>
      %dma_start3A_1134 = arith.constant 0 : i32
      %dma_start3A_1135 = tpu.memref_slice %arg3[%dma_start3A_1134, %add3A_4] : memref<200x4096xi32, #tpu.memory_space<hbm>> -> memref<200x64xi32, #tpu.memory_space<hbm>>
      tpu.enqueue_dma source(%dma_start3A_1135 : memref<200x64xi32, #tpu.memory_space<hbm>>) target(%dma_start3A_1133 : memref<200x64xi32, #tpu.memory_space<vmem>>) target_semaphore(%run_scoped3A_1123 : memref<!tpu.dma_semaphore, #tpu.memory_space<semaphore_mem>>)
      %dma_wait3A_1136 = arith.constant 0 : i32
      %dma_wait3A_1137 = arith.constant 0 : i32
      %dma_wait3A_1138 = tpu.memref_slice %arg5[%dma_wait3A_1136, %run_scoped3A_5, %dma_wait3A_1137] : memref<200x2x64xi32, #tpu.memory_space<vmem>> -> memref<200x1x64xi32, #tpu.memory_space<vmem>>
      %dma_wait3A_1139 = tpu.memref_squeeze %dma_wait3A_1138 : memref<200x1x64xi32, #tpu.memory_space<vmem>> -> memref<200x64xi32, #tpu.memory_space<vmem>>
      %dma_wait3A_1140 = arith.constant 0 : i32
      %dma_wait3A_1141 = tpu.memref_slice %arg3[%dma_wait3A_1140, %add3A_4] : memref<200x4096xi32, #tpu.memory_space<hbm>> -> memref<200x64xi32, #tpu.memory_space<hbm>>
      %dma_wait3A_1142 = arith.constant 0 : i32
      %dma_wait3A_1143 = arith.constant 0 : i32
      %dma_wait3A_1144 = tpu.memref_slice %arg5[%dma_wait3A_1142, %run_scoped3A_5, %dma_wait3A_1143] : memref<200x2x64xi32, #tpu.memory_space<vmem>> -> memref<200x1x64xi32, #tpu.memory_space<vmem>>
      %dma_wait3A_1145 = tpu.memref_squeeze %dma_wait3A_1144 : memref<200x1x64xi32, #tpu.memory_space<vmem>> -> memref<200x64xi32, #tpu.memory_space<vmem>>
      %dma_wait3A_1146 = arith.constant 0 : i32
      %dma_wait3A_1147 = tpu.memref_slice %arg3[%dma_wait3A_1146, %add3A_4] : memref<200x4096xi32, #tpu.memory_space<hbm>> -> memref<200x64xi32, #tpu.memory_space<hbm>>
      tpu.wait_dma2 semaphore(%run_scoped3A_1123 : memref<!tpu.dma_semaphore, #tpu.memory_space<semaphore_mem>>) src(%dma_wait3A_1147 : memref<200x64xi32, #tpu.memory_space<hbm>>) dst(%dma_wait3A_1145 : memref<200x64xi32, #tpu.memory_space<vmem>>)
      tpu.yield
    }) : () -> ()
    %iota3A = tpu.iota {dimensions = array<i32: 0>} : vector<16xi32>
    %and3A = arith.constant 1 : i32
    %and3A_6 = vector.broadcast %and3A : i32 to vector<16xi32>
    %and3A_7 = arith.andi %iota3A, %and3A_6 : vector<16xi32>
    %shift_right_logical3A = arith.constant 1 : i32
    %shift_right_logical3A_8 = vector.broadcast %shift_right_logical3A : i32 to vector<16xi32>
    %shift_right_logical3A_9 = arith.shrui %iota3A, %shift_right_logical3A_8 : vector<16xi32>
    %broadcast_in_dim3A = arith.constant 0 : i32
    %broadcast_in_dim3A_10 = vector.broadcast %broadcast_in_dim3A : i32 to vector<16xi32>
    %add3A_11 = arith.constant 0 : i32
    %add3A_12 = vector.broadcast %add3A_11 : i32 to vector<16xi32>
    %add3A_13 = arith.addi %broadcast_in_dim3A_10, %add3A_12 : vector<16xi32>
    %add3A_14 = arith.constant 0 : i32
    %add3A_15 = vector.broadcast %add3A_14 : i32 to vector<16xi32>
    %add3A_16 = arith.addi %shift_right_logical3A_9, %add3A_15 : vector<16xi32>
    %gather3A = tpu.vector_load_idx %arg5[%add3A_13, %and3A_7, %add3A_16] : memref<200x2x64xi32, #tpu.memory_space<vmem>>[vector<16xi32>, vector<16xi32>, vector<16xi32>], vector<16xi32>,
    %swap3A = arith.constant 0 : i32
    %swap3A_17 = arith.constant 0 : i32
    %swap3A_18 = tpu.memref_slice %arg6[%swap3A, %swap3A_17] : memref<8x128xi32, #tpu.memory_space<vmem>> -> memref<1x128xi32, #tpu.memory_space<vmem>>
    %swap3A_19 = tpu.memref_squeeze %swap3A_18 : memref<1x128xi32, #tpu.memory_space<vmem>> -> memref<128xi32, #tpu.memory_space<vmem>>
    %swap3A_20 = arith.constant 0 : index
    %swap3A_21 = tpu.vector_load %swap3A_19[%swap3A_20] {strides = array<i32>} : memref<128xi32, #tpu.memory_space<vmem>>, vector<16xi32>,
    tpu.vector_store %swap3A_19[%swap3A_20], %gather3A {strides = array<i32>} : memref<128xi32, #tpu.memory_space<vmem>>, vector<16xi32>,
    %add3A_22 = arith.constant 8 : i32
    %add3A_23 = vector.broadcast %add3A_22 : i32 to vector<16xi32>
    %add3A_24 = arith.addi %shift_right_logical3A_9, %add3A_23 : vector<16xi32>
    %gather3A_25 = tpu.vector_load_idx %arg5[%add3A_13, %and3A_7, %add3A_24] : memref<200x2x64xi32, #tpu.memory_space<vmem>>[vector<16xi32>, vector<16xi32>, vector<16xi32>], vector<16xi32>,
    %swap3A_26 = arith.constant 0 : i32
    %swap3A_27 = arith.constant 0 : i32
    %swap3A_28 = tpu.memref_slice %arg6[%swap3A_26, %swap3A_27] : memref<8x128xi32, #tpu.memory_space<vmem>> -> memref<1x128xi32, #tpu.memory_space<vmem>>
    %swap3A_29 = tpu.memref_squeeze %swap3A_28 : memref<1x128xi32, #tpu.memory_space<vmem>> -> memref<128xi32, #tpu.memory_space<vmem>>
    %swap3A_30 = arith.constant 16 : index
    %swap3A_31 = tpu.vector_load %swap3A_29[%swap3A_30] {strides = array<i32>} : memref<128xi32, #tpu.memory_space<vmem>>, vector<16xi32>,
    tpu.vector_store %swap3A_29[%swap3A_30], %gather3A_25 {strides = array<i32>} : memref<128xi32, #tpu.memory_space<vmem>>, vector<16xi32>,
    %add3A_32 = arith.constant 16 : i32
    %add3A_33 = vector.broadcast %add3A_32 : i32 to vector<16xi32>
    %add3A_34 = arith.addi %shift_right_logical3A_9, %add3A_33 : vector<16xi32>
    %gather3A_35 = tpu.vector_load_idx %arg5[%add3A_13, %and3A_7, %add3A_34] : memref<200x2x64xi32, #tpu.memory_space<vmem>>[vector<16xi32>, vector<16xi32>, vector<16xi32>], vector<16xi32>,
    %swap3A_36 = arith.constant 0 : i32
    %swap3A_37 = arith.constant 0 : i32
    %swap3A_38 = tpu.memref_slice %arg6[%swap3A_36, %swap3A_37] : memref<8x128xi32, #tpu.memory_space<vmem>> -> memref<1x128xi32, #tpu.memory_space<vmem>>
    %swap3A_39 = tpu.memref_squeeze %swap3A_38 : memref<1x128xi32, #tpu.memory_space<vmem>> -> memref<128xi32, #tpu.memory_space<vmem>>
    %swap3A_40 = arith.constant 32 : index
    %swap3A_41 = tpu.vector_load %swap3A_39[%swap3A_40] {strides = array<i32>} : memref<128xi32, #tpu.memory_space<vmem>>, vector<16xi32>,
    tpu.vector_store %swap3A_39[%swap3A_40], %gather3A_35 {strides = array<i32>} : memref<128xi32, #tpu.memory_space<vmem>>, vector<16xi32>,
    %add3A_42 = arith.constant 24 : i32
    %add3A_43 = vector.broadcast %add3A_42 : i32 to vector<16xi32>
    %add3A_44 = arith.addi %shift_right_logical3A_9, %add3A_43 : vector<16xi32>
    %gather3A_45 = tpu.vector_load_idx %arg5[%add3A_13, %and3A_7, %add3A_44] : memref<200x2x64xi32, #tpu.memory_space<vmem>>[vector<16xi32>, vector<16xi32>, vector<16xi32>], vector<16xi32>,
    %swap3A_46 = arith.constant 0 : i32
    %swap3A_47 = arith.constant 0 : i32
    %swap3A_48 = tpu.memref_slice %arg6[%swap3A_46, %swap3A_47] : memref<8x128xi32, #tpu.memory_space<vmem>> -> memref<1x128xi32, #tpu.memory_space<vmem>>
    %swap3A_49 = tpu.memref_squeeze %swap3A_48 : memref<1x128xi32, #tpu.memory_space<vmem>> -> memref<128xi32, #tpu.memory_space<vmem>>
    %swap3A_50 = arith.constant 48 : index
    %swap3A_51 = tpu.vector_load %swap3A_49[%swap3A_50] {strides = array<i32>} : memref<128xi32, #tpu.memory_space<vmem>>, vector<16xi32>,
    tpu.vector_store %swap3A_49[%swap3A_50], %gather3A_45 {strides = array<i32>} : memref<128xi32, #tpu.memory_space<vmem>>, vector<16xi32>,
    %add3A_52 = arith.constant 32 : i32
    %add3A_53 = vector.broadcast %add3A_52 : i32 to vector<16xi32>
    %add3A_54 = arith.addi %shift_right_logical3A_9, %add3A_53 : vector<16xi32>
    %gather3A_55 = tpu.vector_load_idx %arg5[%add3A_13, %and3A_7, %add3A_54] : memref<200x2x64xi32, #tpu.memory_space<vmem>>[vector<16xi32>, vector<16xi32>, vector<16xi32>], vector<16xi32>,
    %swap3A_56 = arith.constant 0 : i32
    %swap3A_57 = arith.constant 0 : i32
    %swap3A_58 = tpu.memref_slice %arg6[%swap3A_56, %swap3A_57] : memref<8x128xi32, #tpu.memory_space<vmem>> -> memref<1x128xi32, #tpu.memory_space<vmem>>
    %swap3A_59 = tpu.memref_squeeze %swap3A_58 : memref<1x128xi32, #tpu.memory_space<vmem>> -> memref<128xi32, #tpu.memory_space<vmem>>
    %swap3A_60 = arith.constant 64 : index
    %swap3A_61 = tpu.vector_load %swap3A_59[%swap3A_60] {strides = array<i32>} : memref<128xi32, #tpu.memory_space<vmem>>, vector<16xi32>,
    tpu.vector_store %swap3A_59[%swap3A_60], %gather3A_55 {strides = array<i32>} : memref<128xi32, #tpu.memory_space<vmem>>, vector<16xi32>,
    %add3A_62 = arith.constant 40 : i32
    %add3A_63 = vector.broadcast %add3A_62 : i32 to vector<16xi32>
    %add3A_64 = arith.addi %shift_right_logical3A_9, %add3A_63 : vector<16xi32>
    %gather3A_65 = tpu.vector_load_idx %arg5[%add3A_13, %and3A_7, %add3A_64] : memref<200x2x64xi32, #tpu.memory_space<vmem>>[vector<16xi32>, vector<16xi32>, vector<16xi32>], vector<16xi32>,
    %swap3A_66 = arith.constant 0 : i32
    %swap3A_67 = arith.constant 0 : i32
    %swap3A_68 = tpu.memref_slice %arg6[%swap3A_66, %swap3A_67] : memref<8x128xi32, #tpu.memory_space<vmem>> -> memref<1x128xi32, #tpu.memory_space<vmem>>
    %swap3A_69 = tpu.memref_squeeze %swap3A_68 : memref<1x128xi32, #tpu.memory_space<vmem>> -> memref<128xi32, #tpu.memory_space<vmem>>
    %swap3A_70 = arith.constant 80 : index
    %swap3A_71 = tpu.vector_load %swap3A_69[%swap3A_70] {strides = array<i32>} : memref<128xi32, #tpu.memory_space<vmem>>, vector<16xi32>,
    tpu.vector_store %swap3A_69[%swap3A_70], %gather3A_65 {strides = array<i32>} : memref<128xi32, #tpu.memory_space<vmem>>, vector<16xi32>,
    %add3A_72 = arith.constant 48 : i32
    %add3A_73 = vector.broadcast %add3A_72 : i32 to vector<16xi32>
    %add3A_74 = arith.addi %shift_right_logical3A_9, %add3A_73 : vector<16xi32>
    %gather3A_75 = tpu.vector_load_idx %arg5[%add3A_13, %and3A_7, %add3A_74] : memref<200x2x64xi32, #tpu.memory_space<vmem>>[vector<16xi32>, vector<16xi32>, vector<16xi32>], vector<16xi32>,
    %swap3A_76 = arith.constant 0 : i32
    %swap3A_77 = arith.constant 0 : i32
    %swap3A_78 = tpu.memref_slice %arg6[%swap3A_76, %swap3A_77] : memref<8x128xi32, #tpu.memory_space<vmem>> -> memref<1x128xi32, #tpu.memory_space<vmem>>
    %swap3A_79 = tpu.memref_squeeze %swap3A_78 : memref<1x128xi32, #tpu.memory_space<vmem>> -> memref<128xi32, #tpu.memory_space<vmem>>
    %swap3A_80 = arith.constant 96 : index
    %swap3A_81 = tpu.vector_load %swap3A_79[%swap3A_80] {strides = array<i32>} : memref<128xi32, #tpu.memory_space<vmem>>, vector<16xi32>,
    tpu.vector_store %swap3A_79[%swap3A_80], %gather3A_75 {strides = array<i32>} : memref<128xi32, #tpu.memory_space<vmem>>, vector<16xi32>,
    %add3A_82 = arith.constant 56 : i32
    %add3A_83 = vector.broadcast %add3A_82 : i32 to vector<16xi32>
    %add3A_84 = arith.addi %shift_right_logical3A_9, %add3A_83 : vector<16xi32>
    %gather3A_85 = tpu.vector_load_idx %arg5[%add3A_13, %and3A_7, %add3A_84] : memref<200x2x64xi32, #tpu.memory_space<vmem>>[vector<16xi32>, vector<16xi32>, vector<16xi32>], vector<16xi32>,
    %swap3A_86 = arith.constant 0 : i32
    %swap3A_87 = arith.constant 0 : i32
    %swap3A_88 = tpu.memref_slice %arg6[%swap3A_86, %swap3A_87] : memref<8x128xi32, #tpu.memory_space<vmem>> -> memref<1x128xi32, #tpu.memory_space<vmem>>
    %swap3A_89 = tpu.memref_squeeze %swap3A_88 : memref<1x128xi32, #tpu.memory_space<vmem>> -> memref<128xi32, #tpu.memory_space<vmem>>
    %swap3A_90 = arith.constant 112 : index
    %swap3A_91 = tpu.vector_load %swap3A_89[%swap3A_90] {strides = array<i32>} : memref<128xi32, #tpu.memory_space<vmem>>, vector<16xi32>,
    tpu.vector_store %swap3A_89[%swap3A_90], %gather3A_85 {strides = array<i32>} : memref<128xi32, #tpu.memory_space<vmem>>, vector<16xi32>,
    %dma_start3A = arith.constant 0 : i32
    %dma_start3A_92 = arith.constant 0 : i32
    %dma_start3A_93 = arith.constant 0 : i32
    %dma_start3A_94 = arith.constant 0 : i32
    %dma_start3A_95 = tpu.memref_slice %arg7[%dma_start3A_92, %dma_start3A_93, %dma_start3A_94] : memref<8x128x64xf32, #tpu.memory_space<vmem>> -> memref<1x128x64xf32, #tpu.memory_space<vmem>>
    %dma_start3A_96 = tpu.memref_squeeze %dma_start3A_95 : memref<1x128x64xf32, #tpu.memory_space<vmem>> -> memref<128x64xf32, #tpu.memory_space<vmem>>
    %dma_start3A_97 = arith.constant 0 : i32
    %dma_start3A_98 = tpu.memref_slice %arg6[%dma_start3A, %dma_start3A_97] : memref<8x128xi32, #tpu.memory_space<vmem>> -> memref<1x128xi32, #tpu.memory_space<vmem>>
    %dma_start3A_99 = tpu.memref_squeeze %dma_start3A_98 : memref<1x128xi32, #tpu.memory_space<vmem>> -> memref<128xi32, #tpu.memory_space<vmem>>
    %dma_start3A_100 = arith.constant 0 : i32
    %dma_start3A_101 = arith.constant 0 : i32
    %dma_start3A_102 = tpu.memref_slice %arg2[%dma_start3A_100, %dma_start3A_101] : memref<1000000x64xf32, #tpu.memory_space<hbm>> -> memref<1000000x64xf32, #tpu.memory_space<hbm>>
    tpu.enqueue_indirect_dma source(%dma_start3A_102 : memref<1000000x64xf32, #tpu.memory_space<hbm>>) target(%dma_start3A_96 : memref<128x64xf32, #tpu.memory_space<vmem>>) offsets(%dma_start3A_99 : memref<128xi32, #tpu.memory_space<vmem>>) semaphore(%arg8 : memref<!tpu.dma_semaphore, #tpu.memory_space<semaphore_mem>>)
    %broadcast_in_dim3A_103 = arith.constant 0 : i32
    %broadcast_in_dim3A_104 = vector.broadcast %broadcast_in_dim3A_103 : i32 to vector<16xi32>
    %add3A_105 = arith.constant 1 : i32
    %add3A_106 = vector.broadcast %add3A_105 : i32 to vector<16xi32>
    %add3A_107 = arith.addi %broadcast_in_dim3A_104, %add3A_106 : vector<16xi32>
    %add3A_108 = arith.constant 0 : i32
    %add3A_109 = vector.broadcast %add3A_108 : i32 to vector<16xi32>
    %add3A_110 = arith.addi %shift_right_logical3A_9, %add3A_109 : vector<16xi32>
    %gather3A_111 = tpu.vector_load_idx %arg5[%add3A_107, %and3A_7, %add3A_110] : memref<200x2x64xi32, #tpu.memory_space<vmem>>[vector<16xi32>, vector<16xi32>, vector<16xi32>], vector<16xi32>,
    %swap3A_112 = arith.constant 1 : i32
    %swap3A_113 = arith.constant 0 : i32
    %swap3A_114 = tpu.memref_slice %arg6[%swap3A_112, %swap3A_113] : memref<8x128xi32, #tpu.memory_space<vmem>> -> memref<1x128xi32, #tpu.memory_space<vmem>>
    %swap3A_115 = tpu.memref_squeeze %swap3A_114 : memref<1x128xi32, #tpu.memory_space<vmem>> -> memref<128xi32, #tpu.memory_space<vmem>>
    %swap3A_116 = arith.constant 0 : index
    %swap3A_117 = tpu.vector_load %swap3A_115[%swap3A_116] {strides = array<i32>} : memref<128xi32, #tpu.memory_space<vmem>>, vector<16xi32>,
    tpu.vector_store %swap3A_115[%swap3A_116], %gather3A_111 {strides = array<i32>} : memref<128xi32, #tpu.memory_space<vmem>>, vector<16xi32>,
    %add3A_118 = arith.constant 8 : i32
    %add3A_119 = vector.broadcast %add3A_118 : i32 to vector<16xi32>
    %add3A_120 = arith.addi %shift_right_logical3A_9, %add3A_119 : vector<16xi32>
    %gather3A_121 = tpu.vector_load_idx %arg5[%add3A_107, %and3A_7, %add3A_120] : memref<200x2x64xi32, #tpu.memory_space<vmem>>[vector<16xi32>, vector<16xi32>, vector<16xi32>], vector<16xi32>,
    %swap3A_122 = arith.constant 1 : i32
    %swap3A_123 = arith.constant 0 : i32
    %swap3A_124 = tpu.memref_slice %arg6[%swap3A_122, %swap3A_123] : memref<8x128xi32, #tpu.memory_space<vmem>> -> memref<1x128xi32, #tpu.memory_space<vmem>>
    %swap3A_125 = tpu.memref_squeeze %swap3A_124 : memref<1x128xi32, #tpu.memory_space<vmem>> -> memref<128xi32, #tpu.memory_space<vmem>>
    %swap3A_126 = arith.constant 16 : index
    %swap3A_127 = tpu.vector_load %swap3A_125[%swap3A_126] {strides = array<i32>} : memref<128xi32, #tpu.memory_space<vmem>>, vector<16xi32>,
    tpu.vector_store %swap3A_125[%swap3A_126], %gather3A_121 {strides = array<i32>} : memref<128xi32, #tpu.memory_space<vmem>>, vector<16xi32>,
    %add3A_128 = arith.constant 16 : i32
    %add3A_129 = vector.broadcast %add3A_128 : i32 to vector<16xi32>
    %add3A_130 = arith.addi %shift_right_logical3A_9, %add3A_129 : vector<16xi32>
    %gather3A_131 = tpu.vector_load_idx %arg5[%add3A_107, %and3A_7, %add3A_130] : memref<200x2x64xi32, #tpu.memory_space<vmem>>[vector<16xi32>, vector<16xi32>, vector<16xi32>], vector<16xi32>,
    %swap3A_132 = arith.constant 1 : i32
    %swap3A_133 = arith.constant 0 : i32
    %swap3A_134 = tpu.memref_slice %arg6[%swap3A_132, %swap3A_133] : memref<8x128xi32, #tpu.memory_space<vmem>> -> memref<1x128xi32, #tpu.memory_space<vmem>>
    %swap3A_135 = tpu.memref_squeeze %swap3A_134 : memref<1x128xi32, #tpu.memory_space<vmem>> -> memref<128xi32, #tpu.memory_space<vmem>>
    %swap3A_136 = arith.constant 32 : index
    %swap3A_137 = tpu.vector_load %swap3A_135[%swap3A_136] {strides = array<i32>} : memref<128xi32, #tpu.memory_space<vmem>>, vector<16xi32>,
    tpu.vector_store %swap3A_135[%swap3A_136], %gather3A_131 {strides = array<i32>} : memref<128xi32, #tpu.memory_space<vmem>>, vector<16xi32>,
    %add3A_138 = arith.constant 24 : i32
    %add3A_139 = vector.broadcast %add3A_138 : i32 to vector<16xi32>
    %add3A_140 = arith.addi %shift_right_logical3A_9, %add3A_139 : vector<16xi32>
    %gather3A_141 = tpu.vector_load_idx %arg5[%add3A_107, %and3A_7, %add3A_140] : memref<200x2x64xi32, #tpu.memory_space<vmem>>[vector<16xi32>, vector<16xi32>, vector<16xi32>], vector<16xi32>,
    %swap3A_142 = arith.constant 1 : i32
    %swap3A_143 = arith.constant 0 : i32
    %swap3A_144 = tpu.memref_slice %arg6[%swap3A_142, %swap3A_143] : memref<8x128xi32, #tpu.memory_space<vmem>> -> memref<1x128xi32, #tpu.memory_space<vmem>>
    %swap3A_145 = tpu.memref_squeeze %swap3A_144 : memref<1x128xi32, #tpu.memory_space<vmem>> -> memref<128xi32, #tpu.memory_space<vmem>>
    %swap3A_146 = arith.constant 48 : index
    %swap3A_147 = tpu.vector_load %swap3A_145[%swap3A_146] {strides = array<i32>} : memref<128xi32, #tpu.memory_space<vmem>>, vector<16xi32>,
    tpu.vector_store %swap3A_145[%swap3A_146], %gather3A_141 {strides = array<i32>} : memref<128xi32, #tpu.memory_space<vmem>>, vector<16xi32>,
    %add3A_148 = arith.constant 32 : i32
    %add3A_149 = vector.broadcast %add3A_148 : i32 to vector<16xi32>
    %add3A_150 = arith.addi %shift_right_logical3A_9, %add3A_149 : vector<16xi32>
    %gather3A_151 = tpu.vector_load_idx %arg5[%add3A_107, %and3A_7, %add3A_150] : memref<200x2x64xi32, #tpu.memory_space<vmem>>[vector<16xi32>, vector<16xi32>, vector<16xi32>], vector<16xi32>,
    %swap3A_152 = arith.constant 1 : i32
    %swap3A_153 = arith.constant 0 : i32
    %swap3A_154 = tpu.memref_slice %arg6[%swap3A_152, %swap3A_153] : memref<8x128xi32, #tpu.memory_space<vmem>> -> memref<1x128xi32, #tpu.memory_space<vmem>>
    %swap3A_155 = tpu.memref_squeeze %swap3A_154 : memref<1x128xi32, #tpu.memory_space<vmem>> -> memref<128xi32, #tpu.memory_space<vmem>>
    %swap3A_156 = arith.constant 64 : index
    %swap3A_157 = tpu.vector_load %swap3A_155[%swap3A_156] {strides = array<i32>} : memref<128xi32, #tpu.memory_space<vmem>>, vector<16xi32>,
    tpu.vector_store %swap3A_155[%swap3A_156], %gather3A_151 {strides = array<i32>} : memref<128xi32, #tpu.memory_space<vmem>>, vector<16xi32>,
    %add3A_158 = arith.constant 40 : i32
    %add3A_159 = vector.broadcast %add3A_158 : i32 to vector<16xi32>
    %add3A_160 = arith.addi %shift_right_logical3A_9, %add3A_159 : vector<16xi32>
    %gather3A_161 = tpu.vector_load_idx %arg5[%add3A_107, %and3A_7, %add3A_160] : memref<200x2x64xi32, #tpu.memory_space<vmem>>[vector<16xi32>, vector<16xi32>, vector<16xi32>], vector<16xi32>,
    %swap3A_162 = arith.constant 1 : i32
    %swap3A_163 = arith.constant 0 : i32
    %swap3A_164 = tpu.memref_slice %arg6[%swap3A_162, %swap3A_163] : memref<8x128xi32, #tpu.memory_space<vmem>> -> memref<1x128xi32, #tpu.memory_space<vmem>>
    %swap3A_165 = tpu.memref_squeeze %swap3A_164 : memref<1x128xi32, #tpu.memory_space<vmem>> -> memref<128xi32, #tpu.memory_space<vmem>>
    %swap3A_166 = arith.constant 80 : index
    %swap3A_167 = tpu.vector_load %swap3A_165[%swap3A_166] {strides = array<i32>} : memref<128xi32, #tpu.memory_space<vmem>>, vector<16xi32>,
    tpu.vector_store %swap3A_165[%swap3A_166], %gather3A_161 {strides = array<i32>} : memref<128xi32, #tpu.memory_space<vmem>>, vector<16xi32>,
    %add3A_168 = arith.constant 48 : i32
    %add3A_169 = vector.broadcast %add3A_168 : i32 to vector<16xi32>
    %add3A_170 = arith.addi %shift_right_logical3A_9, %add3A_169 : vector<16xi32>
    %gather3A_171 = tpu.vector_load_idx %arg5[%add3A_107, %and3A_7, %add3A_170] : memref<200x2x64xi32, #tpu.memory_space<vmem>>[vector<16xi32>, vector<16xi32>, vector<16xi32>], vector<16xi32>,
    %swap3A_172 = arith.constant 1 : i32
    %swap3A_173 = arith.constant 0 : i32
    %swap3A_174 = tpu.memref_slice %arg6[%swap3A_172, %swap3A_173] : memref<8x128xi32, #tpu.memory_space<vmem>> -> memref<1x128xi32, #tpu.memory_space<vmem>>
    %swap3A_175 = tpu.memref_squeeze %swap3A_174 : memref<1x128xi32, #tpu.memory_space<vmem>> -> memref<128xi32, #tpu.memory_space<vmem>>
    %swap3A_176 = arith.constant 96 : index
    %swap3A_177 = tpu.vector_load %swap3A_175[%swap3A_176] {strides = array<i32>} : memref<128xi32, #tpu.memory_space<vmem>>, vector<16xi32>,
    tpu.vector_store %swap3A_175[%swap3A_176], %gather3A_171 {strides = array<i32>} : memref<128xi32, #tpu.memory_space<vmem>>, vector<16xi32>,
    %add3A_178 = arith.constant 56 : i32
    %add3A_179 = vector.broadcast %add3A_178 : i32 to vector<16xi32>
    %add3A_180 = arith.addi %shift_right_logical3A_9, %add3A_179 : vector<16xi32>
    %gather3A_181 = tpu.vector_load_idx %arg5[%add3A_107, %and3A_7, %add3A_180] : memref<200x2x64xi32, #tpu.memory_space<vmem>>[vector<16xi32>, vector<16xi32>, vector<16xi32>], vector<16xi32>,
    %swap3A_182 = arith.constant 1 : i32
    %swap3A_183 = arith.constant 0 : i32
    %swap3A_184 = tpu.memref_slice %arg6[%swap3A_182, %swap3A_183] : memref<8x128xi32, #tpu.memory_space<vmem>> -> memref<1x128xi32, #tpu.memory_space<vmem>>
    %swap3A_185 = tpu.memref_squeeze %swap3A_184 : memref<1x128xi32, #tpu.memory_space<vmem>> -> memref<128xi32, #tpu.memory_space<vmem>>
    %swap3A_186 = arith.constant 112 : index
    %swap3A_187 = tpu.vector_load %swap3A_185[%swap3A_186] {strides = array<i32>} : memref<128xi32, #tpu.memory_space<vmem>>, vector<16xi32>,
    tpu.vector_store %swap3A_185[%swap3A_186], %gather3A_181 {strides = array<i32>} : memref<128xi32, #tpu.memory_space<vmem>>, vector<16xi32>,
    %dma_start3A_188 = arith.constant 1 : i32
    %dma_start3A_189 = arith.constant 1 : i32
    %dma_start3A_190 = arith.constant 0 : i32
    %dma_start3A_191 = arith.constant 0 : i32
    %dma_start3A_192 = tpu.memref_slice %arg7[%dma_start3A_189, %dma_start3A_190, %dma_start3A_191] : memref<8x128x64xf32, #tpu.memory_space<vmem>> -> memref<1x128x64xf32, #tpu.memory_space<vmem>>
    %dma_start3A_193 = tpu.memref_squeeze %dma_start3A_192 : memref<1x128x64xf32, #tpu.memory_space<vmem>> -> memref<128x64xf32, #tpu.memory_space<vmem>>
    %dma_start3A_194 = arith.constant 0 : i32
    %dma_start3A_195 = tpu.memref_slice %arg6[%dma_start3A_188, %dma_start3A_194] : memref<8x128xi32, #tpu.memory_space<vmem>> -> memref<1x128xi32, #tpu.memory_space<vmem>>
    %dma_start3A_196 = tpu.memref_squeeze %dma_start3A_195 : memref<1x128xi32, #tpu.memory_space<vmem>> -> memref<128xi32, #tpu.memory_space<vmem>>
    %dma_start3A_197 = arith.constant 0 : i32
    %dma_start3A_198 = arith.constant 0 : i32
    %dma_start3A_199 = tpu.memref_slice %arg2[%dma_start3A_197, %dma_start3A_198] : memref<1000000x64xf32, #tpu.memory_space<hbm>> -> memref<1000000x64xf32, #tpu.memory_space<hbm>>
    tpu.enqueue_indirect_dma source(%dma_start3A_199 : memref<1000000x64xf32, #tpu.memory_space<hbm>>) target(%dma_start3A_193 : memref<128x64xf32, #tpu.memory_space<vmem>>) offsets(%dma_start3A_196 : memref<128xi32, #tpu.memory_space<vmem>>) semaphore(%arg9 : memref<!tpu.dma_semaphore, #tpu.memory_space<semaphore_mem>>)
    %broadcast_in_dim3A_200 = arith.constant 0 : i32
    %broadcast_in_dim3A_201 = vector.broadcast %broadcast_in_dim3A_200 : i32 to vector<16xi32>
    %add3A_202 = arith.constant 2 : i32
    %add3A_203 = vector.broadcast %add3A_202 : i32 to vector<16xi32>
    %add3A_204 = arith.addi %broadcast_in_dim3A_201, %add3A_203 : vector<16xi32>
    %add3A_205 = arith.constant 0 : i32
    %add3A_206 = vector.broadcast %add3A_205 : i32 to vector<16xi32>
    %add3A_207 = arith.addi %shift_right_logical3A_9, %add3A_206 : vector<16xi32>
    %gather3A_208 = tpu.vector_load_idx %arg5[%add3A_204, %and3A_7, %add3A_207] : memref<200x2x64xi32, #tpu.memory_space<vmem>>[vector<16xi32>, vector<16xi32>, vector<16xi32>], vector<16xi32>,
    %swap3A_209 = arith.constant 2 : i32
    %swap3A_210 = arith.constant 0 : i32
    %swap3A_211 = tpu.memref_slice %arg6[%swap3A_209, %swap3A_210] : memref<8x128xi32, #tpu.memory_space<vmem>> -> memref<1x128xi32, #tpu.memory_space<vmem>>
    %swap3A_212 = tpu.memref_squeeze %swap3A_211 : memref<1x128xi32, #tpu.memory_space<vmem>> -> memref<128xi32, #tpu.memory_space<vmem>>
    %swap3A_213 = arith.constant 0 : index
    %swap3A_214 = tpu.vector_load %swap3A_212[%swap3A_213] {strides = array<i32>} : memref<128xi32, #tpu.memory_space<vmem>>, vector<16xi32>,
    tpu.vector_store %swap3A_212[%swap3A_213], %gather3A_208 {strides = array<i32>} : memref<128xi32, #tpu.memory_space<vmem>>, vector<16xi32>,
    %add3A_215 = arith.constant 8 : i32
    %add3A_216 = vector.broadcast %add3A_215 : i32 to vector<16xi32>
    %add3A_217 = arith.addi %shift_right_logical3A_9, %add3A_216 : vector<16xi32>
    %gather3A_218 = tpu.vector_load_idx %arg5[%add3A_204, %and3A_7, %add3A_217] : memref<200x2x64xi32, #tpu.memory_space<vmem>>[vector<16xi32>, vector<16xi32>, vector<16xi32>], vector<16xi32>,
    %swap3A_219 = arith.constant 2 : i32
    %swap3A_220 = arith.constant 0 : i32
    %swap3A_221 = tpu.memref_slice %arg6[%swap3A_219, %swap3A_220] : memref<8x128xi32, #tpu.memory_space<vmem>> -> memref<1x128xi32, #tpu.memory_space<vmem>>
    %swap3A_222 = tpu.memref_squeeze %swap3A_221 : memref<1x128xi32, #tpu.memory_space<vmem>> -> memref<128xi32, #tpu.memory_space<vmem>>
    %swap3A_223 = arith.constant 16 : index
    %swap3A_224 = tpu.vector_load %swap3A_222[%swap3A_223] {strides = array<i32>} : memref<128xi32, #tpu.memory_space<vmem>>, vector<16xi32>,
    tpu.vector_store %swap3A_222[%swap3A_223], %gather3A_218 {strides = array<i32>} : memref<128xi32, #tpu.memory_space<vmem>>, vector<16xi32>,
    %add3A_225 = arith.constant 16 : i32
    %add3A_226 = vector.broadcast %add3A_225 : i32 to vector<16xi32>
    %add3A_227 = arith.addi %shift_right_logical3A_9, %add3A_226 : vector<16xi32>
    %gather3A_228 = tpu.vector_load_idx %arg5[%add3A_204, %and3A_7, %add3A_227] : memref<200x2x64xi32, #tpu.memory_space<vmem>>[vector<16xi32>, vector<16xi32>, vector<16xi32>], vector<16xi32>,
    %swap3A_229 = arith.constant 2 : i32
    %swap3A_230 = arith.constant 0 : i32
    %swap3A_231 = tpu.memref_slice %arg6[%swap3A_229, %swap3A_230] : memref<8x128xi32, #tpu.memory_space<vmem>> -> memref<1x128xi32, #tpu.memory_space<vmem>>
    %swap3A_232 = tpu.memref_squeeze %swap3A_231 : memref<1x128xi32, #tpu.memory_space<vmem>> -> memref<128xi32, #tpu.memory_space<vmem>>
    %swap3A_233 = arith.constant 32 : index
    %swap3A_234 = tpu.vector_load %swap3A_232[%swap3A_233] {strides = array<i32>} : memref<128xi32, #tpu.memory_space<vmem>>, vector<16xi32>,
    tpu.vector_store %swap3A_232[%swap3A_233], %gather3A_228 {strides = array<i32>} : memref<128xi32, #tpu.memory_space<vmem>>, vector<16xi32>,
    %add3A_235 = arith.constant 24 : i32
    %add3A_236 = vector.broadcast %add3A_235 : i32 to vector<16xi32>
    %add3A_237 = arith.addi %shift_right_logical3A_9, %add3A_236 : vector<16xi32>
    %gather3A_238 = tpu.vector_load_idx %arg5[%add3A_204, %and3A_7, %add3A_237] : memref<200x2x64xi32, #tpu.memory_space<vmem>>[vector<16xi32>, vector<16xi32>, vector<16xi32>], vector<16xi32>,
    %swap3A_239 = arith.constant 2 : i32
    %swap3A_240 = arith.constant 0 : i32
    %swap3A_241 = tpu.memref_slice %arg6[%swap3A_239, %swap3A_240] : memref<8x128xi32, #tpu.memory_space<vmem>> -> memref<1x128xi32, #tpu.memory_space<vmem>>
    %swap3A_242 = tpu.memref_squeeze %swap3A_241 : memref<1x128xi32, #tpu.memory_space<vmem>> -> memref<128xi32, #tpu.memory_space<vmem>>
    %swap3A_243 = arith.constant 48 : index
    %swap3A_244 = tpu.vector_load %swap3A_242[%swap3A_243] {strides = array<i32>} : memref<128xi32, #tpu.memory_space<vmem>>, vector<16xi32>,
    tpu.vector_store %swap3A_242[%swap3A_243], %gather3A_238 {strides = array<i32>} : memref<128xi32, #tpu.memory_space<vmem>>, vector<16xi32>,
    %add3A_245 = arith.constant 32 : i32
    %add3A_246 = vector.broadcast %add3A_245 : i32 to vector<16xi32>
    %add3A_247 = arith.addi %shift_right_logical3A_9, %add3A_246 : vector<16xi32>
    %gather3A_248 = tpu.vector_load_idx %arg5[%add3A_204, %and3A_7, %add3A_247] : memref<200x2x64xi32, #tpu.memory_space<vmem>>[vector<16xi32>, vector<16xi32>, vector<16xi32>], vector<16xi32>,
    %swap3A_249 = arith.constant 2 : i32
    %swap3A_250 = arith.constant 0 : i32
    %swap3A_251 = tpu.memref_slice %arg6[%swap3A_249, %swap3A_250] : memref<8x128xi32, #tpu.memory_space<vmem>> -> memref<1x128xi32, #tpu.memory_space<vmem>>
    %swap3A_252 = tpu.memref_squeeze %swap3A_251 : memref<1x128xi32, #tpu.memory_space<vmem>> -> memref<128xi32, #tpu.memory_space<vmem>>
    %swap3A_253 = arith.constant 64 : index
    %swap3A_254 = tpu.vector_load %swap3A_252[%swap3A_253] {strides = array<i32>} : memref<128xi32, #tpu.memory_space<vmem>>, vector<16xi32>,
    tpu.vector_store %swap3A_252[%swap3A_253], %gather3A_248 {strides = array<i32>} : memref<128xi32, #tpu.memory_space<vmem>>, vector<16xi32>,
    %add3A_255 = arith.constant 40 : i32
    %add3A_256 = vector.broadcast %add3A_255 : i32 to vector<16xi32>
    %add3A_257 = arith.addi %shift_right_logical3A_9, %add3A_256 : vector<16xi32>
    %gather3A_258 = tpu.vector_load_idx %arg5[%add3A_204, %and3A_7, %add3A_257] : memref<200x2x64xi32, #tpu.memory_space<vmem>>[vector<16xi32>, vector<16xi32>, vector<16xi32>], vector<16xi32>,
    %swap3A_259 = arith.constant 2 : i32
    %swap3A_260 = arith.constant 0 : i32
    %swap3A_261 = tpu.memref_slice %arg6[%swap3A_259, %swap3A_260] : memref<8x128xi32, #tpu.memory_space<vmem>> -> memref<1x128xi32, #tpu.memory_space<vmem>>
    %swap3A_262 = tpu.memref_squeeze %swap3A_261 : memref<1x128xi32, #tpu.memory_space<vmem>> -> memref<128xi32, #tpu.memory_space<vmem>>
    %swap3A_263 = arith.constant 80 : index
    %swap3A_264 = tpu.vector_load %swap3A_262[%swap3A_263] {strides = array<i32>} : memref<128xi32, #tpu.memory_space<vmem>>, vector<16xi32>,
    tpu.vector_store %swap3A_262[%swap3A_263], %gather3A_258 {strides = array<i32>} : memref<128xi32, #tpu.memory_space<vmem>>, vector<16xi32>,
    %add3A_265 = arith.constant 48 : i32
    %add3A_266 = vector.broadcast %add3A_265 : i32 to vector<16xi32>
    %add3A_267 = arith.addi %shift_right_logical3A_9, %add3A_266 : vector<16xi32>
    %gather3A_268 = tpu.vector_load_idx %arg5[%add3A_204, %and3A_7, %add3A_267] : memref<200x2x64xi32, #tpu.memory_space<vmem>>[vector<16xi32>, vector<16xi32>, vector<16xi32>], vector<16xi32>,
    %swap3A_269 = arith.constant 2 : i32
    %swap3A_270 = arith.constant 0 : i32
    %swap3A_271 = tpu.memref_slice %arg6[%swap3A_269, %swap3A_270] : memref<8x128xi32, #tpu.memory_space<vmem>> -> memref<1x128xi32, #tpu.memory_space<vmem>>
    %swap3A_272 = tpu.memref_squeeze %swap3A_271 : memref<1x128xi32, #tpu.memory_space<vmem>> -> memref<128xi32, #tpu.memory_space<vmem>>
    %swap3A_273 = arith.constant 96 : index
    %swap3A_274 = tpu.vector_load %swap3A_272[%swap3A_273] {strides = array<i32>} : memref<128xi32, #tpu.memory_space<vmem>>, vector<16xi32>,
    tpu.vector_store %swap3A_272[%swap3A_273], %gather3A_268 {strides = array<i32>} : memref<128xi32, #tpu.memory_space<vmem>>, vector<16xi32>,
    %add3A_275 = arith.constant 56 : i32
    %add3A_276 = vector.broadcast %add3A_275 : i32 to vector<16xi32>
    %add3A_277 = arith.addi %shift_right_logical3A_9, %add3A_276 : vector<16xi32>
    %gather3A_278 = tpu.vector_load_idx %arg5[%add3A_204, %and3A_7, %add3A_277] : memref<200x2x64xi32, #tpu.memory_space<vmem>>[vector<16xi32>, vector<16xi32>, vector<16xi32>], vector<16xi32>,
    %swap3A_279 = arith.constant 2 : i32
    %swap3A_280 = arith.constant 0 : i32
    %swap3A_281 = tpu.memref_slice %arg6[%swap3A_279, %swap3A_280] : memref<8x128xi32, #tpu.memory_space<vmem>> -> memref<1x128xi32, #tpu.memory_space<vmem>>
    %swap3A_282 = tpu.memref_squeeze %swap3A_281 : memref<1x128xi32, #tpu.memory_space<vmem>> -> memref<128xi32, #tpu.memory_space<vmem>>
    %swap3A_283 = arith.constant 112 : index
    %swap3A_284 = tpu.vector_load %swap3A_282[%swap3A_283] {strides = array<i32>} : memref<128xi32, #tpu.memory_space<vmem>>, vector<16xi32>,
    tpu.vector_store %swap3A_282[%swap3A_283], %gather3A_278 {strides = array<i32>} : memref<128xi32, #tpu.memory_space<vmem>>, vector<16xi32>,
    %dma_start3A_285 = arith.constant 2 : i32
    %dma_start3A_286 = arith.constant 2 : i32
    %dma_start3A_287 = arith.constant 0 : i32
    %dma_start3A_288 = arith.constant 0 : i32
    %dma_start3A_289 = tpu.memref_slice %arg7[%dma_start3A_286, %dma_start3A_287, %dma_start3A_288] : memref<8x128x64xf32, #tpu.memory_space<vmem>> -> memref<1x128x64xf32, #tpu.memory_space<vmem>>
    %dma_start3A_290 = tpu.memref_squeeze %dma_start3A_289 : memref<1x128x64xf32, #tpu.memory_space<vmem>> -> memref<128x64xf32, #tpu.memory_space<vmem>>
    %dma_start3A_291 = arith.constant 0 : i32
    %dma_start3A_292 = tpu.memref_slice %arg6[%dma_start3A_285, %dma_start3A_291] : memref<8x128xi32, #tpu.memory_space<vmem>> -> memref<1x128xi32, #tpu.memory_space<vmem>>
    %dma_start3A_293 = tpu.memref_squeeze %dma_start3A_292 : memref<1x128xi32, #tpu.memory_space<vmem>> -> memref<128xi32, #tpu.memory_space<vmem>>
    %dma_start3A_294 = arith.constant 0 : i32
    %dma_start3A_295 = arith.constant 0 : i32
    %dma_start3A_296 = tpu.memref_slice %arg2[%dma_start3A_294, %dma_start3A_295] : memref<1000000x64xf32, #tpu.memory_space<hbm>> -> memref<1000000x64xf32, #tpu.memory_space<hbm>>
    tpu.enqueue_indirect_dma source(%dma_start3A_296 : memref<1000000x64xf32, #tpu.memory_space<hbm>>) target(%dma_start3A_290 : memref<128x64xf32, #tpu.memory_space<vmem>>) offsets(%dma_start3A_293 : memref<128xi32, #tpu.memory_space<vmem>>) semaphore(%arg10 : memref<!tpu.dma_semaphore, #tpu.memory_space<semaphore_mem>>)
    %broadcast_in_dim3A_297 = arith.constant 0 : i32
    %broadcast_in_dim3A_298 = vector.broadcast %broadcast_in_dim3A_297 : i32 to vector<16xi32>
    %add3A_299 = arith.constant 3 : i32
    %add3A_300 = vector.broadcast %add3A_299 : i32 to vector<16xi32>
    %add3A_301 = arith.addi %broadcast_in_dim3A_298, %add3A_300 : vector<16xi32>
    %add3A_302 = arith.constant 0 : i32
    %add3A_303 = vector.broadcast %add3A_302 : i32 to vector<16xi32>
    %add3A_304 = arith.addi %shift_right_logical3A_9, %add3A_303 : vector<16xi32>
    %gather3A_305 = tpu.vector_load_idx %arg5[%add3A_301, %and3A_7, %add3A_304] : memref<200x2x64xi32, #tpu.memory_space<vmem>>[vector<16xi32>, vector<16xi32>, vector<16xi32>], vector<16xi32>,
    %swap3A_306 = arith.constant 3 : i32
    %swap3A_307 = arith.constant 0 : i32
    %swap3A_308 = tpu.memref_slice %arg6[%swap3A_306, %swap3A_307] : memref<8x128xi32, #tpu.memory_space<vmem>> -> memref<1x128xi32, #tpu.memory_space<vmem>>
    %swap3A_309 = tpu.memref_squeeze %swap3A_308 : memref<1x128xi32, #tpu.memory_space<vmem>> -> memref<128xi32, #tpu.memory_space<vmem>>
    %swap3A_310 = arith.constant 0 : index
    %swap3A_311 = tpu.vector_load %swap3A_309[%swap3A_310] {strides = array<i32>} : memref<128xi32, #tpu.memory_space<vmem>>, vector<16xi32>,
    tpu.vector_store %swap3A_309[%swap3A_310], %gather3A_305 {strides = array<i32>} : memref<128xi32, #tpu.memory_space<vmem>>, vector<16xi32>,
    %add3A_312 = arith.constant 8 : i32
    %add3A_313 = vector.broadcast %add3A_312 : i32 to vector<16xi32>
    %add3A_314 = arith.addi %shift_right_logical3A_9, %add3A_313 : vector<16xi32>
    %gather3A_315 = tpu.vector_load_idx %arg5[%add3A_301, %and3A_7, %add3A_314] : memref<200x2x64xi32, #tpu.memory_space<vmem>>[vector<16xi32>, vector<16xi32>, vector<16xi32>], vector<16xi32>,
    %swap3A_316 = arith.constant 3 : i32
    %swap3A_317 = arith.constant 0 : i32
    %swap3A_318 = tpu.memref_slice %arg6[%swap3A_316, %swap3A_317] : memref<8x128xi32, #tpu.memory_space<vmem>> -> memref<1x128xi32, #tpu.memory_space<vmem>>
    %swap3A_319 = tpu.memref_squeeze %swap3A_318 : memref<1x128xi32, #tpu.memory_space<vmem>> -> memref<128xi32, #tpu.memory_space<vmem>>
    %swap3A_320 = arith.constant 16 : index
    %swap3A_321 = tpu.vector_load %swap3A_319[%swap3A_320] {strides = array<i32>} : memref<128xi32, #tpu.memory_space<vmem>>, vector<16xi32>,
    tpu.vector_store %swap3A_319[%swap3A_320], %gather3A_315 {strides = array<i32>} : memref<128xi32, #tpu.memory_space<vmem>>, vector<16xi32>,
    %add3A_322 = arith.constant 16 : i32
    %add3A_323 = vector.broadcast %add3A_322 : i32 to vector<16xi32>
    %add3A_324 = arith.addi %shift_right_logical3A_9, %add3A_323 : vector<16xi32>
    %gather3A_325 = tpu.vector_load_idx %arg5[%add3A_301, %and3A_7, %add3A_324] : memref<200x2x64xi32, #tpu.memory_space<vmem>>[vector<16xi32>, vector<16xi32>, vector<16xi32>], vector<16xi32>,
    %swap3A_326 = arith.constant 3 : i32
    %swap3A_327 = arith.constant 0 : i32
    %swap3A_328 = tpu.memref_slice %arg6[%swap3A_326, %swap3A_327] : memref<8x128xi32, #tpu.memory_space<vmem>> -> memref<1x128xi32, #tpu.memory_space<vmem>>
    %swap3A_329 = tpu.memref_squeeze %swap3A_328 : memref<1x128xi32, #tpu.memory_space<vmem>> -> memref<128xi32, #tpu.memory_space<vmem>>
    %swap3A_330 = arith.constant 32 : index
    %swap3A_331 = tpu.vector_load %swap3A_329[%swap3A_330] {strides = array<i32>} : memref<128xi32, #tpu.memory_space<vmem>>, vector<16xi32>,
    tpu.vector_store %swap3A_329[%swap3A_330], %gather3A_325 {strides = array<i32>} : memref<128xi32, #tpu.memory_space<vmem>>, vector<16xi32>,
    %add3A_332 = arith.constant 24 : i32
    %add3A_333 = vector.broadcast %add3A_332 : i32 to vector<16xi32>
    %add3A_334 = arith.addi %shift_right_logical3A_9, %add3A_333 : vector<16xi32>
    %gather3A_335 = tpu.vector_load_idx %arg5[%add3A_301, %and3A_7, %add3A_334] : memref<200x2x64xi32, #tpu.memory_space<vmem>>[vector<16xi32>, vector<16xi32>, vector<16xi32>], vector<16xi32>,
    %swap3A_336 = arith.constant 3 : i32
    %swap3A_337 = arith.constant 0 : i32
    %swap3A_338 = tpu.memref_slice %arg6[%swap3A_336, %swap3A_337] : memref<8x128xi32, #tpu.memory_space<vmem>> -> memref<1x128xi32, #tpu.memory_space<vmem>>
    %swap3A_339 = tpu.memref_squeeze %swap3A_338 : memref<1x128xi32, #tpu.memory_space<vmem>> -> memref<128xi32, #tpu.memory_space<vmem>>
    %swap3A_340 = arith.constant 48 : index
    %swap3A_341 = tpu.vector_load %swap3A_339[%swap3A_340] {strides = array<i32>} : memref<128xi32, #tpu.memory_space<vmem>>, vector<16xi32>,
    tpu.vector_store %swap3A_339[%swap3A_340], %gather3A_335 {strides = array<i32>} : memref<128xi32, #tpu.memory_space<vmem>>, vector<16xi32>,
    %add3A_342 = arith.constant 32 : i32
    %add3A_343 = vector.broadcast %add3A_342 : i32 to vector<16xi32>
    %add3A_344 = arith.addi %shift_right_logical3A_9, %add3A_343 : vector<16xi32>
    %gather3A_345 = tpu.vector_load_idx %arg5[%add3A_301, %and3A_7, %add3A_344] : memref<200x2x64xi32, #tpu.memory_space<vmem>>[vector<16xi32>, vector<16xi32>, vector<16xi32>], vector<16xi32>,
    %swap3A_346 = arith.constant 3 : i32
    %swap3A_347 = arith.constant 0 : i32
    %swap3A_348 = tpu.memref_slice %arg6[%swap3A_346, %swap3A_347] : memref<8x128xi32, #tpu.memory_space<vmem>> -> memref<1x128xi32, #tpu.memory_space<vmem>>
    %swap3A_349 = tpu.memref_squeeze %swap3A_348 : memref<1x128xi32, #tpu.memory_space<vmem>> -> memref<128xi32, #tpu.memory_space<vmem>>
    %swap3A_350 = arith.constant 64 : index
    %swap3A_351 = tpu.vector_load %swap3A_349[%swap3A_350] {strides = array<i32>} : memref<128xi32, #tpu.memory_space<vmem>>, vector<16xi32>,
    tpu.vector_store %swap3A_349[%swap3A_350], %gather3A_345 {strides = array<i32>} : memref<128xi32, #tpu.memory_space<vmem>>, vector<16xi32>,
    %add3A_352 = arith.constant 40 : i32
    %add3A_353 = vector.broadcast %add3A_352 : i32 to vector<16xi32>
    %add3A_354 = arith.addi %shift_right_logical3A_9, %add3A_353 : vector<16xi32>
    %gather3A_355 = tpu.vector_load_idx %arg5[%add3A_301, %and3A_7, %add3A_354] : memref<200x2x64xi32, #tpu.memory_space<vmem>>[vector<16xi32>, vector<16xi32>, vector<16xi32>], vector<16xi32>,
    %swap3A_356 = arith.constant 3 : i32
    %swap3A_357 = arith.constant 0 : i32
    %swap3A_358 = tpu.memref_slice %arg6[%swap3A_356, %swap3A_357] : memref<8x128xi32, #tpu.memory_space<vmem>> -> memref<1x128xi32, #tpu.memory_space<vmem>>
    %swap3A_359 = tpu.memref_squeeze %swap3A_358 : memref<1x128xi32, #tpu.memory_space<vmem>> -> memref<128xi32, #tpu.memory_space<vmem>>
    %swap3A_360 = arith.constant 80 : index
    %swap3A_361 = tpu.vector_load %swap3A_359[%swap3A_360] {strides = array<i32>} : memref<128xi32, #tpu.memory_space<vmem>>, vector<16xi32>,
    tpu.vector_store %swap3A_359[%swap3A_360], %gather3A_355 {strides = array<i32>} : memref<128xi32, #tpu.memory_space<vmem>>, vector<16xi32>,
    %add3A_362 = arith.constant 48 : i32
    %add3A_363 = vector.broadcast %add3A_362 : i32 to vector<16xi32>
    %add3A_364 = arith.addi %shift_right_logical3A_9, %add3A_363 : vector<16xi32>
    %gather3A_365 = tpu.vector_load_idx %arg5[%add3A_301, %and3A_7, %add3A_364] : memref<200x2x64xi32, #tpu.memory_space<vmem>>[vector<16xi32>, vector<16xi32>, vector<16xi32>], vector<16xi32>,
    %swap3A_366 = arith.constant 3 : i32
    %swap3A_367 = arith.constant 0 : i32
    %swap3A_368 = tpu.memref_slice %arg6[%swap3A_366, %swap3A_367] : memref<8x128xi32, #tpu.memory_space<vmem>> -> memref<1x128xi32, #tpu.memory_space<vmem>>
    %swap3A_369 = tpu.memref_squeeze %swap3A_368 : memref<1x128xi32, #tpu.memory_space<vmem>> -> memref<128xi32, #tpu.memory_space<vmem>>
    %swap3A_370 = arith.constant 96 : index
    %swap3A_371 = tpu.vector_load %swap3A_369[%swap3A_370] {strides = array<i32>} : memref<128xi32, #tpu.memory_space<vmem>>, vector<16xi32>,
    tpu.vector_store %swap3A_369[%swap3A_370], %gather3A_365 {strides = array<i32>} : memref<128xi32, #tpu.memory_space<vmem>>, vector<16xi32>,
    %add3A_372 = arith.constant 56 : i32
    %add3A_373 = vector.broadcast %add3A_372 : i32 to vector<16xi32>
    %add3A_374 = arith.addi %shift_right_logical3A_9, %add3A_373 : vector<16xi32>
    %gather3A_375 = tpu.vector_load_idx %arg5[%add3A_301, %and3A_7, %add3A_374] : memref<200x2x64xi32, #tpu.memory_space<vmem>>[vector<16xi32>, vector<16xi32>, vector<16xi32>], vector<16xi32>,
    %swap3A_376 = arith.constant 3 : i32
    %swap3A_377 = arith.constant 0 : i32
    %swap3A_378 = tpu.memref_slice %arg6[%swap3A_376, %swap3A_377] : memref<8x128xi32, #tpu.memory_space<vmem>> -> memref<1x128xi32, #tpu.memory_space<vmem>>
    %swap3A_379 = tpu.memref_squeeze %swap3A_378 : memref<1x128xi32, #tpu.memory_space<vmem>> -> memref<128xi32, #tpu.memory_space<vmem>>
    %swap3A_380 = arith.constant 112 : index
    %swap3A_381 = tpu.vector_load %swap3A_379[%swap3A_380] {strides = array<i32>} : memref<128xi32, #tpu.memory_space<vmem>>, vector<16xi32>,
    tpu.vector_store %swap3A_379[%swap3A_380], %gather3A_375 {strides = array<i32>} : memref<128xi32, #tpu.memory_space<vmem>>, vector<16xi32>,
    %dma_start3A_382 = arith.constant 3 : i32
    %dma_start3A_383 = arith.constant 3 : i32
    %dma_start3A_384 = arith.constant 0 : i32
    %dma_start3A_385 = arith.constant 0 : i32
    %dma_start3A_386 = tpu.memref_slice %arg7[%dma_start3A_383, %dma_start3A_384, %dma_start3A_385] : memref<8x128x64xf32, #tpu.memory_space<vmem>> -> memref<1x128x64xf32, #tpu.memory_space<vmem>>
    %dma_start3A_387 = tpu.memref_squeeze %dma_start3A_386 : memref<1x128x64xf32, #tpu.memory_space<vmem>> -> memref<128x64xf32, #tpu.memory_space<vmem>>
    %dma_start3A_388 = arith.constant 0 : i32
    %dma_start3A_389 = tpu.memref_slice %arg6[%dma_start3A_382, %dma_start3A_388] : memref<8x128xi32, #tpu.memory_space<vmem>> -> memref<1x128xi32, #tpu.memory_space<vmem>>
    %dma_start3A_390 = tpu.memref_squeeze %dma_start3A_389 : memref<1x128xi32, #tpu.memory_space<vmem>> -> memref<128xi32, #tpu.memory_space<vmem>>
    %dma_start3A_391 = arith.constant 0 : i32
    %dma_start3A_392 = arith.constant 0 : i32
    %dma_start3A_393 = tpu.memref_slice %arg2[%dma_start3A_391, %dma_start3A_392] : memref<1000000x64xf32, #tpu.memory_space<hbm>> -> memref<1000000x64xf32, #tpu.memory_space<hbm>>
    tpu.enqueue_indirect_dma source(%dma_start3A_393 : memref<1000000x64xf32, #tpu.memory_space<hbm>>) target(%dma_start3A_387 : memref<128x64xf32, #tpu.memory_space<vmem>>) offsets(%dma_start3A_390 : memref<128xi32, #tpu.memory_space<vmem>>) semaphore(%arg11 : memref<!tpu.dma_semaphore, #tpu.memory_space<semaphore_mem>>)
    %broadcast_in_dim3A_394 = arith.constant 0 : i32
    %broadcast_in_dim3A_395 = vector.broadcast %broadcast_in_dim3A_394 : i32 to vector<16xi32>
    %add3A_396 = arith.constant 4 : i32
    %add3A_397 = vector.broadcast %add3A_396 : i32 to vector<16xi32>
    %add3A_398 = arith.addi %broadcast_in_dim3A_395, %add3A_397 : vector<16xi32>
    %add3A_399 = arith.constant 0 : i32
    %add3A_400 = vector.broadcast %add3A_399 : i32 to vector<16xi32>
    %add3A_401 = arith.addi %shift_right_logical3A_9, %add3A_400 : vector<16xi32>
    %gather3A_402 = tpu.vector_load_idx %arg5[%add3A_398, %and3A_7, %add3A_401] : memref<200x2x64xi32, #tpu.memory_space<vmem>>[vector<16xi32>, vector<16xi32>, vector<16xi32>], vector<16xi32>,
    %swap3A_403 = arith.constant 4 : i32
    %swap3A_404 = arith.constant 0 : i32
    %swap3A_405 = tpu.memref_slice %arg6[%swap3A_403, %swap3A_404] : memref<8x128xi32, #tpu.memory_space<vmem>> -> memref<1x128xi32, #tpu.memory_space<vmem>>
    %swap3A_406 = tpu.memref_squeeze %swap3A_405 : memref<1x128xi32, #tpu.memory_space<vmem>> -> memref<128xi32, #tpu.memory_space<vmem>>
    %swap3A_407 = arith.constant 0 : index
    %swap3A_408 = tpu.vector_load %swap3A_406[%swap3A_407] {strides = array<i32>} : memref<128xi32, #tpu.memory_space<vmem>>, vector<16xi32>,
    tpu.vector_store %swap3A_406[%swap3A_407], %gather3A_402 {strides = array<i32>} : memref<128xi32, #tpu.memory_space<vmem>>, vector<16xi32>,
    %add3A_409 = arith.constant 8 : i32
    %add3A_410 = vector.broadcast %add3A_409 : i32 to vector<16xi32>
    %add3A_411 = arith.addi %shift_right_logical3A_9, %add3A_410 : vector<16xi32>
    %gather3A_412 = tpu.vector_load_idx %arg5[%add3A_398, %and3A_7, %add3A_411] : memref<200x2x64xi32, #tpu.memory_space<vmem>>[vector<16xi32>, vector<16xi32>, vector<16xi32>], vector<16xi32>,
    %swap3A_413 = arith.constant 4 : i32
    %swap3A_414 = arith.constant 0 : i32
    %swap3A_415 = tpu.memref_slice %arg6[%swap3A_413, %swap3A_414] : memref<8x128xi32, #tpu.memory_space<vmem>> -> memref<1x128xi32, #tpu.memory_space<vmem>>
    %swap3A_416 = tpu.memref_squeeze %swap3A_415 : memref<1x128xi32, #tpu.memory_space<vmem>> -> memref<128xi32, #tpu.memory_space<vmem>>
    %swap3A_417 = arith.constant 16 : index
    %swap3A_418 = tpu.vector_load %swap3A_416[%swap3A_417] {strides = array<i32>} : memref<128xi32, #tpu.memory_space<vmem>>, vector<16xi32>,
    tpu.vector_store %swap3A_416[%swap3A_417], %gather3A_412 {strides = array<i32>} : memref<128xi32, #tpu.memory_space<vmem>>, vector<16xi32>,
    %add3A_419 = arith.constant 16 : i32
    %add3A_420 = vector.broadcast %add3A_419 : i32 to vector<16xi32>
    %add3A_421 = arith.addi %shift_right_logical3A_9, %add3A_420 : vector<16xi32>
    %gather3A_422 = tpu.vector_load_idx %arg5[%add3A_398, %and3A_7, %add3A_421] : memref<200x2x64xi32, #tpu.memory_space<vmem>>[vector<16xi32>, vector<16xi32>, vector<16xi32>], vector<16xi32>,
    %swap3A_423 = arith.constant 4 : i32
    %swap3A_424 = arith.constant 0 : i32
    %swap3A_425 = tpu.memref_slice %arg6[%swap3A_423, %swap3A_424] : memref<8x128xi32, #tpu.memory_space<vmem>> -> memref<1x128xi32, #tpu.memory_space<vmem>>
    %swap3A_426 = tpu.memref_squeeze %swap3A_425 : memref<1x128xi32, #tpu.memory_space<vmem>> -> memref<128xi32, #tpu.memory_space<vmem>>
    %swap3A_427 = arith.constant 32 : index
    %swap3A_428 = tpu.vector_load %swap3A_426[%swap3A_427] {strides = array<i32>} : memref<128xi32, #tpu.memory_space<vmem>>, vector<16xi32>,
    tpu.vector_store %swap3A_426[%swap3A_427], %gather3A_422 {strides = array<i32>} : memref<128xi32, #tpu.memory_space<vmem>>, vector<16xi32>,
    %add3A_429 = arith.constant 24 : i32
    %add3A_430 = vector.broadcast %add3A_429 : i32 to vector<16xi32>
    %add3A_431 = arith.addi %shift_right_logical3A_9, %add3A_430 : vector<16xi32>
    %gather3A_432 = tpu.vector_load_idx %arg5[%add3A_398, %and3A_7, %add3A_431] : memref<200x2x64xi32, #tpu.memory_space<vmem>>[vector<16xi32>, vector<16xi32>, vector<16xi32>], vector<16xi32>,
    %swap3A_433 = arith.constant 4 : i32
    %swap3A_434 = arith.constant 0 : i32
    %swap3A_435 = tpu.memref_slice %arg6[%swap3A_433, %swap3A_434] : memref<8x128xi32, #tpu.memory_space<vmem>> -> memref<1x128xi32, #tpu.memory_space<vmem>>
    %swap3A_436 = tpu.memref_squeeze %swap3A_435 : memref<1x128xi32, #tpu.memory_space<vmem>> -> memref<128xi32, #tpu.memory_space<vmem>>
    %swap3A_437 = arith.constant 48 : index
    %swap3A_438 = tpu.vector_load %swap3A_436[%swap3A_437] {strides = array<i32>} : memref<128xi32, #tpu.memory_space<vmem>>, vector<16xi32>,
    tpu.vector_store %swap3A_436[%swap3A_437], %gather3A_432 {strides = array<i32>} : memref<128xi32, #tpu.memory_space<vmem>>, vector<16xi32>,
    %add3A_439 = arith.constant 32 : i32
    %add3A_440 = vector.broadcast %add3A_439 : i32 to vector<16xi32>
    %add3A_441 = arith.addi %shift_right_logical3A_9, %add3A_440 : vector<16xi32>
    %gather3A_442 = tpu.vector_load_idx %arg5[%add3A_398, %and3A_7, %add3A_441] : memref<200x2x64xi32, #tpu.memory_space<vmem>>[vector<16xi32>, vector<16xi32>, vector<16xi32>], vector<16xi32>,
    %swap3A_443 = arith.constant 4 : i32
    %swap3A_444 = arith.constant 0 : i32
    %swap3A_445 = tpu.memref_slice %arg6[%swap3A_443, %swap3A_444] : memref<8x128xi32, #tpu.memory_space<vmem>> -> memref<1x128xi32, #tpu.memory_space<vmem>>
    %swap3A_446 = tpu.memref_squeeze %swap3A_445 : memref<1x128xi32, #tpu.memory_space<vmem>> -> memref<128xi32, #tpu.memory_space<vmem>>
    %swap3A_447 = arith.constant 64 : index
    %swap3A_448 = tpu.vector_load %swap3A_446[%swap3A_447] {strides = array<i32>} : memref<128xi32, #tpu.memory_space<vmem>>, vector<16xi32>,
    tpu.vector_store %swap3A_446[%swap3A_447], %gather3A_442 {strides = array<i32>} : memref<128xi32, #tpu.memory_space<vmem>>, vector<16xi32>,
    %add3A_449 = arith.constant 40 : i32
    %add3A_450 = vector.broadcast %add3A_449 : i32 to vector<16xi32>
    %add3A_451 = arith.addi %shift_right_logical3A_9, %add3A_450 : vector<16xi32>
    %gather3A_452 = tpu.vector_load_idx %arg5[%add3A_398, %and3A_7, %add3A_451] : memref<200x2x64xi32, #tpu.memory_space<vmem>>[vector<16xi32>, vector<16xi32>, vector<16xi32>], vector<16xi32>,
    %swap3A_453 = arith.constant 4 : i32
    %swap3A_454 = arith.constant 0 : i32
    %swap3A_455 = tpu.memref_slice %arg6[%swap3A_453, %swap3A_454] : memref<8x128xi32, #tpu.memory_space<vmem>> -> memref<1x128xi32, #tpu.memory_space<vmem>>
    %swap3A_456 = tpu.memref_squeeze %swap3A_455 : memref<1x128xi32, #tpu.memory_space<vmem>> -> memref<128xi32, #tpu.memory_space<vmem>>
    %swap3A_457 = arith.constant 80 : index
    %swap3A_458 = tpu.vector_load %swap3A_456[%swap3A_457] {strides = array<i32>} : memref<128xi32, #tpu.memory_space<vmem>>, vector<16xi32>,
    tpu.vector_store %swap3A_456[%swap3A_457], %gather3A_452 {strides = array<i32>} : memref<128xi32, #tpu.memory_space<vmem>>, vector<16xi32>,
    %add3A_459 = arith.constant 48 : i32
    %add3A_460 = vector.broadcast %add3A_459 : i32 to vector<16xi32>
    %add3A_461 = arith.addi %shift_right_logical3A_9, %add3A_460 : vector<16xi32>
    %gather3A_462 = tpu.vector_load_idx %arg5[%add3A_398, %and3A_7, %add3A_461] : memref<200x2x64xi32, #tpu.memory_space<vmem>>[vector<16xi32>, vector<16xi32>, vector<16xi32>], vector<16xi32>,
    %swap3A_463 = arith.constant 4 : i32
    %swap3A_464 = arith.constant 0 : i32
    %swap3A_465 = tpu.memref_slice %arg6[%swap3A_463, %swap3A_464] : memref<8x128xi32, #tpu.memory_space<vmem>> -> memref<1x128xi32, #tpu.memory_space<vmem>>
    %swap3A_466 = tpu.memref_squeeze %swap3A_465 : memref<1x128xi32, #tpu.memory_space<vmem>> -> memref<128xi32, #tpu.memory_space<vmem>>
    %swap3A_467 = arith.constant 96 : index
    %swap3A_468 = tpu.vector_load %swap3A_466[%swap3A_467] {strides = array<i32>} : memref<128xi32, #tpu.memory_space<vmem>>, vector<16xi32>,
    tpu.vector_store %swap3A_466[%swap3A_467], %gather3A_462 {strides = array<i32>} : memref<128xi32, #tpu.memory_space<vmem>>, vector<16xi32>,
    %add3A_469 = arith.constant 56 : i32
    %add3A_470 = vector.broadcast %add3A_469 : i32 to vector<16xi32>
    %add3A_471 = arith.addi %shift_right_logical3A_9, %add3A_470 : vector<16xi32>
    %gather3A_472 = tpu.vector_load_idx %arg5[%add3A_398, %and3A_7, %add3A_471] : memref<200x2x64xi32, #tpu.memory_space<vmem>>[vector<16xi32>, vector<16xi32>, vector<16xi32>], vector<16xi32>,
    %swap3A_473 = arith.constant 4 : i32
    %swap3A_474 = arith.constant 0 : i32
    %swap3A_475 = tpu.memref_slice %arg6[%swap3A_473, %swap3A_474] : memref<8x128xi32, #tpu.memory_space<vmem>> -> memref<1x128xi32, #tpu.memory_space<vmem>>
    %swap3A_476 = tpu.memref_squeeze %swap3A_475 : memref<1x128xi32, #tpu.memory_space<vmem>> -> memref<128xi32, #tpu.memory_space<vmem>>
    %swap3A_477 = arith.constant 112 : index
    %swap3A_478 = tpu.vector_load %swap3A_476[%swap3A_477] {strides = array<i32>} : memref<128xi32, #tpu.memory_space<vmem>>, vector<16xi32>,
    tpu.vector_store %swap3A_476[%swap3A_477], %gather3A_472 {strides = array<i32>} : memref<128xi32, #tpu.memory_space<vmem>>, vector<16xi32>,
    %dma_start3A_479 = arith.constant 4 : i32
    %dma_start3A_480 = arith.constant 4 : i32
    %dma_start3A_481 = arith.constant 0 : i32
    %dma_start3A_482 = arith.constant 0 : i32
    %dma_start3A_483 = tpu.memref_slice %arg7[%dma_start3A_480, %dma_start3A_481, %dma_start3A_482] : memref<8x128x64xf32, #tpu.memory_space<vmem>> -> memref<1x128x64xf32, #tpu.memory_space<vmem>>
    %dma_start3A_484 = tpu.memref_squeeze %dma_start3A_483 : memref<1x128x64xf32, #tpu.memory_space<vmem>> -> memref<128x64xf32, #tpu.memory_space<vmem>>
    %dma_start3A_485 = arith.constant 0 : i32
    %dma_start3A_486 = tpu.memref_slice %arg6[%dma_start3A_479, %dma_start3A_485] : memref<8x128xi32, #tpu.memory_space<vmem>> -> memref<1x128xi32, #tpu.memory_space<vmem>>
    %dma_start3A_487 = tpu.memref_squeeze %dma_start3A_486 : memref<1x128xi32, #tpu.memory_space<vmem>> -> memref<128xi32, #tpu.memory_space<vmem>>
    %dma_start3A_488 = arith.constant 0 : i32
    %dma_start3A_489 = arith.constant 0 : i32
    %dma_start3A_490 = tpu.memref_slice %arg2[%dma_start3A_488, %dma_start3A_489] : memref<1000000x64xf32, #tpu.memory_space<hbm>> -> memref<1000000x64xf32, #tpu.memory_space<hbm>>
    tpu.enqueue_indirect_dma source(%dma_start3A_490 : memref<1000000x64xf32, #tpu.memory_space<hbm>>) target(%dma_start3A_484 : memref<128x64xf32, #tpu.memory_space<vmem>>) offsets(%dma_start3A_487 : memref<128xi32, #tpu.memory_space<vmem>>) semaphore(%arg12 : memref<!tpu.dma_semaphore, #tpu.memory_space<semaphore_mem>>)
    %broadcast_in_dim3A_491 = arith.constant 0 : i32
    %broadcast_in_dim3A_492 = vector.broadcast %broadcast_in_dim3A_491 : i32 to vector<16xi32>
    %add3A_493 = arith.constant 5 : i32
    %add3A_494 = vector.broadcast %add3A_493 : i32 to vector<16xi32>
    %add3A_495 = arith.addi %broadcast_in_dim3A_492, %add3A_494 : vector<16xi32>
    %add3A_496 = arith.constant 0 : i32
    %add3A_497 = vector.broadcast %add3A_496 : i32 to vector<16xi32>
    %add3A_498 = arith.addi %shift_right_logical3A_9, %add3A_497 : vector<16xi32>
    %gather3A_499 = tpu.vector_load_idx %arg5[%add3A_495, %and3A_7, %add3A_498] : memref<200x2x64xi32, #tpu.memory_space<vmem>>[vector<16xi32>, vector<16xi32>, vector<16xi32>], vector<16xi32>,
    %swap3A_500 = arith.constant 5 : i32
    %swap3A_501 = arith.constant 0 : i32
    %swap3A_502 = tpu.memref_slice %arg6[%swap3A_500, %swap3A_501] : memref<8x128xi32, #tpu.memory_space<vmem>> -> memref<1x128xi32, #tpu.memory_space<vmem>>
    %swap3A_503 = tpu.memref_squeeze %swap3A_502 : memref<1x128xi32, #tpu.memory_space<vmem>> -> memref<128xi32, #tpu.memory_space<vmem>>
    %swap3A_504 = arith.constant 0 : index
    %swap3A_505 = tpu.vector_load %swap3A_503[%swap3A_504] {strides = array<i32>} : memref<128xi32, #tpu.memory_space<vmem>>, vector<16xi32>,
    tpu.vector_store %swap3A_503[%swap3A_504], %gather3A_499 {strides = array<i32>} : memref<128xi32, #tpu.memory_space<vmem>>, vector<16xi32>,
    %add3A_506 = arith.constant 8 : i32
    %add3A_507 = vector.broadcast %add3A_506 : i32 to vector<16xi32>
    %add3A_508 = arith.addi %shift_right_logical3A_9, %add3A_507 : vector<16xi32>
    %gather3A_509 = tpu.vector_load_idx %arg5[%add3A_495, %and3A_7, %add3A_508] : memref<200x2x64xi32, #tpu.memory_space<vmem>>[vector<16xi32>, vector<16xi32>, vector<16xi32>], vector<16xi32>,
    %swap3A_510 = arith.constant 5 : i32
    %swap3A_511 = arith.constant 0 : i32
    %swap3A_512 = tpu.memref_slice %arg6[%swap3A_510, %swap3A_511] : memref<8x128xi32, #tpu.memory_space<vmem>> -> memref<1x128xi32, #tpu.memory_space<vmem>>
    %swap3A_513 = tpu.memref_squeeze %swap3A_512 : memref<1x128xi32, #tpu.memory_space<vmem>> -> memref<128xi32, #tpu.memory_space<vmem>>
    %swap3A_514 = arith.constant 16 : index
    %swap3A_515 = tpu.vector_load %swap3A_513[%swap3A_514] {strides = array<i32>} : memref<128xi32, #tpu.memory_space<vmem>>, vector<16xi32>,
    tpu.vector_store %swap3A_513[%swap3A_514], %gather3A_509 {strides = array<i32>} : memref<128xi32, #tpu.memory_space<vmem>>, vector<16xi32>,
    %add3A_516 = arith.constant 16 : i32
    %add3A_517 = vector.broadcast %add3A_516 : i32 to vector<16xi32>
    %add3A_518 = arith.addi %shift_right_logical3A_9, %add3A_517 : vector<16xi32>
    %gather3A_519 = tpu.vector_load_idx %arg5[%add3A_495, %and3A_7, %add3A_518] : memref<200x2x64xi32, #tpu.memory_space<vmem>>[vector<16xi32>, vector<16xi32>, vector<16xi32>], vector<16xi32>,
    %swap3A_520 = arith.constant 5 : i32
    %swap3A_521 = arith.constant 0 : i32
    %swap3A_522 = tpu.memref_slice %arg6[%swap3A_520, %swap3A_521] : memref<8x128xi32, #tpu.memory_space<vmem>> -> memref<1x128xi32, #tpu.memory_space<vmem>>
    %swap3A_523 = tpu.memref_squeeze %swap3A_522 : memref<1x128xi32, #tpu.memory_space<vmem>> -> memref<128xi32, #tpu.memory_space<vmem>>
    %swap3A_524 = arith.constant 32 : index
    %swap3A_525 = tpu.vector_load %swap3A_523[%swap3A_524] {strides = array<i32>} : memref<128xi32, #tpu.memory_space<vmem>>, vector<16xi32>,
    tpu.vector_store %swap3A_523[%swap3A_524], %gather3A_519 {strides = array<i32>} : memref<128xi32, #tpu.memory_space<vmem>>, vector<16xi32>,
    %add3A_526 = arith.constant 24 : i32
    %add3A_527 = vector.broadcast %add3A_526 : i32 to vector<16xi32>
    %add3A_528 = arith.addi %shift_right_logical3A_9, %add3A_527 : vector<16xi32>
    %gather3A_529 = tpu.vector_load_idx %arg5[%add3A_495, %and3A_7, %add3A_528] : memref<200x2x64xi32, #tpu.memory_space<vmem>>[vector<16xi32>, vector<16xi32>, vector<16xi32>], vector<16xi32>,
    %swap3A_530 = arith.constant 5 : i32
    %swap3A_531 = arith.constant 0 : i32
    %swap3A_532 = tpu.memref_slice %arg6[%swap3A_530, %swap3A_531] : memref<8x128xi32, #tpu.memory_space<vmem>> -> memref<1x128xi32, #tpu.memory_space<vmem>>
    %swap3A_533 = tpu.memref_squeeze %swap3A_532 : memref<1x128xi32, #tpu.memory_space<vmem>> -> memref<128xi32, #tpu.memory_space<vmem>>
    %swap3A_534 = arith.constant 48 : index
    %swap3A_535 = tpu.vector_load %swap3A_533[%swap3A_534] {strides = array<i32>} : memref<128xi32, #tpu.memory_space<vmem>>, vector<16xi32>,
    tpu.vector_store %swap3A_533[%swap3A_534], %gather3A_529 {strides = array<i32>} : memref<128xi32, #tpu.memory_space<vmem>>, vector<16xi32>,
    %add3A_536 = arith.constant 32 : i32
    %add3A_537 = vector.broadcast %add3A_536 : i32 to vector<16xi32>
    %add3A_538 = arith.addi %shift_right_logical3A_9, %add3A_537 : vector<16xi32>
    %gather3A_539 = tpu.vector_load_idx %arg5[%add3A_495, %and3A_7, %add3A_538] : memref<200x2x64xi32, #tpu.memory_space<vmem>>[vector<16xi32>, vector<16xi32>, vector<16xi32>], vector<16xi32>,
    %swap3A_540 = arith.constant 5 : i32
    %swap3A_541 = arith.constant 0 : i32
    %swap3A_542 = tpu.memref_slice %arg6[%swap3A_540, %swap3A_541] : memref<8x128xi32, #tpu.memory_space<vmem>> -> memref<1x128xi32, #tpu.memory_space<vmem>>
    %swap3A_543 = tpu.memref_squeeze %swap3A_542 : memref<1x128xi32, #tpu.memory_space<vmem>> -> memref<128xi32, #tpu.memory_space<vmem>>
    %swap3A_544 = arith.constant 64 : index
    %swap3A_545 = tpu.vector_load %swap3A_543[%swap3A_544] {strides = array<i32>} : memref<128xi32, #tpu.memory_space<vmem>>, vector<16xi32>,
    tpu.vector_store %swap3A_543[%swap3A_544], %gather3A_539 {strides = array<i32>} : memref<128xi32, #tpu.memory_space<vmem>>, vector<16xi32>,
    %add3A_546 = arith.constant 40 : i32
    %add3A_547 = vector.broadcast %add3A_546 : i32 to vector<16xi32>
    %add3A_548 = arith.addi %shift_right_logical3A_9, %add3A_547 : vector<16xi32>
    %gather3A_549 = tpu.vector_load_idx %arg5[%add3A_495, %and3A_7, %add3A_548] : memref<200x2x64xi32, #tpu.memory_space<vmem>>[vector<16xi32>, vector<16xi32>, vector<16xi32>], vector<16xi32>,
    %swap3A_550 = arith.constant 5 : i32
    %swap3A_551 = arith.constant 0 : i32
    %swap3A_552 = tpu.memref_slice %arg6[%swap3A_550, %swap3A_551] : memref<8x128xi32, #tpu.memory_space<vmem>> -> memref<1x128xi32, #tpu.memory_space<vmem>>
    %swap3A_553 = tpu.memref_squeeze %swap3A_552 : memref<1x128xi32, #tpu.memory_space<vmem>> -> memref<128xi32, #tpu.memory_space<vmem>>
    %swap3A_554 = arith.constant 80 : index
    %swap3A_555 = tpu.vector_load %swap3A_553[%swap3A_554] {strides = array<i32>} : memref<128xi32, #tpu.memory_space<vmem>>, vector<16xi32>,
    tpu.vector_store %swap3A_553[%swap3A_554], %gather3A_549 {strides = array<i32>} : memref<128xi32, #tpu.memory_space<vmem>>, vector<16xi32>,
    %add3A_556 = arith.constant 48 : i32
    %add3A_557 = vector.broadcast %add3A_556 : i32 to vector<16xi32>
    %add3A_558 = arith.addi %shift_right_logical3A_9, %add3A_557 : vector<16xi32>
    %gather3A_559 = tpu.vector_load_idx %arg5[%add3A_495, %and3A_7, %add3A_558] : memref<200x2x64xi32, #tpu.memory_space<vmem>>[vector<16xi32>, vector<16xi32>, vector<16xi32>], vector<16xi32>,
    %swap3A_560 = arith.constant 5 : i32
    %swap3A_561 = arith.constant 0 : i32
    %swap3A_562 = tpu.memref_slice %arg6[%swap3A_560, %swap3A_561] : memref<8x128xi32, #tpu.memory_space<vmem>> -> memref<1x128xi32, #tpu.memory_space<vmem>>
    %swap3A_563 = tpu.memref_squeeze %swap3A_562 : memref<1x128xi32, #tpu.memory_space<vmem>> -> memref<128xi32, #tpu.memory_space<vmem>>
    %swap3A_564 = arith.constant 96 : index
    %swap3A_565 = tpu.vector_load %swap3A_563[%swap3A_564] {strides = array<i32>} : memref<128xi32, #tpu.memory_space<vmem>>, vector<16xi32>,
    tpu.vector_store %swap3A_563[%swap3A_564], %gather3A_559 {strides = array<i32>} : memref<128xi32, #tpu.memory_space<vmem>>, vector<16xi32>,
    %add3A_566 = arith.constant 56 : i32
    %add3A_567 = vector.broadcast %add3A_566 : i32 to vector<16xi32>
    %add3A_568 = arith.addi %shift_right_logical3A_9, %add3A_567 : vector<16xi32>
    %gather3A_569 = tpu.vector_load_idx %arg5[%add3A_495, %and3A_7, %add3A_568] : memref<200x2x64xi32, #tpu.memory_space<vmem>>[vector<16xi32>, vector<16xi32>, vector<16xi32>], vector<16xi32>,
    %swap3A_570 = arith.constant 5 : i32
    %swap3A_571 = arith.constant 0 : i32
    %swap3A_572 = tpu.memref_slice %arg6[%swap3A_570, %swap3A_571] : memref<8x128xi32, #tpu.memory_space<vmem>> -> memref<1x128xi32, #tpu.memory_space<vmem>>
    %swap3A_573 = tpu.memref_squeeze %swap3A_572 : memref<1x128xi32, #tpu.memory_space<vmem>> -> memref<128xi32, #tpu.memory_space<vmem>>
    %swap3A_574 = arith.constant 112 : index
    %swap3A_575 = tpu.vector_load %swap3A_573[%swap3A_574] {strides = array<i32>} : memref<128xi32, #tpu.memory_space<vmem>>, vector<16xi32>,
    tpu.vector_store %swap3A_573[%swap3A_574], %gather3A_569 {strides = array<i32>} : memref<128xi32, #tpu.memory_space<vmem>>, vector<16xi32>,
    %dma_start3A_576 = arith.constant 5 : i32
    %dma_start3A_577 = arith.constant 5 : i32
    %dma_start3A_578 = arith.constant 0 : i32
    %dma_start3A_579 = arith.constant 0 : i32
    %dma_start3A_580 = tpu.memref_slice %arg7[%dma_start3A_577, %dma_start3A_578, %dma_start3A_579] : memref<8x128x64xf32, #tpu.memory_space<vmem>> -> memref<1x128x64xf32, #tpu.memory_space<vmem>>
    %dma_start3A_581 = tpu.memref_squeeze %dma_start3A_580 : memref<1x128x64xf32, #tpu.memory_space<vmem>> -> memref<128x64xf32, #tpu.memory_space<vmem>>
    %dma_start3A_582 = arith.constant 0 : i32
    %dma_start3A_583 = tpu.memref_slice %arg6[%dma_start3A_576, %dma_start3A_582] : memref<8x128xi32, #tpu.memory_space<vmem>> -> memref<1x128xi32, #tpu.memory_space<vmem>>
    %dma_start3A_584 = tpu.memref_squeeze %dma_start3A_583 : memref<1x128xi32, #tpu.memory_space<vmem>> -> memref<128xi32, #tpu.memory_space<vmem>>
    %dma_start3A_585 = arith.constant 0 : i32
    %dma_start3A_586 = arith.constant 0 : i32
    %dma_start3A_587 = tpu.memref_slice %arg2[%dma_start3A_585, %dma_start3A_586] : memref<1000000x64xf32, #tpu.memory_space<hbm>> -> memref<1000000x64xf32, #tpu.memory_space<hbm>>
    tpu.enqueue_indirect_dma source(%dma_start3A_587 : memref<1000000x64xf32, #tpu.memory_space<hbm>>) target(%dma_start3A_581 : memref<128x64xf32, #tpu.memory_space<vmem>>) offsets(%dma_start3A_584 : memref<128xi32, #tpu.memory_space<vmem>>) semaphore(%arg13 : memref<!tpu.dma_semaphore, #tpu.memory_space<semaphore_mem>>)
    %broadcast_in_dim3A_588 = arith.constant 0 : i32
    %broadcast_in_dim3A_589 = vector.broadcast %broadcast_in_dim3A_588 : i32 to vector<16xi32>
    %add3A_590 = arith.constant 6 : i32
    %add3A_591 = vector.broadcast %add3A_590 : i32 to vector<16xi32>
    %add3A_592 = arith.addi %broadcast_in_dim3A_589, %add3A_591 : vector<16xi32>
    %add3A_593 = arith.constant 0 : i32
    %add3A_594 = vector.broadcast %add3A_593 : i32 to vector<16xi32>
    %add3A_595 = arith.addi %shift_right_logical3A_9, %add3A_594 : vector<16xi32>
    %gather3A_596 = tpu.vector_load_idx %arg5[%add3A_592, %and3A_7, %add3A_595] : memref<200x2x64xi32, #tpu.memory_space<vmem>>[vector<16xi32>, vector<16xi32>, vector<16xi32>], vector<16xi32>,
    %swap3A_597 = arith.constant 6 : i32
    %swap3A_598 = arith.constant 0 : i32
    %swap3A_599 = tpu.memref_slice %arg6[%swap3A_597, %swap3A_598] : memref<8x128xi32, #tpu.memory_space<vmem>> -> memref<1x128xi32, #tpu.memory_space<vmem>>
    %swap3A_600 = tpu.memref_squeeze %swap3A_599 : memref<1x128xi32, #tpu.memory_space<vmem>> -> memref<128xi32, #tpu.memory_space<vmem>>
    %swap3A_601 = arith.constant 0 : index
    %swap3A_602 = tpu.vector_load %swap3A_600[%swap3A_601] {strides = array<i32>} : memref<128xi32, #tpu.memory_space<vmem>>, vector<16xi32>,
    tpu.vector_store %swap3A_600[%swap3A_601], %gather3A_596 {strides = array<i32>} : memref<128xi32, #tpu.memory_space<vmem>>, vector<16xi32>,
    %add3A_603 = arith.constant 8 : i32
    %add3A_604 = vector.broadcast %add3A_603 : i32 to vector<16xi32>
    %add3A_605 = arith.addi %shift_right_logical3A_9, %add3A_604 : vector<16xi32>
    %gather3A_606 = tpu.vector_load_idx %arg5[%add3A_592, %and3A_7, %add3A_605] : memref<200x2x64xi32, #tpu.memory_space<vmem>>[vector<16xi32>, vector<16xi32>, vector<16xi32>], vector<16xi32>,
    %swap3A_607 = arith.constant 6 : i32
    %swap3A_608 = arith.constant 0 : i32
    %swap3A_609 = tpu.memref_slice %arg6[%swap3A_607, %swap3A_608] : memref<8x128xi32, #tpu.memory_space<vmem>> -> memref<1x128xi32, #tpu.memory_space<vmem>>
    %swap3A_610 = tpu.memref_squeeze %swap3A_609 : memref<1x128xi32, #tpu.memory_space<vmem>> -> memref<128xi32, #tpu.memory_space<vmem>>
    %swap3A_611 = arith.constant 16 : index
    %swap3A_612 = tpu.vector_load %swap3A_610[%swap3A_611] {strides = array<i32>} : memref<128xi32, #tpu.memory_space<vmem>>, vector<16xi32>,
    tpu.vector_store %swap3A_610[%swap3A_611], %gather3A_606 {strides = array<i32>} : memref<128xi32, #tpu.memory_space<vmem>>, vector<16xi32>,
    %add3A_613 = arith.constant 16 : i32
    %add3A_614 = vector.broadcast %add3A_613 : i32 to vector<16xi32>
    %add3A_615 = arith.addi %shift_right_logical3A_9, %add3A_614 : vector<16xi32>
    %gather3A_616 = tpu.vector_load_idx %arg5[%add3A_592, %and3A_7, %add3A_615] : memref<200x2x64xi32, #tpu.memory_space<vmem>>[vector<16xi32>, vector<16xi32>, vector<16xi32>], vector<16xi32>,
    %swap3A_617 = arith.constant 6 : i32
    %swap3A_618 = arith.constant 0 : i32
    %swap3A_619 = tpu.memref_slice %arg6[%swap3A_617, %swap3A_618] : memref<8x128xi32, #tpu.memory_space<vmem>> -> memref<1x128xi32, #tpu.memory_space<vmem>>
    %swap3A_620 = tpu.memref_squeeze %swap3A_619 : memref<1x128xi32, #tpu.memory_space<vmem>> -> memref<128xi32, #tpu.memory_space<vmem>>
    %swap3A_621 = arith.constant 32 : index
    %swap3A_622 = tpu.vector_load %swap3A_620[%swap3A_621] {strides = array<i32>} : memref<128xi32, #tpu.memory_space<vmem>>, vector<16xi32>,
    tpu.vector_store %swap3A_620[%swap3A_621], %gather3A_616 {strides = array<i32>} : memref<128xi32, #tpu.memory_space<vmem>>, vector<16xi32>,
    %add3A_623 = arith.constant 24 : i32
    %add3A_624 = vector.broadcast %add3A_623 : i32 to vector<16xi32>
    %add3A_625 = arith.addi %shift_right_logical3A_9, %add3A_624 : vector<16xi32>
    %gather3A_626 = tpu.vector_load_idx %arg5[%add3A_592, %and3A_7, %add3A_625] : memref<200x2x64xi32, #tpu.memory_space<vmem>>[vector<16xi32>, vector<16xi32>, vector<16xi32>], vector<16xi32>,
    %swap3A_627 = arith.constant 6 : i32
    %swap3A_628 = arith.constant 0 : i32
    %swap3A_629 = tpu.memref_slice %arg6[%swap3A_627, %swap3A_628] : memref<8x128xi32, #tpu.memory_space<vmem>> -> memref<1x128xi32, #tpu.memory_space<vmem>>
    %swap3A_630 = tpu.memref_squeeze %swap3A_629 : memref<1x128xi32, #tpu.memory_space<vmem>> -> memref<128xi32, #tpu.memory_space<vmem>>
    %swap3A_631 = arith.constant 48 : index
    %swap3A_632 = tpu.vector_load %swap3A_630[%swap3A_631] {strides = array<i32>} : memref<128xi32, #tpu.memory_space<vmem>>, vector<16xi32>,
    tpu.vector_store %swap3A_630[%swap3A_631], %gather3A_626 {strides = array<i32>} : memref<128xi32, #tpu.memory_space<vmem>>, vector<16xi32>,
    %add3A_633 = arith.constant 32 : i32
    %add3A_634 = vector.broadcast %add3A_633 : i32 to vector<16xi32>
    %add3A_635 = arith.addi %shift_right_logical3A_9, %add3A_634 : vector<16xi32>
    %gather3A_636 = tpu.vector_load_idx %arg5[%add3A_592, %and3A_7, %add3A_635] : memref<200x2x64xi32, #tpu.memory_space<vmem>>[vector<16xi32>, vector<16xi32>, vector<16xi32>], vector<16xi32>,
    %swap3A_637 = arith.constant 6 : i32
    %swap3A_638 = arith.constant 0 : i32
    %swap3A_639 = tpu.memref_slice %arg6[%swap3A_637, %swap3A_638] : memref<8x128xi32, #tpu.memory_space<vmem>> -> memref<1x128xi32, #tpu.memory_space<vmem>>
    %swap3A_640 = tpu.memref_squeeze %swap3A_639 : memref<1x128xi32, #tpu.memory_space<vmem>> -> memref<128xi32, #tpu.memory_space<vmem>>
    %swap3A_641 = arith.constant 64 : index
    %swap3A_642 = tpu.vector_load %swap3A_640[%swap3A_641] {strides = array<i32>} : memref<128xi32, #tpu.memory_space<vmem>>, vector<16xi32>,
    tpu.vector_store %swap3A_640[%swap3A_641], %gather3A_636 {strides = array<i32>} : memref<128xi32, #tpu.memory_space<vmem>>, vector<16xi32>,
    %add3A_643 = arith.constant 40 : i32
    %add3A_644 = vector.broadcast %add3A_643 : i32 to vector<16xi32>
    %add3A_645 = arith.addi %shift_right_logical3A_9, %add3A_644 : vector<16xi32>
    %gather3A_646 = tpu.vector_load_idx %arg5[%add3A_592, %and3A_7, %add3A_645] : memref<200x2x64xi32, #tpu.memory_space<vmem>>[vector<16xi32>, vector<16xi32>, vector<16xi32>], vector<16xi32>,
    %swap3A_647 = arith.constant 6 : i32
    %swap3A_648 = arith.constant 0 : i32
    %swap3A_649 = tpu.memref_slice %arg6[%swap3A_647, %swap3A_648] : memref<8x128xi32, #tpu.memory_space<vmem>> -> memref<1x128xi32, #tpu.memory_space<vmem>>
    %swap3A_650 = tpu.memref_squeeze %swap3A_649 : memref<1x128xi32, #tpu.memory_space<vmem>> -> memref<128xi32, #tpu.memory_space<vmem>>
    %swap3A_651 = arith.constant 80 : index
    %swap3A_652 = tpu.vector_load %swap3A_650[%swap3A_651] {strides = array<i32>} : memref<128xi32, #tpu.memory_space<vmem>>, vector<16xi32>,
    tpu.vector_store %swap3A_650[%swap3A_651], %gather3A_646 {strides = array<i32>} : memref<128xi32, #tpu.memory_space<vmem>>, vector<16xi32>,
    %add3A_653 = arith.constant 48 : i32
    %add3A_654 = vector.broadcast %add3A_653 : i32 to vector<16xi32>
    %add3A_655 = arith.addi %shift_right_logical3A_9, %add3A_654 : vector<16xi32>
    %gather3A_656 = tpu.vector_load_idx %arg5[%add3A_592, %and3A_7, %add3A_655] : memref<200x2x64xi32, #tpu.memory_space<vmem>>[vector<16xi32>, vector<16xi32>, vector<16xi32>], vector<16xi32>,
    %swap3A_657 = arith.constant 6 : i32
    %swap3A_658 = arith.constant 0 : i32
    %swap3A_659 = tpu.memref_slice %arg6[%swap3A_657, %swap3A_658] : memref<8x128xi32, #tpu.memory_space<vmem>> -> memref<1x128xi32, #tpu.memory_space<vmem>>
    %swap3A_660 = tpu.memref_squeeze %swap3A_659 : memref<1x128xi32, #tpu.memory_space<vmem>> -> memref<128xi32, #tpu.memory_space<vmem>>
    %swap3A_661 = arith.constant 96 : index
    %swap3A_662 = tpu.vector_load %swap3A_660[%swap3A_661] {strides = array<i32>} : memref<128xi32, #tpu.memory_space<vmem>>, vector<16xi32>,
    tpu.vector_store %swap3A_660[%swap3A_661], %gather3A_656 {strides = array<i32>} : memref<128xi32, #tpu.memory_space<vmem>>, vector<16xi32>,
    %add3A_663 = arith.constant 56 : i32
    %add3A_664 = vector.broadcast %add3A_663 : i32 to vector<16xi32>
    %add3A_665 = arith.addi %shift_right_logical3A_9, %add3A_664 : vector<16xi32>
    %gather3A_666 = tpu.vector_load_idx %arg5[%add3A_592, %and3A_7, %add3A_665] : memref<200x2x64xi32, #tpu.memory_space<vmem>>[vector<16xi32>, vector<16xi32>, vector<16xi32>], vector<16xi32>,
    %swap3A_667 = arith.constant 6 : i32
    %swap3A_668 = arith.constant 0 : i32
    %swap3A_669 = tpu.memref_slice %arg6[%swap3A_667, %swap3A_668] : memref<8x128xi32, #tpu.memory_space<vmem>> -> memref<1x128xi32, #tpu.memory_space<vmem>>
    %swap3A_670 = tpu.memref_squeeze %swap3A_669 : memref<1x128xi32, #tpu.memory_space<vmem>> -> memref<128xi32, #tpu.memory_space<vmem>>
    %swap3A_671 = arith.constant 112 : index
    %swap3A_672 = tpu.vector_load %swap3A_670[%swap3A_671] {strides = array<i32>} : memref<128xi32, #tpu.memory_space<vmem>>, vector<16xi32>,
    tpu.vector_store %swap3A_670[%swap3A_671], %gather3A_666 {strides = array<i32>} : memref<128xi32, #tpu.memory_space<vmem>>, vector<16xi32>,
    %dma_start3A_673 = arith.constant 6 : i32
    %dma_start3A_674 = arith.constant 6 : i32
    %dma_start3A_675 = arith.constant 0 : i32
    %dma_start3A_676 = arith.constant 0 : i32
    %dma_start3A_677 = tpu.memref_slice %arg7[%dma_start3A_674, %dma_start3A_675, %dma_start3A_676] : memref<8x128x64xf32, #tpu.memory_space<vmem>> -> memref<1x128x64xf32, #tpu.memory_space<vmem>>
    %dma_start3A_678 = tpu.memref_squeeze %dma_start3A_677 : memref<1x128x64xf32, #tpu.memory_space<vmem>> -> memref<128x64xf32, #tpu.memory_space<vmem>>
    %dma_start3A_679 = arith.constant 0 : i32
    %dma_start3A_680 = tpu.memref_slice %arg6[%dma_start3A_673, %dma_start3A_679] : memref<8x128xi32, #tpu.memory_space<vmem>> -> memref<1x128xi32, #tpu.memory_space<vmem>>
    %dma_start3A_681 = tpu.memref_squeeze %dma_start3A_680 : memref<1x128xi32, #tpu.memory_space<vmem>> -> memref<128xi32, #tpu.memory_space<vmem>>
    %dma_start3A_682 = arith.constant 0 : i32
    %dma_start3A_683 = arith.constant 0 : i32
    %dma_start3A_684 = tpu.memref_slice %arg2[%dma_start3A_682, %dma_start3A_683] : memref<1000000x64xf32, #tpu.memory_space<hbm>> -> memref<1000000x64xf32, #tpu.memory_space<hbm>>
    tpu.enqueue_indirect_dma source(%dma_start3A_684 : memref<1000000x64xf32, #tpu.memory_space<hbm>>) target(%dma_start3A_678 : memref<128x64xf32, #tpu.memory_space<vmem>>) offsets(%dma_start3A_681 : memref<128xi32, #tpu.memory_space<vmem>>) semaphore(%arg14 : memref<!tpu.dma_semaphore, #tpu.memory_space<semaphore_mem>>)
    %broadcast_in_dim3A_685 = arith.constant 0 : i32
    %broadcast_in_dim3A_686 = vector.broadcast %broadcast_in_dim3A_685 : i32 to vector<16xi32>
    %add3A_687 = arith.constant 7 : i32
    %add3A_688 = vector.broadcast %add3A_687 : i32 to vector<16xi32>
    %add3A_689 = arith.addi %broadcast_in_dim3A_686, %add3A_688 : vector<16xi32>
    %add3A_690 = arith.constant 0 : i32
    %add3A_691 = vector.broadcast %add3A_690 : i32 to vector<16xi32>
    %add3A_692 = arith.addi %shift_right_logical3A_9, %add3A_691 : vector<16xi32>
    %gather3A_693 = tpu.vector_load_idx %arg5[%add3A_689, %and3A_7, %add3A_692] : memref<200x2x64xi32, #tpu.memory_space<vmem>>[vector<16xi32>, vector<16xi32>, vector<16xi32>], vector<16xi32>,
    %swap3A_694 = arith.constant 7 : i32
    %swap3A_695 = arith.constant 0 : i32
    %swap3A_696 = tpu.memref_slice %arg6[%swap3A_694, %swap3A_695] : memref<8x128xi32, #tpu.memory_space<vmem>> -> memref<1x128xi32, #tpu.memory_space<vmem>>
    %swap3A_697 = tpu.memref_squeeze %swap3A_696 : memref<1x128xi32, #tpu.memory_space<vmem>> -> memref<128xi32, #tpu.memory_space<vmem>>
    %swap3A_698 = arith.constant 0 : index
    %swap3A_699 = tpu.vector_load %swap3A_697[%swap3A_698] {strides = array<i32>} : memref<128xi32, #tpu.memory_space<vmem>>, vector<16xi32>,
    tpu.vector_store %swap3A_697[%swap3A_698], %gather3A_693 {strides = array<i32>} : memref<128xi32, #tpu.memory_space<vmem>>, vector<16xi32>,
    %add3A_700 = arith.constant 8 : i32
    %add3A_701 = vector.broadcast %add3A_700 : i32 to vector<16xi32>
    %add3A_702 = arith.addi %shift_right_logical3A_9, %add3A_701 : vector<16xi32>
    %gather3A_703 = tpu.vector_load_idx %arg5[%add3A_689, %and3A_7, %add3A_702] : memref<200x2x64xi32, #tpu.memory_space<vmem>>[vector<16xi32>, vector<16xi32>, vector<16xi32>], vector<16xi32>,
    %swap3A_704 = arith.constant 7 : i32
    %swap3A_705 = arith.constant 0 : i32
    %swap3A_706 = tpu.memref_slice %arg6[%swap3A_704, %swap3A_705] : memref<8x128xi32, #tpu.memory_space<vmem>> -> memref<1x128xi32, #tpu.memory_space<vmem>>
    %swap3A_707 = tpu.memref_squeeze %swap3A_706 : memref<1x128xi32, #tpu.memory_space<vmem>> -> memref<128xi32, #tpu.memory_space<vmem>>
    %swap3A_708 = arith.constant 16 : index
    %swap3A_709 = tpu.vector_load %swap3A_707[%swap3A_708] {strides = array<i32>} : memref<128xi32, #tpu.memory_space<vmem>>, vector<16xi32>,
    tpu.vector_store %swap3A_707[%swap3A_708], %gather3A_703 {strides = array<i32>} : memref<128xi32, #tpu.memory_space<vmem>>, vector<16xi32>,
    %add3A_710 = arith.constant 16 : i32
    %add3A_711 = vector.broadcast %add3A_710 : i32 to vector<16xi32>
    %add3A_712 = arith.addi %shift_right_logical3A_9, %add3A_711 : vector<16xi32>
    %gather3A_713 = tpu.vector_load_idx %arg5[%add3A_689, %and3A_7, %add3A_712] : memref<200x2x64xi32, #tpu.memory_space<vmem>>[vector<16xi32>, vector<16xi32>, vector<16xi32>], vector<16xi32>,
    %swap3A_714 = arith.constant 7 : i32
    %swap3A_715 = arith.constant 0 : i32
    %swap3A_716 = tpu.memref_slice %arg6[%swap3A_714, %swap3A_715] : memref<8x128xi32, #tpu.memory_space<vmem>> -> memref<1x128xi32, #tpu.memory_space<vmem>>
    %swap3A_717 = tpu.memref_squeeze %swap3A_716 : memref<1x128xi32, #tpu.memory_space<vmem>> -> memref<128xi32, #tpu.memory_space<vmem>>
    %swap3A_718 = arith.constant 32 : index
    %swap3A_719 = tpu.vector_load %swap3A_717[%swap3A_718] {strides = array<i32>} : memref<128xi32, #tpu.memory_space<vmem>>, vector<16xi32>,
    tpu.vector_store %swap3A_717[%swap3A_718], %gather3A_713 {strides = array<i32>} : memref<128xi32, #tpu.memory_space<vmem>>, vector<16xi32>,
    %add3A_720 = arith.constant 24 : i32
    %add3A_721 = vector.broadcast %add3A_720 : i32 to vector<16xi32>
    %add3A_722 = arith.addi %shift_right_logical3A_9, %add3A_721 : vector<16xi32>
    %gather3A_723 = tpu.vector_load_idx %arg5[%add3A_689, %and3A_7, %add3A_722] : memref<200x2x64xi32, #tpu.memory_space<vmem>>[vector<16xi32>, vector<16xi32>, vector<16xi32>], vector<16xi32>,
    %swap3A_724 = arith.constant 7 : i32
    %swap3A_725 = arith.constant 0 : i32
    %swap3A_726 = tpu.memref_slice %arg6[%swap3A_724, %swap3A_725] : memref<8x128xi32, #tpu.memory_space<vmem>> -> memref<1x128xi32, #tpu.memory_space<vmem>>
    %swap3A_727 = tpu.memref_squeeze %swap3A_726 : memref<1x128xi32, #tpu.memory_space<vmem>> -> memref<128xi32, #tpu.memory_space<vmem>>
    %swap3A_728 = arith.constant 48 : index
    %swap3A_729 = tpu.vector_load %swap3A_727[%swap3A_728] {strides = array<i32>} : memref<128xi32, #tpu.memory_space<vmem>>, vector<16xi32>,
    tpu.vector_store %swap3A_727[%swap3A_728], %gather3A_723 {strides = array<i32>} : memref<128xi32, #tpu.memory_space<vmem>>, vector<16xi32>,
    %add3A_730 = arith.constant 32 : i32
    %add3A_731 = vector.broadcast %add3A_730 : i32 to vector<16xi32>
    %add3A_732 = arith.addi %shift_right_logical3A_9, %add3A_731 : vector<16xi32>
    %gather3A_733 = tpu.vector_load_idx %arg5[%add3A_689, %and3A_7, %add3A_732] : memref<200x2x64xi32, #tpu.memory_space<vmem>>[vector<16xi32>, vector<16xi32>, vector<16xi32>], vector<16xi32>,
    %swap3A_734 = arith.constant 7 : i32
    %swap3A_735 = arith.constant 0 : i32
    %swap3A_736 = tpu.memref_slice %arg6[%swap3A_734, %swap3A_735] : memref<8x128xi32, #tpu.memory_space<vmem>> -> memref<1x128xi32, #tpu.memory_space<vmem>>
    %swap3A_737 = tpu.memref_squeeze %swap3A_736 : memref<1x128xi32, #tpu.memory_space<vmem>> -> memref<128xi32, #tpu.memory_space<vmem>>
    %swap3A_738 = arith.constant 64 : index
    %swap3A_739 = tpu.vector_load %swap3A_737[%swap3A_738] {strides = array<i32>} : memref<128xi32, #tpu.memory_space<vmem>>, vector<16xi32>,
    tpu.vector_store %swap3A_737[%swap3A_738], %gather3A_733 {strides = array<i32>} : memref<128xi32, #tpu.memory_space<vmem>>, vector<16xi32>,
    %add3A_740 = arith.constant 40 : i32
    %add3A_741 = vector.broadcast %add3A_740 : i32 to vector<16xi32>
    %add3A_742 = arith.addi %shift_right_logical3A_9, %add3A_741 : vector<16xi32>
    %gather3A_743 = tpu.vector_load_idx %arg5[%add3A_689, %and3A_7, %add3A_742] : memref<200x2x64xi32, #tpu.memory_space<vmem>>[vector<16xi32>, vector<16xi32>, vector<16xi32>], vector<16xi32>,
    %swap3A_744 = arith.constant 7 : i32
    %swap3A_745 = arith.constant 0 : i32
    %swap3A_746 = tpu.memref_slice %arg6[%swap3A_744, %swap3A_745] : memref<8x128xi32, #tpu.memory_space<vmem>> -> memref<1x128xi32, #tpu.memory_space<vmem>>
    %swap3A_747 = tpu.memref_squeeze %swap3A_746 : memref<1x128xi32, #tpu.memory_space<vmem>> -> memref<128xi32, #tpu.memory_space<vmem>>
    %swap3A_748 = arith.constant 80 : index
    %swap3A_749 = tpu.vector_load %swap3A_747[%swap3A_748] {strides = array<i32>} : memref<128xi32, #tpu.memory_space<vmem>>, vector<16xi32>,
    tpu.vector_store %swap3A_747[%swap3A_748], %gather3A_743 {strides = array<i32>} : memref<128xi32, #tpu.memory_space<vmem>>, vector<16xi32>,
    %add3A_750 = arith.constant 48 : i32
    %add3A_751 = vector.broadcast %add3A_750 : i32 to vector<16xi32>
    %add3A_752 = arith.addi %shift_right_logical3A_9, %add3A_751 : vector<16xi32>
    %gather3A_753 = tpu.vector_load_idx %arg5[%add3A_689, %and3A_7, %add3A_752] : memref<200x2x64xi32, #tpu.memory_space<vmem>>[vector<16xi32>, vector<16xi32>, vector<16xi32>], vector<16xi32>,
    %swap3A_754 = arith.constant 7 : i32
    %swap3A_755 = arith.constant 0 : i32
    %swap3A_756 = tpu.memref_slice %arg6[%swap3A_754, %swap3A_755] : memref<8x128xi32, #tpu.memory_space<vmem>> -> memref<1x128xi32, #tpu.memory_space<vmem>>
    %swap3A_757 = tpu.memref_squeeze %swap3A_756 : memref<1x128xi32, #tpu.memory_space<vmem>> -> memref<128xi32, #tpu.memory_space<vmem>>
    %swap3A_758 = arith.constant 96 : index
    %swap3A_759 = tpu.vector_load %swap3A_757[%swap3A_758] {strides = array<i32>} : memref<128xi32, #tpu.memory_space<vmem>>, vector<16xi32>,
    tpu.vector_store %swap3A_757[%swap3A_758], %gather3A_753 {strides = array<i32>} : memref<128xi32, #tpu.memory_space<vmem>>, vector<16xi32>,
    %add3A_760 = arith.constant 56 : i32
    %add3A_761 = vector.broadcast %add3A_760 : i32 to vector<16xi32>
    %add3A_762 = arith.addi %shift_right_logical3A_9, %add3A_761 : vector<16xi32>
    %gather3A_763 = tpu.vector_load_idx %arg5[%add3A_689, %and3A_7, %add3A_762] : memref<200x2x64xi32, #tpu.memory_space<vmem>>[vector<16xi32>, vector<16xi32>, vector<16xi32>], vector<16xi32>,
    %swap3A_764 = arith.constant 7 : i32
    %swap3A_765 = arith.constant 0 : i32
    %swap3A_766 = tpu.memref_slice %arg6[%swap3A_764, %swap3A_765] : memref<8x128xi32, #tpu.memory_space<vmem>> -> memref<1x128xi32, #tpu.memory_space<vmem>>
    %swap3A_767 = tpu.memref_squeeze %swap3A_766 : memref<1x128xi32, #tpu.memory_space<vmem>> -> memref<128xi32, #tpu.memory_space<vmem>>
    %swap3A_768 = arith.constant 112 : index
    %swap3A_769 = tpu.vector_load %swap3A_767[%swap3A_768] {strides = array<i32>} : memref<128xi32, #tpu.memory_space<vmem>>, vector<16xi32>,
    tpu.vector_store %swap3A_767[%swap3A_768], %gather3A_763 {strides = array<i32>} : memref<128xi32, #tpu.memory_space<vmem>>, vector<16xi32>,
    %dma_start3A_770 = arith.constant 7 : i32
    %dma_start3A_771 = arith.constant 7 : i32
    %dma_start3A_772 = arith.constant 0 : i32
    %dma_start3A_773 = arith.constant 0 : i32
    %dma_start3A_774 = tpu.memref_slice %arg7[%dma_start3A_771, %dma_start3A_772, %dma_start3A_773] : memref<8x128x64xf32, #tpu.memory_space<vmem>> -> memref<1x128x64xf32, #tpu.memory_space<vmem>>
    %dma_start3A_775 = tpu.memref_squeeze %dma_start3A_774 : memref<1x128x64xf32, #tpu.memory_space<vmem>> -> memref<128x64xf32, #tpu.memory_space<vmem>>
    %dma_start3A_776 = arith.constant 0 : i32
    %dma_start3A_777 = tpu.memref_slice %arg6[%dma_start3A_770, %dma_start3A_776] : memref<8x128xi32, #tpu.memory_space<vmem>> -> memref<1x128xi32, #tpu.memory_space<vmem>>
    %dma_start3A_778 = tpu.memref_squeeze %dma_start3A_777 : memref<1x128xi32, #tpu.memory_space<vmem>> -> memref<128xi32, #tpu.memory_space<vmem>>
    %dma_start3A_779 = arith.constant 0 : i32
    %dma_start3A_780 = arith.constant 0 : i32
    %dma_start3A_781 = tpu.memref_slice %arg2[%dma_start3A_779, %dma_start3A_780] : memref<1000000x64xf32, #tpu.memory_space<hbm>> -> memref<1000000x64xf32, #tpu.memory_space<hbm>>
    tpu.enqueue_indirect_dma source(%dma_start3A_781 : memref<1000000x64xf32, #tpu.memory_space<hbm>>) target(%dma_start3A_775 : memref<128x64xf32, #tpu.memory_space<vmem>>) offsets(%dma_start3A_778 : memref<128xi32, #tpu.memory_space<vmem>>) semaphore(%arg15 : memref<!tpu.dma_semaphore, #tpu.memory_space<semaphore_mem>>)
    %scan3A = arith.constant 0 : i32
    %scan3A_782 = arith.constant 0 : i32
    %scan3A_783 = arith.constant 24 : i32
    %scan3A_784 = arith.addi %scan3A_782, %scan3A_783 : i32
    %scan3A_785 = arith.constant 1 : i32
    %scan3A_786 = scf.for %scan3A_1123 = %scan3A_782 to %scan3A_784 step %scan3A_785 iter_args(%scan3A_1124 = %scan3A) -> (i32)  : i32 {
      %mul3A_1125 = arith.constant 8 : i32
      %mul3A_1126 = arith.muli %scan3A_1123, %mul3A_1125 : i32
      %add3A_1127 = arith.constant 0 : i32
      %add3A_1128 = arith.addi %mul3A_1126, %add3A_1127 : i32
      %dma_wait3A_1129 = arith.constant 0 : i32
      %dma_wait3A_1130 = arith.constant 0 : i32
      %dma_wait3A_1131 = arith.constant 0 : i32
      %dma_wait3A_1132 = arith.constant 0 : i32
      %dma_wait3A_1133 = tpu.memref_slice %arg7[%dma_wait3A_1130, %dma_wait3A_1131, %dma_wait3A_1132] : memref<8x128x64xf32, #tpu.memory_space<vmem>> -> memref<1x128x64xf32, #tpu.memory_space<vmem>>
      %dma_wait3A_1134 = tpu.memref_squeeze %dma_wait3A_1133 : memref<1x128x64xf32, #tpu.memory_space<vmem>> -> memref<128x64xf32, #tpu.memory_space<vmem>>
      %dma_wait3A_1135 = arith.constant 0 : i32
      %dma_wait3A_1136 = tpu.memref_slice %arg6[%dma_wait3A_1129, %dma_wait3A_1135] : memref<8x128xi32, #tpu.memory_space<vmem>> -> memref<1x128xi32, #tpu.memory_space<vmem>>
      %dma_wait3A_1137 = tpu.memref_squeeze %dma_wait3A_1136 : memref<1x128xi32, #tpu.memory_space<vmem>> -> memref<128xi32, #tpu.memory_space<vmem>>
      %dma_wait3A_1138 = arith.constant 0 : i32
      %dma_wait3A_1139 = arith.constant 0 : i32
      %dma_wait3A_1140 = tpu.memref_slice %arg2[%dma_wait3A_1138, %dma_wait3A_1139] : memref<1000000x64xf32, #tpu.memory_space<hbm>> -> memref<1000000x64xf32, #tpu.memory_space<hbm>>
      tpu.wait_indirect_dma semaphore(%arg8 : memref<!tpu.dma_semaphore, #tpu.memory_space<semaphore_mem>>) src(%dma_wait3A_1140 : memref<1000000x64xf32, #tpu.memory_space<hbm>>) dst(%dma_wait3A_1134 : memref<128x64xf32, #tpu.memory_space<vmem>>)
      %mul3A_1141 = arith.constant 2048 : i32
      %mul3A_1142 = arith.muli %add3A_1128, %mul3A_1141 : i32
      %add3A_1143 = arith.addi %mul3A_1142, %mul3A_2 : i32
      %mul3A_1144 = arith.constant 2 : i32
      %mul3A_1145 = arith.muli %mul3A_1144, %add3A_1143 : i32
      %dma_start3A_1146 = arith.constant 0 : i32
      %dma_start3A_1147 = arith.constant 0 : i32
      %dma_start3A_1148 = arith.constant 0 : i32
      %dma_start3A_1149 = tpu.memref_slice %arg7[%dma_start3A_1146, %dma_start3A_1147, %dma_start3A_1148] : memref<8x128x64xf32, #tpu.memory_space<vmem>> -> memref<1x128x64xf32, #tpu.memory_space<vmem>>
      %dma_start3A_1150 = tpu.memref_squeeze %dma_start3A_1149 : memref<1x128x64xf32, #tpu.memory_space<vmem>> -> memref<128x64xf32, #tpu.memory_space<vmem>>
      %dma_start3A_1151 = arith.constant 0 : i32
      %dma_start3A_1152 = tpu.memref_slice %arg4[%mul3A_1145, %dma_start3A_1151] : memref<819200x64xf32, #tpu.memory_space<hbm>> -> memref<128x64xf32, #tpu.memory_space<hbm>>
      %dma_start3A_1153 = arith.constant 0 : i32
      %dma_start3A_1154 = tpu.memref_slice %arg4[%mul3A_1145, %dma_start3A_1153] : memref<819200x64xf32, #tpu.memory_space<hbm>> -> memref<128x64xf32, #tpu.memory_space<hbm>>
      %dma_start3A_1155 = arith.constant 0 : i32
      %dma_start3A_1156 = arith.constant 0 : i32
      %dma_start3A_1157 = tpu.memref_slice %arg7[%dma_start3A_1146, %dma_start3A_1155, %dma_start3A_1156] : memref<8x128x64xf32, #tpu.memory_space<vmem>> -> memref<1x128x64xf32, #tpu.memory_space<vmem>>
      %dma_start3A_1158 = tpu.memref_squeeze %dma_start3A_1157 : memref<1x128x64xf32, #tpu.memory_space<vmem>> -> memref<128x64xf32, #tpu.memory_space<vmem>>
      tpu.enqueue_dma source(%dma_start3A_1158 : memref<128x64xf32, #tpu.memory_space<vmem>>) target(%dma_start3A_1154 : memref<128x64xf32, #tpu.memory_space<hbm>>) target_semaphore(%arg16 : memref<!tpu.dma_semaphore, #tpu.memory_space<semaphore_mem>>)
      %dma_wait3A_1159 = arith.constant 0 : i32
      %dma_wait3A_1160 = arith.constant 0 : i32
      %dma_wait3A_1161 = arith.constant 0 : i32
      %dma_wait3A_1162 = tpu.memref_slice %arg7[%dma_wait3A_1159, %dma_wait3A_1160, %dma_wait3A_1161] : memref<8x128x64xf32, #tpu.memory_space<vmem>> -> memref<1x128x64xf32, #tpu.memory_space<vmem>>
      %dma_wait3A_1163 = tpu.memref_squeeze %dma_wait3A_1162 : memref<1x128x64xf32, #tpu.memory_space<vmem>> -> memref<128x64xf32, #tpu.memory_space<vmem>>
      %dma_wait3A_1164 = arith.constant 0 : i32
      %dma_wait3A_1165 = tpu.memref_slice %arg4[%mul3A_1145, %dma_wait3A_1164] : memref<819200x64xf32, #tpu.memory_space<hbm>> -> memref<128x64xf32, #tpu.memory_space<hbm>>
      %dma_wait3A_1166 = arith.constant 0 : i32
      %dma_wait3A_1167 = tpu.memref_slice %arg4[%mul3A_1145, %dma_wait3A_1166] : memref<819200x64xf32, #tpu.memory_space<hbm>> -> memref<128x64xf32, #tpu.memory_space<hbm>>
      %dma_wait3A_1168 = arith.constant 0 : i32
      %dma_wait3A_1169 = arith.constant 0 : i32
      %dma_wait3A_1170 = tpu.memref_slice %arg7[%dma_wait3A_1159, %dma_wait3A_1168, %dma_wait3A_1169] : memref<8x128x64xf32, #tpu.memory_space<vmem>> -> memref<1x128x64xf32, #tpu.memory_space<vmem>>
      %dma_wait3A_1171 = tpu.memref_squeeze %dma_wait3A_1170 : memref<1x128x64xf32, #tpu.memory_space<vmem>> -> memref<128x64xf32, #tpu.memory_space<vmem>>
      tpu.wait_dma2 semaphore(%arg16 : memref<!tpu.dma_semaphore, #tpu.memory_space<semaphore_mem>>) src(%dma_wait3A_1171 : memref<128x64xf32, #tpu.memory_space<vmem>>) dst(%dma_wait3A_1167 : memref<128x64xf32, #tpu.memory_space<hbm>>)
      %add3A_1172 = arith.constant 8 : i32
      %add3A_1173 = arith.addi %add3A_1128, %add3A_1172 : i32
      %broadcast_in_dim3A_1174 = arith.constant 0 : i32
      %broadcast_in_dim3A_1175 = vector.broadcast %broadcast_in_dim3A_1174 : i32 to vector<16xi32>
      %add3A_1176 = vector.broadcast %add3A_1173 : i32 to vector<16xi32>
      %add3A_1177 = arith.addi %broadcast_in_dim3A_1175, %add3A_1176 : vector<16xi32>
      %add3A_1178 = arith.constant 0 : i32
      %add3A_1179 = vector.broadcast %add3A_1178 : i32 to vector<16xi32>
      %add3A_1180 = arith.addi %shift_right_logical3A_9, %add3A_1179 : vector<16xi32>
      %gather3A_1181 = tpu.vector_load_idx %arg5[%add3A_1177, %and3A_7, %add3A_1180] : memref<200x2x64xi32, #tpu.memory_space<vmem>>[vector<16xi32>, vector<16xi32>, vector<16xi32>], vector<16xi32>,
      %swap3A_1182 = arith.constant 0 : i32
      %swap3A_1183 = arith.constant 0 : i32
      %swap3A_1184 = tpu.memref_slice %arg6[%swap3A_1182, %swap3A_1183] : memref<8x128xi32, #tpu.memory_space<vmem>> -> memref<1x128xi32, #tpu.memory_space<vmem>>
      %swap3A_1185 = tpu.memref_squeeze %swap3A_1184 : memref<1x128xi32, #tpu.memory_space<vmem>> -> memref<128xi32, #tpu.memory_space<vmem>>
      %swap3A_1186 = arith.constant 0 : index
      %swap3A_1187 = tpu.vector_load %swap3A_1185[%swap3A_1186] {strides = array<i32>} : memref<128xi32, #tpu.memory_space<vmem>>, vector<16xi32>,
      tpu.vector_store %swap3A_1185[%swap3A_1186], %gather3A_1181 {strides = array<i32>} : memref<128xi32, #tpu.memory_space<vmem>>, vector<16xi32>,
      %add3A_1188 = arith.constant 8 : i32
      %add3A_1189 = vector.broadcast %add3A_1188 : i32 to vector<16xi32>
      %add3A_1190 = arith.addi %shift_right_logical3A_9, %add3A_1189 : vector<16xi32>
      %gather3A_1191 = tpu.vector_load_idx %arg5[%add3A_1177, %and3A_7, %add3A_1190] : memref<200x2x64xi32, #tpu.memory_space<vmem>>[vector<16xi32>, vector<16xi32>, vector<16xi32>], vector<16xi32>,
      %swap3A_1192 = arith.constant 0 : i32
      %swap3A_1193 = arith.constant 0 : i32
      %swap3A_1194 = tpu.memref_slice %arg6[%swap3A_1192, %swap3A_1193] : memref<8x128xi32, #tpu.memory_space<vmem>> -> memref<1x128xi32, #tpu.memory_space<vmem>>
      %swap3A_1195 = tpu.memref_squeeze %swap3A_1194 : memref<1x128xi32, #tpu.memory_space<vmem>> -> memref<128xi32, #tpu.memory_space<vmem>>
      %swap3A_1196 = arith.constant 16 : index
      %swap3A_1197 = tpu.vector_load %swap3A_1195[%swap3A_1196] {strides = array<i32>} : memref<128xi32, #tpu.memory_space<vmem>>, vector<16xi32>,
      tpu.vector_store %swap3A_1195[%swap3A_1196], %gather3A_1191 {strides = array<i32>} : memref<128xi32, #tpu.memory_space<vmem>>, vector<16xi32>,
      %add3A_1198 = arith.constant 16 : i32
      %add3A_1199 = vector.broadcast %add3A_1198 : i32 to vector<16xi32>
      %add3A_1200 = arith.addi %shift_right_logical3A_9, %add3A_1199 : vector<16xi32>
      %gather3A_1201 = tpu.vector_load_idx %arg5[%add3A_1177, %and3A_7, %add3A_1200] : memref<200x2x64xi32, #tpu.memory_space<vmem>>[vector<16xi32>, vector<16xi32>, vector<16xi32>], vector<16xi32>,
      %swap3A_1202 = arith.constant 0 : i32
      %swap3A_1203 = arith.constant 0 : i32
      %swap3A_1204 = tpu.memref_slice %arg6[%swap3A_1202, %swap3A_1203] : memref<8x128xi32, #tpu.memory_space<vmem>> -> memref<1x128xi32, #tpu.memory_space<vmem>>
      %swap3A_1205 = tpu.memref_squeeze %swap3A_1204 : memref<1x128xi32, #tpu.memory_space<vmem>> -> memref<128xi32, #tpu.memory_space<vmem>>
      %swap3A_1206 = arith.constant 32 : index
      %swap3A_1207 = tpu.vector_load %swap3A_1205[%swap3A_1206] {strides = array<i32>} : memref<128xi32, #tpu.memory_space<vmem>>, vector<16xi32>,
      tpu.vector_store %swap3A_1205[%swap3A_1206], %gather3A_1201 {strides = array<i32>} : memref<128xi32, #tpu.memory_space<vmem>>, vector<16xi32>,
      %add3A_1208 = arith.constant 24 : i32
      %add3A_1209 = vector.broadcast %add3A_1208 : i32 to vector<16xi32>
      %add3A_1210 = arith.addi %shift_right_logical3A_9, %add3A_1209 : vector<16xi32>
      %gather3A_1211 = tpu.vector_load_idx %arg5[%add3A_1177, %and3A_7, %add3A_1210] : memref<200x2x64xi32, #tpu.memory_space<vmem>>[vector<16xi32>, vector<16xi32>, vector<16xi32>], vector<16xi32>,
      %swap3A_1212 = arith.constant 0 : i32
      %swap3A_1213 = arith.constant 0 : i32
      %swap3A_1214 = tpu.memref_slice %arg6[%swap3A_1212, %swap3A_1213] : memref<8x128xi32, #tpu.memory_space<vmem>> -> memref<1x128xi32, #tpu.memory_space<vmem>>
      %swap3A_1215 = tpu.memref_squeeze %swap3A_1214 : memref<1x128xi32, #tpu.memory_space<vmem>> -> memref<128xi32, #tpu.memory_space<vmem>>
      %swap3A_1216 = arith.constant 48 : index
      %swap3A_1217 = tpu.vector_load %swap3A_1215[%swap3A_1216] {strides = array<i32>} : memref<128xi32, #tpu.memory_space<vmem>>, vector<16xi32>,
      tpu.vector_store %swap3A_1215[%swap3A_1216], %gather3A_1211 {strides = array<i32>} : memref<128xi32, #tpu.memory_space<vmem>>, vector<16xi32>,
      %add3A_1218 = arith.constant 32 : i32
      %add3A_1219 = vector.broadcast %add3A_1218 : i32 to vector<16xi32>
      %add3A_1220 = arith.addi %shift_right_logical3A_9, %add3A_1219 : vector<16xi32>
      %gather3A_1221 = tpu.vector_load_idx %arg5[%add3A_1177, %and3A_7, %add3A_1220] : memref<200x2x64xi32, #tpu.memory_space<vmem>>[vector<16xi32>, vector<16xi32>, vector<16xi32>], vector<16xi32>,
      %swap3A_1222 = arith.constant 0 : i32
      %swap3A_1223 = arith.constant 0 : i32
      %swap3A_1224 = tpu.memref_slice %arg6[%swap3A_1222, %swap3A_1223] : memref<8x128xi32, #tpu.memory_space<vmem>> -> memref<1x128xi32, #tpu.memory_space<vmem>>
      %swap3A_1225 = tpu.memref_squeeze %swap3A_1224 : memref<1x128xi32, #tpu.memory_space<vmem>> -> memref<128xi32, #tpu.memory_space<vmem>>
      %swap3A_1226 = arith.constant 64 : index
      %swap3A_1227 = tpu.vector_load %swap3A_1225[%swap3A_1226] {strides = array<i32>} : memref<128xi32, #tpu.memory_space<vmem>>, vector<16xi32>,
      tpu.vector_store %swap3A_1225[%swap3A_1226], %gather3A_1221 {strides = array<i32>} : memref<128xi32, #tpu.memory_space<vmem>>, vector<16xi32>,
      %add3A_1228 = arith.constant 40 : i32
      %add3A_1229 = vector.broadcast %add3A_1228 : i32 to vector<16xi32>
      %add3A_1230 = arith.addi %shift_right_logical3A_9, %add3A_1229 : vector<16xi32>
      %gather3A_1231 = tpu.vector_load_idx %arg5[%add3A_1177, %and3A_7, %add3A_1230] : memref<200x2x64xi32, #tpu.memory_space<vmem>>[vector<16xi32>, vector<16xi32>, vector<16xi32>], vector<16xi32>,
      %swap3A_1232 = arith.constant 0 : i32
      %swap3A_1233 = arith.constant 0 : i32
      %swap3A_1234 = tpu.memref_slice %arg6[%swap3A_1232, %swap3A_1233] : memref<8x128xi32, #tpu.memory_space<vmem>> -> memref<1x128xi32, #tpu.memory_space<vmem>>
      %swap3A_1235 = tpu.memref_squeeze %swap3A_1234 : memref<1x128xi32, #tpu.memory_space<vmem>> -> memref<128xi32, #tpu.memory_space<vmem>>
      %swap3A_1236 = arith.constant 80 : index
      %swap3A_1237 = tpu.vector_load %swap3A_1235[%swap3A_1236] {strides = array<i32>} : memref<128xi32, #tpu.memory_space<vmem>>, vector<16xi32>,
      tpu.vector_store %swap3A_1235[%swap3A_1236], %gather3A_1231 {strides = array<i32>} : memref<128xi32, #tpu.memory_space<vmem>>, vector<16xi32>,
      %add3A_1238 = arith.constant 48 : i32
      %add3A_1239 = vector.broadcast %add3A_1238 : i32 to vector<16xi32>
      %add3A_1240 = arith.addi %shift_right_logical3A_9, %add3A_1239 : vector<16xi32>
      %gather3A_1241 = tpu.vector_load_idx %arg5[%add3A_1177, %and3A_7, %add3A_1240] : memref<200x2x64xi32, #tpu.memory_space<vmem>>[vector<16xi32>, vector<16xi32>, vector<16xi32>], vector<16xi32>,
      %swap3A_1242 = arith.constant 0 : i32
      %swap3A_1243 = arith.constant 0 : i32
      %swap3A_1244 = tpu.memref_slice %arg6[%swap3A_1242, %swap3A_1243] : memref<8x128xi32, #tpu.memory_space<vmem>> -> memref<1x128xi32, #tpu.memory_space<vmem>>
      %swap3A_1245 = tpu.memref_squeeze %swap3A_1244 : memref<1x128xi32, #tpu.memory_space<vmem>> -> memref<128xi32, #tpu.memory_space<vmem>>
      %swap3A_1246 = arith.constant 96 : index
      %swap3A_1247 = tpu.vector_load %swap3A_1245[%swap3A_1246] {strides = array<i32>} : memref<128xi32, #tpu.memory_space<vmem>>, vector<16xi32>,
      tpu.vector_store %swap3A_1245[%swap3A_1246], %gather3A_1241 {strides = array<i32>} : memref<128xi32, #tpu.memory_space<vmem>>, vector<16xi32>,
      %add3A_1248 = arith.constant 56 : i32
      %add3A_1249 = vector.broadcast %add3A_1248 : i32 to vector<16xi32>
      %add3A_1250 = arith.addi %shift_right_logical3A_9, %add3A_1249 : vector<16xi32>
      %gather3A_1251 = tpu.vector_load_idx %arg5[%add3A_1177, %and3A_7, %add3A_1250] : memref<200x2x64xi32, #tpu.memory_space<vmem>>[vector<16xi32>, vector<16xi32>, vector<16xi32>], vector<16xi32>,
      %swap3A_1252 = arith.constant 0 : i32
      %swap3A_1253 = arith.constant 0 : i32
      %swap3A_1254 = tpu.memref_slice %arg6[%swap3A_1252, %swap3A_1253] : memref<8x128xi32, #tpu.memory_space<vmem>> -> memref<1x128xi32, #tpu.memory_space<vmem>>
      %swap3A_1255 = tpu.memref_squeeze %swap3A_1254 : memref<1x128xi32, #tpu.memory_space<vmem>> -> memref<128xi32, #tpu.memory_space<vmem>>
      %swap3A_1256 = arith.constant 112 : index
      %swap3A_1257 = tpu.vector_load %swap3A_1255[%swap3A_1256] {strides = array<i32>} : memref<128xi32, #tpu.memory_space<vmem>>, vector<16xi32>,
      tpu.vector_store %swap3A_1255[%swap3A_1256], %gather3A_1251 {strides = array<i32>} : memref<128xi32, #tpu.memory_space<vmem>>, vector<16xi32>,
      %dma_start3A_1258 = arith.constant 0 : i32
      %dma_start3A_1259 = arith.constant 0 : i32
      %dma_start3A_1260 = arith.constant 0 : i32
      %dma_start3A_1261 = arith.constant 0 : i32
      %dma_start3A_1262 = tpu.memref_slice %arg7[%dma_start3A_1259, %dma_start3A_1260, %dma_start3A_1261] : memref<8x128x64xf32, #tpu.memory_space<vmem>> -> memref<1x128x64xf32, #tpu.memory_space<vmem>>
      %dma_start3A_1263 = tpu.memref_squeeze %dma_start3A_1262 : memref<1x128x64xf32, #tpu.memory_space<vmem>> -> memref<128x64xf32, #tpu.memory_space<vmem>>
      %dma_start3A_1264 = arith.constant 0 : i32
      %dma_start3A_1265 = tpu.memref_slice %arg6[%dma_start3A_1258, %dma_start3A_1264] : memref<8x128xi32, #tpu.memory_space<vmem>> -> memref<1x128xi32, #tpu.memory_space<vmem>>
      %dma_start3A_1266 = tpu.memref_squeeze %dma_start3A_1265 : memref<1x128xi32, #tpu.memory_space<vmem>> -> memref<128xi32, #tpu.memory_space<vmem>>
      %dma_start3A_1267 = arith.constant 0 : i32
      %dma_start3A_1268 = arith.constant 0 : i32
      %dma_start3A_1269 = tpu.memref_slice %arg2[%dma_start3A_1267, %dma_start3A_1268] : memref<1000000x64xf32, #tpu.memory_space<hbm>> -> memref<1000000x64xf32, #tpu.memory_space<hbm>>
      tpu.enqueue_indirect_dma source(%dma_start3A_1269 : memref<1000000x64xf32, #tpu.memory_space<hbm>>) target(%dma_start3A_1263 : memref<128x64xf32, #tpu.memory_space<vmem>>) offsets(%dma_start3A_1266 : memref<128xi32, #tpu.memory_space<vmem>>) semaphore(%arg8 : memref<!tpu.dma_semaphore, #tpu.memory_space<semaphore_mem>>)
      %add3A_1270 = arith.constant 1 : i32
      %add3A_1271 = arith.addi %mul3A_1126, %add3A_1270 : i32
      %dma_wait3A_1272 = arith.constant 1 : i32
      %dma_wait3A_1273 = arith.constant 1 : i32
      %dma_wait3A_1274 = arith.constant 0 : i32
      %dma_wait3A_1275 = arith.constant 0 : i32
      %dma_wait3A_1276 = tpu.memref_slice %arg7[%dma_wait3A_1273, %dma_wait3A_1274, %dma_wait3A_1275] : memref<8x128x64xf32, #tpu.memory_space<vmem>> -> memref<1x128x64xf32, #tpu.memory_space<vmem>>
      %dma_wait3A_1277 = tpu.memref_squeeze %dma_wait3A_1276 : memref<1x128x64xf32, #tpu.memory_space<vmem>> -> memref<128x64xf32, #tpu.memory_space<vmem>>
      %dma_wait3A_1278 = arith.constant 0 : i32
      %dma_wait3A_1279 = tpu.memref_slice %arg6[%dma_wait3A_1272, %dma_wait3A_1278] : memref<8x128xi32, #tpu.memory_space<vmem>> -> memref<1x128xi32, #tpu.memory_space<vmem>>
      %dma_wait3A_1280 = tpu.memref_squeeze %dma_wait3A_1279 : memref<1x128xi32, #tpu.memory_space<vmem>> -> memref<128xi32, #tpu.memory_space<vmem>>
      %dma_wait3A_1281 = arith.constant 0 : i32
      %dma_wait3A_1282 = arith.constant 0 : i32
      %dma_wait3A_1283 = tpu.memref_slice %arg2[%dma_wait3A_1281, %dma_wait3A_1282] : memref<1000000x64xf32, #tpu.memory_space<hbm>> -> memref<1000000x64xf32, #tpu.memory_space<hbm>>
      tpu.wait_indirect_dma semaphore(%arg9 : memref<!tpu.dma_semaphore, #tpu.memory_space<semaphore_mem>>) src(%dma_wait3A_1283 : memref<1000000x64xf32, #tpu.memory_space<hbm>>) dst(%dma_wait3A_1277 : memref<128x64xf32, #tpu.memory_space<vmem>>)
      %mul3A_1284 = arith.constant 2048 : i32
      %mul3A_1285 = arith.muli %add3A_1271, %mul3A_1284 : i32
      %add3A_1286 = arith.addi %mul3A_1285, %mul3A_2 : i32
      %mul3A_1287 = arith.constant 2 : i32
      %mul3A_1288 = arith.muli %mul3A_1287, %add3A_1286 : i32
      %dma_start3A_1289 = arith.constant 1 : i32
      %dma_start3A_1290 = arith.constant 0 : i32
      %dma_start3A_1291 = arith.constant 0 : i32
      %dma_start3A_1292 = tpu.memref_slice %arg7[%dma_start3A_1289, %dma_start3A_1290, %dma_start3A_1291] : memref<8x128x64xf32, #tpu.memory_space<vmem>> -> memref<1x128x64xf32, #tpu.memory_space<vmem>>
      %dma_start3A_1293 = tpu.memref_squeeze %dma_start3A_1292 : memref<1x128x64xf32, #tpu.memory_space<vmem>> -> memref<128x64xf32, #tpu.memory_space<vmem>>
      %dma_start3A_1294 = arith.constant 0 : i32
      %dma_start3A_1295 = tpu.memref_slice %arg4[%mul3A_1288, %dma_start3A_1294] : memref<819200x64xf32, #tpu.memory_space<hbm>> -> memref<128x64xf32, #tpu.memory_space<hbm>>
      %dma_start3A_1296 = arith.constant 0 : i32
      %dma_start3A_1297 = tpu.memref_slice %arg4[%mul3A_1288, %dma_start3A_1296] : memref<819200x64xf32, #tpu.memory_space<hbm>> -> memref<128x64xf32, #tpu.memory_space<hbm>>
      %dma_start3A_1298 = arith.constant 0 : i32
      %dma_start3A_1299 = arith.constant 0 : i32
      %dma_start3A_1300 = tpu.memref_slice %arg7[%dma_start3A_1289, %dma_start3A_1298, %dma_start3A_1299] : memref<8x128x64xf32, #tpu.memory_space<vmem>> -> memref<1x128x64xf32, #tpu.memory_space<vmem>>
      %dma_start3A_1301 = tpu.memref_squeeze %dma_start3A_1300 : memref<1x128x64xf32, #tpu.memory_space<vmem>> -> memref<128x64xf32, #tpu.memory_space<vmem>>
      tpu.enqueue_dma source(%dma_start3A_1301 : memref<128x64xf32, #tpu.memory_space<vmem>>) target(%dma_start3A_1297 : memref<128x64xf32, #tpu.memory_space<hbm>>) target_semaphore(%arg17 : memref<!tpu.dma_semaphore, #tpu.memory_space<semaphore_mem>>)
      %dma_wait3A_1302 = arith.constant 1 : i32
      %dma_wait3A_1303 = arith.constant 0 : i32
      %dma_wait3A_1304 = arith.constant 0 : i32
      %dma_wait3A_1305 = tpu.memref_slice %arg7[%dma_wait3A_1302, %dma_wait3A_1303, %dma_wait3A_1304] : memref<8x128x64xf32, #tpu.memory_space<vmem>> -> memref<1x128x64xf32, #tpu.memory_space<vmem>>
      %dma_wait3A_1306 = tpu.memref_squeeze %dma_wait3A_1305 : memref<1x128x64xf32, #tpu.memory_space<vmem>> -> memref<128x64xf32, #tpu.memory_space<vmem>>
      %dma_wait3A_1307 = arith.constant 0 : i32
      %dma_wait3A_1308 = tpu.memref_slice %arg4[%mul3A_1288, %dma_wait3A_1307] : memref<819200x64xf32, #tpu.memory_space<hbm>> -> memref<128x64xf32, #tpu.memory_space<hbm>>
      %dma_wait3A_1309 = arith.constant 0 : i32
      %dma_wait3A_1310 = tpu.memref_slice %arg4[%mul3A_1288, %dma_wait3A_1309] : memref<819200x64xf32, #tpu.memory_space<hbm>> -> memref<128x64xf32, #tpu.memory_space<hbm>>
      %dma_wait3A_1311 = arith.constant 0 : i32
      %dma_wait3A_1312 = arith.constant 0 : i32
      %dma_wait3A_1313 = tpu.memref_slice %arg7[%dma_wait3A_1302, %dma_wait3A_1311, %dma_wait3A_1312] : memref<8x128x64xf32, #tpu.memory_space<vmem>> -> memref<1x128x64xf32, #tpu.memory_space<vmem>>
      %dma_wait3A_1314 = tpu.memref_squeeze %dma_wait3A_1313 : memref<1x128x64xf32, #tpu.memory_space<vmem>> -> memref<128x64xf32, #tpu.memory_space<vmem>>
      tpu.wait_dma2 semaphore(%arg17 : memref<!tpu.dma_semaphore, #tpu.memory_space<semaphore_mem>>) src(%dma_wait3A_1314 : memref<128x64xf32, #tpu.memory_space<vmem>>) dst(%dma_wait3A_1310 : memref<128x64xf32, #tpu.memory_space<hbm>>)
      %add3A_1315 = arith.constant 8 : i32
      %add3A_1316 = arith.addi %add3A_1271, %add3A_1315 : i32
      %broadcast_in_dim3A_1317 = arith.constant 0 : i32
      %broadcast_in_dim3A_1318 = vector.broadcast %broadcast_in_dim3A_1317 : i32 to vector<16xi32>
      %add3A_1319 = vector.broadcast %add3A_1316 : i32 to vector<16xi32>
      %add3A_1320 = arith.addi %broadcast_in_dim3A_1318, %add3A_1319 : vector<16xi32>
      %add3A_1321 = arith.constant 0 : i32
      %add3A_1322 = vector.broadcast %add3A_1321 : i32 to vector<16xi32>
      %add3A_1323 = arith.addi %shift_right_logical3A_9, %add3A_1322 : vector<16xi32>
      %gather3A_1324 = tpu.vector_load_idx %arg5[%add3A_1320, %and3A_7, %add3A_1323] : memref<200x2x64xi32, #tpu.memory_space<vmem>>[vector<16xi32>, vector<16xi32>, vector<16xi32>], vector<16xi32>,
      %swap3A_1325 = arith.constant 1 : i32
      %swap3A_1326 = arith.constant 0 : i32
      %swap3A_1327 = tpu.memref_slice %arg6[%swap3A_1325, %swap3A_1326] : memref<8x128xi32, #tpu.memory_space<vmem>> -> memref<1x128xi32, #tpu.memory_space<vmem>>
      %swap3A_1328 = tpu.memref_squeeze %swap3A_1327 : memref<1x128xi32, #tpu.memory_space<vmem>> -> memref<128xi32, #tpu.memory_space<vmem>>
      %swap3A_1329 = arith.constant 0 : index
      %swap3A_1330 = tpu.vector_load %swap3A_1328[%swap3A_1329] {strides = array<i32>} : memref<128xi32, #tpu.memory_space<vmem>>, vector<16xi32>,
      tpu.vector_store %swap3A_1328[%swap3A_1329], %gather3A_1324 {strides = array<i32>} : memref<128xi32, #tpu.memory_space<vmem>>, vector<16xi32>,
      %add3A_1331 = arith.constant 8 : i32
      %add3A_1332 = vector.broadcast %add3A_1331 : i32 to vector<16xi32>
      %add3A_1333 = arith.addi %shift_right_logical3A_9, %add3A_1332 : vector<16xi32>
      %gather3A_1334 = tpu.vector_load_idx %arg5[%add3A_1320, %and3A_7, %add3A_1333] : memref<200x2x64xi32, #tpu.memory_space<vmem>>[vector<16xi32>, vector<16xi32>, vector<16xi32>], vector<16xi32>,
      %swap3A_1335 = arith.constant 1 : i32
      %swap3A_1336 = arith.constant 0 : i32
      %swap3A_1337 = tpu.memref_slice %arg6[%swap3A_1335, %swap3A_1336] : memref<8x128xi32, #tpu.memory_space<vmem>> -> memref<1x128xi32, #tpu.memory_space<vmem>>
      %swap3A_1338 = tpu.memref_squeeze %swap3A_1337 : memref<1x128xi32, #tpu.memory_space<vmem>> -> memref<128xi32, #tpu.memory_space<vmem>>
      %swap3A_1339 = arith.constant 16 : index
      %swap3A_1340 = tpu.vector_load %swap3A_1338[%swap3A_1339] {strides = array<i32>} : memref<128xi32, #tpu.memory_space<vmem>>, vector<16xi32>,
      tpu.vector_store %swap3A_1338[%swap3A_1339], %gather3A_1334 {strides = array<i32>} : memref<128xi32, #tpu.memory_space<vmem>>, vector<16xi32>,
      %add3A_1341 = arith.constant 16 : i32
      %add3A_1342 = vector.broadcast %add3A_1341 : i32 to vector<16xi32>
      %add3A_1343 = arith.addi %shift_right_logical3A_9, %add3A_1342 : vector<16xi32>
      %gather3A_1344 = tpu.vector_load_idx %arg5[%add3A_1320, %and3A_7, %add3A_1343] : memref<200x2x64xi32, #tpu.memory_space<vmem>>[vector<16xi32>, vector<16xi32>, vector<16xi32>], vector<16xi32>,
      %swap3A_1345 = arith.constant 1 : i32
      %swap3A_1346 = arith.constant 0 : i32
      %swap3A_1347 = tpu.memref_slice %arg6[%swap3A_1345, %swap3A_1346] : memref<8x128xi32, #tpu.memory_space<vmem>> -> memref<1x128xi32, #tpu.memory_space<vmem>>
      %swap3A_1348 = tpu.memref_squeeze %swap3A_1347 : memref<1x128xi32, #tpu.memory_space<vmem>> -> memref<128xi32, #tpu.memory_space<vmem>>
      %swap3A_1349 = arith.constant 32 : index
      %swap3A_1350 = tpu.vector_load %swap3A_1348[%swap3A_1349] {strides = array<i32>} : memref<128xi32, #tpu.memory_space<vmem>>, vector<16xi32>,
      tpu.vector_store %swap3A_1348[%swap3A_1349], %gather3A_1344 {strides = array<i32>} : memref<128xi32, #tpu.memory_space<vmem>>, vector<16xi32>,
      %add3A_1351 = arith.constant 24 : i32
      %add3A_1352 = vector.broadcast %add3A_1351 : i32 to vector<16xi32>
      %add3A_1353 = arith.addi %shift_right_logical3A_9, %add3A_1352 : vector<16xi32>
      %gather3A_1354 = tpu.vector_load_idx %arg5[%add3A_1320, %and3A_7, %add3A_1353] : memref<200x2x64xi32, #tpu.memory_space<vmem>>[vector<16xi32>, vector<16xi32>, vector<16xi32>], vector<16xi32>,
      %swap3A_1355 = arith.constant 1 : i32
      %swap3A_1356 = arith.constant 0 : i32
      %swap3A_1357 = tpu.memref_slice %arg6[%swap3A_1355, %swap3A_1356] : memref<8x128xi32, #tpu.memory_space<vmem>> -> memref<1x128xi32, #tpu.memory_space<vmem>>
      %swap3A_1358 = tpu.memref_squeeze %swap3A_1357 : memref<1x128xi32, #tpu.memory_space<vmem>> -> memref<128xi32, #tpu.memory_space<vmem>>
      %swap3A_1359 = arith.constant 48 : index
      %swap3A_1360 = tpu.vector_load %swap3A_1358[%swap3A_1359] {strides = array<i32>} : memref<128xi32, #tpu.memory_space<vmem>>, vector<16xi32>,
      tpu.vector_store %swap3A_1358[%swap3A_1359], %gather3A_1354 {strides = array<i32>} : memref<128xi32, #tpu.memory_space<vmem>>, vector<16xi32>,
      %add3A_1361 = arith.constant 32 : i32
      %add3A_1362 = vector.broadcast %add3A_1361 : i32 to vector<16xi32>
      %add3A_1363 = arith.addi %shift_right_logical3A_9, %add3A_1362 : vector<16xi32>
      %gather3A_1364 = tpu.vector_load_idx %arg5[%add3A_1320, %and3A_7, %add3A_1363] : memref<200x2x64xi32, #tpu.memory_space<vmem>>[vector<16xi32>, vector<16xi32>, vector<16xi32>], vector<16xi32>,
      %swap3A_1365 = arith.constant 1 : i32
      %swap3A_1366 = arith.constant 0 : i32
      %swap3A_1367 = tpu.memref_slice %arg6[%swap3A_1365, %swap3A_1366] : memref<8x128xi32, #tpu.memory_space<vmem>> -> memref<1x128xi32, #tpu.memory_space<vmem>>
      %swap3A_1368 = tpu.memref_squeeze %swap3A_1367 : memref<1x128xi32, #tpu.memory_space<vmem>> -> memref<128xi32, #tpu.memory_space<vmem>>
      %swap3A_1369 = arith.constant 64 : index
      %swap3A_1370 = tpu.vector_load %swap3A_1368[%swap3A_1369] {strides = array<i32>} : memref<128xi32, #tpu.memory_space<vmem>>, vector<16xi32>,
      tpu.vector_store %swap3A_1368[%swap3A_1369], %gather3A_1364 {strides = array<i32>} : memref<128xi32, #tpu.memory_space<vmem>>, vector<16xi32>,
      %add3A_1371 = arith.constant 40 : i32
      %add3A_1372 = vector.broadcast %add3A_1371 : i32 to vector<16xi32>
      %add3A_1373 = arith.addi %shift_right_logical3A_9, %add3A_1372 : vector<16xi32>
      %gather3A_1374 = tpu.vector_load_idx %arg5[%add3A_1320, %and3A_7, %add3A_1373] : memref<200x2x64xi32, #tpu.memory_space<vmem>>[vector<16xi32>, vector<16xi32>, vector<16xi32>], vector<16xi32>,
      %swap3A_1375 = arith.constant 1 : i32
      %swap3A_1376 = arith.constant 0 : i32
      %swap3A_1377 = tpu.memref_slice %arg6[%swap3A_1375, %swap3A_1376] : memref<8x128xi32, #tpu.memory_space<vmem>> -> memref<1x128xi32, #tpu.memory_space<vmem>>
      %swap3A_1378 = tpu.memref_squeeze %swap3A_1377 : memref<1x128xi32, #tpu.memory_space<vmem>> -> memref<128xi32, #tpu.memory_space<vmem>>
      %swap3A_1379 = arith.constant 80 : index
      %swap3A_1380 = tpu.vector_load %swap3A_1378[%swap3A_1379] {strides = array<i32>} : memref<128xi32, #tpu.memory_space<vmem>>, vector<16xi32>,
      tpu.vector_store %swap3A_1378[%swap3A_1379], %gather3A_1374 {strides = array<i32>} : memref<128xi32, #tpu.memory_space<vmem>>, vector<16xi32>,
      %add3A_1381 = arith.constant 48 : i32
      %add3A_1382 = vector.broadcast %add3A_1381 : i32 to vector<16xi32>
      %add3A_1383 = arith.addi %shift_right_logical3A_9, %add3A_1382 : vector<16xi32>
      %gather3A_1384 = tpu.vector_load_idx %arg5[%add3A_1320, %and3A_7, %add3A_1383] : memref<200x2x64xi32, #tpu.memory_space<vmem>>[vector<16xi32>, vector<16xi32>, vector<16xi32>], vector<16xi32>,
      %swap3A_1385 = arith.constant 1 : i32
      %swap3A_1386 = arith.constant 0 : i32
      %swap3A_1387 = tpu.memref_slice %arg6[%swap3A_1385, %swap3A_1386] : memref<8x128xi32, #tpu.memory_space<vmem>> -> memref<1x128xi32, #tpu.memory_space<vmem>>
      %swap3A_1388 = tpu.memref_squeeze %swap3A_1387 : memref<1x128xi32, #tpu.memory_space<vmem>> -> memref<128xi32, #tpu.memory_space<vmem>>
      %swap3A_1389 = arith.constant 96 : index
      %swap3A_1390 = tpu.vector_load %swap3A_1388[%swap3A_1389] {strides = array<i32>} : memref<128xi32, #tpu.memory_space<vmem>>, vector<16xi32>,
      tpu.vector_store %swap3A_1388[%swap3A_1389], %gather3A_1384 {strides = array<i32>} : memref<128xi32, #tpu.memory_space<vmem>>, vector<16xi32>,
      %add3A_1391 = arith.constant 56 : i32
      %add3A_1392 = vector.broadcast %add3A_1391 : i32 to vector<16xi32>
      %add3A_1393 = arith.addi %shift_right_logical3A_9, %add3A_1392 : vector<16xi32>
      %gather3A_1394 = tpu.vector_load_idx %arg5[%add3A_1320, %and3A_7, %add3A_1393] : memref<200x2x64xi32, #tpu.memory_space<vmem>>[vector<16xi32>, vector<16xi32>, vector<16xi32>], vector<16xi32>,
      %swap3A_1395 = arith.constant 1 : i32
      %swap3A_1396 = arith.constant 0 : i32
      %swap3A_1397 = tpu.memref_slice %arg6[%swap3A_1395, %swap3A_1396] : memref<8x128xi32, #tpu.memory_space<vmem>> -> memref<1x128xi32, #tpu.memory_space<vmem>>
      %swap3A_1398 = tpu.memref_squeeze %swap3A_1397 : memref<1x128xi32, #tpu.memory_space<vmem>> -> memref<128xi32, #tpu.memory_space<vmem>>
      %swap3A_1399 = arith.constant 112 : index
      %swap3A_1400 = tpu.vector_load %swap3A_1398[%swap3A_1399] {strides = array<i32>} : memref<128xi32, #tpu.memory_space<vmem>>, vector<16xi32>,
      tpu.vector_store %swap3A_1398[%swap3A_1399], %gather3A_1394 {strides = array<i32>} : memref<128xi32, #tpu.memory_space<vmem>>, vector<16xi32>,
      %dma_start3A_1401 = arith.constant 1 : i32
      %dma_start3A_1402 = arith.constant 1 : i32
      %dma_start3A_1403 = arith.constant 0 : i32
      %dma_start3A_1404 = arith.constant 0 : i32
      %dma_start3A_1405 = tpu.memref_slice %arg7[%dma_start3A_1402, %dma_start3A_1403, %dma_start3A_1404] : memref<8x128x64xf32, #tpu.memory_space<vmem>> -> memref<1x128x64xf32, #tpu.memory_space<vmem>>
      %dma_start3A_1406 = tpu.memref_squeeze %dma_start3A_1405 : memref<1x128x64xf32, #tpu.memory_space<vmem>> -> memref<128x64xf32, #tpu.memory_space<vmem>>
      %dma_start3A_1407 = arith.constant 0 : i32
      %dma_start3A_1408 = tpu.memref_slice %arg6[%dma_start3A_1401, %dma_start3A_1407] : memref<8x128xi32, #tpu.memory_space<vmem>> -> memref<1x128xi32, #tpu.memory_space<vmem>>
      %dma_start3A_1409 = tpu.memref_squeeze %dma_start3A_1408 : memref<1x128xi32, #tpu.memory_space<vmem>> -> memref<128xi32, #tpu.memory_space<vmem>>
      %dma_start3A_1410 = arith.constant 0 : i32
      %dma_start3A_1411 = arith.constant 0 : i32
      %dma_start3A_1412 = tpu.memref_slice %arg2[%dma_start3A_1410, %dma_start3A_1411] : memref<1000000x64xf32, #tpu.memory_space<hbm>> -> memref<1000000x64xf32, #tpu.memory_space<hbm>>
      tpu.enqueue_indirect_dma source(%dma_start3A_1412 : memref<1000000x64xf32, #tpu.memory_space<hbm>>) target(%dma_start3A_1406 : memref<128x64xf32, #tpu.memory_space<vmem>>) offsets(%dma_start3A_1409 : memref<128xi32, #tpu.memory_space<vmem>>) semaphore(%arg9 : memref<!tpu.dma_semaphore, #tpu.memory_space<semaphore_mem>>)
      %add3A_1413 = arith.constant 2 : i32
      %add3A_1414 = arith.addi %mul3A_1126, %add3A_1413 : i32
      %dma_wait3A_1415 = arith.constant 2 : i32
      %dma_wait3A_1416 = arith.constant 2 : i32
      %dma_wait3A_1417 = arith.constant 0 : i32
      %dma_wait3A_1418 = arith.constant 0 : i32
      %dma_wait3A_1419 = tpu.memref_slice %arg7[%dma_wait3A_1416, %dma_wait3A_1417, %dma_wait3A_1418] : memref<8x128x64xf32, #tpu.memory_space<vmem>> -> memref<1x128x64xf32, #tpu.memory_space<vmem>>
      %dma_wait3A_1420 = tpu.memref_squeeze %dma_wait3A_1419 : memref<1x128x64xf32, #tpu.memory_space<vmem>> -> memref<128x64xf32, #tpu.memory_space<vmem>>
      %dma_wait3A_1421 = arith.constant 0 : i32
      %dma_wait3A_1422 = tpu.memref_slice %arg6[%dma_wait3A_1415, %dma_wait3A_1421] : memref<8x128xi32, #tpu.memory_space<vmem>> -> memref<1x128xi32, #tpu.memory_space<vmem>>
      %dma_wait3A_1423 = tpu.memref_squeeze %dma_wait3A_1422 : memref<1x128xi32, #tpu.memory_space<vmem>> -> memref<128xi32, #tpu.memory_space<vmem>>
      %dma_wait3A_1424 = arith.constant 0 : i32
      %dma_wait3A_1425 = arith.constant 0 : i32
      %dma_wait3A_1426 = tpu.memref_slice %arg2[%dma_wait3A_1424, %dma_wait3A_1425] : memref<1000000x64xf32, #tpu.memory_space<hbm>> -> memref<1000000x64xf32, #tpu.memory_space<hbm>>
      tpu.wait_indirect_dma semaphore(%arg10 : memref<!tpu.dma_semaphore, #tpu.memory_space<semaphore_mem>>) src(%dma_wait3A_1426 : memref<1000000x64xf32, #tpu.memory_space<hbm>>) dst(%dma_wait3A_1420 : memref<128x64xf32, #tpu.memory_space<vmem>>)
      %mul3A_1427 = arith.constant 2048 : i32
      %mul3A_1428 = arith.muli %add3A_1414, %mul3A_1427 : i32
      %add3A_1429 = arith.addi %mul3A_1428, %mul3A_2 : i32
      %mul3A_1430 = arith.constant 2 : i32
      %mul3A_1431 = arith.muli %mul3A_1430, %add3A_1429 : i32
      %dma_start3A_1432 = arith.constant 2 : i32
      %dma_start3A_1433 = arith.constant 0 : i32
      %dma_start3A_1434 = arith.constant 0 : i32
      %dma_start3A_1435 = tpu.memref_slice %arg7[%dma_start3A_1432, %dma_start3A_1433, %dma_start3A_1434] : memref<8x128x64xf32, #tpu.memory_space<vmem>> -> memref<1x128x64xf32, #tpu.memory_space<vmem>>
      %dma_start3A_1436 = tpu.memref_squeeze %dma_start3A_1435 : memref<1x128x64xf32, #tpu.memory_space<vmem>> -> memref<128x64xf32, #tpu.memory_space<vmem>>
      %dma_start3A_1437 = arith.constant 0 : i32
      %dma_start3A_1438 = tpu.memref_slice %arg4[%mul3A_1431, %dma_start3A_1437] : memref<819200x64xf32, #tpu.memory_space<hbm>> -> memref<128x64xf32, #tpu.memory_space<hbm>>
      %dma_start3A_1439 = arith.constant 0 : i32
      %dma_start3A_1440 = tpu.memref_slice %arg4[%mul3A_1431, %dma_start3A_1439] : memref<819200x64xf32, #tpu.memory_space<hbm>> -> memref<128x64xf32, #tpu.memory_space<hbm>>
      %dma_start3A_1441 = arith.constant 0 : i32
      %dma_start3A_1442 = arith.constant 0 : i32
      %dma_start3A_1443 = tpu.memref_slice %arg7[%dma_start3A_1432, %dma_start3A_1441, %dma_start3A_1442] : memref<8x128x64xf32, #tpu.memory_space<vmem>> -> memref<1x128x64xf32, #tpu.memory_space<vmem>>
      %dma_start3A_1444 = tpu.memref_squeeze %dma_start3A_1443 : memref<1x128x64xf32, #tpu.memory_space<vmem>> -> memref<128x64xf32, #tpu.memory_space<vmem>>
      tpu.enqueue_dma source(%dma_start3A_1444 : memref<128x64xf32, #tpu.memory_space<vmem>>) target(%dma_start3A_1440 : memref<128x64xf32, #tpu.memory_space<hbm>>) target_semaphore(%arg18 : memref<!tpu.dma_semaphore, #tpu.memory_space<semaphore_mem>>)
      %dma_wait3A_1445 = arith.constant 2 : i32
      %dma_wait3A_1446 = arith.constant 0 : i32
      %dma_wait3A_1447 = arith.constant 0 : i32
      %dma_wait3A_1448 = tpu.memref_slice %arg7[%dma_wait3A_1445, %dma_wait3A_1446, %dma_wait3A_1447] : memref<8x128x64xf32, #tpu.memory_space<vmem>> -> memref<1x128x64xf32, #tpu.memory_space<vmem>>
      %dma_wait3A_1449 = tpu.memref_squeeze %dma_wait3A_1448 : memref<1x128x64xf32, #tpu.memory_space<vmem>> -> memref<128x64xf32, #tpu.memory_space<vmem>>
      %dma_wait3A_1450 = arith.constant 0 : i32
      %dma_wait3A_1451 = tpu.memref_slice %arg4[%mul3A_1431, %dma_wait3A_1450] : memref<819200x64xf32, #tpu.memory_space<hbm>> -> memref<128x64xf32, #tpu.memory_space<hbm>>
      %dma_wait3A_1452 = arith.constant 0 : i32
      %dma_wait3A_1453 = tpu.memref_slice %arg4[%mul3A_1431, %dma_wait3A_1452] : memref<819200x64xf32, #tpu.memory_space<hbm>> -> memref<128x64xf32, #tpu.memory_space<hbm>>
      %dma_wait3A_1454 = arith.constant 0 : i32
      %dma_wait3A_1455 = arith.constant 0 : i32
      %dma_wait3A_1456 = tpu.memref_slice %arg7[%dma_wait3A_1445, %dma_wait3A_1454, %dma_wait3A_1455] : memref<8x128x64xf32, #tpu.memory_space<vmem>> -> memref<1x128x64xf32, #tpu.memory_space<vmem>>
      %dma_wait3A_1457 = tpu.memref_squeeze %dma_wait3A_1456 : memref<1x128x64xf32, #tpu.memory_space<vmem>> -> memref<128x64xf32, #tpu.memory_space<vmem>>
      tpu.wait_dma2 semaphore(%arg18 : memref<!tpu.dma_semaphore, #tpu.memory_space<semaphore_mem>>) src(%dma_wait3A_1457 : memref<128x64xf32, #tpu.memory_space<vmem>>) dst(%dma_wait3A_1453 : memref<128x64xf32, #tpu.memory_space<hbm>>)
      %add3A_1458 = arith.constant 8 : i32
      %add3A_1459 = arith.addi %add3A_1414, %add3A_1458 : i32
      %broadcast_in_dim3A_1460 = arith.constant 0 : i32
      %broadcast_in_dim3A_1461 = vector.broadcast %broadcast_in_dim3A_1460 : i32 to vector<16xi32>
      %add3A_1462 = vector.broadcast %add3A_1459 : i32 to vector<16xi32>
      %add3A_1463 = arith.addi %broadcast_in_dim3A_1461, %add3A_1462 : vector<16xi32>
      %add3A_1464 = arith.constant 0 : i32
      %add3A_1465 = vector.broadcast %add3A_1464 : i32 to vector<16xi32>
      %add3A_1466 = arith.addi %shift_right_logical3A_9, %add3A_1465 : vector<16xi32>
      %gather3A_1467 = tpu.vector_load_idx %arg5[%add3A_1463, %and3A_7, %add3A_1466] : memref<200x2x64xi32, #tpu.memory_space<vmem>>[vector<16xi32>, vector<16xi32>, vector<16xi32>], vector<16xi32>,
      %swap3A_1468 = arith.constant 2 : i32
      %swap3A_1469 = arith.constant 0 : i32
      %swap3A_1470 = tpu.memref_slice %arg6[%swap3A_1468, %swap3A_1469] : memref<8x128xi32, #tpu.memory_space<vmem>> -> memref<1x128xi32, #tpu.memory_space<vmem>>
      %swap3A_1471 = tpu.memref_squeeze %swap3A_1470 : memref<1x128xi32, #tpu.memory_space<vmem>> -> memref<128xi32, #tpu.memory_space<vmem>>
      %swap3A_1472 = arith.constant 0 : index
      %swap3A_1473 = tpu.vector_load %swap3A_1471[%swap3A_1472] {strides = array<i32>} : memref<128xi32, #tpu.memory_space<vmem>>, vector<16xi32>,
      tpu.vector_store %swap3A_1471[%swap3A_1472], %gather3A_1467 {strides = array<i32>} : memref<128xi32, #tpu.memory_space<vmem>>, vector<16xi32>,
      %add3A_1474 = arith.constant 8 : i32
      %add3A_1475 = vector.broadcast %add3A_1474 : i32 to vector<16xi32>
      %add3A_1476 = arith.addi %shift_right_logical3A_9, %add3A_1475 : vector<16xi32>
      %gather3A_1477 = tpu.vector_load_idx %arg5[%add3A_1463, %and3A_7, %add3A_1476] : memref<200x2x64xi32, #tpu.memory_space<vmem>>[vector<16xi32>, vector<16xi32>, vector<16xi32>], vector<16xi32>,
      %swap3A_1478 = arith.constant 2 : i32
      %swap3A_1479 = arith.constant 0 : i32
      %swap3A_1480 = tpu.memref_slice %arg6[%swap3A_1478, %swap3A_1479] : memref<8x128xi32, #tpu.memory_space<vmem>> -> memref<1x128xi32, #tpu.memory_space<vmem>>
      %swap3A_1481 = tpu.memref_squeeze %swap3A_1480 : memref<1x128xi32, #tpu.memory_space<vmem>> -> memref<128xi32, #tpu.memory_space<vmem>>
      %swap3A_1482 = arith.constant 16 : index
      %swap3A_1483 = tpu.vector_load %swap3A_1481[%swap3A_1482] {strides = array<i32>} : memref<128xi32, #tpu.memory_space<vmem>>, vector<16xi32>,
      tpu.vector_store %swap3A_1481[%swap3A_1482], %gather3A_1477 {strides = array<i32>} : memref<128xi32, #tpu.memory_space<vmem>>, vector<16xi32>,
      %add3A_1484 = arith.constant 16 : i32
      %add3A_1485 = vector.broadcast %add3A_1484 : i32 to vector<16xi32>
      %add3A_1486 = arith.addi %shift_right_logical3A_9, %add3A_1485 : vector<16xi32>
      %gather3A_1487 = tpu.vector_load_idx %arg5[%add3A_1463, %and3A_7, %add3A_1486] : memref<200x2x64xi32, #tpu.memory_space<vmem>>[vector<16xi32>, vector<16xi32>, vector<16xi32>], vector<16xi32>,
      %swap3A_1488 = arith.constant 2 : i32
      %swap3A_1489 = arith.constant 0 : i32
      %swap3A_1490 = tpu.memref_slice %arg6[%swap3A_1488, %swap3A_1489] : memref<8x128xi32, #tpu.memory_space<vmem>> -> memref<1x128xi32, #tpu.memory_space<vmem>>
      %swap3A_1491 = tpu.memref_squeeze %swap3A_1490 : memref<1x128xi32, #tpu.memory_space<vmem>> -> memref<128xi32, #tpu.memory_space<vmem>>
      %swap3A_1492 = arith.constant 32 : index
      %swap3A_1493 = tpu.vector_load %swap3A_1491[%swap3A_1492] {strides = array<i32>} : memref<128xi32, #tpu.memory_space<vmem>>, vector<16xi32>,
      tpu.vector_store %swap3A_1491[%swap3A_1492], %gather3A_1487 {strides = array<i32>} : memref<128xi32, #tpu.memory_space<vmem>>, vector<16xi32>,
      %add3A_1494 = arith.constant 24 : i32
      %add3A_1495 = vector.broadcast %add3A_1494 : i32 to vector<16xi32>
      %add3A_1496 = arith.addi %shift_right_logical3A_9, %add3A_1495 : vector<16xi32>
      %gather3A_1497 = tpu.vector_load_idx %arg5[%add3A_1463, %and3A_7, %add3A_1496] : memref<200x2x64xi32, #tpu.memory_space<vmem>>[vector<16xi32>, vector<16xi32>, vector<16xi32>], vector<16xi32>,
      %swap3A_1498 = arith.constant 2 : i32
      %swap3A_1499 = arith.constant 0 : i32
      %swap3A_1500 = tpu.memref_slice %arg6[%swap3A_1498, %swap3A_1499] : memref<8x128xi32, #tpu.memory_space<vmem>> -> memref<1x128xi32, #tpu.memory_space<vmem>>
      %swap3A_1501 = tpu.memref_squeeze %swap3A_1500 : memref<1x128xi32, #tpu.memory_space<vmem>> -> memref<128xi32, #tpu.memory_space<vmem>>
      %swap3A_1502 = arith.constant 48 : index
      %swap3A_1503 = tpu.vector_load %swap3A_1501[%swap3A_1502] {strides = array<i32>} : memref<128xi32, #tpu.memory_space<vmem>>, vector<16xi32>,
      tpu.vector_store %swap3A_1501[%swap3A_1502], %gather3A_1497 {strides = array<i32>} : memref<128xi32, #tpu.memory_space<vmem>>, vector<16xi32>,
      %add3A_1504 = arith.constant 32 : i32
      %add3A_1505 = vector.broadcast %add3A_1504 : i32 to vector<16xi32>
      %add3A_1506 = arith.addi %shift_right_logical3A_9, %add3A_1505 : vector<16xi32>
      %gather3A_1507 = tpu.vector_load_idx %arg5[%add3A_1463, %and3A_7, %add3A_1506] : memref<200x2x64xi32, #tpu.memory_space<vmem>>[vector<16xi32>, vector<16xi32>, vector<16xi32>], vector<16xi32>,
      %swap3A_1508 = arith.constant 2 : i32
      %swap3A_1509 = arith.constant 0 : i32
      %swap3A_1510 = tpu.memref_slice %arg6[%swap3A_1508, %swap3A_1509] : memref<8x128xi32, #tpu.memory_space<vmem>> -> memref<1x128xi32, #tpu.memory_space<vmem>>
      %swap3A_1511 = tpu.memref_squeeze %swap3A_1510 : memref<1x128xi32, #tpu.memory_space<vmem>> -> memref<128xi32, #tpu.memory_space<vmem>>
      %swap3A_1512 = arith.constant 64 : index
      %swap3A_1513 = tpu.vector_load %swap3A_1511[%swap3A_1512] {strides = array<i32>} : memref<128xi32, #tpu.memory_space<vmem>>, vector<16xi32>,
      tpu.vector_store %swap3A_1511[%swap3A_1512], %gather3A_1507 {strides = array<i32>} : memref<128xi32, #tpu.memory_space<vmem>>, vector<16xi32>,
      %add3A_1514 = arith.constant 40 : i32
      %add3A_1515 = vector.broadcast %add3A_1514 : i32 to vector<16xi32>
      %add3A_1516 = arith.addi %shift_right_logical3A_9, %add3A_1515 : vector<16xi32>
      %gather3A_1517 = tpu.vector_load_idx %arg5[%add3A_1463, %and3A_7, %add3A_1516] : memref<200x2x64xi32, #tpu.memory_space<vmem>>[vector<16xi32>, vector<16xi32>, vector<16xi32>], vector<16xi32>,
      %swap3A_1518 = arith.constant 2 : i32
      %swap3A_1519 = arith.constant 0 : i32
      %swap3A_1520 = tpu.memref_slice %arg6[%swap3A_1518, %swap3A_1519] : memref<8x128xi32, #tpu.memory_space<vmem>> -> memref<1x128xi32, #tpu.memory_space<vmem>>
      %swap3A_1521 = tpu.memref_squeeze %swap3A_1520 : memref<1x128xi32, #tpu.memory_space<vmem>> -> memref<128xi32, #tpu.memory_space<vmem>>
      %swap3A_1522 = arith.constant 80 : index
      %swap3A_1523 = tpu.vector_load %swap3A_1521[%swap3A_1522] {strides = array<i32>} : memref<128xi32, #tpu.memory_space<vmem>>, vector<16xi32>,
      tpu.vector_store %swap3A_1521[%swap3A_1522], %gather3A_1517 {strides = array<i32>} : memref<128xi32, #tpu.memory_space<vmem>>, vector<16xi32>,
      %add3A_1524 = arith.constant 48 : i32
      %add3A_1525 = vector.broadcast %add3A_1524 : i32 to vector<16xi32>
      %add3A_1526 = arith.addi %shift_right_logical3A_9, %add3A_1525 : vector<16xi32>
      %gather3A_1527 = tpu.vector_load_idx %arg5[%add3A_1463, %and3A_7, %add3A_1526] : memref<200x2x64xi32, #tpu.memory_space<vmem>>[vector<16xi32>, vector<16xi32>, vector<16xi32>], vector<16xi32>,
      %swap3A_1528 = arith.constant 2 : i32
      %swap3A_1529 = arith.constant 0 : i32
      %swap3A_1530 = tpu.memref_slice %arg6[%swap3A_1528, %swap3A_1529] : memref<8x128xi32, #tpu.memory_space<vmem>> -> memref<1x128xi32, #tpu.memory_space<vmem>>
      %swap3A_1531 = tpu.memref_squeeze %swap3A_1530 : memref<1x128xi32, #tpu.memory_space<vmem>> -> memref<128xi32, #tpu.memory_space<vmem>>
      %swap3A_1532 = arith.constant 96 : index
      %swap3A_1533 = tpu.vector_load %swap3A_1531[%swap3A_1532] {strides = array<i32>} : memref<128xi32, #tpu.memory_space<vmem>>, vector<16xi32>,
      tpu.vector_store %swap3A_1531[%swap3A_1532], %gather3A_1527 {strides = array<i32>} : memref<128xi32, #tpu.memory_space<vmem>>, vector<16xi32>,
      %add3A_1534 = arith.constant 56 : i32
      %add3A_1535 = vector.broadcast %add3A_1534 : i32 to vector<16xi32>
      %add3A_1536 = arith.addi %shift_right_logical3A_9, %add3A_1535 : vector<16xi32>
      %gather3A_1537 = tpu.vector_load_idx %arg5[%add3A_1463, %and3A_7, %add3A_1536] : memref<200x2x64xi32, #tpu.memory_space<vmem>>[vector<16xi32>, vector<16xi32>, vector<16xi32>], vector<16xi32>,
      %swap3A_1538 = arith.constant 2 : i32
      %swap3A_1539 = arith.constant 0 : i32
      %swap3A_1540 = tpu.memref_slice %arg6[%swap3A_1538, %swap3A_1539] : memref<8x128xi32, #tpu.memory_space<vmem>> -> memref<1x128xi32, #tpu.memory_space<vmem>>
      %swap3A_1541 = tpu.memref_squeeze %swap3A_1540 : memref<1x128xi32, #tpu.memory_space<vmem>> -> memref<128xi32, #tpu.memory_space<vmem>>
      %swap3A_1542 = arith.constant 112 : index
      %swap3A_1543 = tpu.vector_load %swap3A_1541[%swap3A_1542] {strides = array<i32>} : memref<128xi32, #tpu.memory_space<vmem>>, vector<16xi32>,
      tpu.vector_store %swap3A_1541[%swap3A_1542], %gather3A_1537 {strides = array<i32>} : memref<128xi32, #tpu.memory_space<vmem>>, vector<16xi32>,
      %dma_start3A_1544 = arith.constant 2 : i32
      %dma_start3A_1545 = arith.constant 2 : i32
      %dma_start3A_1546 = arith.constant 0 : i32
      %dma_start3A_1547 = arith.constant 0 : i32
      %dma_start3A_1548 = tpu.memref_slice %arg7[%dma_start3A_1545, %dma_start3A_1546, %dma_start3A_1547] : memref<8x128x64xf32, #tpu.memory_space<vmem>> -> memref<1x128x64xf32, #tpu.memory_space<vmem>>
      %dma_start3A_1549 = tpu.memref_squeeze %dma_start3A_1548 : memref<1x128x64xf32, #tpu.memory_space<vmem>> -> memref<128x64xf32, #tpu.memory_space<vmem>>
      %dma_start3A_1550 = arith.constant 0 : i32
      %dma_start3A_1551 = tpu.memref_slice %arg6[%dma_start3A_1544, %dma_start3A_1550] : memref<8x128xi32, #tpu.memory_space<vmem>> -> memref<1x128xi32, #tpu.memory_space<vmem>>
      %dma_start3A_1552 = tpu.memref_squeeze %dma_start3A_1551 : memref<1x128xi32, #tpu.memory_space<vmem>> -> memref<128xi32, #tpu.memory_space<vmem>>
      %dma_start3A_1553 = arith.constant 0 : i32
      %dma_start3A_1554 = arith.constant 0 : i32
      %dma_start3A_1555 = tpu.memref_slice %arg2[%dma_start3A_1553, %dma_start3A_1554] : memref<1000000x64xf32, #tpu.memory_space<hbm>> -> memref<1000000x64xf32, #tpu.memory_space<hbm>>
      tpu.enqueue_indirect_dma source(%dma_start3A_1555 : memref<1000000x64xf32, #tpu.memory_space<hbm>>) target(%dma_start3A_1549 : memref<128x64xf32, #tpu.memory_space<vmem>>) offsets(%dma_start3A_1552 : memref<128xi32, #tpu.memory_space<vmem>>) semaphore(%arg10 : memref<!tpu.dma_semaphore, #tpu.memory_space<semaphore_mem>>)
      %add3A_1556 = arith.constant 3 : i32
      %add3A_1557 = arith.addi %mul3A_1126, %add3A_1556 : i32
      %dma_wait3A_1558 = arith.constant 3 : i32
      %dma_wait3A_1559 = arith.constant 3 : i32
      %dma_wait3A_1560 = arith.constant 0 : i32
      %dma_wait3A_1561 = arith.constant 0 : i32
      %dma_wait3A_1562 = tpu.memref_slice %arg7[%dma_wait3A_1559, %dma_wait3A_1560, %dma_wait3A_1561] : memref<8x128x64xf32, #tpu.memory_space<vmem>> -> memref<1x128x64xf32, #tpu.memory_space<vmem>>
      %dma_wait3A_1563 = tpu.memref_squeeze %dma_wait3A_1562 : memref<1x128x64xf32, #tpu.memory_space<vmem>> -> memref<128x64xf32, #tpu.memory_space<vmem>>
      %dma_wait3A_1564 = arith.constant 0 : i32
      %dma_wait3A_1565 = tpu.memref_slice %arg6[%dma_wait3A_1558, %dma_wait3A_1564] : memref<8x128xi32, #tpu.memory_space<vmem>> -> memref<1x128xi32, #tpu.memory_space<vmem>>
      %dma_wait3A_1566 = tpu.memref_squeeze %dma_wait3A_1565 : memref<1x128xi32, #tpu.memory_space<vmem>> -> memref<128xi32, #tpu.memory_space<vmem>>
      %dma_wait3A_1567 = arith.constant 0 : i32
      %dma_wait3A_1568 = arith.constant 0 : i32
      %dma_wait3A_1569 = tpu.memref_slice %arg2[%dma_wait3A_1567, %dma_wait3A_1568] : memref<1000000x64xf32, #tpu.memory_space<hbm>> -> memref<1000000x64xf32, #tpu.memory_space<hbm>>
      tpu.wait_indirect_dma semaphore(%arg11 : memref<!tpu.dma_semaphore, #tpu.memory_space<semaphore_mem>>) src(%dma_wait3A_1569 : memref<1000000x64xf32, #tpu.memory_space<hbm>>) dst(%dma_wait3A_1563 : memref<128x64xf32, #tpu.memory_space<vmem>>)
      %mul3A_1570 = arith.constant 2048 : i32
      %mul3A_1571 = arith.muli %add3A_1557, %mul3A_1570 : i32
      %add3A_1572 = arith.addi %mul3A_1571, %mul3A_2 : i32
      %mul3A_1573 = arith.constant 2 : i32
      %mul3A_1574 = arith.muli %mul3A_1573, %add3A_1572 : i32
      %dma_start3A_1575 = arith.constant 3 : i32
      %dma_start3A_1576 = arith.constant 0 : i32
      %dma_start3A_1577 = arith.constant 0 : i32
      %dma_start3A_1578 = tpu.memref_slice %arg7[%dma_start3A_1575, %dma_start3A_1576, %dma_start3A_1577] : memref<8x128x64xf32, #tpu.memory_space<vmem>> -> memref<1x128x64xf32, #tpu.memory_space<vmem>>
      %dma_start3A_1579 = tpu.memref_squeeze %dma_start3A_1578 : memref<1x128x64xf32, #tpu.memory_space<vmem>> -> memref<128x64xf32, #tpu.memory_space<vmem>>
      %dma_start3A_1580 = arith.constant 0 : i32
      %dma_start3A_1581 = tpu.memref_slice %arg4[%mul3A_1574, %dma_start3A_1580] : memref<819200x64xf32, #tpu.memory_space<hbm>> -> memref<128x64xf32, #tpu.memory_space<hbm>>
      %dma_start3A_1582 = arith.constant 0 : i32
      %dma_start3A_1583 = tpu.memref_slice %arg4[%mul3A_1574, %dma_start3A_1582] : memref<819200x64xf32, #tpu.memory_space<hbm>> -> memref<128x64xf32, #tpu.memory_space<hbm>>
      %dma_start3A_1584 = arith.constant 0 : i32
      %dma_start3A_1585 = arith.constant 0 : i32
      %dma_start3A_1586 = tpu.memref_slice %arg7[%dma_start3A_1575, %dma_start3A_1584, %dma_start3A_1585] : memref<8x128x64xf32, #tpu.memory_space<vmem>> -> memref<1x128x64xf32, #tpu.memory_space<vmem>>
      %dma_start3A_1587 = tpu.memref_squeeze %dma_start3A_1586 : memref<1x128x64xf32, #tpu.memory_space<vmem>> -> memref<128x64xf32, #tpu.memory_space<vmem>>
      tpu.enqueue_dma source(%dma_start3A_1587 : memref<128x64xf32, #tpu.memory_space<vmem>>) target(%dma_start3A_1583 : memref<128x64xf32, #tpu.memory_space<hbm>>) target_semaphore(%arg19 : memref<!tpu.dma_semaphore, #tpu.memory_space<semaphore_mem>>)
      %dma_wait3A_1588 = arith.constant 3 : i32
      %dma_wait3A_1589 = arith.constant 0 : i32
      %dma_wait3A_1590 = arith.constant 0 : i32
      %dma_wait3A_1591 = tpu.memref_slice %arg7[%dma_wait3A_1588, %dma_wait3A_1589, %dma_wait3A_1590] : memref<8x128x64xf32, #tpu.memory_space<vmem>> -> memref<1x128x64xf32, #tpu.memory_space<vmem>>
      %dma_wait3A_1592 = tpu.memref_squeeze %dma_wait3A_1591 : memref<1x128x64xf32, #tpu.memory_space<vmem>> -> memref<128x64xf32, #tpu.memory_space<vmem>>
      %dma_wait3A_1593 = arith.constant 0 : i32
      %dma_wait3A_1594 = tpu.memref_slice %arg4[%mul3A_1574, %dma_wait3A_1593] : memref<819200x64xf32, #tpu.memory_space<hbm>> -> memref<128x64xf32, #tpu.memory_space<hbm>>
      %dma_wait3A_1595 = arith.constant 0 : i32
      %dma_wait3A_1596 = tpu.memref_slice %arg4[%mul3A_1574, %dma_wait3A_1595] : memref<819200x64xf32, #tpu.memory_space<hbm>> -> memref<128x64xf32, #tpu.memory_space<hbm>>
      %dma_wait3A_1597 = arith.constant 0 : i32
      %dma_wait3A_1598 = arith.constant 0 : i32
      %dma_wait3A_1599 = tpu.memref_slice %arg7[%dma_wait3A_1588, %dma_wait3A_1597, %dma_wait3A_1598] : memref<8x128x64xf32, #tpu.memory_space<vmem>> -> memref<1x128x64xf32, #tpu.memory_space<vmem>>
      %dma_wait3A_1600 = tpu.memref_squeeze %dma_wait3A_1599 : memref<1x128x64xf32, #tpu.memory_space<vmem>> -> memref<128x64xf32, #tpu.memory_space<vmem>>
      tpu.wait_dma2 semaphore(%arg19 : memref<!tpu.dma_semaphore, #tpu.memory_space<semaphore_mem>>) src(%dma_wait3A_1600 : memref<128x64xf32, #tpu.memory_space<vmem>>) dst(%dma_wait3A_1596 : memref<128x64xf32, #tpu.memory_space<hbm>>)
      %add3A_1601 = arith.constant 8 : i32
      %add3A_1602 = arith.addi %add3A_1557, %add3A_1601 : i32
      %broadcast_in_dim3A_1603 = arith.constant 0 : i32
      %broadcast_in_dim3A_1604 = vector.broadcast %broadcast_in_dim3A_1603 : i32 to vector<16xi32>
      %add3A_1605 = vector.broadcast %add3A_1602 : i32 to vector<16xi32>
      %add3A_1606 = arith.addi %broadcast_in_dim3A_1604, %add3A_1605 : vector<16xi32>
      %add3A_1607 = arith.constant 0 : i32
      %add3A_1608 = vector.broadcast %add3A_1607 : i32 to vector<16xi32>
      %add3A_1609 = arith.addi %shift_right_logical3A_9, %add3A_1608 : vector<16xi32>
      %gather3A_1610 = tpu.vector_load_idx %arg5[%add3A_1606, %and3A_7, %add3A_1609] : memref<200x2x64xi32, #tpu.memory_space<vmem>>[vector<16xi32>, vector<16xi32>, vector<16xi32>], vector<16xi32>,
      %swap3A_1611 = arith.constant 3 : i32
      %swap3A_1612 = arith.constant 0 : i32
      %swap3A_1613 = tpu.memref_slice %arg6[%swap3A_1611, %swap3A_1612] : memref<8x128xi32, #tpu.memory_space<vmem>> -> memref<1x128xi32, #tpu.memory_space<vmem>>
      %swap3A_1614 = tpu.memref_squeeze %swap3A_1613 : memref<1x128xi32, #tpu.memory_space<vmem>> -> memref<128xi32, #tpu.memory_space<vmem>>
      %swap3A_1615 = arith.constant 0 : index
      %swap3A_1616 = tpu.vector_load %swap3A_1614[%swap3A_1615] {strides = array<i32>} : memref<128xi32, #tpu.memory_space<vmem>>, vector<16xi32>,
      tpu.vector_store %swap3A_1614[%swap3A_1615], %gather3A_1610 {strides = array<i32>} : memref<128xi32, #tpu.memory_space<vmem>>, vector<16xi32>,
      %add3A_1617 = arith.constant 8 : i32
      %add3A_1618 = vector.broadcast %add3A_1617 : i32 to vector<16xi32>
      %add3A_1619 = arith.addi %shift_right_logical3A_9, %add3A_1618 : vector<16xi32>
      %gather3A_1620 = tpu.vector_load_idx %arg5[%add3A_1606, %and3A_7, %add3A_1619] : memref<200x2x64xi32, #tpu.memory_space<vmem>>[vector<16xi32>, vector<16xi32>, vector<16xi32>], vector<16xi32>,
      %swap3A_1621 = arith.constant 3 : i32
      %swap3A_1622 = arith.constant 0 : i32
      %swap3A_1623 = tpu.memref_slice %arg6[%swap3A_1621, %swap3A_1622] : memref<8x128xi32, #tpu.memory_space<vmem>> -> memref<1x128xi32, #tpu.memory_space<vmem>>
      %swap3A_1624 = tpu.memref_squeeze %swap3A_1623 : memref<1x128xi32, #tpu.memory_space<vmem>> -> memref<128xi32, #tpu.memory_space<vmem>>
      %swap3A_1625 = arith.constant 16 : index
      %swap3A_1626 = tpu.vector_load %swap3A_1624[%swap3A_1625] {strides = array<i32>} : memref<128xi32, #tpu.memory_space<vmem>>, vector<16xi32>,
      tpu.vector_store %swap3A_1624[%swap3A_1625], %gather3A_1620 {strides = array<i32>} : memref<128xi32, #tpu.memory_space<vmem>>, vector<16xi32>,
      %add3A_1627 = arith.constant 16 : i32
      %add3A_1628 = vector.broadcast %add3A_1627 : i32 to vector<16xi32>
      %add3A_1629 = arith.addi %shift_right_logical3A_9, %add3A_1628 : vector<16xi32>
      %gather3A_1630 = tpu.vector_load_idx %arg5[%add3A_1606, %and3A_7, %add3A_1629] : memref<200x2x64xi32, #tpu.memory_space<vmem>>[vector<16xi32>, vector<16xi32>, vector<16xi32>], vector<16xi32>,
      %swap3A_1631 = arith.constant 3 : i32
      %swap3A_1632 = arith.constant 0 : i32
      %swap3A_1633 = tpu.memref_slice %arg6[%swap3A_1631, %swap3A_1632] : memref<8x128xi32, #tpu.memory_space<vmem>> -> memref<1x128xi32, #tpu.memory_space<vmem>>
      %swap3A_1634 = tpu.memref_squeeze %swap3A_1633 : memref<1x128xi32, #tpu.memory_space<vmem>> -> memref<128xi32, #tpu.memory_space<vmem>>
      %swap3A_1635 = arith.constant 32 : index
      %swap3A_1636 = tpu.vector_load %swap3A_1634[%swap3A_1635] {strides = array<i32>} : memref<128xi32, #tpu.memory_space<vmem>>, vector<16xi32>,
      tpu.vector_store %swap3A_1634[%swap3A_1635], %gather3A_1630 {strides = array<i32>} : memref<128xi32, #tpu.memory_space<vmem>>, vector<16xi32>,
      %add3A_1637 = arith.constant 24 : i32
      %add3A_1638 = vector.broadcast %add3A_1637 : i32 to vector<16xi32>
      %add3A_1639 = arith.addi %shift_right_logical3A_9, %add3A_1638 : vector<16xi32>
      %gather3A_1640 = tpu.vector_load_idx %arg5[%add3A_1606, %and3A_7, %add3A_1639] : memref<200x2x64xi32, #tpu.memory_space<vmem>>[vector<16xi32>, vector<16xi32>, vector<16xi32>], vector<16xi32>,
      %swap3A_1641 = arith.constant 3 : i32
      %swap3A_1642 = arith.constant 0 : i32
      %swap3A_1643 = tpu.memref_slice %arg6[%swap3A_1641, %swap3A_1642] : memref<8x128xi32, #tpu.memory_space<vmem>> -> memref<1x128xi32, #tpu.memory_space<vmem>>
      %swap3A_1644 = tpu.memref_squeeze %swap3A_1643 : memref<1x128xi32, #tpu.memory_space<vmem>> -> memref<128xi32, #tpu.memory_space<vmem>>
      %swap3A_1645 = arith.constant 48 : index
      %swap3A_1646 = tpu.vector_load %swap3A_1644[%swap3A_1645] {strides = array<i32>} : memref<128xi32, #tpu.memory_space<vmem>>, vector<16xi32>,
      tpu.vector_store %swap3A_1644[%swap3A_1645], %gather3A_1640 {strides = array<i32>} : memref<128xi32, #tpu.memory_space<vmem>>, vector<16xi32>,
      %add3A_1647 = arith.constant 32 : i32
      %add3A_1648 = vector.broadcast %add3A_1647 : i32 to vector<16xi32>
      %add3A_1649 = arith.addi %shift_right_logical3A_9, %add3A_1648 : vector<16xi32>
      %gather3A_1650 = tpu.vector_load_idx %arg5[%add3A_1606, %and3A_7, %add3A_1649] : memref<200x2x64xi32, #tpu.memory_space<vmem>>[vector<16xi32>, vector<16xi32>, vector<16xi32>], vector<16xi32>,
      %swap3A_1651 = arith.constant 3 : i32
      %swap3A_1652 = arith.constant 0 : i32
      %swap3A_1653 = tpu.memref_slice %arg6[%swap3A_1651, %swap3A_1652] : memref<8x128xi32, #tpu.memory_space<vmem>> -> memref<1x128xi32, #tpu.memory_space<vmem>>
      %swap3A_1654 = tpu.memref_squeeze %swap3A_1653 : memref<1x128xi32, #tpu.memory_space<vmem>> -> memref<128xi32, #tpu.memory_space<vmem>>
      %swap3A_1655 = arith.constant 64 : index
      %swap3A_1656 = tpu.vector_load %swap3A_1654[%swap3A_1655] {strides = array<i32>} : memref<128xi32, #tpu.memory_space<vmem>>, vector<16xi32>,
      tpu.vector_store %swap3A_1654[%swap3A_1655], %gather3A_1650 {strides = array<i32>} : memref<128xi32, #tpu.memory_space<vmem>>, vector<16xi32>,
      %add3A_1657 = arith.constant 40 : i32
      %add3A_1658 = vector.broadcast %add3A_1657 : i32 to vector<16xi32>
      %add3A_1659 = arith.addi %shift_right_logical3A_9, %add3A_1658 : vector<16xi32>
      %gather3A_1660 = tpu.vector_load_idx %arg5[%add3A_1606, %and3A_7, %add3A_1659] : memref<200x2x64xi32, #tpu.memory_space<vmem>>[vector<16xi32>, vector<16xi32>, vector<16xi32>], vector<16xi32>,
      %swap3A_1661 = arith.constant 3 : i32
      %swap3A_1662 = arith.constant 0 : i32
      %swap3A_1663 = tpu.memref_slice %arg6[%swap3A_1661, %swap3A_1662] : memref<8x128xi32, #tpu.memory_space<vmem>> -> memref<1x128xi32, #tpu.memory_space<vmem>>
      %swap3A_1664 = tpu.memref_squeeze %swap3A_1663 : memref<1x128xi32, #tpu.memory_space<vmem>> -> memref<128xi32, #tpu.memory_space<vmem>>
      %swap3A_1665 = arith.constant 80 : index
      %swap3A_1666 = tpu.vector_load %swap3A_1664[%swap3A_1665] {strides = array<i32>} : memref<128xi32, #tpu.memory_space<vmem>>, vector<16xi32>,
      tpu.vector_store %swap3A_1664[%swap3A_1665], %gather3A_1660 {strides = array<i32>} : memref<128xi32, #tpu.memory_space<vmem>>, vector<16xi32>,
      %add3A_1667 = arith.constant 48 : i32
      %add3A_1668 = vector.broadcast %add3A_1667 : i32 to vector<16xi32>
      %add3A_1669 = arith.addi %shift_right_logical3A_9, %add3A_1668 : vector<16xi32>
      %gather3A_1670 = tpu.vector_load_idx %arg5[%add3A_1606, %and3A_7, %add3A_1669] : memref<200x2x64xi32, #tpu.memory_space<vmem>>[vector<16xi32>, vector<16xi32>, vector<16xi32>], vector<16xi32>,
      %swap3A_1671 = arith.constant 3 : i32
      %swap3A_1672 = arith.constant 0 : i32
      %swap3A_1673 = tpu.memref_slice %arg6[%swap3A_1671, %swap3A_1672] : memref<8x128xi32, #tpu.memory_space<vmem>> -> memref<1x128xi32, #tpu.memory_space<vmem>>
      %swap3A_1674 = tpu.memref_squeeze %swap3A_1673 : memref<1x128xi32, #tpu.memory_space<vmem>> -> memref<128xi32, #tpu.memory_space<vmem>>
      %swap3A_1675 = arith.constant 96 : index
      %swap3A_1676 = tpu.vector_load %swap3A_1674[%swap3A_1675] {strides = array<i32>} : memref<128xi32, #tpu.memory_space<vmem>>, vector<16xi32>,
      tpu.vector_store %swap3A_1674[%swap3A_1675], %gather3A_1670 {strides = array<i32>} : memref<128xi32, #tpu.memory_space<vmem>>, vector<16xi32>,
      %add3A_1677 = arith.constant 56 : i32
      %add3A_1678 = vector.broadcast %add3A_1677 : i32 to vector<16xi32>
      %add3A_1679 = arith.addi %shift_right_logical3A_9, %add3A_1678 : vector<16xi32>
      %gather3A_1680 = tpu.vector_load_idx %arg5[%add3A_1606, %and3A_7, %add3A_1679] : memref<200x2x64xi32, #tpu.memory_space<vmem>>[vector<16xi32>, vector<16xi32>, vector<16xi32>], vector<16xi32>,
      %swap3A_1681 = arith.constant 3 : i32
      %swap3A_1682 = arith.constant 0 : i32
      %swap3A_1683 = tpu.memref_slice %arg6[%swap3A_1681, %swap3A_1682] : memref<8x128xi32, #tpu.memory_space<vmem>> -> memref<1x128xi32, #tpu.memory_space<vmem>>
      %swap3A_1684 = tpu.memref_squeeze %swap3A_1683 : memref<1x128xi32, #tpu.memory_space<vmem>> -> memref<128xi32, #tpu.memory_space<vmem>>
      %swap3A_1685 = arith.constant 112 : index
      %swap3A_1686 = tpu.vector_load %swap3A_1684[%swap3A_1685] {strides = array<i32>} : memref<128xi32, #tpu.memory_space<vmem>>, vector<16xi32>,
      tpu.vector_store %swap3A_1684[%swap3A_1685], %gather3A_1680 {strides = array<i32>} : memref<128xi32, #tpu.memory_space<vmem>>, vector<16xi32>,
      %dma_start3A_1687 = arith.constant 3 : i32
      %dma_start3A_1688 = arith.constant 3 : i32
      %dma_start3A_1689 = arith.constant 0 : i32
      %dma_start3A_1690 = arith.constant 0 : i32
      %dma_start3A_1691 = tpu.memref_slice %arg7[%dma_start3A_1688, %dma_start3A_1689, %dma_start3A_1690] : memref<8x128x64xf32, #tpu.memory_space<vmem>> -> memref<1x128x64xf32, #tpu.memory_space<vmem>>
      %dma_start3A_1692 = tpu.memref_squeeze %dma_start3A_1691 : memref<1x128x64xf32, #tpu.memory_space<vmem>> -> memref<128x64xf32, #tpu.memory_space<vmem>>
      %dma_start3A_1693 = arith.constant 0 : i32
      %dma_start3A_1694 = tpu.memref_slice %arg6[%dma_start3A_1687, %dma_start3A_1693] : memref<8x128xi32, #tpu.memory_space<vmem>> -> memref<1x128xi32, #tpu.memory_space<vmem>>
      %dma_start3A_1695 = tpu.memref_squeeze %dma_start3A_1694 : memref<1x128xi32, #tpu.memory_space<vmem>> -> memref<128xi32, #tpu.memory_space<vmem>>
      %dma_start3A_1696 = arith.constant 0 : i32
      %dma_start3A_1697 = arith.constant 0 : i32
      %dma_start3A_1698 = tpu.memref_slice %arg2[%dma_start3A_1696, %dma_start3A_1697] : memref<1000000x64xf32, #tpu.memory_space<hbm>> -> memref<1000000x64xf32, #tpu.memory_space<hbm>>
      tpu.enqueue_indirect_dma source(%dma_start3A_1698 : memref<1000000x64xf32, #tpu.memory_space<hbm>>) target(%dma_start3A_1692 : memref<128x64xf32, #tpu.memory_space<vmem>>) offsets(%dma_start3A_1695 : memref<128xi32, #tpu.memory_space<vmem>>) semaphore(%arg11 : memref<!tpu.dma_semaphore, #tpu.memory_space<semaphore_mem>>)
      %add3A_1699 = arith.constant 4 : i32
      %add3A_1700 = arith.addi %mul3A_1126, %add3A_1699 : i32
      %dma_wait3A_1701 = arith.constant 4 : i32
      %dma_wait3A_1702 = arith.constant 4 : i32
      %dma_wait3A_1703 = arith.constant 0 : i32
      %dma_wait3A_1704 = arith.constant 0 : i32
      %dma_wait3A_1705 = tpu.memref_slice %arg7[%dma_wait3A_1702, %dma_wait3A_1703, %dma_wait3A_1704] : memref<8x128x64xf32, #tpu.memory_space<vmem>> -> memref<1x128x64xf32, #tpu.memory_space<vmem>>
      %dma_wait3A_1706 = tpu.memref_squeeze %dma_wait3A_1705 : memref<1x128x64xf32, #tpu.memory_space<vmem>> -> memref<128x64xf32, #tpu.memory_space<vmem>>
      %dma_wait3A_1707 = arith.constant 0 : i32
      %dma_wait3A_1708 = tpu.memref_slice %arg6[%dma_wait3A_1701, %dma_wait3A_1707] : memref<8x128xi32, #tpu.memory_space<vmem>> -> memref<1x128xi32, #tpu.memory_space<vmem>>
      %dma_wait3A_1709 = tpu.memref_squeeze %dma_wait3A_1708 : memref<1x128xi32, #tpu.memory_space<vmem>> -> memref<128xi32, #tpu.memory_space<vmem>>
      %dma_wait3A_1710 = arith.constant 0 : i32
      %dma_wait3A_1711 = arith.constant 0 : i32
      %dma_wait3A_1712 = tpu.memref_slice %arg2[%dma_wait3A_1710, %dma_wait3A_1711] : memref<1000000x64xf32, #tpu.memory_space<hbm>> -> memref<1000000x64xf32, #tpu.memory_space<hbm>>
      tpu.wait_indirect_dma semaphore(%arg12 : memref<!tpu.dma_semaphore, #tpu.memory_space<semaphore_mem>>) src(%dma_wait3A_1712 : memref<1000000x64xf32, #tpu.memory_space<hbm>>) dst(%dma_wait3A_1706 : memref<128x64xf32, #tpu.memory_space<vmem>>)
      %mul3A_1713 = arith.constant 2048 : i32
      %mul3A_1714 = arith.muli %add3A_1700, %mul3A_1713 : i32
      %add3A_1715 = arith.addi %mul3A_1714, %mul3A_2 : i32
      %mul3A_1716 = arith.constant 2 : i32
      %mul3A_1717 = arith.muli %mul3A_1716, %add3A_1715 : i32
      %dma_start3A_1718 = arith.constant 4 : i32
      %dma_start3A_1719 = arith.constant 0 : i32
      %dma_start3A_1720 = arith.constant 0 : i32
      %dma_start3A_1721 = tpu.memref_slice %arg7[%dma_start3A_1718, %dma_start3A_1719, %dma_start3A_1720] : memref<8x128x64xf32, #tpu.memory_space<vmem>> -> memref<1x128x64xf32, #tpu.memory_space<vmem>>
      %dma_start3A_1722 = tpu.memref_squeeze %dma_start3A_1721 : memref<1x128x64xf32, #tpu.memory_space<vmem>> -> memref<128x64xf32, #tpu.memory_space<vmem>>
      %dma_start3A_1723 = arith.constant 0 : i32
      %dma_start3A_1724 = tpu.memref_slice %arg4[%mul3A_1717, %dma_start3A_1723] : memref<819200x64xf32, #tpu.memory_space<hbm>> -> memref<128x64xf32, #tpu.memory_space<hbm>>
      %dma_start3A_1725 = arith.constant 0 : i32
      %dma_start3A_1726 = tpu.memref_slice %arg4[%mul3A_1717, %dma_start3A_1725] : memref<819200x64xf32, #tpu.memory_space<hbm>> -> memref<128x64xf32, #tpu.memory_space<hbm>>
      %dma_start3A_1727 = arith.constant 0 : i32
      %dma_start3A_1728 = arith.constant 0 : i32
      %dma_start3A_1729 = tpu.memref_slice %arg7[%dma_start3A_1718, %dma_start3A_1727, %dma_start3A_1728] : memref<8x128x64xf32, #tpu.memory_space<vmem>> -> memref<1x128x64xf32, #tpu.memory_space<vmem>>
      %dma_start3A_1730 = tpu.memref_squeeze %dma_start3A_1729 : memref<1x128x64xf32, #tpu.memory_space<vmem>> -> memref<128x64xf32, #tpu.memory_space<vmem>>
      tpu.enqueue_dma source(%dma_start3A_1730 : memref<128x64xf32, #tpu.memory_space<vmem>>) target(%dma_start3A_1726 : memref<128x64xf32, #tpu.memory_space<hbm>>) target_semaphore(%arg20 : memref<!tpu.dma_semaphore, #tpu.memory_space<semaphore_mem>>)
      %dma_wait3A_1731 = arith.constant 4 : i32
      %dma_wait3A_1732 = arith.constant 0 : i32
      %dma_wait3A_1733 = arith.constant 0 : i32
      %dma_wait3A_1734 = tpu.memref_slice %arg7[%dma_wait3A_1731, %dma_wait3A_1732, %dma_wait3A_1733] : memref<8x128x64xf32, #tpu.memory_space<vmem>> -> memref<1x128x64xf32, #tpu.memory_space<vmem>>
      %dma_wait3A_1735 = tpu.memref_squeeze %dma_wait3A_1734 : memref<1x128x64xf32, #tpu.memory_space<vmem>> -> memref<128x64xf32, #tpu.memory_space<vmem>>
      %dma_wait3A_1736 = arith.constant 0 : i32
      %dma_wait3A_1737 = tpu.memref_slice %arg4[%mul3A_1717, %dma_wait3A_1736] : memref<819200x64xf32, #tpu.memory_space<hbm>> -> memref<128x64xf32, #tpu.memory_space<hbm>>
      %dma_wait3A_1738 = arith.constant 0 : i32
      %dma_wait3A_1739 = tpu.memref_slice %arg4[%mul3A_1717, %dma_wait3A_1738] : memref<819200x64xf32, #tpu.memory_space<hbm>> -> memref<128x64xf32, #tpu.memory_space<hbm>>
      %dma_wait3A_1740 = arith.constant 0 : i32
      %dma_wait3A_1741 = arith.constant 0 : i32
      %dma_wait3A_1742 = tpu.memref_slice %arg7[%dma_wait3A_1731, %dma_wait3A_1740, %dma_wait3A_1741] : memref<8x128x64xf32, #tpu.memory_space<vmem>> -> memref<1x128x64xf32, #tpu.memory_space<vmem>>
      %dma_wait3A_1743 = tpu.memref_squeeze %dma_wait3A_1742 : memref<1x128x64xf32, #tpu.memory_space<vmem>> -> memref<128x64xf32, #tpu.memory_space<vmem>>
      tpu.wait_dma2 semaphore(%arg20 : memref<!tpu.dma_semaphore, #tpu.memory_space<semaphore_mem>>) src(%dma_wait3A_1743 : memref<128x64xf32, #tpu.memory_space<vmem>>) dst(%dma_wait3A_1739 : memref<128x64xf32, #tpu.memory_space<hbm>>)
      %add3A_1744 = arith.constant 8 : i32
      %add3A_1745 = arith.addi %add3A_1700, %add3A_1744 : i32
      %broadcast_in_dim3A_1746 = arith.constant 0 : i32
      %broadcast_in_dim3A_1747 = vector.broadcast %broadcast_in_dim3A_1746 : i32 to vector<16xi32>
      %add3A_1748 = vector.broadcast %add3A_1745 : i32 to vector<16xi32>
      %add3A_1749 = arith.addi %broadcast_in_dim3A_1747, %add3A_1748 : vector<16xi32>
      %add3A_1750 = arith.constant 0 : i32
      %add3A_1751 = vector.broadcast %add3A_1750 : i32 to vector<16xi32>
      %add3A_1752 = arith.addi %shift_right_logical3A_9, %add3A_1751 : vector<16xi32>
      %gather3A_1753 = tpu.vector_load_idx %arg5[%add3A_1749, %and3A_7, %add3A_1752] : memref<200x2x64xi32, #tpu.memory_space<vmem>>[vector<16xi32>, vector<16xi32>, vector<16xi32>], vector<16xi32>,
      %swap3A_1754 = arith.constant 4 : i32
      %swap3A_1755 = arith.constant 0 : i32
      %swap3A_1756 = tpu.memref_slice %arg6[%swap3A_1754, %swap3A_1755] : memref<8x128xi32, #tpu.memory_space<vmem>> -> memref<1x128xi32, #tpu.memory_space<vmem>>
      %swap3A_1757 = tpu.memref_squeeze %swap3A_1756 : memref<1x128xi32, #tpu.memory_space<vmem>> -> memref<128xi32, #tpu.memory_space<vmem>>
      %swap3A_1758 = arith.constant 0 : index
      %swap3A_1759 = tpu.vector_load %swap3A_1757[%swap3A_1758] {strides = array<i32>} : memref<128xi32, #tpu.memory_space<vmem>>, vector<16xi32>,
      tpu.vector_store %swap3A_1757[%swap3A_1758], %gather3A_1753 {strides = array<i32>} : memref<128xi32, #tpu.memory_space<vmem>>, vector<16xi32>,
      %add3A_1760 = arith.constant 8 : i32
      %add3A_1761 = vector.broadcast %add3A_1760 : i32 to vector<16xi32>
      %add3A_1762 = arith.addi %shift_right_logical3A_9, %add3A_1761 : vector<16xi32>
      %gather3A_1763 = tpu.vector_load_idx %arg5[%add3A_1749, %and3A_7, %add3A_1762] : memref<200x2x64xi32, #tpu.memory_space<vmem>>[vector<16xi32>, vector<16xi32>, vector<16xi32>], vector<16xi32>,
      %swap3A_1764 = arith.constant 4 : i32
      %swap3A_1765 = arith.constant 0 : i32
      %swap3A_1766 = tpu.memref_slice %arg6[%swap3A_1764, %swap3A_1765] : memref<8x128xi32, #tpu.memory_space<vmem>> -> memref<1x128xi32, #tpu.memory_space<vmem>>
      %swap3A_1767 = tpu.memref_squeeze %swap3A_1766 : memref<1x128xi32, #tpu.memory_space<vmem>> -> memref<128xi32, #tpu.memory_space<vmem>>
      %swap3A_1768 = arith.constant 16 : index
      %swap3A_1769 = tpu.vector_load %swap3A_1767[%swap3A_1768] {strides = array<i32>} : memref<128xi32, #tpu.memory_space<vmem>>, vector<16xi32>,
      tpu.vector_store %swap3A_1767[%swap3A_1768], %gather3A_1763 {strides = array<i32>} : memref<128xi32, #tpu.memory_space<vmem>>, vector<16xi32>,
      %add3A_1770 = arith.constant 16 : i32
      %add3A_1771 = vector.broadcast %add3A_1770 : i32 to vector<16xi32>
      %add3A_1772 = arith.addi %shift_right_logical3A_9, %add3A_1771 : vector<16xi32>
      %gather3A_1773 = tpu.vector_load_idx %arg5[%add3A_1749, %and3A_7, %add3A_1772] : memref<200x2x64xi32, #tpu.memory_space<vmem>>[vector<16xi32>, vector<16xi32>, vector<16xi32>], vector<16xi32>,
      %swap3A_1774 = arith.constant 4 : i32
      %swap3A_1775 = arith.constant 0 : i32
      %swap3A_1776 = tpu.memref_slice %arg6[%swap3A_1774, %swap3A_1775] : memref<8x128xi32, #tpu.memory_space<vmem>> -> memref<1x128xi32, #tpu.memory_space<vmem>>
      %swap3A_1777 = tpu.memref_squeeze %swap3A_1776 : memref<1x128xi32, #tpu.memory_space<vmem>> -> memref<128xi32, #tpu.memory_space<vmem>>
      %swap3A_1778 = arith.constant 32 : index
      %swap3A_1779 = tpu.vector_load %swap3A_1777[%swap3A_1778] {strides = array<i32>} : memref<128xi32, #tpu.memory_space<vmem>>, vector<16xi32>,
      tpu.vector_store %swap3A_1777[%swap3A_1778], %gather3A_1773 {strides = array<i32>} : memref<128xi32, #tpu.memory_space<vmem>>, vector<16xi32>,
      %add3A_1780 = arith.constant 24 : i32
      %add3A_1781 = vector.broadcast %add3A_1780 : i32 to vector<16xi32>
      %add3A_1782 = arith.addi %shift_right_logical3A_9, %add3A_1781 : vector<16xi32>
      %gather3A_1783 = tpu.vector_load_idx %arg5[%add3A_1749, %and3A_7, %add3A_1782] : memref<200x2x64xi32, #tpu.memory_space<vmem>>[vector<16xi32>, vector<16xi32>, vector<16xi32>], vector<16xi32>,
      %swap3A_1784 = arith.constant 4 : i32
      %swap3A_1785 = arith.constant 0 : i32
      %swap3A_1786 = tpu.memref_slice %arg6[%swap3A_1784, %swap3A_1785] : memref<8x128xi32, #tpu.memory_space<vmem>> -> memref<1x128xi32, #tpu.memory_space<vmem>>
      %swap3A_1787 = tpu.memref_squeeze %swap3A_1786 : memref<1x128xi32, #tpu.memory_space<vmem>> -> memref<128xi32, #tpu.memory_space<vmem>>
      %swap3A_1788 = arith.constant 48 : index
      %swap3A_1789 = tpu.vector_load %swap3A_1787[%swap3A_1788] {strides = array<i32>} : memref<128xi32, #tpu.memory_space<vmem>>, vector<16xi32>,
      tpu.vector_store %swap3A_1787[%swap3A_1788], %gather3A_1783 {strides = array<i32>} : memref<128xi32, #tpu.memory_space<vmem>>, vector<16xi32>,
      %add3A_1790 = arith.constant 32 : i32
      %add3A_1791 = vector.broadcast %add3A_1790 : i32 to vector<16xi32>
      %add3A_1792 = arith.addi %shift_right_logical3A_9, %add3A_1791 : vector<16xi32>
      %gather3A_1793 = tpu.vector_load_idx %arg5[%add3A_1749, %and3A_7, %add3A_1792] : memref<200x2x64xi32, #tpu.memory_space<vmem>>[vector<16xi32>, vector<16xi32>, vector<16xi32>], vector<16xi32>,
      %swap3A_1794 = arith.constant 4 : i32
      %swap3A_1795 = arith.constant 0 : i32
      %swap3A_1796 = tpu.memref_slice %arg6[%swap3A_1794, %swap3A_1795] : memref<8x128xi32, #tpu.memory_space<vmem>> -> memref<1x128xi32, #tpu.memory_space<vmem>>
      %swap3A_1797 = tpu.memref_squeeze %swap3A_1796 : memref<1x128xi32, #tpu.memory_space<vmem>> -> memref<128xi32, #tpu.memory_space<vmem>>
      %swap3A_1798 = arith.constant 64 : index
      %swap3A_1799 = tpu.vector_load %swap3A_1797[%swap3A_1798] {strides = array<i32>} : memref<128xi32, #tpu.memory_space<vmem>>, vector<16xi32>,
      tpu.vector_store %swap3A_1797[%swap3A_1798], %gather3A_1793 {strides = array<i32>} : memref<128xi32, #tpu.memory_space<vmem>>, vector<16xi32>,
      %add3A_1800 = arith.constant 40 : i32
      %add3A_1801 = vector.broadcast %add3A_1800 : i32 to vector<16xi32>
      %add3A_1802 = arith.addi %shift_right_logical3A_9, %add3A_1801 : vector<16xi32>
      %gather3A_1803 = tpu.vector_load_idx %arg5[%add3A_1749, %and3A_7, %add3A_1802] : memref<200x2x64xi32, #tpu.memory_space<vmem>>[vector<16xi32>, vector<16xi32>, vector<16xi32>], vector<16xi32>,
      %swap3A_1804 = arith.constant 4 : i32
      %swap3A_1805 = arith.constant 0 : i32
      %swap3A_1806 = tpu.memref_slice %arg6[%swap3A_1804, %swap3A_1805] : memref<8x128xi32, #tpu.memory_space<vmem>> -> memref<1x128xi32, #tpu.memory_space<vmem>>
      %swap3A_1807 = tpu.memref_squeeze %swap3A_1806 : memref<1x128xi32, #tpu.memory_space<vmem>> -> memref<128xi32, #tpu.memory_space<vmem>>
      %swap3A_1808 = arith.constant 80 : index
      %swap3A_1809 = tpu.vector_load %swap3A_1807[%swap3A_1808] {strides = array<i32>} : memref<128xi32, #tpu.memory_space<vmem>>, vector<16xi32>,
      tpu.vector_store %swap3A_1807[%swap3A_1808], %gather3A_1803 {strides = array<i32>} : memref<128xi32, #tpu.memory_space<vmem>>, vector<16xi32>,
      %add3A_1810 = arith.constant 48 : i32
      %add3A_1811 = vector.broadcast %add3A_1810 : i32 to vector<16xi32>
      %add3A_1812 = arith.addi %shift_right_logical3A_9, %add3A_1811 : vector<16xi32>
      %gather3A_1813 = tpu.vector_load_idx %arg5[%add3A_1749, %and3A_7, %add3A_1812] : memref<200x2x64xi32, #tpu.memory_space<vmem>>[vector<16xi32>, vector<16xi32>, vector<16xi32>], vector<16xi32>,
      %swap3A_1814 = arith.constant 4 : i32
      %swap3A_1815 = arith.constant 0 : i32
      %swap3A_1816 = tpu.memref_slice %arg6[%swap3A_1814, %swap3A_1815] : memref<8x128xi32, #tpu.memory_space<vmem>> -> memref<1x128xi32, #tpu.memory_space<vmem>>
      %swap3A_1817 = tpu.memref_squeeze %swap3A_1816 : memref<1x128xi32, #tpu.memory_space<vmem>> -> memref<128xi32, #tpu.memory_space<vmem>>
      %swap3A_1818 = arith.constant 96 : index
      %swap3A_1819 = tpu.vector_load %swap3A_1817[%swap3A_1818] {strides = array<i32>} : memref<128xi32, #tpu.memory_space<vmem>>, vector<16xi32>,
      tpu.vector_store %swap3A_1817[%swap3A_1818], %gather3A_1813 {strides = array<i32>} : memref<128xi32, #tpu.memory_space<vmem>>, vector<16xi32>,
      %add3A_1820 = arith.constant 56 : i32
      %add3A_1821 = vector.broadcast %add3A_1820 : i32 to vector<16xi32>
      %add3A_1822 = arith.addi %shift_right_logical3A_9, %add3A_1821 : vector<16xi32>
      %gather3A_1823 = tpu.vector_load_idx %arg5[%add3A_1749, %and3A_7, %add3A_1822] : memref<200x2x64xi32, #tpu.memory_space<vmem>>[vector<16xi32>, vector<16xi32>, vector<16xi32>], vector<16xi32>,
      %swap3A_1824 = arith.constant 4 : i32
      %swap3A_1825 = arith.constant 0 : i32
      %swap3A_1826 = tpu.memref_slice %arg6[%swap3A_1824, %swap3A_1825] : memref<8x128xi32, #tpu.memory_space<vmem>> -> memref<1x128xi32, #tpu.memory_space<vmem>>
      %swap3A_1827 = tpu.memref_squeeze %swap3A_1826 : memref<1x128xi32, #tpu.memory_space<vmem>> -> memref<128xi32, #tpu.memory_space<vmem>>
      %swap3A_1828 = arith.constant 112 : index
      %swap3A_1829 = tpu.vector_load %swap3A_1827[%swap3A_1828] {strides = array<i32>} : memref<128xi32, #tpu.memory_space<vmem>>, vector<16xi32>,
      tpu.vector_store %swap3A_1827[%swap3A_1828], %gather3A_1823 {strides = array<i32>} : memref<128xi32, #tpu.memory_space<vmem>>, vector<16xi32>,
      %dma_start3A_1830 = arith.constant 4 : i32
      %dma_start3A_1831 = arith.constant 4 : i32
      %dma_start3A_1832 = arith.constant 0 : i32
      %dma_start3A_1833 = arith.constant 0 : i32
      %dma_start3A_1834 = tpu.memref_slice %arg7[%dma_start3A_1831, %dma_start3A_1832, %dma_start3A_1833] : memref<8x128x64xf32, #tpu.memory_space<vmem>> -> memref<1x128x64xf32, #tpu.memory_space<vmem>>
      %dma_start3A_1835 = tpu.memref_squeeze %dma_start3A_1834 : memref<1x128x64xf32, #tpu.memory_space<vmem>> -> memref<128x64xf32, #tpu.memory_space<vmem>>
      %dma_start3A_1836 = arith.constant 0 : i32
      %dma_start3A_1837 = tpu.memref_slice %arg6[%dma_start3A_1830, %dma_start3A_1836] : memref<8x128xi32, #tpu.memory_space<vmem>> -> memref<1x128xi32, #tpu.memory_space<vmem>>
      %dma_start3A_1838 = tpu.memref_squeeze %dma_start3A_1837 : memref<1x128xi32, #tpu.memory_space<vmem>> -> memref<128xi32, #tpu.memory_space<vmem>>
      %dma_start3A_1839 = arith.constant 0 : i32
      %dma_start3A_1840 = arith.constant 0 : i32
      %dma_start3A_1841 = tpu.memref_slice %arg2[%dma_start3A_1839, %dma_start3A_1840] : memref<1000000x64xf32, #tpu.memory_space<hbm>> -> memref<1000000x64xf32, #tpu.memory_space<hbm>>
      tpu.enqueue_indirect_dma source(%dma_start3A_1841 : memref<1000000x64xf32, #tpu.memory_space<hbm>>) target(%dma_start3A_1835 : memref<128x64xf32, #tpu.memory_space<vmem>>) offsets(%dma_start3A_1838 : memref<128xi32, #tpu.memory_space<vmem>>) semaphore(%arg12 : memref<!tpu.dma_semaphore, #tpu.memory_space<semaphore_mem>>)
      %add3A_1842 = arith.constant 5 : i32
      %add3A_1843 = arith.addi %mul3A_1126, %add3A_1842 : i32
      %dma_wait3A_1844 = arith.constant 5 : i32
      %dma_wait3A_1845 = arith.constant 5 : i32
      %dma_wait3A_1846 = arith.constant 0 : i32
      %dma_wait3A_1847 = arith.constant 0 : i32
      %dma_wait3A_1848 = tpu.memref_slice %arg7[%dma_wait3A_1845, %dma_wait3A_1846, %dma_wait3A_1847] : memref<8x128x64xf32, #tpu.memory_space<vmem>> -> memref<1x128x64xf32, #tpu.memory_space<vmem>>
      %dma_wait3A_1849 = tpu.memref_squeeze %dma_wait3A_1848 : memref<1x128x64xf32, #tpu.memory_space<vmem>> -> memref<128x64xf32, #tpu.memory_space<vmem>>
      %dma_wait3A_1850 = arith.constant 0 : i32
      %dma_wait3A_1851 = tpu.memref_slice %arg6[%dma_wait3A_1844, %dma_wait3A_1850] : memref<8x128xi32, #tpu.memory_space<vmem>> -> memref<1x128xi32, #tpu.memory_space<vmem>>
      %dma_wait3A_1852 = tpu.memref_squeeze %dma_wait3A_1851 : memref<1x128xi32, #tpu.memory_space<vmem>> -> memref<128xi32, #tpu.memory_space<vmem>>
      %dma_wait3A_1853 = arith.constant 0 : i32
      %dma_wait3A_1854 = arith.constant 0 : i32
      %dma_wait3A_1855 = tpu.memref_slice %arg2[%dma_wait3A_1853, %dma_wait3A_1854] : memref<1000000x64xf32, #tpu.memory_space<hbm>> -> memref<1000000x64xf32, #tpu.memory_space<hbm>>
      tpu.wait_indirect_dma semaphore(%arg13 : memref<!tpu.dma_semaphore, #tpu.memory_space<semaphore_mem>>) src(%dma_wait3A_1855 : memref<1000000x64xf32, #tpu.memory_space<hbm>>) dst(%dma_wait3A_1849 : memref<128x64xf32, #tpu.memory_space<vmem>>)
      %mul3A_1856 = arith.constant 2048 : i32
      %mul3A_1857 = arith.muli %add3A_1843, %mul3A_1856 : i32
      %add3A_1858 = arith.addi %mul3A_1857, %mul3A_2 : i32
      %mul3A_1859 = arith.constant 2 : i32
      %mul3A_1860 = arith.muli %mul3A_1859, %add3A_1858 : i32
      %dma_start3A_1861 = arith.constant 5 : i32
      %dma_start3A_1862 = arith.constant 0 : i32
      %dma_start3A_1863 = arith.constant 0 : i32
      %dma_start3A_1864 = tpu.memref_slice %arg7[%dma_start3A_1861, %dma_start3A_1862, %dma_start3A_1863] : memref<8x128x64xf32, #tpu.memory_space<vmem>> -> memref<1x128x64xf32, #tpu.memory_space<vmem>>
      %dma_start3A_1865 = tpu.memref_squeeze %dma_start3A_1864 : memref<1x128x64xf32, #tpu.memory_space<vmem>> -> memref<128x64xf32, #tpu.memory_space<vmem>>
      %dma_start3A_1866 = arith.constant 0 : i32
      %dma_start3A_1867 = tpu.memref_slice %arg4[%mul3A_1860, %dma_start3A_1866] : memref<819200x64xf32, #tpu.memory_space<hbm>> -> memref<128x64xf32, #tpu.memory_space<hbm>>
      %dma_start3A_1868 = arith.constant 0 : i32
      %dma_start3A_1869 = tpu.memref_slice %arg4[%mul3A_1860, %dma_start3A_1868] : memref<819200x64xf32, #tpu.memory_space<hbm>> -> memref<128x64xf32, #tpu.memory_space<hbm>>
      %dma_start3A_1870 = arith.constant 0 : i32
      %dma_start3A_1871 = arith.constant 0 : i32
      %dma_start3A_1872 = tpu.memref_slice %arg7[%dma_start3A_1861, %dma_start3A_1870, %dma_start3A_1871] : memref<8x128x64xf32, #tpu.memory_space<vmem>> -> memref<1x128x64xf32, #tpu.memory_space<vmem>>
      %dma_start3A_1873 = tpu.memref_squeeze %dma_start3A_1872 : memref<1x128x64xf32, #tpu.memory_space<vmem>> -> memref<128x64xf32, #tpu.memory_space<vmem>>
      tpu.enqueue_dma source(%dma_start3A_1873 : memref<128x64xf32, #tpu.memory_space<vmem>>) target(%dma_start3A_1869 : memref<128x64xf32, #tpu.memory_space<hbm>>) target_semaphore(%arg21 : memref<!tpu.dma_semaphore, #tpu.memory_space<semaphore_mem>>)
      %dma_wait3A_1874 = arith.constant 5 : i32
      %dma_wait3A_1875 = arith.constant 0 : i32
      %dma_wait3A_1876 = arith.constant 0 : i32
      %dma_wait3A_1877 = tpu.memref_slice %arg7[%dma_wait3A_1874, %dma_wait3A_1875, %dma_wait3A_1876] : memref<8x128x64xf32, #tpu.memory_space<vmem>> -> memref<1x128x64xf32, #tpu.memory_space<vmem>>
      %dma_wait3A_1878 = tpu.memref_squeeze %dma_wait3A_1877 : memref<1x128x64xf32, #tpu.memory_space<vmem>> -> memref<128x64xf32, #tpu.memory_space<vmem>>
      %dma_wait3A_1879 = arith.constant 0 : i32
      %dma_wait3A_1880 = tpu.memref_slice %arg4[%mul3A_1860, %dma_wait3A_1879] : memref<819200x64xf32, #tpu.memory_space<hbm>> -> memref<128x64xf32, #tpu.memory_space<hbm>>
      %dma_wait3A_1881 = arith.constant 0 : i32
      %dma_wait3A_1882 = tpu.memref_slice %arg4[%mul3A_1860, %dma_wait3A_1881] : memref<819200x64xf32, #tpu.memory_space<hbm>> -> memref<128x64xf32, #tpu.memory_space<hbm>>
      %dma_wait3A_1883 = arith.constant 0 : i32
      %dma_wait3A_1884 = arith.constant 0 : i32
      %dma_wait3A_1885 = tpu.memref_slice %arg7[%dma_wait3A_1874, %dma_wait3A_1883, %dma_wait3A_1884] : memref<8x128x64xf32, #tpu.memory_space<vmem>> -> memref<1x128x64xf32, #tpu.memory_space<vmem>>
      %dma_wait3A_1886 = tpu.memref_squeeze %dma_wait3A_1885 : memref<1x128x64xf32, #tpu.memory_space<vmem>> -> memref<128x64xf32, #tpu.memory_space<vmem>>
      tpu.wait_dma2 semaphore(%arg21 : memref<!tpu.dma_semaphore, #tpu.memory_space<semaphore_mem>>) src(%dma_wait3A_1886 : memref<128x64xf32, #tpu.memory_space<vmem>>) dst(%dma_wait3A_1882 : memref<128x64xf32, #tpu.memory_space<hbm>>)
      %add3A_1887 = arith.constant 8 : i32
      %add3A_1888 = arith.addi %add3A_1843, %add3A_1887 : i32
      %broadcast_in_dim3A_1889 = arith.constant 0 : i32
      %broadcast_in_dim3A_1890 = vector.broadcast %broadcast_in_dim3A_1889 : i32 to vector<16xi32>
      %add3A_1891 = vector.broadcast %add3A_1888 : i32 to vector<16xi32>
      %add3A_1892 = arith.addi %broadcast_in_dim3A_1890, %add3A_1891 : vector<16xi32>
      %add3A_1893 = arith.constant 0 : i32
      %add3A_1894 = vector.broadcast %add3A_1893 : i32 to vector<16xi32>
      %add3A_1895 = arith.addi %shift_right_logical3A_9, %add3A_1894 : vector<16xi32>
      %gather3A_1896 = tpu.vector_load_idx %arg5[%add3A_1892, %and3A_7, %add3A_1895] : memref<200x2x64xi32, #tpu.memory_space<vmem>>[vector<16xi32>, vector<16xi32>, vector<16xi32>], vector<16xi32>,
      %swap3A_1897 = arith.constant 5 : i32
      %swap3A_1898 = arith.constant 0 : i32
      %swap3A_1899 = tpu.memref_slice %arg6[%swap3A_1897, %swap3A_1898] : memref<8x128xi32, #tpu.memory_space<vmem>> -> memref<1x128xi32, #tpu.memory_space<vmem>>
      %swap3A_1900 = tpu.memref_squeeze %swap3A_1899 : memref<1x128xi32, #tpu.memory_space<vmem>> -> memref<128xi32, #tpu.memory_space<vmem>>
      %swap3A_1901 = arith.constant 0 : index
      %swap3A_1902 = tpu.vector_load %swap3A_1900[%swap3A_1901] {strides = array<i32>} : memref<128xi32, #tpu.memory_space<vmem>>, vector<16xi32>,
      tpu.vector_store %swap3A_1900[%swap3A_1901], %gather3A_1896 {strides = array<i32>} : memref<128xi32, #tpu.memory_space<vmem>>, vector<16xi32>,
      %add3A_1903 = arith.constant 8 : i32
      %add3A_1904 = vector.broadcast %add3A_1903 : i32 to vector<16xi32>
      %add3A_1905 = arith.addi %shift_right_logical3A_9, %add3A_1904 : vector<16xi32>
      %gather3A_1906 = tpu.vector_load_idx %arg5[%add3A_1892, %and3A_7, %add3A_1905] : memref<200x2x64xi32, #tpu.memory_space<vmem>>[vector<16xi32>, vector<16xi32>, vector<16xi32>], vector<16xi32>,
      %swap3A_1907 = arith.constant 5 : i32
      %swap3A_1908 = arith.constant 0 : i32
      %swap3A_1909 = tpu.memref_slice %arg6[%swap3A_1907, %swap3A_1908] : memref<8x128xi32, #tpu.memory_space<vmem>> -> memref<1x128xi32, #tpu.memory_space<vmem>>
      %swap3A_1910 = tpu.memref_squeeze %swap3A_1909 : memref<1x128xi32, #tpu.memory_space<vmem>> -> memref<128xi32, #tpu.memory_space<vmem>>
      %swap3A_1911 = arith.constant 16 : index
      %swap3A_1912 = tpu.vector_load %swap3A_1910[%swap3A_1911] {strides = array<i32>} : memref<128xi32, #tpu.memory_space<vmem>>, vector<16xi32>,
      tpu.vector_store %swap3A_1910[%swap3A_1911], %gather3A_1906 {strides = array<i32>} : memref<128xi32, #tpu.memory_space<vmem>>, vector<16xi32>,
      %add3A_1913 = arith.constant 16 : i32
      %add3A_1914 = vector.broadcast %add3A_1913 : i32 to vector<16xi32>
      %add3A_1915 = arith.addi %shift_right_logical3A_9, %add3A_1914 : vector<16xi32>
      %gather3A_1916 = tpu.vector_load_idx %arg5[%add3A_1892, %and3A_7, %add3A_1915] : memref<200x2x64xi32, #tpu.memory_space<vmem>>[vector<16xi32>, vector<16xi32>, vector<16xi32>], vector<16xi32>,
      %swap3A_1917 = arith.constant 5 : i32
      %swap3A_1918 = arith.constant 0 : i32
      %swap3A_1919 = tpu.memref_slice %arg6[%swap3A_1917, %swap3A_1918] : memref<8x128xi32, #tpu.memory_space<vmem>> -> memref<1x128xi32, #tpu.memory_space<vmem>>
      %swap3A_1920 = tpu.memref_squeeze %swap3A_1919 : memref<1x128xi32, #tpu.memory_space<vmem>> -> memref<128xi32, #tpu.memory_space<vmem>>
      %swap3A_1921 = arith.constant 32 : index
      %swap3A_1922 = tpu.vector_load %swap3A_1920[%swap3A_1921] {strides = array<i32>} : memref<128xi32, #tpu.memory_space<vmem>>, vector<16xi32>,
      tpu.vector_store %swap3A_1920[%swap3A_1921], %gather3A_1916 {strides = array<i32>} : memref<128xi32, #tpu.memory_space<vmem>>, vector<16xi32>,
      %add3A_1923 = arith.constant 24 : i32
      %add3A_1924 = vector.broadcast %add3A_1923 : i32 to vector<16xi32>
      %add3A_1925 = arith.addi %shift_right_logical3A_9, %add3A_1924 : vector<16xi32>
      %gather3A_1926 = tpu.vector_load_idx %arg5[%add3A_1892, %and3A_7, %add3A_1925] : memref<200x2x64xi32, #tpu.memory_space<vmem>>[vector<16xi32>, vector<16xi32>, vector<16xi32>], vector<16xi32>,
      %swap3A_1927 = arith.constant 5 : i32
      %swap3A_1928 = arith.constant 0 : i32
      %swap3A_1929 = tpu.memref_slice %arg6[%swap3A_1927, %swap3A_1928] : memref<8x128xi32, #tpu.memory_space<vmem>> -> memref<1x128xi32, #tpu.memory_space<vmem>>
      %swap3A_1930 = tpu.memref_squeeze %swap3A_1929 : memref<1x128xi32, #tpu.memory_space<vmem>> -> memref<128xi32, #tpu.memory_space<vmem>>
      %swap3A_1931 = arith.constant 48 : index
      %swap3A_1932 = tpu.vector_load %swap3A_1930[%swap3A_1931] {strides = array<i32>} : memref<128xi32, #tpu.memory_space<vmem>>, vector<16xi32>,
      tpu.vector_store %swap3A_1930[%swap3A_1931], %gather3A_1926 {strides = array<i32>} : memref<128xi32, #tpu.memory_space<vmem>>, vector<16xi32>,
      %add3A_1933 = arith.constant 32 : i32
      %add3A_1934 = vector.broadcast %add3A_1933 : i32 to vector<16xi32>
      %add3A_1935 = arith.addi %shift_right_logical3A_9, %add3A_1934 : vector<16xi32>
      %gather3A_1936 = tpu.vector_load_idx %arg5[%add3A_1892, %and3A_7, %add3A_1935] : memref<200x2x64xi32, #tpu.memory_space<vmem>>[vector<16xi32>, vector<16xi32>, vector<16xi32>], vector<16xi32>,
      %swap3A_1937 = arith.constant 5 : i32
      %swap3A_1938 = arith.constant 0 : i32
      %swap3A_1939 = tpu.memref_slice %arg6[%swap3A_1937, %swap3A_1938] : memref<8x128xi32, #tpu.memory_space<vmem>> -> memref<1x128xi32, #tpu.memory_space<vmem>>
      %swap3A_1940 = tpu.memref_squeeze %swap3A_1939 : memref<1x128xi32, #tpu.memory_space<vmem>> -> memref<128xi32, #tpu.memory_space<vmem>>
      %swap3A_1941 = arith.constant 64 : index
      %swap3A_1942 = tpu.vector_load %swap3A_1940[%swap3A_1941] {strides = array<i32>} : memref<128xi32, #tpu.memory_space<vmem>>, vector<16xi32>,
      tpu.vector_store %swap3A_1940[%swap3A_1941], %gather3A_1936 {strides = array<i32>} : memref<128xi32, #tpu.memory_space<vmem>>, vector<16xi32>,
      %add3A_1943 = arith.constant 40 : i32
      %add3A_1944 = vector.broadcast %add3A_1943 : i32 to vector<16xi32>
      %add3A_1945 = arith.addi %shift_right_logical3A_9, %add3A_1944 : vector<16xi32>
      %gather3A_1946 = tpu.vector_load_idx %arg5[%add3A_1892, %and3A_7, %add3A_1945] : memref<200x2x64xi32, #tpu.memory_space<vmem>>[vector<16xi32>, vector<16xi32>, vector<16xi32>], vector<16xi32>,
      %swap3A_1947 = arith.constant 5 : i32
      %swap3A_1948 = arith.constant 0 : i32
      %swap3A_1949 = tpu.memref_slice %arg6[%swap3A_1947, %swap3A_1948] : memref<8x128xi32, #tpu.memory_space<vmem>> -> memref<1x128xi32, #tpu.memory_space<vmem>>
      %swap3A_1950 = tpu.memref_squeeze %swap3A_1949 : memref<1x128xi32, #tpu.memory_space<vmem>> -> memref<128xi32, #tpu.memory_space<vmem>>
      %swap3A_1951 = arith.constant 80 : index
      %swap3A_1952 = tpu.vector_load %swap3A_1950[%swap3A_1951] {strides = array<i32>} : memref<128xi32, #tpu.memory_space<vmem>>, vector<16xi32>,
      tpu.vector_store %swap3A_1950[%swap3A_1951], %gather3A_1946 {strides = array<i32>} : memref<128xi32, #tpu.memory_space<vmem>>, vector<16xi32>,
      %add3A_1953 = arith.constant 48 : i32
      %add3A_1954 = vector.broadcast %add3A_1953 : i32 to vector<16xi32>
      %add3A_1955 = arith.addi %shift_right_logical3A_9, %add3A_1954 : vector<16xi32>
      %gather3A_1956 = tpu.vector_load_idx %arg5[%add3A_1892, %and3A_7, %add3A_1955] : memref<200x2x64xi32, #tpu.memory_space<vmem>>[vector<16xi32>, vector<16xi32>, vector<16xi32>], vector<16xi32>,
      %swap3A_1957 = arith.constant 5 : i32
      %swap3A_1958 = arith.constant 0 : i32
      %swap3A_1959 = tpu.memref_slice %arg6[%swap3A_1957, %swap3A_1958] : memref<8x128xi32, #tpu.memory_space<vmem>> -> memref<1x128xi32, #tpu.memory_space<vmem>>
      %swap3A_1960 = tpu.memref_squeeze %swap3A_1959 : memref<1x128xi32, #tpu.memory_space<vmem>> -> memref<128xi32, #tpu.memory_space<vmem>>
      %swap3A_1961 = arith.constant 96 : index
      %swap3A_1962 = tpu.vector_load %swap3A_1960[%swap3A_1961] {strides = array<i32>} : memref<128xi32, #tpu.memory_space<vmem>>, vector<16xi32>,
      tpu.vector_store %swap3A_1960[%swap3A_1961], %gather3A_1956 {strides = array<i32>} : memref<128xi32, #tpu.memory_space<vmem>>, vector<16xi32>,
      %add3A_1963 = arith.constant 56 : i32
      %add3A_1964 = vector.broadcast %add3A_1963 : i32 to vector<16xi32>
      %add3A_1965 = arith.addi %shift_right_logical3A_9, %add3A_1964 : vector<16xi32>
      %gather3A_1966 = tpu.vector_load_idx %arg5[%add3A_1892, %and3A_7, %add3A_1965] : memref<200x2x64xi32, #tpu.memory_space<vmem>>[vector<16xi32>, vector<16xi32>, vector<16xi32>], vector<16xi32>,
      %swap3A_1967 = arith.constant 5 : i32
      %swap3A_1968 = arith.constant 0 : i32
      %swap3A_1969 = tpu.memref_slice %arg6[%swap3A_1967, %swap3A_1968] : memref<8x128xi32, #tpu.memory_space<vmem>> -> memref<1x128xi32, #tpu.memory_space<vmem>>
      %swap3A_1970 = tpu.memref_squeeze %swap3A_1969 : memref<1x128xi32, #tpu.memory_space<vmem>> -> memref<128xi32, #tpu.memory_space<vmem>>
      %swap3A_1971 = arith.constant 112 : index
      %swap3A_1972 = tpu.vector_load %swap3A_1970[%swap3A_1971] {strides = array<i32>} : memref<128xi32, #tpu.memory_space<vmem>>, vector<16xi32>,
      tpu.vector_store %swap3A_1970[%swap3A_1971], %gather3A_1966 {strides = array<i32>} : memref<128xi32, #tpu.memory_space<vmem>>, vector<16xi32>,
      %dma_start3A_1973 = arith.constant 5 : i32
      %dma_start3A_1974 = arith.constant 5 : i32
      %dma_start3A_1975 = arith.constant 0 : i32
      %dma_start3A_1976 = arith.constant 0 : i32
      %dma_start3A_1977 = tpu.memref_slice %arg7[%dma_start3A_1974, %dma_start3A_1975, %dma_start3A_1976] : memref<8x128x64xf32, #tpu.memory_space<vmem>> -> memref<1x128x64xf32, #tpu.memory_space<vmem>>
      %dma_start3A_1978 = tpu.memref_squeeze %dma_start3A_1977 : memref<1x128x64xf32, #tpu.memory_space<vmem>> -> memref<128x64xf32, #tpu.memory_space<vmem>>
      %dma_start3A_1979 = arith.constant 0 : i32
      %dma_start3A_1980 = tpu.memref_slice %arg6[%dma_start3A_1973, %dma_start3A_1979] : memref<8x128xi32, #tpu.memory_space<vmem>> -> memref<1x128xi32, #tpu.memory_space<vmem>>
      %dma_start3A_1981 = tpu.memref_squeeze %dma_start3A_1980 : memref<1x128xi32, #tpu.memory_space<vmem>> -> memref<128xi32, #tpu.memory_space<vmem>>
      %dma_start3A_1982 = arith.constant 0 : i32
      %dma_start3A_1983 = arith.constant 0 : i32
      %dma_start3A_1984 = tpu.memref_slice %arg2[%dma_start3A_1982, %dma_start3A_1983] : memref<1000000x64xf32, #tpu.memory_space<hbm>> -> memref<1000000x64xf32, #tpu.memory_space<hbm>>
      tpu.enqueue_indirect_dma source(%dma_start3A_1984 : memref<1000000x64xf32, #tpu.memory_space<hbm>>) target(%dma_start3A_1978 : memref<128x64xf32, #tpu.memory_space<vmem>>) offsets(%dma_start3A_1981 : memref<128xi32, #tpu.memory_space<vmem>>) semaphore(%arg13 : memref<!tpu.dma_semaphore, #tpu.memory_space<semaphore_mem>>)
      %add3A_1985 = arith.constant 6 : i32
      %add3A_1986 = arith.addi %mul3A_1126, %add3A_1985 : i32
      %dma_wait3A_1987 = arith.constant 6 : i32
      %dma_wait3A_1988 = arith.constant 6 : i32
      %dma_wait3A_1989 = arith.constant 0 : i32
      %dma_wait3A_1990 = arith.constant 0 : i32
      %dma_wait3A_1991 = tpu.memref_slice %arg7[%dma_wait3A_1988, %dma_wait3A_1989, %dma_wait3A_1990] : memref<8x128x64xf32, #tpu.memory_space<vmem>> -> memref<1x128x64xf32, #tpu.memory_space<vmem>>
      %dma_wait3A_1992 = tpu.memref_squeeze %dma_wait3A_1991 : memref<1x128x64xf32, #tpu.memory_space<vmem>> -> memref<128x64xf32, #tpu.memory_space<vmem>>
      %dma_wait3A_1993 = arith.constant 0 : i32
      %dma_wait3A_1994 = tpu.memref_slice %arg6[%dma_wait3A_1987, %dma_wait3A_1993] : memref<8x128xi32, #tpu.memory_space<vmem>> -> memref<1x128xi32, #tpu.memory_space<vmem>>
      %dma_wait3A_1995 = tpu.memref_squeeze %dma_wait3A_1994 : memref<1x128xi32, #tpu.memory_space<vmem>> -> memref<128xi32, #tpu.memory_space<vmem>>
      %dma_wait3A_1996 = arith.constant 0 : i32
      %dma_wait3A_1997 = arith.constant 0 : i32
      %dma_wait3A_1998 = tpu.memref_slice %arg2[%dma_wait3A_1996, %dma_wait3A_1997] : memref<1000000x64xf32, #tpu.memory_space<hbm>> -> memref<1000000x64xf32, #tpu.memory_space<hbm>>
      tpu.wait_indirect_dma semaphore(%arg14 : memref<!tpu.dma_semaphore, #tpu.memory_space<semaphore_mem>>) src(%dma_wait3A_1998 : memref<1000000x64xf32, #tpu.memory_space<hbm>>) dst(%dma_wait3A_1992 : memref<128x64xf32, #tpu.memory_space<vmem>>)
      %mul3A_1999 = arith.constant 2048 : i32
      %mul3A_2000 = arith.muli %add3A_1986, %mul3A_1999 : i32
      %add3A_2001 = arith.addi %mul3A_2000, %mul3A_2 : i32
      %mul3A_2002 = arith.constant 2 : i32
      %mul3A_2003 = arith.muli %mul3A_2002, %add3A_2001 : i32
      %dma_start3A_2004 = arith.constant 6 : i32
      %dma_start3A_2005 = arith.constant 0 : i32
      %dma_start3A_2006 = arith.constant 0 : i32
      %dma_start3A_2007 = tpu.memref_slice %arg7[%dma_start3A_2004, %dma_start3A_2005, %dma_start3A_2006] : memref<8x128x64xf32, #tpu.memory_space<vmem>> -> memref<1x128x64xf32, #tpu.memory_space<vmem>>
      %dma_start3A_2008 = tpu.memref_squeeze %dma_start3A_2007 : memref<1x128x64xf32, #tpu.memory_space<vmem>> -> memref<128x64xf32, #tpu.memory_space<vmem>>
      %dma_start3A_2009 = arith.constant 0 : i32
      %dma_start3A_2010 = tpu.memref_slice %arg4[%mul3A_2003, %dma_start3A_2009] : memref<819200x64xf32, #tpu.memory_space<hbm>> -> memref<128x64xf32, #tpu.memory_space<hbm>>
      %dma_start3A_2011 = arith.constant 0 : i32
      %dma_start3A_2012 = tpu.memref_slice %arg4[%mul3A_2003, %dma_start3A_2011] : memref<819200x64xf32, #tpu.memory_space<hbm>> -> memref<128x64xf32, #tpu.memory_space<hbm>>
      %dma_start3A_2013 = arith.constant 0 : i32
      %dma_start3A_2014 = arith.constant 0 : i32
      %dma_start3A_2015 = tpu.memref_slice %arg7[%dma_start3A_2004, %dma_start3A_2013, %dma_start3A_2014] : memref<8x128x64xf32, #tpu.memory_space<vmem>> -> memref<1x128x64xf32, #tpu.memory_space<vmem>>
      %dma_start3A_2016 = tpu.memref_squeeze %dma_start3A_2015 : memref<1x128x64xf32, #tpu.memory_space<vmem>> -> memref<128x64xf32, #tpu.memory_space<vmem>>
      tpu.enqueue_dma source(%dma_start3A_2016 : memref<128x64xf32, #tpu.memory_space<vmem>>) target(%dma_start3A_2012 : memref<128x64xf32, #tpu.memory_space<hbm>>) target_semaphore(%arg22 : memref<!tpu.dma_semaphore, #tpu.memory_space<semaphore_mem>>)
      %dma_wait3A_2017 = arith.constant 6 : i32
      %dma_wait3A_2018 = arith.constant 0 : i32
      %dma_wait3A_2019 = arith.constant 0 : i32
      %dma_wait3A_2020 = tpu.memref_slice %arg7[%dma_wait3A_2017, %dma_wait3A_2018, %dma_wait3A_2019] : memref<8x128x64xf32, #tpu.memory_space<vmem>> -> memref<1x128x64xf32, #tpu.memory_space<vmem>>
      %dma_wait3A_2021 = tpu.memref_squeeze %dma_wait3A_2020 : memref<1x128x64xf32, #tpu.memory_space<vmem>> -> memref<128x64xf32, #tpu.memory_space<vmem>>
      %dma_wait3A_2022 = arith.constant 0 : i32
      %dma_wait3A_2023 = tpu.memref_slice %arg4[%mul3A_2003, %dma_wait3A_2022] : memref<819200x64xf32, #tpu.memory_space<hbm>> -> memref<128x64xf32, #tpu.memory_space<hbm>>
      %dma_wait3A_2024 = arith.constant 0 : i32
      %dma_wait3A_2025 = tpu.memref_slice %arg4[%mul3A_2003, %dma_wait3A_2024] : memref<819200x64xf32, #tpu.memory_space<hbm>> -> memref<128x64xf32, #tpu.memory_space<hbm>>
      %dma_wait3A_2026 = arith.constant 0 : i32
      %dma_wait3A_2027 = arith.constant 0 : i32
      %dma_wait3A_2028 = tpu.memref_slice %arg7[%dma_wait3A_2017, %dma_wait3A_2026, %dma_wait3A_2027] : memref<8x128x64xf32, #tpu.memory_space<vmem>> -> memref<1x128x64xf32, #tpu.memory_space<vmem>>
      %dma_wait3A_2029 = tpu.memref_squeeze %dma_wait3A_2028 : memref<1x128x64xf32, #tpu.memory_space<vmem>> -> memref<128x64xf32, #tpu.memory_space<vmem>>
      tpu.wait_dma2 semaphore(%arg22 : memref<!tpu.dma_semaphore, #tpu.memory_space<semaphore_mem>>) src(%dma_wait3A_2029 : memref<128x64xf32, #tpu.memory_space<vmem>>) dst(%dma_wait3A_2025 : memref<128x64xf32, #tpu.memory_space<hbm>>)
      %add3A_2030 = arith.constant 8 : i32
      %add3A_2031 = arith.addi %add3A_1986, %add3A_2030 : i32
      %broadcast_in_dim3A_2032 = arith.constant 0 : i32
      %broadcast_in_dim3A_2033 = vector.broadcast %broadcast_in_dim3A_2032 : i32 to vector<16xi32>
      %add3A_2034 = vector.broadcast %add3A_2031 : i32 to vector<16xi32>
      %add3A_2035 = arith.addi %broadcast_in_dim3A_2033, %add3A_2034 : vector<16xi32>
      %add3A_2036 = arith.constant 0 : i32
      %add3A_2037 = vector.broadcast %add3A_2036 : i32 to vector<16xi32>
      %add3A_2038 = arith.addi %shift_right_logical3A_9, %add3A_2037 : vector<16xi32>
      %gather3A_2039 = tpu.vector_load_idx %arg5[%add3A_2035, %and3A_7, %add3A_2038] : memref<200x2x64xi32, #tpu.memory_space<vmem>>[vector<16xi32>, vector<16xi32>, vector<16xi32>], vector<16xi32>,
      %swap3A_2040 = arith.constant 6 : i32
      %swap3A_2041 = arith.constant 0 : i32
      %swap3A_2042 = tpu.memref_slice %arg6[%swap3A_2040, %swap3A_2041] : memref<8x128xi32, #tpu.memory_space<vmem>> -> memref<1x128xi32, #tpu.memory_space<vmem>>
      %swap3A_2043 = tpu.memref_squeeze %swap3A_2042 : memref<1x128xi32, #tpu.memory_space<vmem>> -> memref<128xi32, #tpu.memory_space<vmem>>
      %swap3A_2044 = arith.constant 0 : index
      %swap3A_2045 = tpu.vector_load %swap3A_2043[%swap3A_2044] {strides = array<i32>} : memref<128xi32, #tpu.memory_space<vmem>>, vector<16xi32>,
      tpu.vector_store %swap3A_2043[%swap3A_2044], %gather3A_2039 {strides = array<i32>} : memref<128xi32, #tpu.memory_space<vmem>>, vector<16xi32>,
      %add3A_2046 = arith.constant 8 : i32
      %add3A_2047 = vector.broadcast %add3A_2046 : i32 to vector<16xi32>
      %add3A_2048 = arith.addi %shift_right_logical3A_9, %add3A_2047 : vector<16xi32>
      %gather3A_2049 = tpu.vector_load_idx %arg5[%add3A_2035, %and3A_7, %add3A_2048] : memref<200x2x64xi32, #tpu.memory_space<vmem>>[vector<16xi32>, vector<16xi32>, vector<16xi32>], vector<16xi32>,
      %swap3A_2050 = arith.constant 6 : i32
      %swap3A_2051 = arith.constant 0 : i32
      %swap3A_2052 = tpu.memref_slice %arg6[%swap3A_2050, %swap3A_2051] : memref<8x128xi32, #tpu.memory_space<vmem>> -> memref<1x128xi32, #tpu.memory_space<vmem>>
      %swap3A_2053 = tpu.memref_squeeze %swap3A_2052 : memref<1x128xi32, #tpu.memory_space<vmem>> -> memref<128xi32, #tpu.memory_space<vmem>>
      %swap3A_2054 = arith.constant 16 : index
      %swap3A_2055 = tpu.vector_load %swap3A_2053[%swap3A_2054] {strides = array<i32>} : memref<128xi32, #tpu.memory_space<vmem>>, vector<16xi32>,
      tpu.vector_store %swap3A_2053[%swap3A_2054], %gather3A_2049 {strides = array<i32>} : memref<128xi32, #tpu.memory_space<vmem>>, vector<16xi32>,
      %add3A_2056 = arith.constant 16 : i32
      %add3A_2057 = vector.broadcast %add3A_2056 : i32 to vector<16xi32>
      %add3A_2058 = arith.addi %shift_right_logical3A_9, %add3A_2057 : vector<16xi32>
      %gather3A_2059 = tpu.vector_load_idx %arg5[%add3A_2035, %and3A_7, %add3A_2058] : memref<200x2x64xi32, #tpu.memory_space<vmem>>[vector<16xi32>, vector<16xi32>, vector<16xi32>], vector<16xi32>,
      %swap3A_2060 = arith.constant 6 : i32
      %swap3A_2061 = arith.constant 0 : i32
      %swap3A_2062 = tpu.memref_slice %arg6[%swap3A_2060, %swap3A_2061] : memref<8x128xi32, #tpu.memory_space<vmem>> -> memref<1x128xi32, #tpu.memory_space<vmem>>
      %swap3A_2063 = tpu.memref_squeeze %swap3A_2062 : memref<1x128xi32, #tpu.memory_space<vmem>> -> memref<128xi32, #tpu.memory_space<vmem>>
      %swap3A_2064 = arith.constant 32 : index
      %swap3A_2065 = tpu.vector_load %swap3A_2063[%swap3A_2064] {strides = array<i32>} : memref<128xi32, #tpu.memory_space<vmem>>, vector<16xi32>,
      tpu.vector_store %swap3A_2063[%swap3A_2064], %gather3A_2059 {strides = array<i32>} : memref<128xi32, #tpu.memory_space<vmem>>, vector<16xi32>,
      %add3A_2066 = arith.constant 24 : i32
      %add3A_2067 = vector.broadcast %add3A_2066 : i32 to vector<16xi32>
      %add3A_2068 = arith.addi %shift_right_logical3A_9, %add3A_2067 : vector<16xi32>
      %gather3A_2069 = tpu.vector_load_idx %arg5[%add3A_2035, %and3A_7, %add3A_2068] : memref<200x2x64xi32, #tpu.memory_space<vmem>>[vector<16xi32>, vector<16xi32>, vector<16xi32>], vector<16xi32>,
      %swap3A_2070 = arith.constant 6 : i32
      %swap3A_2071 = arith.constant 0 : i32
      %swap3A_2072 = tpu.memref_slice %arg6[%swap3A_2070, %swap3A_2071] : memref<8x128xi32, #tpu.memory_space<vmem>> -> memref<1x128xi32, #tpu.memory_space<vmem>>
      %swap3A_2073 = tpu.memref_squeeze %swap3A_2072 : memref<1x128xi32, #tpu.memory_space<vmem>> -> memref<128xi32, #tpu.memory_space<vmem>>
      %swap3A_2074 = arith.constant 48 : index
      %swap3A_2075 = tpu.vector_load %swap3A_2073[%swap3A_2074] {strides = array<i32>} : memref<128xi32, #tpu.memory_space<vmem>>, vector<16xi32>,
      tpu.vector_store %swap3A_2073[%swap3A_2074], %gather3A_2069 {strides = array<i32>} : memref<128xi32, #tpu.memory_space<vmem>>, vector<16xi32>,
      %add3A_2076 = arith.constant 32 : i32
      %add3A_2077 = vector.broadcast %add3A_2076 : i32 to vector<16xi32>
      %add3A_2078 = arith.addi %shift_right_logical3A_9, %add3A_2077 : vector<16xi32>
      %gather3A_2079 = tpu.vector_load_idx %arg5[%add3A_2035, %and3A_7, %add3A_2078] : memref<200x2x64xi32, #tpu.memory_space<vmem>>[vector<16xi32>, vector<16xi32>, vector<16xi32>], vector<16xi32>,
      %swap3A_2080 = arith.constant 6 : i32
      %swap3A_2081 = arith.constant 0 : i32
      %swap3A_2082 = tpu.memref_slice %arg6[%swap3A_2080, %swap3A_2081] : memref<8x128xi32, #tpu.memory_space<vmem>> -> memref<1x128xi32, #tpu.memory_space<vmem>>
      %swap3A_2083 = tpu.memref_squeeze %swap3A_2082 : memref<1x128xi32, #tpu.memory_space<vmem>> -> memref<128xi32, #tpu.memory_space<vmem>>
      %swap3A_2084 = arith.constant 64 : index
      %swap3A_2085 = tpu.vector_load %swap3A_2083[%swap3A_2084] {strides = array<i32>} : memref<128xi32, #tpu.memory_space<vmem>>, vector<16xi32>,
      tpu.vector_store %swap3A_2083[%swap3A_2084], %gather3A_2079 {strides = array<i32>} : memref<128xi32, #tpu.memory_space<vmem>>, vector<16xi32>,
      %add3A_2086 = arith.constant 40 : i32
      %add3A_2087 = vector.broadcast %add3A_2086 : i32 to vector<16xi32>
      %add3A_2088 = arith.addi %shift_right_logical3A_9, %add3A_2087 : vector<16xi32>
      %gather3A_2089 = tpu.vector_load_idx %arg5[%add3A_2035, %and3A_7, %add3A_2088] : memref<200x2x64xi32, #tpu.memory_space<vmem>>[vector<16xi32>, vector<16xi32>, vector<16xi32>], vector<16xi32>,
      %swap3A_2090 = arith.constant 6 : i32
      %swap3A_2091 = arith.constant 0 : i32
      %swap3A_2092 = tpu.memref_slice %arg6[%swap3A_2090, %swap3A_2091] : memref<8x128xi32, #tpu.memory_space<vmem>> -> memref<1x128xi32, #tpu.memory_space<vmem>>
      %swap3A_2093 = tpu.memref_squeeze %swap3A_2092 : memref<1x128xi32, #tpu.memory_space<vmem>> -> memref<128xi32, #tpu.memory_space<vmem>>
      %swap3A_2094 = arith.constant 80 : index
      %swap3A_2095 = tpu.vector_load %swap3A_2093[%swap3A_2094] {strides = array<i32>} : memref<128xi32, #tpu.memory_space<vmem>>, vector<16xi32>,
      tpu.vector_store %swap3A_2093[%swap3A_2094], %gather3A_2089 {strides = array<i32>} : memref<128xi32, #tpu.memory_space<vmem>>, vector<16xi32>,
      %add3A_2096 = arith.constant 48 : i32
      %add3A_2097 = vector.broadcast %add3A_2096 : i32 to vector<16xi32>
      %add3A_2098 = arith.addi %shift_right_logical3A_9, %add3A_2097 : vector<16xi32>
      %gather3A_2099 = tpu.vector_load_idx %arg5[%add3A_2035, %and3A_7, %add3A_2098] : memref<200x2x64xi32, #tpu.memory_space<vmem>>[vector<16xi32>, vector<16xi32>, vector<16xi32>], vector<16xi32>,
      %swap3A_2100 = arith.constant 6 : i32
      %swap3A_2101 = arith.constant 0 : i32
      %swap3A_2102 = tpu.memref_slice %arg6[%swap3A_2100, %swap3A_2101] : memref<8x128xi32, #tpu.memory_space<vmem>> -> memref<1x128xi32, #tpu.memory_space<vmem>>
      %swap3A_2103 = tpu.memref_squeeze %swap3A_2102 : memref<1x128xi32, #tpu.memory_space<vmem>> -> memref<128xi32, #tpu.memory_space<vmem>>
      %swap3A_2104 = arith.constant 96 : index
      %swap3A_2105 = tpu.vector_load %swap3A_2103[%swap3A_2104] {strides = array<i32>} : memref<128xi32, #tpu.memory_space<vmem>>, vector<16xi32>,
      tpu.vector_store %swap3A_2103[%swap3A_2104], %gather3A_2099 {strides = array<i32>} : memref<128xi32, #tpu.memory_space<vmem>>, vector<16xi32>,
      %add3A_2106 = arith.constant 56 : i32
      %add3A_2107 = vector.broadcast %add3A_2106 : i32 to vector<16xi32>
      %add3A_2108 = arith.addi %shift_right_logical3A_9, %add3A_2107 : vector<16xi32>
      %gather3A_2109 = tpu.vector_load_idx %arg5[%add3A_2035, %and3A_7, %add3A_2108] : memref<200x2x64xi32, #tpu.memory_space<vmem>>[vector<16xi32>, vector<16xi32>, vector<16xi32>], vector<16xi32>,
      %swap3A_2110 = arith.constant 6 : i32
      %swap3A_2111 = arith.constant 0 : i32
      %swap3A_2112 = tpu.memref_slice %arg6[%swap3A_2110, %swap3A_2111] : memref<8x128xi32, #tpu.memory_space<vmem>> -> memref<1x128xi32, #tpu.memory_space<vmem>>
      %swap3A_2113 = tpu.memref_squeeze %swap3A_2112 : memref<1x128xi32, #tpu.memory_space<vmem>> -> memref<128xi32, #tpu.memory_space<vmem>>
      %swap3A_2114 = arith.constant 112 : index
      %swap3A_2115 = tpu.vector_load %swap3A_2113[%swap3A_2114] {strides = array<i32>} : memref<128xi32, #tpu.memory_space<vmem>>, vector<16xi32>,
      tpu.vector_store %swap3A_2113[%swap3A_2114], %gather3A_2109 {strides = array<i32>} : memref<128xi32, #tpu.memory_space<vmem>>, vector<16xi32>,
      %dma_start3A_2116 = arith.constant 6 : i32
      %dma_start3A_2117 = arith.constant 6 : i32
      %dma_start3A_2118 = arith.constant 0 : i32
      %dma_start3A_2119 = arith.constant 0 : i32
      %dma_start3A_2120 = tpu.memref_slice %arg7[%dma_start3A_2117, %dma_start3A_2118, %dma_start3A_2119] : memref<8x128x64xf32, #tpu.memory_space<vmem>> -> memref<1x128x64xf32, #tpu.memory_space<vmem>>
      %dma_start3A_2121 = tpu.memref_squeeze %dma_start3A_2120 : memref<1x128x64xf32, #tpu.memory_space<vmem>> -> memref<128x64xf32, #tpu.memory_space<vmem>>
      %dma_start3A_2122 = arith.constant 0 : i32
      %dma_start3A_2123 = tpu.memref_slice %arg6[%dma_start3A_2116, %dma_start3A_2122] : memref<8x128xi32, #tpu.memory_space<vmem>> -> memref<1x128xi32, #tpu.memory_space<vmem>>
      %dma_start3A_2124 = tpu.memref_squeeze %dma_start3A_2123 : memref<1x128xi32, #tpu.memory_space<vmem>> -> memref<128xi32, #tpu.memory_space<vmem>>
      %dma_start3A_2125 = arith.constant 0 : i32
      %dma_start3A_2126 = arith.constant 0 : i32
      %dma_start3A_2127 = tpu.memref_slice %arg2[%dma_start3A_2125, %dma_start3A_2126] : memref<1000000x64xf32, #tpu.memory_space<hbm>> -> memref<1000000x64xf32, #tpu.memory_space<hbm>>
      tpu.enqueue_indirect_dma source(%dma_start3A_2127 : memref<1000000x64xf32, #tpu.memory_space<hbm>>) target(%dma_start3A_2121 : memref<128x64xf32, #tpu.memory_space<vmem>>) offsets(%dma_start3A_2124 : memref<128xi32, #tpu.memory_space<vmem>>) semaphore(%arg14 : memref<!tpu.dma_semaphore, #tpu.memory_space<semaphore_mem>>)
      %add3A_2128 = arith.constant 7 : i32
      %add3A_2129 = arith.addi %mul3A_1126, %add3A_2128 : i32
      %dma_wait3A_2130 = arith.constant 7 : i32
      %dma_wait3A_2131 = arith.constant 7 : i32
      %dma_wait3A_2132 = arith.constant 0 : i32
      %dma_wait3A_2133 = arith.constant 0 : i32
      %dma_wait3A_2134 = tpu.memref_slice %arg7[%dma_wait3A_2131, %dma_wait3A_2132, %dma_wait3A_2133] : memref<8x128x64xf32, #tpu.memory_space<vmem>> -> memref<1x128x64xf32, #tpu.memory_space<vmem>>
      %dma_wait3A_2135 = tpu.memref_squeeze %dma_wait3A_2134 : memref<1x128x64xf32, #tpu.memory_space<vmem>> -> memref<128x64xf32, #tpu.memory_space<vmem>>
      %dma_wait3A_2136 = arith.constant 0 : i32
      %dma_wait3A_2137 = tpu.memref_slice %arg6[%dma_wait3A_2130, %dma_wait3A_2136] : memref<8x128xi32, #tpu.memory_space<vmem>> -> memref<1x128xi32, #tpu.memory_space<vmem>>
      %dma_wait3A_2138 = tpu.memref_squeeze %dma_wait3A_2137 : memref<1x128xi32, #tpu.memory_space<vmem>> -> memref<128xi32, #tpu.memory_space<vmem>>
      %dma_wait3A_2139 = arith.constant 0 : i32
      %dma_wait3A_2140 = arith.constant 0 : i32
      %dma_wait3A_2141 = tpu.memref_slice %arg2[%dma_wait3A_2139, %dma_wait3A_2140] : memref<1000000x64xf32, #tpu.memory_space<hbm>> -> memref<1000000x64xf32, #tpu.memory_space<hbm>>
      tpu.wait_indirect_dma semaphore(%arg15 : memref<!tpu.dma_semaphore, #tpu.memory_space<semaphore_mem>>) src(%dma_wait3A_2141 : memref<1000000x64xf32, #tpu.memory_space<hbm>>) dst(%dma_wait3A_2135 : memref<128x64xf32, #tpu.memory_space<vmem>>)
      %mul3A_2142 = arith.constant 2048 : i32
      %mul3A_2143 = arith.muli %add3A_2129, %mul3A_2142 : i32
      %add3A_2144 = arith.addi %mul3A_2143, %mul3A_2 : i32
      %mul3A_2145 = arith.constant 2 : i32
      %mul3A_2146 = arith.muli %mul3A_2145, %add3A_2144 : i32
      %dma_start3A_2147 = arith.constant 7 : i32
      %dma_start3A_2148 = arith.constant 0 : i32
      %dma_start3A_2149 = arith.constant 0 : i32
      %dma_start3A_2150 = tpu.memref_slice %arg7[%dma_start3A_2147, %dma_start3A_2148, %dma_start3A_2149] : memref<8x128x64xf32, #tpu.memory_space<vmem>> -> memref<1x128x64xf32, #tpu.memory_space<vmem>>
      %dma_start3A_2151 = tpu.memref_squeeze %dma_start3A_2150 : memref<1x128x64xf32, #tpu.memory_space<vmem>> -> memref<128x64xf32, #tpu.memory_space<vmem>>
      %dma_start3A_2152 = arith.constant 0 : i32
      %dma_start3A_2153 = tpu.memref_slice %arg4[%mul3A_2146, %dma_start3A_2152] : memref<819200x64xf32, #tpu.memory_space<hbm>> -> memref<128x64xf32, #tpu.memory_space<hbm>>
      %dma_start3A_2154 = arith.constant 0 : i32
      %dma_start3A_2155 = tpu.memref_slice %arg4[%mul3A_2146, %dma_start3A_2154] : memref<819200x64xf32, #tpu.memory_space<hbm>> -> memref<128x64xf32, #tpu.memory_space<hbm>>
      %dma_start3A_2156 = arith.constant 0 : i32
      %dma_start3A_2157 = arith.constant 0 : i32
      %dma_start3A_2158 = tpu.memref_slice %arg7[%dma_start3A_2147, %dma_start3A_2156, %dma_start3A_2157] : memref<8x128x64xf32, #tpu.memory_space<vmem>> -> memref<1x128x64xf32, #tpu.memory_space<vmem>>
      %dma_start3A_2159 = tpu.memref_squeeze %dma_start3A_2158 : memref<1x128x64xf32, #tpu.memory_space<vmem>> -> memref<128x64xf32, #tpu.memory_space<vmem>>
      tpu.enqueue_dma source(%dma_start3A_2159 : memref<128x64xf32, #tpu.memory_space<vmem>>) target(%dma_start3A_2155 : memref<128x64xf32, #tpu.memory_space<hbm>>) target_semaphore(%arg23 : memref<!tpu.dma_semaphore, #tpu.memory_space<semaphore_mem>>)
      %dma_wait3A_2160 = arith.constant 7 : i32
      %dma_wait3A_2161 = arith.constant 0 : i32
      %dma_wait3A_2162 = arith.constant 0 : i32
      %dma_wait3A_2163 = tpu.memref_slice %arg7[%dma_wait3A_2160, %dma_wait3A_2161, %dma_wait3A_2162] : memref<8x128x64xf32, #tpu.memory_space<vmem>> -> memref<1x128x64xf32, #tpu.memory_space<vmem>>
      %dma_wait3A_2164 = tpu.memref_squeeze %dma_wait3A_2163 : memref<1x128x64xf32, #tpu.memory_space<vmem>> -> memref<128x64xf32, #tpu.memory_space<vmem>>
      %dma_wait3A_2165 = arith.constant 0 : i32
      %dma_wait3A_2166 = tpu.memref_slice %arg4[%mul3A_2146, %dma_wait3A_2165] : memref<819200x64xf32, #tpu.memory_space<hbm>> -> memref<128x64xf32, #tpu.memory_space<hbm>>
      %dma_wait3A_2167 = arith.constant 0 : i32
      %dma_wait3A_2168 = tpu.memref_slice %arg4[%mul3A_2146, %dma_wait3A_2167] : memref<819200x64xf32, #tpu.memory_space<hbm>> -> memref<128x64xf32, #tpu.memory_space<hbm>>
      %dma_wait3A_2169 = arith.constant 0 : i32
      %dma_wait3A_2170 = arith.constant 0 : i32
      %dma_wait3A_2171 = tpu.memref_slice %arg7[%dma_wait3A_2160, %dma_wait3A_2169, %dma_wait3A_2170] : memref<8x128x64xf32, #tpu.memory_space<vmem>> -> memref<1x128x64xf32, #tpu.memory_space<vmem>>
      %dma_wait3A_2172 = tpu.memref_squeeze %dma_wait3A_2171 : memref<1x128x64xf32, #tpu.memory_space<vmem>> -> memref<128x64xf32, #tpu.memory_space<vmem>>
      tpu.wait_dma2 semaphore(%arg23 : memref<!tpu.dma_semaphore, #tpu.memory_space<semaphore_mem>>) src(%dma_wait3A_2172 : memref<128x64xf32, #tpu.memory_space<vmem>>) dst(%dma_wait3A_2168 : memref<128x64xf32, #tpu.memory_space<hbm>>)
      %add3A_2173 = arith.constant 8 : i32
      %add3A_2174 = arith.addi %add3A_2129, %add3A_2173 : i32
      %broadcast_in_dim3A_2175 = arith.constant 0 : i32
      %broadcast_in_dim3A_2176 = vector.broadcast %broadcast_in_dim3A_2175 : i32 to vector<16xi32>
      %add3A_2177 = vector.broadcast %add3A_2174 : i32 to vector<16xi32>
      %add3A_2178 = arith.addi %broadcast_in_dim3A_2176, %add3A_2177 : vector<16xi32>
      %add3A_2179 = arith.constant 0 : i32
      %add3A_2180 = vector.broadcast %add3A_2179 : i32 to vector<16xi32>
      %add3A_2181 = arith.addi %shift_right_logical3A_9, %add3A_2180 : vector<16xi32>
      %gather3A_2182 = tpu.vector_load_idx %arg5[%add3A_2178, %and3A_7, %add3A_2181] : memref<200x2x64xi32, #tpu.memory_space<vmem>>[vector<16xi32>, vector<16xi32>, vector<16xi32>], vector<16xi32>,
      %swap3A_2183 = arith.constant 7 : i32
      %swap3A_2184 = arith.constant 0 : i32
      %swap3A_2185 = tpu.memref_slice %arg6[%swap3A_2183, %swap3A_2184] : memref<8x128xi32, #tpu.memory_space<vmem>> -> memref<1x128xi32, #tpu.memory_space<vmem>>
      %swap3A_2186 = tpu.memref_squeeze %swap3A_2185 : memref<1x128xi32, #tpu.memory_space<vmem>> -> memref<128xi32, #tpu.memory_space<vmem>>
      %swap3A_2187 = arith.constant 0 : index
      %swap3A_2188 = tpu.vector_load %swap3A_2186[%swap3A_2187] {strides = array<i32>} : memref<128xi32, #tpu.memory_space<vmem>>, vector<16xi32>,
      tpu.vector_store %swap3A_2186[%swap3A_2187], %gather3A_2182 {strides = array<i32>} : memref<128xi32, #tpu.memory_space<vmem>>, vector<16xi32>,
      %add3A_2189 = arith.constant 8 : i32
      %add3A_2190 = vector.broadcast %add3A_2189 : i32 to vector<16xi32>
      %add3A_2191 = arith.addi %shift_right_logical3A_9, %add3A_2190 : vector<16xi32>
      %gather3A_2192 = tpu.vector_load_idx %arg5[%add3A_2178, %and3A_7, %add3A_2191] : memref<200x2x64xi32, #tpu.memory_space<vmem>>[vector<16xi32>, vector<16xi32>, vector<16xi32>], vector<16xi32>,
      %swap3A_2193 = arith.constant 7 : i32
      %swap3A_2194 = arith.constant 0 : i32
      %swap3A_2195 = tpu.memref_slice %arg6[%swap3A_2193, %swap3A_2194] : memref<8x128xi32, #tpu.memory_space<vmem>> -> memref<1x128xi32, #tpu.memory_space<vmem>>
      %swap3A_2196 = tpu.memref_squeeze %swap3A_2195 : memref<1x128xi32, #tpu.memory_space<vmem>> -> memref<128xi32, #tpu.memory_space<vmem>>
      %swap3A_2197 = arith.constant 16 : index
      %swap3A_2198 = tpu.vector_load %swap3A_2196[%swap3A_2197] {strides = array<i32>} : memref<128xi32, #tpu.memory_space<vmem>>, vector<16xi32>,
      tpu.vector_store %swap3A_2196[%swap3A_2197], %gather3A_2192 {strides = array<i32>} : memref<128xi32, #tpu.memory_space<vmem>>, vector<16xi32>,
      %add3A_2199 = arith.constant 16 : i32
      %add3A_2200 = vector.broadcast %add3A_2199 : i32 to vector<16xi32>
      %add3A_2201 = arith.addi %shift_right_logical3A_9, %add3A_2200 : vector<16xi32>
      %gather3A_2202 = tpu.vector_load_idx %arg5[%add3A_2178, %and3A_7, %add3A_2201] : memref<200x2x64xi32, #tpu.memory_space<vmem>>[vector<16xi32>, vector<16xi32>, vector<16xi32>], vector<16xi32>,
      %swap3A_2203 = arith.constant 7 : i32
      %swap3A_2204 = arith.constant 0 : i32
      %swap3A_2205 = tpu.memref_slice %arg6[%swap3A_2203, %swap3A_2204] : memref<8x128xi32, #tpu.memory_space<vmem>> -> memref<1x128xi32, #tpu.memory_space<vmem>>
      %swap3A_2206 = tpu.memref_squeeze %swap3A_2205 : memref<1x128xi32, #tpu.memory_space<vmem>> -> memref<128xi32, #tpu.memory_space<vmem>>
      %swap3A_2207 = arith.constant 32 : index
      %swap3A_2208 = tpu.vector_load %swap3A_2206[%swap3A_2207] {strides = array<i32>} : memref<128xi32, #tpu.memory_space<vmem>>, vector<16xi32>,
      tpu.vector_store %swap3A_2206[%swap3A_2207], %gather3A_2202 {strides = array<i32>} : memref<128xi32, #tpu.memory_space<vmem>>, vector<16xi32>,
      %add3A_2209 = arith.constant 24 : i32
      %add3A_2210 = vector.broadcast %add3A_2209 : i32 to vector<16xi32>
      %add3A_2211 = arith.addi %shift_right_logical3A_9, %add3A_2210 : vector<16xi32>
      %gather3A_2212 = tpu.vector_load_idx %arg5[%add3A_2178, %and3A_7, %add3A_2211] : memref<200x2x64xi32, #tpu.memory_space<vmem>>[vector<16xi32>, vector<16xi32>, vector<16xi32>], vector<16xi32>,
      %swap3A_2213 = arith.constant 7 : i32
      %swap3A_2214 = arith.constant 0 : i32
      %swap3A_2215 = tpu.memref_slice %arg6[%swap3A_2213, %swap3A_2214] : memref<8x128xi32, #tpu.memory_space<vmem>> -> memref<1x128xi32, #tpu.memory_space<vmem>>
      %swap3A_2216 = tpu.memref_squeeze %swap3A_2215 : memref<1x128xi32, #tpu.memory_space<vmem>> -> memref<128xi32, #tpu.memory_space<vmem>>
      %swap3A_2217 = arith.constant 48 : index
      %swap3A_2218 = tpu.vector_load %swap3A_2216[%swap3A_2217] {strides = array<i32>} : memref<128xi32, #tpu.memory_space<vmem>>, vector<16xi32>,
      tpu.vector_store %swap3A_2216[%swap3A_2217], %gather3A_2212 {strides = array<i32>} : memref<128xi32, #tpu.memory_space<vmem>>, vector<16xi32>,
      %add3A_2219 = arith.constant 32 : i32
      %add3A_2220 = vector.broadcast %add3A_2219 : i32 to vector<16xi32>
      %add3A_2221 = arith.addi %shift_right_logical3A_9, %add3A_2220 : vector<16xi32>
      %gather3A_2222 = tpu.vector_load_idx %arg5[%add3A_2178, %and3A_7, %add3A_2221] : memref<200x2x64xi32, #tpu.memory_space<vmem>>[vector<16xi32>, vector<16xi32>, vector<16xi32>], vector<16xi32>,
      %swap3A_2223 = arith.constant 7 : i32
      %swap3A_2224 = arith.constant 0 : i32
      %swap3A_2225 = tpu.memref_slice %arg6[%swap3A_2223, %swap3A_2224] : memref<8x128xi32, #tpu.memory_space<vmem>> -> memref<1x128xi32, #tpu.memory_space<vmem>>
      %swap3A_2226 = tpu.memref_squeeze %swap3A_2225 : memref<1x128xi32, #tpu.memory_space<vmem>> -> memref<128xi32, #tpu.memory_space<vmem>>
      %swap3A_2227 = arith.constant 64 : index
      %swap3A_2228 = tpu.vector_load %swap3A_2226[%swap3A_2227] {strides = array<i32>} : memref<128xi32, #tpu.memory_space<vmem>>, vector<16xi32>,
      tpu.vector_store %swap3A_2226[%swap3A_2227], %gather3A_2222 {strides = array<i32>} : memref<128xi32, #tpu.memory_space<vmem>>, vector<16xi32>,
      %add3A_2229 = arith.constant 40 : i32
      %add3A_2230 = vector.broadcast %add3A_2229 : i32 to vector<16xi32>
      %add3A_2231 = arith.addi %shift_right_logical3A_9, %add3A_2230 : vector<16xi32>
      %gather3A_2232 = tpu.vector_load_idx %arg5[%add3A_2178, %and3A_7, %add3A_2231] : memref<200x2x64xi32, #tpu.memory_space<vmem>>[vector<16xi32>, vector<16xi32>, vector<16xi32>], vector<16xi32>,
      %swap3A_2233 = arith.constant 7 : i32
      %swap3A_2234 = arith.constant 0 : i32
      %swap3A_2235 = tpu.memref_slice %arg6[%swap3A_2233, %swap3A_2234] : memref<8x128xi32, #tpu.memory_space<vmem>> -> memref<1x128xi32, #tpu.memory_space<vmem>>
      %swap3A_2236 = tpu.memref_squeeze %swap3A_2235 : memref<1x128xi32, #tpu.memory_space<vmem>> -> memref<128xi32, #tpu.memory_space<vmem>>
      %swap3A_2237 = arith.constant 80 : index
      %swap3A_2238 = tpu.vector_load %swap3A_2236[%swap3A_2237] {strides = array<i32>} : memref<128xi32, #tpu.memory_space<vmem>>, vector<16xi32>,
      tpu.vector_store %swap3A_2236[%swap3A_2237], %gather3A_2232 {strides = array<i32>} : memref<128xi32, #tpu.memory_space<vmem>>, vector<16xi32>,
      %add3A_2239 = arith.constant 48 : i32
      %add3A_2240 = vector.broadcast %add3A_2239 : i32 to vector<16xi32>
      %add3A_2241 = arith.addi %shift_right_logical3A_9, %add3A_2240 : vector<16xi32>
      %gather3A_2242 = tpu.vector_load_idx %arg5[%add3A_2178, %and3A_7, %add3A_2241] : memref<200x2x64xi32, #tpu.memory_space<vmem>>[vector<16xi32>, vector<16xi32>, vector<16xi32>], vector<16xi32>,
      %swap3A_2243 = arith.constant 7 : i32
      %swap3A_2244 = arith.constant 0 : i32
      %swap3A_2245 = tpu.memref_slice %arg6[%swap3A_2243, %swap3A_2244] : memref<8x128xi32, #tpu.memory_space<vmem>> -> memref<1x128xi32, #tpu.memory_space<vmem>>
      %swap3A_2246 = tpu.memref_squeeze %swap3A_2245 : memref<1x128xi32, #tpu.memory_space<vmem>> -> memref<128xi32, #tpu.memory_space<vmem>>
      %swap3A_2247 = arith.constant 96 : index
      %swap3A_2248 = tpu.vector_load %swap3A_2246[%swap3A_2247] {strides = array<i32>} : memref<128xi32, #tpu.memory_space<vmem>>, vector<16xi32>,
      tpu.vector_store %swap3A_2246[%swap3A_2247], %gather3A_2242 {strides = array<i32>} : memref<128xi32, #tpu.memory_space<vmem>>, vector<16xi32>,
      %add3A_2249 = arith.constant 56 : i32
      %add3A_2250 = vector.broadcast %add3A_2249 : i32 to vector<16xi32>
      %add3A_2251 = arith.addi %shift_right_logical3A_9, %add3A_2250 : vector<16xi32>
      %gather3A_2252 = tpu.vector_load_idx %arg5[%add3A_2178, %and3A_7, %add3A_2251] : memref<200x2x64xi32, #tpu.memory_space<vmem>>[vector<16xi32>, vector<16xi32>, vector<16xi32>], vector<16xi32>,
      %swap3A_2253 = arith.constant 7 : i32
      %swap3A_2254 = arith.constant 0 : i32
      %swap3A_2255 = tpu.memref_slice %arg6[%swap3A_2253, %swap3A_2254] : memref<8x128xi32, #tpu.memory_space<vmem>> -> memref<1x128xi32, #tpu.memory_space<vmem>>
      %swap3A_2256 = tpu.memref_squeeze %swap3A_2255 : memref<1x128xi32, #tpu.memory_space<vmem>> -> memref<128xi32, #tpu.memory_space<vmem>>
      %swap3A_2257 = arith.constant 112 : index
      %swap3A_2258 = tpu.vector_load %swap3A_2256[%swap3A_2257] {strides = array<i32>} : memref<128xi32, #tpu.memory_space<vmem>>, vector<16xi32>,
      tpu.vector_store %swap3A_2256[%swap3A_2257], %gather3A_2252 {strides = array<i32>} : memref<128xi32, #tpu.memory_space<vmem>>, vector<16xi32>,
      %dma_start3A_2259 = arith.constant 7 : i32
      %dma_start3A_2260 = arith.constant 7 : i32
      %dma_start3A_2261 = arith.constant 0 : i32
      %dma_start3A_2262 = arith.constant 0 : i32
      %dma_start3A_2263 = tpu.memref_slice %arg7[%dma_start3A_2260, %dma_start3A_2261, %dma_start3A_2262] : memref<8x128x64xf32, #tpu.memory_space<vmem>> -> memref<1x128x64xf32, #tpu.memory_space<vmem>>
      %dma_start3A_2264 = tpu.memref_squeeze %dma_start3A_2263 : memref<1x128x64xf32, #tpu.memory_space<vmem>> -> memref<128x64xf32, #tpu.memory_space<vmem>>
      %dma_start3A_2265 = arith.constant 0 : i32
      %dma_start3A_2266 = tpu.memref_slice %arg6[%dma_start3A_2259, %dma_start3A_2265] : memref<8x128xi32, #tpu.memory_space<vmem>> -> memref<1x128xi32, #tpu.memory_space<vmem>>
      %dma_start3A_2267 = tpu.memref_squeeze %dma_start3A_2266 : memref<1x128xi32, #tpu.memory_space<vmem>> -> memref<128xi32, #tpu.memory_space<vmem>>
      %dma_start3A_2268 = arith.constant 0 : i32
      %dma_start3A_2269 = arith.constant 0 : i32
      %dma_start3A_2270 = tpu.memref_slice %arg2[%dma_start3A_2268, %dma_start3A_2269] : memref<1000000x64xf32, #tpu.memory_space<hbm>> -> memref<1000000x64xf32, #tpu.memory_space<hbm>>
      tpu.enqueue_indirect_dma source(%dma_start3A_2270 : memref<1000000x64xf32, #tpu.memory_space<hbm>>) target(%dma_start3A_2264 : memref<128x64xf32, #tpu.memory_space<vmem>>) offsets(%dma_start3A_2267 : memref<128xi32, #tpu.memory_space<vmem>>) semaphore(%arg15 : memref<!tpu.dma_semaphore, #tpu.memory_space<semaphore_mem>>)
      %scan3A_2271 = arith.constant 0 : i32
      scf.yield %scan3A_2271 : i32
    }
    %scan3A_787 = arith.constant 24 : i32
    %dma_wait3A = arith.constant 0 : i32
    %dma_wait3A_788 = arith.constant 0 : i32
    %dma_wait3A_789 = arith.constant 0 : i32
    %dma_wait3A_790 = arith.constant 0 : i32
    %dma_wait3A_791 = tpu.memref_slice %arg7[%dma_wait3A_788, %dma_wait3A_789, %dma_wait3A_790] : memref<8x128x64xf32, #tpu.memory_space<vmem>> -> memref<1x128x64xf32, #tpu.memory_space<vmem>>
    %dma_wait3A_792 = tpu.memref_squeeze %dma_wait3A_791 : memref<1x128x64xf32, #tpu.memory_space<vmem>> -> memref<128x64xf32, #tpu.memory_space<vmem>>
    %dma_wait3A_793 = arith.constant 0 : i32
    %dma_wait3A_794 = tpu.memref_slice %arg6[%dma_wait3A, %dma_wait3A_793] : memref<8x128xi32, #tpu.memory_space<vmem>> -> memref<1x128xi32, #tpu.memory_space<vmem>>
    %dma_wait3A_795 = tpu.memref_squeeze %dma_wait3A_794 : memref<1x128xi32, #tpu.memory_space<vmem>> -> memref<128xi32, #tpu.memory_space<vmem>>
    %dma_wait3A_796 = arith.constant 0 : i32
    %dma_wait3A_797 = arith.constant 0 : i32
    %dma_wait3A_798 = tpu.memref_slice %arg2[%dma_wait3A_796, %dma_wait3A_797] : memref<1000000x64xf32, #tpu.memory_space<hbm>> -> memref<1000000x64xf32, #tpu.memory_space<hbm>>
    tpu.wait_indirect_dma semaphore(%arg8 : memref<!tpu.dma_semaphore, #tpu.memory_space<semaphore_mem>>) src(%dma_wait3A_798 : memref<1000000x64xf32, #tpu.memory_space<hbm>>) dst(%dma_wait3A_792 : memref<128x64xf32, #tpu.memory_space<vmem>>)
    %add3A_799 = arith.constant 393216 : i32
    %add3A_800 = arith.addi %add3A_799, %mul3A_2 : i32
    %mul3A_801 = arith.constant 2 : i32
    %mul3A_802 = arith.muli %mul3A_801, %add3A_800 : i32
    %dma_start3A_803 = arith.constant 0 : i32
    %dma_start3A_804 = arith.constant 0 : i32
    %dma_start3A_805 = arith.constant 0 : i32
    %dma_start3A_806 = tpu.memref_slice %arg7[%dma_start3A_803, %dma_start3A_804, %dma_start3A_805] : memref<8x128x64xf32, #tpu.memory_space<vmem>> -> memref<1x128x64xf32, #tpu.memory_space<vmem>>
    %dma_start3A_807 = tpu.memref_squeeze %dma_start3A_806 : memref<1x128x64xf32, #tpu.memory_space<vmem>> -> memref<128x64xf32, #tpu.memory_space<vmem>>
    %dma_start3A_808 = arith.constant 0 : i32
    %dma_start3A_809 = tpu.memref_slice %arg4[%mul3A_802, %dma_start3A_808] : memref<819200x64xf32, #tpu.memory_space<hbm>> -> memref<128x64xf32, #tpu.memory_space<hbm>>
    %dma_start3A_810 = arith.constant 0 : i32
    %dma_start3A_811 = tpu.memref_slice %arg4[%mul3A_802, %dma_start3A_810] : memref<819200x64xf32, #tpu.memory_space<hbm>> -> memref<128x64xf32, #tpu.memory_space<hbm>>
    %dma_start3A_812 = arith.constant 0 : i32
    %dma_start3A_813 = arith.constant 0 : i32
    %dma_start3A_814 = tpu.memref_slice %arg7[%dma_start3A_803, %dma_start3A_812, %dma_start3A_813] : memref<8x128x64xf32, #tpu.memory_space<vmem>> -> memref<1x128x64xf32, #tpu.memory_space<vmem>>
    %dma_start3A_815 = tpu.memref_squeeze %dma_start3A_814 : memref<1x128x64xf32, #tpu.memory_space<vmem>> -> memref<128x64xf32, #tpu.memory_space<vmem>>
    tpu.enqueue_dma source(%dma_start3A_815 : memref<128x64xf32, #tpu.memory_space<vmem>>) target(%dma_start3A_811 : memref<128x64xf32, #tpu.memory_space<hbm>>) target_semaphore(%arg16 : memref<!tpu.dma_semaphore, #tpu.memory_space<semaphore_mem>>)
    %dma_wait3A_816 = arith.constant 0 : i32
    %dma_wait3A_817 = arith.constant 0 : i32
    %dma_wait3A_818 = arith.constant 0 : i32
    %dma_wait3A_819 = tpu.memref_slice %arg7[%dma_wait3A_816, %dma_wait3A_817, %dma_wait3A_818] : memref<8x128x64xf32, #tpu.memory_space<vmem>> -> memref<1x128x64xf32, #tpu.memory_space<vmem>>
    %dma_wait3A_820 = tpu.memref_squeeze %dma_wait3A_819 : memref<1x128x64xf32, #tpu.memory_space<vmem>> -> memref<128x64xf32, #tpu.memory_space<vmem>>
    %dma_wait3A_821 = arith.constant 0 : i32
    %dma_wait3A_822 = tpu.memref_slice %arg4[%mul3A_802, %dma_wait3A_821] : memref<819200x64xf32, #tpu.memory_space<hbm>> -> memref<128x64xf32, #tpu.memory_space<hbm>>
    %dma_wait3A_823 = arith.constant 0 : i32
    %dma_wait3A_824 = tpu.memref_slice %arg4[%mul3A_802, %dma_wait3A_823] : memref<819200x64xf32, #tpu.memory_space<hbm>> -> memref<128x64xf32, #tpu.memory_space<hbm>>
    %dma_wait3A_825 = arith.constant 0 : i32
    %dma_wait3A_826 = arith.constant 0 : i32
    %dma_wait3A_827 = tpu.memref_slice %arg7[%dma_wait3A_816, %dma_wait3A_825, %dma_wait3A_826] : memref<8x128x64xf32, #tpu.memory_space<vmem>> -> memref<1x128x64xf32, #tpu.memory_space<vmem>>
    %dma_wait3A_828 = tpu.memref_squeeze %dma_wait3A_827 : memref<1x128x64xf32, #tpu.memory_space<vmem>> -> memref<128x64xf32, #tpu.memory_space<vmem>>
    tpu.wait_dma2 semaphore(%arg16 : memref<!tpu.dma_semaphore, #tpu.memory_space<semaphore_mem>>) src(%dma_wait3A_828 : memref<128x64xf32, #tpu.memory_space<vmem>>) dst(%dma_wait3A_824 : memref<128x64xf32, #tpu.memory_space<hbm>>)
    %dma_wait3A_829 = arith.constant 1 : i32
    %dma_wait3A_830 = arith.constant 1 : i32
    %dma_wait3A_831 = arith.constant 0 : i32
    %dma_wait3A_832 = arith.constant 0 : i32
    %dma_wait3A_833 = tpu.memref_slice %arg7[%dma_wait3A_830, %dma_wait3A_831, %dma_wait3A_832] : memref<8x128x64xf32, #tpu.memory_space<vmem>> -> memref<1x128x64xf32, #tpu.memory_space<vmem>>
    %dma_wait3A_834 = tpu.memref_squeeze %dma_wait3A_833 : memref<1x128x64xf32, #tpu.memory_space<vmem>> -> memref<128x64xf32, #tpu.memory_space<vmem>>
    %dma_wait3A_835 = arith.constant 0 : i32
    %dma_wait3A_836 = tpu.memref_slice %arg6[%dma_wait3A_829, %dma_wait3A_835] : memref<8x128xi32, #tpu.memory_space<vmem>> -> memref<1x128xi32, #tpu.memory_space<vmem>>
    %dma_wait3A_837 = tpu.memref_squeeze %dma_wait3A_836 : memref<1x128xi32, #tpu.memory_space<vmem>> -> memref<128xi32, #tpu.memory_space<vmem>>
    %dma_wait3A_838 = arith.constant 0 : i32
    %dma_wait3A_839 = arith.constant 0 : i32
    %dma_wait3A_840 = tpu.memref_slice %arg2[%dma_wait3A_838, %dma_wait3A_839] : memref<1000000x64xf32, #tpu.memory_space<hbm>> -> memref<1000000x64xf32, #tpu.memory_space<hbm>>
    tpu.wait_indirect_dma semaphore(%arg9 : memref<!tpu.dma_semaphore, #tpu.memory_space<semaphore_mem>>) src(%dma_wait3A_840 : memref<1000000x64xf32, #tpu.memory_space<hbm>>) dst(%dma_wait3A_834 : memref<128x64xf32, #tpu.memory_space<vmem>>)
    %add3A_841 = arith.constant 395264 : i32
    %add3A_842 = arith.addi %add3A_841, %mul3A_2 : i32
    %mul3A_843 = arith.constant 2 : i32
    %mul3A_844 = arith.muli %mul3A_843, %add3A_842 : i32
    %dma_start3A_845 = arith.constant 1 : i32
    %dma_start3A_846 = arith.constant 0 : i32
    %dma_start3A_847 = arith.constant 0 : i32
    %dma_start3A_848 = tpu.memref_slice %arg7[%dma_start3A_845, %dma_start3A_846, %dma_start3A_847] : memref<8x128x64xf32, #tpu.memory_space<vmem>> -> memref<1x128x64xf32, #tpu.memory_space<vmem>>
    %dma_start3A_849 = tpu.memref_squeeze %dma_start3A_848 : memref<1x128x64xf32, #tpu.memory_space<vmem>> -> memref<128x64xf32, #tpu.memory_space<vmem>>
    %dma_start3A_850 = arith.constant 0 : i32
    %dma_start3A_851 = tpu.memref_slice %arg4[%mul3A_844, %dma_start3A_850] : memref<819200x64xf32, #tpu.memory_space<hbm>> -> memref<128x64xf32, #tpu.memory_space<hbm>>
    %dma_start3A_852 = arith.constant 0 : i32
    %dma_start3A_853 = tpu.memref_slice %arg4[%mul3A_844, %dma_start3A_852] : memref<819200x64xf32, #tpu.memory_space<hbm>> -> memref<128x64xf32, #tpu.memory_space<hbm>>
    %dma_start3A_854 = arith.constant 0 : i32
    %dma_start3A_855 = arith.constant 0 : i32
    %dma_start3A_856 = tpu.memref_slice %arg7[%dma_start3A_845, %dma_start3A_854, %dma_start3A_855] : memref<8x128x64xf32, #tpu.memory_space<vmem>> -> memref<1x128x64xf32, #tpu.memory_space<vmem>>
    %dma_start3A_857 = tpu.memref_squeeze %dma_start3A_856 : memref<1x128x64xf32, #tpu.memory_space<vmem>> -> memref<128x64xf32, #tpu.memory_space<vmem>>
    tpu.enqueue_dma source(%dma_start3A_857 : memref<128x64xf32, #tpu.memory_space<vmem>>) target(%dma_start3A_853 : memref<128x64xf32, #tpu.memory_space<hbm>>) target_semaphore(%arg17 : memref<!tpu.dma_semaphore, #tpu.memory_space<semaphore_mem>>)
    %dma_wait3A_858 = arith.constant 1 : i32
    %dma_wait3A_859 = arith.constant 0 : i32
    %dma_wait3A_860 = arith.constant 0 : i32
    %dma_wait3A_861 = tpu.memref_slice %arg7[%dma_wait3A_858, %dma_wait3A_859, %dma_wait3A_860] : memref<8x128x64xf32, #tpu.memory_space<vmem>> -> memref<1x128x64xf32, #tpu.memory_space<vmem>>
    %dma_wait3A_862 = tpu.memref_squeeze %dma_wait3A_861 : memref<1x128x64xf32, #tpu.memory_space<vmem>> -> memref<128x64xf32, #tpu.memory_space<vmem>>
    %dma_wait3A_863 = arith.constant 0 : i32
    %dma_wait3A_864 = tpu.memref_slice %arg4[%mul3A_844, %dma_wait3A_863] : memref<819200x64xf32, #tpu.memory_space<hbm>> -> memref<128x64xf32, #tpu.memory_space<hbm>>
    %dma_wait3A_865 = arith.constant 0 : i32
    %dma_wait3A_866 = tpu.memref_slice %arg4[%mul3A_844, %dma_wait3A_865] : memref<819200x64xf32, #tpu.memory_space<hbm>> -> memref<128x64xf32, #tpu.memory_space<hbm>>
    %dma_wait3A_867 = arith.constant 0 : i32
    %dma_wait3A_868 = arith.constant 0 : i32
    %dma_wait3A_869 = tpu.memref_slice %arg7[%dma_wait3A_858, %dma_wait3A_867, %dma_wait3A_868] : memref<8x128x64xf32, #tpu.memory_space<vmem>> -> memref<1x128x64xf32, #tpu.memory_space<vmem>>
    %dma_wait3A_870 = tpu.memref_squeeze %dma_wait3A_869 : memref<1x128x64xf32, #tpu.memory_space<vmem>> -> memref<128x64xf32, #tpu.memory_space<vmem>>
    tpu.wait_dma2 semaphore(%arg17 : memref<!tpu.dma_semaphore, #tpu.memory_space<semaphore_mem>>) src(%dma_wait3A_870 : memref<128x64xf32, #tpu.memory_space<vmem>>) dst(%dma_wait3A_866 : memref<128x64xf32, #tpu.memory_space<hbm>>)
    %dma_wait3A_871 = arith.constant 2 : i32
    %dma_wait3A_872 = arith.constant 2 : i32
    %dma_wait3A_873 = arith.constant 0 : i32
    %dma_wait3A_874 = arith.constant 0 : i32
    %dma_wait3A_875 = tpu.memref_slice %arg7[%dma_wait3A_872, %dma_wait3A_873, %dma_wait3A_874] : memref<8x128x64xf32, #tpu.memory_space<vmem>> -> memref<1x128x64xf32, #tpu.memory_space<vmem>>
    %dma_wait3A_876 = tpu.memref_squeeze %dma_wait3A_875 : memref<1x128x64xf32, #tpu.memory_space<vmem>> -> memref<128x64xf32, #tpu.memory_space<vmem>>
    %dma_wait3A_877 = arith.constant 0 : i32
    %dma_wait3A_878 = tpu.memref_slice %arg6[%dma_wait3A_871, %dma_wait3A_877] : memref<8x128xi32, #tpu.memory_space<vmem>> -> memref<1x128xi32, #tpu.memory_space<vmem>>
    %dma_wait3A_879 = tpu.memref_squeeze %dma_wait3A_878 : memref<1x128xi32, #tpu.memory_space<vmem>> -> memref<128xi32, #tpu.memory_space<vmem>>
    %dma_wait3A_880 = arith.constant 0 : i32
    %dma_wait3A_881 = arith.constant 0 : i32
    %dma_wait3A_882 = tpu.memref_slice %arg2[%dma_wait3A_880, %dma_wait3A_881] : memref<1000000x64xf32, #tpu.memory_space<hbm>> -> memref<1000000x64xf32, #tpu.memory_space<hbm>>
    tpu.wait_indirect_dma semaphore(%arg10 : memref<!tpu.dma_semaphore, #tpu.memory_space<semaphore_mem>>) src(%dma_wait3A_882 : memref<1000000x64xf32, #tpu.memory_space<hbm>>) dst(%dma_wait3A_876 : memref<128x64xf32, #tpu.memory_space<vmem>>)
    %add3A_883 = arith.constant 397312 : i32
    %add3A_884 = arith.addi %add3A_883, %mul3A_2 : i32
    %mul3A_885 = arith.constant 2 : i32
    %mul3A_886 = arith.muli %mul3A_885, %add3A_884 : i32
    %dma_start3A_887 = arith.constant 2 : i32
    %dma_start3A_888 = arith.constant 0 : i32
    %dma_start3A_889 = arith.constant 0 : i32
    %dma_start3A_890 = tpu.memref_slice %arg7[%dma_start3A_887, %dma_start3A_888, %dma_start3A_889] : memref<8x128x64xf32, #tpu.memory_space<vmem>> -> memref<1x128x64xf32, #tpu.memory_space<vmem>>
    %dma_start3A_891 = tpu.memref_squeeze %dma_start3A_890 : memref<1x128x64xf32, #tpu.memory_space<vmem>> -> memref<128x64xf32, #tpu.memory_space<vmem>>
    %dma_start3A_892 = arith.constant 0 : i32
    %dma_start3A_893 = tpu.memref_slice %arg4[%mul3A_886, %dma_start3A_892] : memref<819200x64xf32, #tpu.memory_space<hbm>> -> memref<128x64xf32, #tpu.memory_space<hbm>>
    %dma_start3A_894 = arith.constant 0 : i32
    %dma_start3A_895 = tpu.memref_slice %arg4[%mul3A_886, %dma_start3A_894] : memref<819200x64xf32, #tpu.memory_space<hbm>> -> memref<128x64xf32, #tpu.memory_space<hbm>>
    %dma_start3A_896 = arith.constant 0 : i32
    %dma_start3A_897 = arith.constant 0 : i32
    %dma_start3A_898 = tpu.memref_slice %arg7[%dma_start3A_887, %dma_start3A_896, %dma_start3A_897] : memref<8x128x64xf32, #tpu.memory_space<vmem>> -> memref<1x128x64xf32, #tpu.memory_space<vmem>>
    %dma_start3A_899 = tpu.memref_squeeze %dma_start3A_898 : memref<1x128x64xf32, #tpu.memory_space<vmem>> -> memref<128x64xf32, #tpu.memory_space<vmem>>
    tpu.enqueue_dma source(%dma_start3A_899 : memref<128x64xf32, #tpu.memory_space<vmem>>) target(%dma_start3A_895 : memref<128x64xf32, #tpu.memory_space<hbm>>) target_semaphore(%arg18 : memref<!tpu.dma_semaphore, #tpu.memory_space<semaphore_mem>>)
    %dma_wait3A_900 = arith.constant 2 : i32
    %dma_wait3A_901 = arith.constant 0 : i32
    %dma_wait3A_902 = arith.constant 0 : i32
    %dma_wait3A_903 = tpu.memref_slice %arg7[%dma_wait3A_900, %dma_wait3A_901, %dma_wait3A_902] : memref<8x128x64xf32, #tpu.memory_space<vmem>> -> memref<1x128x64xf32, #tpu.memory_space<vmem>>
    %dma_wait3A_904 = tpu.memref_squeeze %dma_wait3A_903 : memref<1x128x64xf32, #tpu.memory_space<vmem>> -> memref<128x64xf32, #tpu.memory_space<vmem>>
    %dma_wait3A_905 = arith.constant 0 : i32
    %dma_wait3A_906 = tpu.memref_slice %arg4[%mul3A_886, %dma_wait3A_905] : memref<819200x64xf32, #tpu.memory_space<hbm>> -> memref<128x64xf32, #tpu.memory_space<hbm>>
    %dma_wait3A_907 = arith.constant 0 : i32
    %dma_wait3A_908 = tpu.memref_slice %arg4[%mul3A_886, %dma_wait3A_907] : memref<819200x64xf32, #tpu.memory_space<hbm>> -> memref<128x64xf32, #tpu.memory_space<hbm>>
    %dma_wait3A_909 = arith.constant 0 : i32
    %dma_wait3A_910 = arith.constant 0 : i32
    %dma_wait3A_911 = tpu.memref_slice %arg7[%dma_wait3A_900, %dma_wait3A_909, %dma_wait3A_910] : memref<8x128x64xf32, #tpu.memory_space<vmem>> -> memref<1x128x64xf32, #tpu.memory_space<vmem>>
    %dma_wait3A_912 = tpu.memref_squeeze %dma_wait3A_911 : memref<1x128x64xf32, #tpu.memory_space<vmem>> -> memref<128x64xf32, #tpu.memory_space<vmem>>
    tpu.wait_dma2 semaphore(%arg18 : memref<!tpu.dma_semaphore, #tpu.memory_space<semaphore_mem>>) src(%dma_wait3A_912 : memref<128x64xf32, #tpu.memory_space<vmem>>) dst(%dma_wait3A_908 : memref<128x64xf32, #tpu.memory_space<hbm>>)
    %dma_wait3A_913 = arith.constant 3 : i32
    %dma_wait3A_914 = arith.constant 3 : i32
    %dma_wait3A_915 = arith.constant 0 : i32
    %dma_wait3A_916 = arith.constant 0 : i32
    %dma_wait3A_917 = tpu.memref_slice %arg7[%dma_wait3A_914, %dma_wait3A_915, %dma_wait3A_916] : memref<8x128x64xf32, #tpu.memory_space<vmem>> -> memref<1x128x64xf32, #tpu.memory_space<vmem>>
    %dma_wait3A_918 = tpu.memref_squeeze %dma_wait3A_917 : memref<1x128x64xf32, #tpu.memory_space<vmem>> -> memref<128x64xf32, #tpu.memory_space<vmem>>
    %dma_wait3A_919 = arith.constant 0 : i32
    %dma_wait3A_920 = tpu.memref_slice %arg6[%dma_wait3A_913, %dma_wait3A_919] : memref<8x128xi32, #tpu.memory_space<vmem>> -> memref<1x128xi32, #tpu.memory_space<vmem>>
    %dma_wait3A_921 = tpu.memref_squeeze %dma_wait3A_920 : memref<1x128xi32, #tpu.memory_space<vmem>> -> memref<128xi32, #tpu.memory_space<vmem>>
    %dma_wait3A_922 = arith.constant 0 : i32
    %dma_wait3A_923 = arith.constant 0 : i32
    %dma_wait3A_924 = tpu.memref_slice %arg2[%dma_wait3A_922, %dma_wait3A_923] : memref<1000000x64xf32, #tpu.memory_space<hbm>> -> memref<1000000x64xf32, #tpu.memory_space<hbm>>
    tpu.wait_indirect_dma semaphore(%arg11 : memref<!tpu.dma_semaphore, #tpu.memory_space<semaphore_mem>>) src(%dma_wait3A_924 : memref<1000000x64xf32, #tpu.memory_space<hbm>>) dst(%dma_wait3A_918 : memref<128x64xf32, #tpu.memory_space<vmem>>)
    %add3A_925 = arith.constant 399360 : i32
    %add3A_926 = arith.addi %add3A_925, %mul3A_2 : i32
    %mul3A_927 = arith.constant 2 : i32
    %mul3A_928 = arith.muli %mul3A_927, %add3A_926 : i32
    %dma_start3A_929 = arith.constant 3 : i32
    %dma_start3A_930 = arith.constant 0 : i32
    %dma_start3A_931 = arith.constant 0 : i32
    %dma_start3A_932 = tpu.memref_slice %arg7[%dma_start3A_929, %dma_start3A_930, %dma_start3A_931] : memref<8x128x64xf32, #tpu.memory_space<vmem>> -> memref<1x128x64xf32, #tpu.memory_space<vmem>>
    %dma_start3A_933 = tpu.memref_squeeze %dma_start3A_932 : memref<1x128x64xf32, #tpu.memory_space<vmem>> -> memref<128x64xf32, #tpu.memory_space<vmem>>
    %dma_start3A_934 = arith.constant 0 : i32
    %dma_start3A_935 = tpu.memref_slice %arg4[%mul3A_928, %dma_start3A_934] : memref<819200x64xf32, #tpu.memory_space<hbm>> -> memref<128x64xf32, #tpu.memory_space<hbm>>
    %dma_start3A_936 = arith.constant 0 : i32
    %dma_start3A_937 = tpu.memref_slice %arg4[%mul3A_928, %dma_start3A_936] : memref<819200x64xf32, #tpu.memory_space<hbm>> -> memref<128x64xf32, #tpu.memory_space<hbm>>
    %dma_start3A_938 = arith.constant 0 : i32
    %dma_start3A_939 = arith.constant 0 : i32
    %dma_start3A_940 = tpu.memref_slice %arg7[%dma_start3A_929, %dma_start3A_938, %dma_start3A_939] : memref<8x128x64xf32, #tpu.memory_space<vmem>> -> memref<1x128x64xf32, #tpu.memory_space<vmem>>
    %dma_start3A_941 = tpu.memref_squeeze %dma_start3A_940 : memref<1x128x64xf32, #tpu.memory_space<vmem>> -> memref<128x64xf32, #tpu.memory_space<vmem>>
    tpu.enqueue_dma source(%dma_start3A_941 : memref<128x64xf32, #tpu.memory_space<vmem>>) target(%dma_start3A_937 : memref<128x64xf32, #tpu.memory_space<hbm>>) target_semaphore(%arg19 : memref<!tpu.dma_semaphore, #tpu.memory_space<semaphore_mem>>)
    %dma_wait3A_942 = arith.constant 3 : i32
    %dma_wait3A_943 = arith.constant 0 : i32
    %dma_wait3A_944 = arith.constant 0 : i32
    %dma_wait3A_945 = tpu.memref_slice %arg7[%dma_wait3A_942, %dma_wait3A_943, %dma_wait3A_944] : memref<8x128x64xf32, #tpu.memory_space<vmem>> -> memref<1x128x64xf32, #tpu.memory_space<vmem>>
    %dma_wait3A_946 = tpu.memref_squeeze %dma_wait3A_945 : memref<1x128x64xf32, #tpu.memory_space<vmem>> -> memref<128x64xf32, #tpu.memory_space<vmem>>
    %dma_wait3A_947 = arith.constant 0 : i32
    %dma_wait3A_948 = tpu.memref_slice %arg4[%mul3A_928, %dma_wait3A_947] : memref<819200x64xf32, #tpu.memory_space<hbm>> -> memref<128x64xf32, #tpu.memory_space<hbm>>
    %dma_wait3A_949 = arith.constant 0 : i32
    %dma_wait3A_950 = tpu.memref_slice %arg4[%mul3A_928, %dma_wait3A_949] : memref<819200x64xf32, #tpu.memory_space<hbm>> -> memref<128x64xf32, #tpu.memory_space<hbm>>
    %dma_wait3A_951 = arith.constant 0 : i32
    %dma_wait3A_952 = arith.constant 0 : i32
    %dma_wait3A_953 = tpu.memref_slice %arg7[%dma_wait3A_942, %dma_wait3A_951, %dma_wait3A_952] : memref<8x128x64xf32, #tpu.memory_space<vmem>> -> memref<1x128x64xf32, #tpu.memory_space<vmem>>
    %dma_wait3A_954 = tpu.memref_squeeze %dma_wait3A_953 : memref<1x128x64xf32, #tpu.memory_space<vmem>> -> memref<128x64xf32, #tpu.memory_space<vmem>>
    tpu.wait_dma2 semaphore(%arg19 : memref<!tpu.dma_semaphore, #tpu.memory_space<semaphore_mem>>) src(%dma_wait3A_954 : memref<128x64xf32, #tpu.memory_space<vmem>>) dst(%dma_wait3A_950 : memref<128x64xf32, #tpu.memory_space<hbm>>)
    %dma_wait3A_955 = arith.constant 4 : i32
    %dma_wait3A_956 = arith.constant 4 : i32
    %dma_wait3A_957 = arith.constant 0 : i32
    %dma_wait3A_958 = arith.constant 0 : i32
    %dma_wait3A_959 = tpu.memref_slice %arg7[%dma_wait3A_956, %dma_wait3A_957, %dma_wait3A_958] : memref<8x128x64xf32, #tpu.memory_space<vmem>> -> memref<1x128x64xf32, #tpu.memory_space<vmem>>
    %dma_wait3A_960 = tpu.memref_squeeze %dma_wait3A_959 : memref<1x128x64xf32, #tpu.memory_space<vmem>> -> memref<128x64xf32, #tpu.memory_space<vmem>>
    %dma_wait3A_961 = arith.constant 0 : i32
    %dma_wait3A_962 = tpu.memref_slice %arg6[%dma_wait3A_955, %dma_wait3A_961] : memref<8x128xi32, #tpu.memory_space<vmem>> -> memref<1x128xi32, #tpu.memory_space<vmem>>
    %dma_wait3A_963 = tpu.memref_squeeze %dma_wait3A_962 : memref<1x128xi32, #tpu.memory_space<vmem>> -> memref<128xi32, #tpu.memory_space<vmem>>
    %dma_wait3A_964 = arith.constant 0 : i32
    %dma_wait3A_965 = arith.constant 0 : i32
    %dma_wait3A_966 = tpu.memref_slice %arg2[%dma_wait3A_964, %dma_wait3A_965] : memref<1000000x64xf32, #tpu.memory_space<hbm>> -> memref<1000000x64xf32, #tpu.memory_space<hbm>>
    tpu.wait_indirect_dma semaphore(%arg12 : memref<!tpu.dma_semaphore, #tpu.memory_space<semaphore_mem>>) src(%dma_wait3A_966 : memref<1000000x64xf32, #tpu.memory_space<hbm>>) dst(%dma_wait3A_960 : memref<128x64xf32, #tpu.memory_space<vmem>>)
    %add3A_967 = arith.constant 401408 : i32
    %add3A_968 = arith.addi %add3A_967, %mul3A_2 : i32
    %mul3A_969 = arith.constant 2 : i32
    %mul3A_970 = arith.muli %mul3A_969, %add3A_968 : i32
    %dma_start3A_971 = arith.constant 4 : i32
    %dma_start3A_972 = arith.constant 0 : i32
    %dma_start3A_973 = arith.constant 0 : i32
    %dma_start3A_974 = tpu.memref_slice %arg7[%dma_start3A_971, %dma_start3A_972, %dma_start3A_973] : memref<8x128x64xf32, #tpu.memory_space<vmem>> -> memref<1x128x64xf32, #tpu.memory_space<vmem>>
    %dma_start3A_975 = tpu.memref_squeeze %dma_start3A_974 : memref<1x128x64xf32, #tpu.memory_space<vmem>> -> memref<128x64xf32, #tpu.memory_space<vmem>>
    %dma_start3A_976 = arith.constant 0 : i32
    %dma_start3A_977 = tpu.memref_slice %arg4[%mul3A_970, %dma_start3A_976] : memref<819200x64xf32, #tpu.memory_space<hbm>> -> memref<128x64xf32, #tpu.memory_space<hbm>>
    %dma_start3A_978 = arith.constant 0 : i32
    %dma_start3A_979 = tpu.memref_slice %arg4[%mul3A_970, %dma_start3A_978] : memref<819200x64xf32, #tpu.memory_space<hbm>> -> memref<128x64xf32, #tpu.memory_space<hbm>>
    %dma_start3A_980 = arith.constant 0 : i32
    %dma_start3A_981 = arith.constant 0 : i32
    %dma_start3A_982 = tpu.memref_slice %arg7[%dma_start3A_971, %dma_start3A_980, %dma_start3A_981] : memref<8x128x64xf32, #tpu.memory_space<vmem>> -> memref<1x128x64xf32, #tpu.memory_space<vmem>>
    %dma_start3A_983 = tpu.memref_squeeze %dma_start3A_982 : memref<1x128x64xf32, #tpu.memory_space<vmem>> -> memref<128x64xf32, #tpu.memory_space<vmem>>
    tpu.enqueue_dma source(%dma_start3A_983 : memref<128x64xf32, #tpu.memory_space<vmem>>) target(%dma_start3A_979 : memref<128x64xf32, #tpu.memory_space<hbm>>) target_semaphore(%arg20 : memref<!tpu.dma_semaphore, #tpu.memory_space<semaphore_mem>>)
    %dma_wait3A_984 = arith.constant 4 : i32
    %dma_wait3A_985 = arith.constant 0 : i32
    %dma_wait3A_986 = arith.constant 0 : i32
    %dma_wait3A_987 = tpu.memref_slice %arg7[%dma_wait3A_984, %dma_wait3A_985, %dma_wait3A_986] : memref<8x128x64xf32, #tpu.memory_space<vmem>> -> memref<1x128x64xf32, #tpu.memory_space<vmem>>
    %dma_wait3A_988 = tpu.memref_squeeze %dma_wait3A_987 : memref<1x128x64xf32, #tpu.memory_space<vmem>> -> memref<128x64xf32, #tpu.memory_space<vmem>>
    %dma_wait3A_989 = arith.constant 0 : i32
    %dma_wait3A_990 = tpu.memref_slice %arg4[%mul3A_970, %dma_wait3A_989] : memref<819200x64xf32, #tpu.memory_space<hbm>> -> memref<128x64xf32, #tpu.memory_space<hbm>>
    %dma_wait3A_991 = arith.constant 0 : i32
    %dma_wait3A_992 = tpu.memref_slice %arg4[%mul3A_970, %dma_wait3A_991] : memref<819200x64xf32, #tpu.memory_space<hbm>> -> memref<128x64xf32, #tpu.memory_space<hbm>>
    %dma_wait3A_993 = arith.constant 0 : i32
    %dma_wait3A_994 = arith.constant 0 : i32
    %dma_wait3A_995 = tpu.memref_slice %arg7[%dma_wait3A_984, %dma_wait3A_993, %dma_wait3A_994] : memref<8x128x64xf32, #tpu.memory_space<vmem>> -> memref<1x128x64xf32, #tpu.memory_space<vmem>>
    %dma_wait3A_996 = tpu.memref_squeeze %dma_wait3A_995 : memref<1x128x64xf32, #tpu.memory_space<vmem>> -> memref<128x64xf32, #tpu.memory_space<vmem>>
    tpu.wait_dma2 semaphore(%arg20 : memref<!tpu.dma_semaphore, #tpu.memory_space<semaphore_mem>>) src(%dma_wait3A_996 : memref<128x64xf32, #tpu.memory_space<vmem>>) dst(%dma_wait3A_992 : memref<128x64xf32, #tpu.memory_space<hbm>>)
    %dma_wait3A_997 = arith.constant 5 : i32
    %dma_wait3A_998 = arith.constant 5 : i32
    %dma_wait3A_999 = arith.constant 0 : i32
    %dma_wait3A_1000 = arith.constant 0 : i32
    %dma_wait3A_1001 = tpu.memref_slice %arg7[%dma_wait3A_998, %dma_wait3A_999, %dma_wait3A_1000] : memref<8x128x64xf32, #tpu.memory_space<vmem>> -> memref<1x128x64xf32, #tpu.memory_space<vmem>>
    %dma_wait3A_1002 = tpu.memref_squeeze %dma_wait3A_1001 : memref<1x128x64xf32, #tpu.memory_space<vmem>> -> memref<128x64xf32, #tpu.memory_space<vmem>>
    %dma_wait3A_1003 = arith.constant 0 : i32
    %dma_wait3A_1004 = tpu.memref_slice %arg6[%dma_wait3A_997, %dma_wait3A_1003] : memref<8x128xi32, #tpu.memory_space<vmem>> -> memref<1x128xi32, #tpu.memory_space<vmem>>
    %dma_wait3A_1005 = tpu.memref_squeeze %dma_wait3A_1004 : memref<1x128xi32, #tpu.memory_space<vmem>> -> memref<128xi32, #tpu.memory_space<vmem>>
    %dma_wait3A_1006 = arith.constant 0 : i32
    %dma_wait3A_1007 = arith.constant 0 : i32
    %dma_wait3A_1008 = tpu.memref_slice %arg2[%dma_wait3A_1006, %dma_wait3A_1007] : memref<1000000x64xf32, #tpu.memory_space<hbm>> -> memref<1000000x64xf32, #tpu.memory_space<hbm>>
    tpu.wait_indirect_dma semaphore(%arg13 : memref<!tpu.dma_semaphore, #tpu.memory_space<semaphore_mem>>) src(%dma_wait3A_1008 : memref<1000000x64xf32, #tpu.memory_space<hbm>>) dst(%dma_wait3A_1002 : memref<128x64xf32, #tpu.memory_space<vmem>>)
    %add3A_1009 = arith.constant 403456 : i32
    %add3A_1010 = arith.addi %add3A_1009, %mul3A_2 : i32
    %mul3A_1011 = arith.constant 2 : i32
    %mul3A_1012 = arith.muli %mul3A_1011, %add3A_1010 : i32
    %dma_start3A_1013 = arith.constant 5 : i32
    %dma_start3A_1014 = arith.constant 0 : i32
    %dma_start3A_1015 = arith.constant 0 : i32
    %dma_start3A_1016 = tpu.memref_slice %arg7[%dma_start3A_1013, %dma_start3A_1014, %dma_start3A_1015] : memref<8x128x64xf32, #tpu.memory_space<vmem>> -> memref<1x128x64xf32, #tpu.memory_space<vmem>>
    %dma_start3A_1017 = tpu.memref_squeeze %dma_start3A_1016 : memref<1x128x64xf32, #tpu.memory_space<vmem>> -> memref<128x64xf32, #tpu.memory_space<vmem>>
    %dma_start3A_1018 = arith.constant 0 : i32
    %dma_start3A_1019 = tpu.memref_slice %arg4[%mul3A_1012, %dma_start3A_1018] : memref<819200x64xf32, #tpu.memory_space<hbm>> -> memref<128x64xf32, #tpu.memory_space<hbm>>
    %dma_start3A_1020 = arith.constant 0 : i32
    %dma_start3A_1021 = tpu.memref_slice %arg4[%mul3A_1012, %dma_start3A_1020] : memref<819200x64xf32, #tpu.memory_space<hbm>> -> memref<128x64xf32, #tpu.memory_space<hbm>>
    %dma_start3A_1022 = arith.constant 0 : i32
    %dma_start3A_1023 = arith.constant 0 : i32
    %dma_start3A_1024 = tpu.memref_slice %arg7[%dma_start3A_1013, %dma_start3A_1022, %dma_start3A_1023] : memref<8x128x64xf32, #tpu.memory_space<vmem>> -> memref<1x128x64xf32, #tpu.memory_space<vmem>>
    %dma_start3A_1025 = tpu.memref_squeeze %dma_start3A_1024 : memref<1x128x64xf32, #tpu.memory_space<vmem>> -> memref<128x64xf32, #tpu.memory_space<vmem>>
    tpu.enqueue_dma source(%dma_start3A_1025 : memref<128x64xf32, #tpu.memory_space<vmem>>) target(%dma_start3A_1021 : memref<128x64xf32, #tpu.memory_space<hbm>>) target_semaphore(%arg21 : memref<!tpu.dma_semaphore, #tpu.memory_space<semaphore_mem>>)
    %dma_wait3A_1026 = arith.constant 5 : i32
    %dma_wait3A_1027 = arith.constant 0 : i32
    %dma_wait3A_1028 = arith.constant 0 : i32
    %dma_wait3A_1029 = tpu.memref_slice %arg7[%dma_wait3A_1026, %dma_wait3A_1027, %dma_wait3A_1028] : memref<8x128x64xf32, #tpu.memory_space<vmem>> -> memref<1x128x64xf32, #tpu.memory_space<vmem>>
    %dma_wait3A_1030 = tpu.memref_squeeze %dma_wait3A_1029 : memref<1x128x64xf32, #tpu.memory_space<vmem>> -> memref<128x64xf32, #tpu.memory_space<vmem>>
    %dma_wait3A_1031 = arith.constant 0 : i32
    %dma_wait3A_1032 = tpu.memref_slice %arg4[%mul3A_1012, %dma_wait3A_1031] : memref<819200x64xf32, #tpu.memory_space<hbm>> -> memref<128x64xf32, #tpu.memory_space<hbm>>
    %dma_wait3A_1033 = arith.constant 0 : i32
    %dma_wait3A_1034 = tpu.memref_slice %arg4[%mul3A_1012, %dma_wait3A_1033] : memref<819200x64xf32, #tpu.memory_space<hbm>> -> memref<128x64xf32, #tpu.memory_space<hbm>>
    %dma_wait3A_1035 = arith.constant 0 : i32
    %dma_wait3A_1036 = arith.constant 0 : i32
    %dma_wait3A_1037 = tpu.memref_slice %arg7[%dma_wait3A_1026, %dma_wait3A_1035, %dma_wait3A_1036] : memref<8x128x64xf32, #tpu.memory_space<vmem>> -> memref<1x128x64xf32, #tpu.memory_space<vmem>>
    %dma_wait3A_1038 = tpu.memref_squeeze %dma_wait3A_1037 : memref<1x128x64xf32, #tpu.memory_space<vmem>> -> memref<128x64xf32, #tpu.memory_space<vmem>>
    tpu.wait_dma2 semaphore(%arg21 : memref<!tpu.dma_semaphore, #tpu.memory_space<semaphore_mem>>) src(%dma_wait3A_1038 : memref<128x64xf32, #tpu.memory_space<vmem>>) dst(%dma_wait3A_1034 : memref<128x64xf32, #tpu.memory_space<hbm>>)
    %dma_wait3A_1039 = arith.constant 6 : i32
    %dma_wait3A_1040 = arith.constant 6 : i32
    %dma_wait3A_1041 = arith.constant 0 : i32
    %dma_wait3A_1042 = arith.constant 0 : i32
    %dma_wait3A_1043 = tpu.memref_slice %arg7[%dma_wait3A_1040, %dma_wait3A_1041, %dma_wait3A_1042] : memref<8x128x64xf32, #tpu.memory_space<vmem>> -> memref<1x128x64xf32, #tpu.memory_space<vmem>>
    %dma_wait3A_1044 = tpu.memref_squeeze %dma_wait3A_1043 : memref<1x128x64xf32, #tpu.memory_space<vmem>> -> memref<128x64xf32, #tpu.memory_space<vmem>>
    %dma_wait3A_1045 = arith.constant 0 : i32
    %dma_wait3A_1046 = tpu.memref_slice %arg6[%dma_wait3A_1039, %dma_wait3A_1045] : memref<8x128xi32, #tpu.memory_space<vmem>> -> memref<1x128xi32, #tpu.memory_space<vmem>>
    %dma_wait3A_1047 = tpu.memref_squeeze %dma_wait3A_1046 : memref<1x128xi32, #tpu.memory_space<vmem>> -> memref<128xi32, #tpu.memory_space<vmem>>
    %dma_wait3A_1048 = arith.constant 0 : i32
    %dma_wait3A_1049 = arith.constant 0 : i32
    %dma_wait3A_1050 = tpu.memref_slice %arg2[%dma_wait3A_1048, %dma_wait3A_1049] : memref<1000000x64xf32, #tpu.memory_space<hbm>> -> memref<1000000x64xf32, #tpu.memory_space<hbm>>
    tpu.wait_indirect_dma semaphore(%arg14 : memref<!tpu.dma_semaphore, #tpu.memory_space<semaphore_mem>>) src(%dma_wait3A_1050 : memref<1000000x64xf32, #tpu.memory_space<hbm>>) dst(%dma_wait3A_1044 : memref<128x64xf32, #tpu.memory_space<vmem>>)
    %add3A_1051 = arith.constant 405504 : i32
    %add3A_1052 = arith.addi %add3A_1051, %mul3A_2 : i32
    %mul3A_1053 = arith.constant 2 : i32
    %mul3A_1054 = arith.muli %mul3A_1053, %add3A_1052 : i32
    %dma_start3A_1055 = arith.constant 6 : i32
    %dma_start3A_1056 = arith.constant 0 : i32
    %dma_start3A_1057 = arith.constant 0 : i32
    %dma_start3A_1058 = tpu.memref_slice %arg7[%dma_start3A_1055, %dma_start3A_1056, %dma_start3A_1057] : memref<8x128x64xf32, #tpu.memory_space<vmem>> -> memref<1x128x64xf32, #tpu.memory_space<vmem>>
    %dma_start3A_1059 = tpu.memref_squeeze %dma_start3A_1058 : memref<1x128x64xf32, #tpu.memory_space<vmem>> -> memref<128x64xf32, #tpu.memory_space<vmem>>
    %dma_start3A_1060 = arith.constant 0 : i32
    %dma_start3A_1061 = tpu.memref_slice %arg4[%mul3A_1054, %dma_start3A_1060] : memref<819200x64xf32, #tpu.memory_space<hbm>> -> memref<128x64xf32, #tpu.memory_space<hbm>>
    %dma_start3A_1062 = arith.constant 0 : i32
    %dma_start3A_1063 = tpu.memref_slice %arg4[%mul3A_1054, %dma_start3A_1062] : memref<819200x64xf32, #tpu.memory_space<hbm>> -> memref<128x64xf32, #tpu.memory_space<hbm>>
    %dma_start3A_1064 = arith.constant 0 : i32
    %dma_start3A_1065 = arith.constant 0 : i32
    %dma_start3A_1066 = tpu.memref_slice %arg7[%dma_start3A_1055, %dma_start3A_1064, %dma_start3A_1065] : memref<8x128x64xf32, #tpu.memory_space<vmem>> -> memref<1x128x64xf32, #tpu.memory_space<vmem>>
    %dma_start3A_1067 = tpu.memref_squeeze %dma_start3A_1066 : memref<1x128x64xf32, #tpu.memory_space<vmem>> -> memref<128x64xf32, #tpu.memory_space<vmem>>
    tpu.enqueue_dma source(%dma_start3A_1067 : memref<128x64xf32, #tpu.memory_space<vmem>>) target(%dma_start3A_1063 : memref<128x64xf32, #tpu.memory_space<hbm>>) target_semaphore(%arg22 : memref<!tpu.dma_semaphore, #tpu.memory_space<semaphore_mem>>)
    %dma_wait3A_1068 = arith.constant 6 : i32
    %dma_wait3A_1069 = arith.constant 0 : i32
    %dma_wait3A_1070 = arith.constant 0 : i32
    %dma_wait3A_1071 = tpu.memref_slice %arg7[%dma_wait3A_1068, %dma_wait3A_1069, %dma_wait3A_1070] : memref<8x128x64xf32, #tpu.memory_space<vmem>> -> memref<1x128x64xf32, #tpu.memory_space<vmem>>
    %dma_wait3A_1072 = tpu.memref_squeeze %dma_wait3A_1071 : memref<1x128x64xf32, #tpu.memory_space<vmem>> -> memref<128x64xf32, #tpu.memory_space<vmem>>
    %dma_wait3A_1073 = arith.constant 0 : i32
    %dma_wait3A_1074 = tpu.memref_slice %arg4[%mul3A_1054, %dma_wait3A_1073] : memref<819200x64xf32, #tpu.memory_space<hbm>> -> memref<128x64xf32, #tpu.memory_space<hbm>>
    %dma_wait3A_1075 = arith.constant 0 : i32
    %dma_wait3A_1076 = tpu.memref_slice %arg4[%mul3A_1054, %dma_wait3A_1075] : memref<819200x64xf32, #tpu.memory_space<hbm>> -> memref<128x64xf32, #tpu.memory_space<hbm>>
    %dma_wait3A_1077 = arith.constant 0 : i32
    %dma_wait3A_1078 = arith.constant 0 : i32
    %dma_wait3A_1079 = tpu.memref_slice %arg7[%dma_wait3A_1068, %dma_wait3A_1077, %dma_wait3A_1078] : memref<8x128x64xf32, #tpu.memory_space<vmem>> -> memref<1x128x64xf32, #tpu.memory_space<vmem>>
    %dma_wait3A_1080 = tpu.memref_squeeze %dma_wait3A_1079 : memref<1x128x64xf32, #tpu.memory_space<vmem>> -> memref<128x64xf32, #tpu.memory_space<vmem>>
    tpu.wait_dma2 semaphore(%arg22 : memref<!tpu.dma_semaphore, #tpu.memory_space<semaphore_mem>>) src(%dma_wait3A_1080 : memref<128x64xf32, #tpu.memory_space<vmem>>) dst(%dma_wait3A_1076 : memref<128x64xf32, #tpu.memory_space<hbm>>)
    %dma_wait3A_1081 = arith.constant 7 : i32
    %dma_wait3A_1082 = arith.constant 7 : i32
    %dma_wait3A_1083 = arith.constant 0 : i32
    %dma_wait3A_1084 = arith.constant 0 : i32
    %dma_wait3A_1085 = tpu.memref_slice %arg7[%dma_wait3A_1082, %dma_wait3A_1083, %dma_wait3A_1084] : memref<8x128x64xf32, #tpu.memory_space<vmem>> -> memref<1x128x64xf32, #tpu.memory_space<vmem>>
    %dma_wait3A_1086 = tpu.memref_squeeze %dma_wait3A_1085 : memref<1x128x64xf32, #tpu.memory_space<vmem>> -> memref<128x64xf32, #tpu.memory_space<vmem>>
    %dma_wait3A_1087 = arith.constant 0 : i32
    %dma_wait3A_1088 = tpu.memref_slice %arg6[%dma_wait3A_1081, %dma_wait3A_1087] : memref<8x128xi32, #tpu.memory_space<vmem>> -> memref<1x128xi32, #tpu.memory_space<vmem>>
    %dma_wait3A_1089 = tpu.memref_squeeze %dma_wait3A_1088 : memref<1x128xi32, #tpu.memory_space<vmem>> -> memref<128xi32, #tpu.memory_space<vmem>>
    %dma_wait3A_1090 = arith.constant 0 : i32
    %dma_wait3A_1091 = arith.constant 0 : i32
    %dma_wait3A_1092 = tpu.memref_slice %arg2[%dma_wait3A_1090, %dma_wait3A_1091] : memref<1000000x64xf32, #tpu.memory_space<hbm>> -> memref<1000000x64xf32, #tpu.memory_space<hbm>>
    tpu.wait_indirect_dma semaphore(%arg15 : memref<!tpu.dma_semaphore, #tpu.memory_space<semaphore_mem>>) src(%dma_wait3A_1092 : memref<1000000x64xf32, #tpu.memory_space<hbm>>) dst(%dma_wait3A_1086 : memref<128x64xf32, #tpu.memory_space<vmem>>)
    %add3A_1093 = arith.constant 407552 : i32
    %add3A_1094 = arith.addi %add3A_1093, %mul3A_2 : i32
    %mul3A_1095 = arith.constant 2 : i32
    %mul3A_1096 = arith.muli %mul3A_1095, %add3A_1094 : i32
    %dma_start3A_1097 = arith.constant 7 : i32
    %dma_start3A_1098 = arith.constant 0 : i32
    %dma_start3A_1099 = arith.constant 0 : i32
    %dma_start3A_1100 = tpu.memref_slice %arg7[%dma_start3A_1097, %dma_start3A_1098, %dma_start3A_1099] : memref<8x128x64xf32, #tpu.memory_space<vmem>> -> memref<1x128x64xf32, #tpu.memory_space<vmem>>
    %dma_start3A_1101 = tpu.memref_squeeze %dma_start3A_1100 : memref<1x128x64xf32, #tpu.memory_space<vmem>> -> memref<128x64xf32, #tpu.memory_space<vmem>>
    %dma_start3A_1102 = arith.constant 0 : i32
    %dma_start3A_1103 = tpu.memref_slice %arg4[%mul3A_1096, %dma_start3A_1102] : memref<819200x64xf32, #tpu.memory_space<hbm>> -> memref<128x64xf32, #tpu.memory_space<hbm>>
    %dma_start3A_1104 = arith.constant 0 : i32
    %dma_start3A_1105 = tpu.memref_slice %arg4[%mul3A_1096, %dma_start3A_1104] : memref<819200x64xf32, #tpu.memory_space<hbm>> -> memref<128x64xf32, #tpu.memory_space<hbm>>
    %dma_start3A_1106 = arith.constant 0 : i32
    %dma_start3A_1107 = arith.constant 0 : i32
    %dma_start3A_1108 = tpu.memref_slice %arg7[%dma_start3A_1097, %dma_start3A_1106, %dma_start3A_1107] : memref<8x128x64xf32, #tpu.memory_space<vmem>> -> memref<1x128x64xf32, #tpu.memory_space<vmem>>
    %dma_start3A_1109 = tpu.memref_squeeze %dma_start3A_1108 : memref<1x128x64xf32, #tpu.memory_space<vmem>> -> memref<128x64xf32, #tpu.memory_space<vmem>>
    tpu.enqueue_dma source(%dma_start3A_1109 : memref<128x64xf32, #tpu.memory_space<vmem>>) target(%dma_start3A_1105 : memref<128x64xf32, #tpu.memory_space<hbm>>) target_semaphore(%arg23 : memref<!tpu.dma_semaphore, #tpu.memory_space<semaphore_mem>>)
    %dma_wait3A_1110 = arith.constant 7 : i32
    %dma_wait3A_1111 = arith.constant 0 : i32
    %dma_wait3A_1112 = arith.constant 0 : i32
    %dma_wait3A_1113 = tpu.memref_slice %arg7[%dma_wait3A_1110, %dma_wait3A_1111, %dma_wait3A_1112] : memref<8x128x64xf32, #tpu.memory_space<vmem>> -> memref<1x128x64xf32, #tpu.memory_space<vmem>>
    %dma_wait3A_1114 = tpu.memref_squeeze %dma_wait3A_1113 : memref<1x128x64xf32, #tpu.memory_space<vmem>> -> memref<128x64xf32, #tpu.memory_space<vmem>>
    %dma_wait3A_1115 = arith.constant 0 : i32
    %dma_wait3A_1116 = tpu.memref_slice %arg4[%mul3A_1096, %dma_wait3A_1115] : memref<819200x64xf32, #tpu.memory_space<hbm>> -> memref<128x64xf32, #tpu.memory_space<hbm>>
    %dma_wait3A_1117 = arith.constant 0 : i32
    %dma_wait3A_1118 = tpu.memref_slice %arg4[%mul3A_1096, %dma_wait3A_1117] : memref<819200x64xf32, #tpu.memory_space<hbm>> -> memref<128x64xf32, #tpu.memory_space<hbm>>
    %dma_wait3A_1119 = arith.constant 0 : i32
    %dma_wait3A_1120 = arith.constant 0 : i32
    %dma_wait3A_1121 = tpu.memref_slice %arg7[%dma_wait3A_1110, %dma_wait3A_1119, %dma_wait3A_1120] : memref<8x128x64xf32, #tpu.memory_space<vmem>> -> memref<1x128x64xf32, #tpu.memory_space<vmem>>
    %dma_wait3A_1122 = tpu.memref_squeeze %dma_wait3A_1121 : memref<1x128x64xf32, #tpu.memory_space<vmem>> -> memref<128x64xf32, #tpu.memory_space<vmem>>
    tpu.wait_dma2 semaphore(%arg23 : memref<!tpu.dma_semaphore, #tpu.memory_space<semaphore_mem>>) src(%dma_wait3A_1122 : memref<128x64xf32, #tpu.memory_space<vmem>>) dst(%dma_wait3A_1118 : memref<128x64xf32, #tpu.memory_space<hbm>>)
    return
  }
}

module attributes {stable_mosaic.version = 14 : i64} {
  func.func @body(%arg0: i32, %arg1: memref<64x16384xf32, #tpu.memory_space<vmem>>, %arg2: memref<8192x128xf32, #tpu.memory_space<vmem>>) attributes {dimension_semantics = [#tpu.dimension_semantics<arbitrary>], iteration_bounds = array<i64: 62>, scalar_prefetch = 0 : i64, scratch_operands = 0 : i64, tpu.core_type = #tpu.core_type<tc>, window_params = [{transform_indices = @transform_0, window_bounds = array<i64: 64, 16384>}, {transform_indices = @transform_1, window_bounds = array<i64: 8192, 128>}]} {
    %get3A = arith.constant 0 : index
    %get3A_0 = arith.constant 0 : index
    %get3A_1 = vector.load %arg1[%get3A, %get3A_0] : memref<64x16384xf32, #tpu.memory_space<vmem>>, vector<64x16384xf32>
    %transpose3A = tpu.transpose %get3A_1, [1, 0] : vector<64x16384xf32> -> vector<16384x64xf32>
    %reshape3A = vector.shape_cast %transpose3A : vector<16384x64xf32> to vector<8192x2x64xf32>
    %slice3A = vector.extract_strided_slice %reshape3A {offsets = [0, 0, 0], sizes = [8192, 1, 64], strides = [1, 1, 1]} : vector<8192x2x64xf32> to vector<8192x1x64xf32>
    %squeeze3A = vector.shape_cast %slice3A : vector<8192x1x64xf32> to vector<8192x64xf32>
    %swap3A = arith.constant 0 : index
    %swap3A_2 = arith.constant 0 : index
    %swap3A_3 = vector.load %arg2[%swap3A, %swap3A_2] : memref<8192x128xf32, #tpu.memory_space<vmem>>, vector<8192x64xf32>
    tpu.vector_store %arg2[%swap3A, %swap3A_2], %squeeze3A {strides = array<i32>} : memref<8192x128xf32, #tpu.memory_space<vmem>>, vector<8192x64xf32>,
    %slice3A_4 = vector.extract_strided_slice %reshape3A {offsets = [0, 1, 0], sizes = [8192, 1, 64], strides = [1, 1, 1]} : vector<8192x2x64xf32> to vector<8192x1x64xf32>
    %squeeze3A_5 = vector.shape_cast %slice3A_4 : vector<8192x1x64xf32> to vector<8192x64xf32>
    %swap3A_6 = arith.constant 0 : index
    %swap3A_7 = arith.constant 64 : index
    %swap3A_8 = vector.load %arg2[%swap3A_6, %swap3A_7] : memref<8192x128xf32, #tpu.memory_space<vmem>>, vector<8192x64xf32>
    tpu.vector_store %arg2[%swap3A_6, %swap3A_7], %squeeze3A_5 {strides = array<i32>} : memref<8192x128xf32, #tpu.memory_space<vmem>>, vector<8192x64xf32>,
    return
  }
  func.func @transform_0(%arg0: i32) -> (i32, i32) {
    %c0_i32 = arith.constant 0 : i32
    %c0_i32_0 = arith.constant 0 : i32
    return %c0_i32, %arg0 : i32, i32
  }
  func.func @transform_1(%arg0: i32) -> (i32, i32) {
    %c0_i32 = arith.constant 0 : i32
    %c0_i32_0 = arith.constant 0 : i32
    return %arg0, %c0_i32 : i32, i32
  }
}

module attributes {stable_mosaic.version = 14 : i64} {
  func.func @body(%arg0: i32, %arg1: memref<16384x128xf32, #tpu.memory_space<vmem>>, %arg2: memref<8x64x4096xf32, #tpu.memory_space<vmem>>) attributes {dimension_semantics = [#tpu.dimension_semantics<arbitrary>], iteration_bounds = array<i64: 25>, scalar_prefetch = 0 : i64, scratch_operands = 0 : i64, tpu.core_type = #tpu.core_type<tc>, window_params = [{transform_indices = @transform_0, window_bounds = array<i64: 16384, 128>}, {transform_indices = @transform_1, window_bounds = array<i64: 8, 64, 4096>}]} {
    %get3A = arith.constant 0 : index
    %get3A_0 = arith.constant 0 : index
    %get3A_1 = vector.load %arg1[%get3A, %get3A_0] : memref<16384x128xf32, #tpu.memory_space<vmem>>, vector<2048x128xf32>
    %slice3A = vector.extract_strided_slice %get3A_1 {offsets = [0, 0], sizes = [2048, 64], strides = [1, 1]} : vector<2048x128xf32> to vector<2048x64xf32>
    %transpose3A = tpu.transpose %slice3A, [1, 0] : vector<2048x64xf32> -> vector<64x2048xf32>
    %mul3A = arith.constant 8.000000e+00 : f32
    %mul3A_2 = vector.broadcast %mul3A : f32 to vector<64x2048xf32>
    %mul3A_3 = arith.mulf %transpose3A, %mul3A_2 : vector<64x2048xf32>
    %swap3A = arith.constant 0 : index
    %swap3A_4 = arith.constant 0 : index
    %swap3A_5 = arith.constant 0 : index
    %swap3A_6 = vector.load %arg2[%swap3A, %swap3A_4, %swap3A_5] : memref<8x64x4096xf32, #tpu.memory_space<vmem>>, vector<1x64x2048xf32>
    %swap3A_7 = vector.shape_cast %swap3A_6 : vector<1x64x2048xf32> to vector<64x2048xf32>
    %swap3A_8 = vector.shape_cast %mul3A_3 : vector<64x2048xf32> to vector<1x64x2048xf32>
    tpu.vector_store %arg2[%swap3A, %swap3A_4, %swap3A_5], %swap3A_8 {strides = array<i32>} : memref<8x64x4096xf32, #tpu.memory_space<vmem>>, vector<1x64x2048xf32>,
    %slice3A_9 = vector.extract_strided_slice %get3A_1 {offsets = [0, 64], sizes = [2048, 64], strides = [1, 1]} : vector<2048x128xf32> to vector<2048x64xf32>
    %transpose3A_10 = tpu.transpose %slice3A_9, [1, 0] : vector<2048x64xf32> -> vector<64x2048xf32>
    %mul3A_11 = arith.constant 8.000000e+00 : f32
    %mul3A_12 = vector.broadcast %mul3A_11 : f32 to vector<64x2048xf32>
    %mul3A_13 = arith.mulf %transpose3A_10, %mul3A_12 : vector<64x2048xf32>
    %swap3A_14 = arith.constant 0 : index
    %swap3A_15 = arith.constant 0 : index
    %swap3A_16 = arith.constant 2048 : index
    %swap3A_17 = vector.load %arg2[%swap3A_14, %swap3A_15, %swap3A_16] : memref<8x64x4096xf32, #tpu.memory_space<vmem>>, vector<1x64x2048xf32>
    %swap3A_18 = vector.shape_cast %swap3A_17 : vector<1x64x2048xf32> to vector<64x2048xf32>
    %swap3A_19 = vector.shape_cast %mul3A_13 : vector<64x2048xf32> to vector<1x64x2048xf32>
    tpu.vector_store %arg2[%swap3A_14, %swap3A_15, %swap3A_16], %swap3A_19 {strides = array<i32>} : memref<8x64x4096xf32, #tpu.memory_space<vmem>>, vector<1x64x2048xf32>,
    %get3A_20 = arith.constant 2048 : index
    %get3A_21 = arith.constant 0 : index
    %get3A_22 = vector.load %arg1[%get3A_20, %get3A_21] : memref<16384x128xf32, #tpu.memory_space<vmem>>, vector<2048x128xf32>
    %slice3A_23 = vector.extract_strided_slice %get3A_22 {offsets = [0, 0], sizes = [2048, 64], strides = [1, 1]} : vector<2048x128xf32> to vector<2048x64xf32>
    %transpose3A_24 = tpu.transpose %slice3A_23, [1, 0] : vector<2048x64xf32> -> vector<64x2048xf32>
    %mul3A_25 = arith.constant 8.000000e+00 : f32
    %mul3A_26 = vector.broadcast %mul3A_25 : f32 to vector<64x2048xf32>
    %mul3A_27 = arith.mulf %transpose3A_24, %mul3A_26 : vector<64x2048xf32>
    %swap3A_28 = arith.constant 1 : index
    %swap3A_29 = arith.constant 0 : index
    %swap3A_30 = arith.constant 0 : index
    %swap3A_31 = vector.load %arg2[%swap3A_28, %swap3A_29, %swap3A_30] : memref<8x64x4096xf32, #tpu.memory_space<vmem>>, vector<1x64x2048xf32>
    %swap3A_32 = vector.shape_cast %swap3A_31 : vector<1x64x2048xf32> to vector<64x2048xf32>
    %swap3A_33 = vector.shape_cast %mul3A_27 : vector<64x2048xf32> to vector<1x64x2048xf32>
    tpu.vector_store %arg2[%swap3A_28, %swap3A_29, %swap3A_30], %swap3A_33 {strides = array<i32>} : memref<8x64x4096xf32, #tpu.memory_space<vmem>>, vector<1x64x2048xf32>,
    %slice3A_34 = vector.extract_strided_slice %get3A_22 {offsets = [0, 64], sizes = [2048, 64], strides = [1, 1]} : vector<2048x128xf32> to vector<2048x64xf32>
    %transpose3A_35 = tpu.transpose %slice3A_34, [1, 0] : vector<2048x64xf32> -> vector<64x2048xf32>
    %mul3A_36 = arith.constant 8.000000e+00 : f32
    %mul3A_37 = vector.broadcast %mul3A_36 : f32 to vector<64x2048xf32>
    %mul3A_38 = arith.mulf %transpose3A_35, %mul3A_37 : vector<64x2048xf32>
    %swap3A_39 = arith.constant 1 : index
    %swap3A_40 = arith.constant 0 : index
    %swap3A_41 = arith.constant 2048 : index
    %swap3A_42 = vector.load %arg2[%swap3A_39, %swap3A_40, %swap3A_41] : memref<8x64x4096xf32, #tpu.memory_space<vmem>>, vector<1x64x2048xf32>
    %swap3A_43 = vector.shape_cast %swap3A_42 : vector<1x64x2048xf32> to vector<64x2048xf32>
    %swap3A_44 = vector.shape_cast %mul3A_38 : vector<64x2048xf32> to vector<1x64x2048xf32>
    tpu.vector_store %arg2[%swap3A_39, %swap3A_40, %swap3A_41], %swap3A_44 {strides = array<i32>} : memref<8x64x4096xf32, #tpu.memory_space<vmem>>, vector<1x64x2048xf32>,
    %get3A_45 = arith.constant 4096 : index
    %get3A_46 = arith.constant 0 : index
    %get3A_47 = vector.load %arg1[%get3A_45, %get3A_46] : memref<16384x128xf32, #tpu.memory_space<vmem>>, vector<2048x128xf32>
    %slice3A_48 = vector.extract_strided_slice %get3A_47 {offsets = [0, 0], sizes = [2048, 64], strides = [1, 1]} : vector<2048x128xf32> to vector<2048x64xf32>
    %transpose3A_49 = tpu.transpose %slice3A_48, [1, 0] : vector<2048x64xf32> -> vector<64x2048xf32>
    %mul3A_50 = arith.constant 8.000000e+00 : f32
    %mul3A_51 = vector.broadcast %mul3A_50 : f32 to vector<64x2048xf32>
    %mul3A_52 = arith.mulf %transpose3A_49, %mul3A_51 : vector<64x2048xf32>
    %swap3A_53 = arith.constant 2 : index
    %swap3A_54 = arith.constant 0 : index
    %swap3A_55 = arith.constant 0 : index
    %swap3A_56 = vector.load %arg2[%swap3A_53, %swap3A_54, %swap3A_55] : memref<8x64x4096xf32, #tpu.memory_space<vmem>>, vector<1x64x2048xf32>
    %swap3A_57 = vector.shape_cast %swap3A_56 : vector<1x64x2048xf32> to vector<64x2048xf32>
    %swap3A_58 = vector.shape_cast %mul3A_52 : vector<64x2048xf32> to vector<1x64x2048xf32>
    tpu.vector_store %arg2[%swap3A_53, %swap3A_54, %swap3A_55], %swap3A_58 {strides = array<i32>} : memref<8x64x4096xf32, #tpu.memory_space<vmem>>, vector<1x64x2048xf32>,
    %slice3A_59 = vector.extract_strided_slice %get3A_47 {offsets = [0, 64], sizes = [2048, 64], strides = [1, 1]} : vector<2048x128xf32> to vector<2048x64xf32>
    %transpose3A_60 = tpu.transpose %slice3A_59, [1, 0] : vector<2048x64xf32> -> vector<64x2048xf32>
    %mul3A_61 = arith.constant 8.000000e+00 : f32
    %mul3A_62 = vector.broadcast %mul3A_61 : f32 to vector<64x2048xf32>
    %mul3A_63 = arith.mulf %transpose3A_60, %mul3A_62 : vector<64x2048xf32>
    %swap3A_64 = arith.constant 2 : index
    %swap3A_65 = arith.constant 0 : index
    %swap3A_66 = arith.constant 2048 : index
    %swap3A_67 = vector.load %arg2[%swap3A_64, %swap3A_65, %swap3A_66] : memref<8x64x4096xf32, #tpu.memory_space<vmem>>, vector<1x64x2048xf32>
    %swap3A_68 = vector.shape_cast %swap3A_67 : vector<1x64x2048xf32> to vector<64x2048xf32>
    %swap3A_69 = vector.shape_cast %mul3A_63 : vector<64x2048xf32> to vector<1x64x2048xf32>
    tpu.vector_store %arg2[%swap3A_64, %swap3A_65, %swap3A_66], %swap3A_69 {strides = array<i32>} : memref<8x64x4096xf32, #tpu.memory_space<vmem>>, vector<1x64x2048xf32>,
    %get3A_70 = arith.constant 6144 : index
    %get3A_71 = arith.constant 0 : index
    %get3A_72 = vector.load %arg1[%get3A_70, %get3A_71] : memref<16384x128xf32, #tpu.memory_space<vmem>>, vector<2048x128xf32>
    %slice3A_73 = vector.extract_strided_slice %get3A_72 {offsets = [0, 0], sizes = [2048, 64], strides = [1, 1]} : vector<2048x128xf32> to vector<2048x64xf32>
    %transpose3A_74 = tpu.transpose %slice3A_73, [1, 0] : vector<2048x64xf32> -> vector<64x2048xf32>
    %mul3A_75 = arith.constant 8.000000e+00 : f32
    %mul3A_76 = vector.broadcast %mul3A_75 : f32 to vector<64x2048xf32>
    %mul3A_77 = arith.mulf %transpose3A_74, %mul3A_76 : vector<64x2048xf32>
    %swap3A_78 = arith.constant 3 : index
    %swap3A_79 = arith.constant 0 : index
    %swap3A_80 = arith.constant 0 : index
    %swap3A_81 = vector.load %arg2[%swap3A_78, %swap3A_79, %swap3A_80] : memref<8x64x4096xf32, #tpu.memory_space<vmem>>, vector<1x64x2048xf32>
    %swap3A_82 = vector.shape_cast %swap3A_81 : vector<1x64x2048xf32> to vector<64x2048xf32>
    %swap3A_83 = vector.shape_cast %mul3A_77 : vector<64x2048xf32> to vector<1x64x2048xf32>
    tpu.vector_store %arg2[%swap3A_78, %swap3A_79, %swap3A_80], %swap3A_83 {strides = array<i32>} : memref<8x64x4096xf32, #tpu.memory_space<vmem>>, vector<1x64x2048xf32>,
    %slice3A_84 = vector.extract_strided_slice %get3A_72 {offsets = [0, 64], sizes = [2048, 64], strides = [1, 1]} : vector<2048x128xf32> to vector<2048x64xf32>
    %transpose3A_85 = tpu.transpose %slice3A_84, [1, 0] : vector<2048x64xf32> -> vector<64x2048xf32>
    %mul3A_86 = arith.constant 8.000000e+00 : f32
    %mul3A_87 = vector.broadcast %mul3A_86 : f32 to vector<64x2048xf32>
    %mul3A_88 = arith.mulf %transpose3A_85, %mul3A_87 : vector<64x2048xf32>
    %swap3A_89 = arith.constant 3 : index
    %swap3A_90 = arith.constant 0 : index
    %swap3A_91 = arith.constant 2048 : index
    %swap3A_92 = vector.load %arg2[%swap3A_89, %swap3A_90, %swap3A_91] : memref<8x64x4096xf32, #tpu.memory_space<vmem>>, vector<1x64x2048xf32>
    %swap3A_93 = vector.shape_cast %swap3A_92 : vector<1x64x2048xf32> to vector<64x2048xf32>
    %swap3A_94 = vector.shape_cast %mul3A_88 : vector<64x2048xf32> to vector<1x64x2048xf32>
    tpu.vector_store %arg2[%swap3A_89, %swap3A_90, %swap3A_91], %swap3A_94 {strides = array<i32>} : memref<8x64x4096xf32, #tpu.memory_space<vmem>>, vector<1x64x2048xf32>,
    %get3A_95 = arith.constant 8192 : index
    %get3A_96 = arith.constant 0 : index
    %get3A_97 = vector.load %arg1[%get3A_95, %get3A_96] : memref<16384x128xf32, #tpu.memory_space<vmem>>, vector<2048x128xf32>
    %slice3A_98 = vector.extract_strided_slice %get3A_97 {offsets = [0, 0], sizes = [2048, 64], strides = [1, 1]} : vector<2048x128xf32> to vector<2048x64xf32>
    %transpose3A_99 = tpu.transpose %slice3A_98, [1, 0] : vector<2048x64xf32> -> vector<64x2048xf32>
    %mul3A_100 = arith.constant 8.000000e+00 : f32
    %mul3A_101 = vector.broadcast %mul3A_100 : f32 to vector<64x2048xf32>
    %mul3A_102 = arith.mulf %transpose3A_99, %mul3A_101 : vector<64x2048xf32>
    %swap3A_103 = arith.constant 4 : index
    %swap3A_104 = arith.constant 0 : index
    %swap3A_105 = arith.constant 0 : index
    %swap3A_106 = vector.load %arg2[%swap3A_103, %swap3A_104, %swap3A_105] : memref<8x64x4096xf32, #tpu.memory_space<vmem>>, vector<1x64x2048xf32>
    %swap3A_107 = vector.shape_cast %swap3A_106 : vector<1x64x2048xf32> to vector<64x2048xf32>
    %swap3A_108 = vector.shape_cast %mul3A_102 : vector<64x2048xf32> to vector<1x64x2048xf32>
    tpu.vector_store %arg2[%swap3A_103, %swap3A_104, %swap3A_105], %swap3A_108 {strides = array<i32>} : memref<8x64x4096xf32, #tpu.memory_space<vmem>>, vector<1x64x2048xf32>,
    %slice3A_109 = vector.extract_strided_slice %get3A_97 {offsets = [0, 64], sizes = [2048, 64], strides = [1, 1]} : vector<2048x128xf32> to vector<2048x64xf32>
    %transpose3A_110 = tpu.transpose %slice3A_109, [1, 0] : vector<2048x64xf32> -> vector<64x2048xf32>
    %mul3A_111 = arith.constant 8.000000e+00 : f32
    %mul3A_112 = vector.broadcast %mul3A_111 : f32 to vector<64x2048xf32>
    %mul3A_113 = arith.mulf %transpose3A_110, %mul3A_112 : vector<64x2048xf32>
    %swap3A_114 = arith.constant 4 : index
    %swap3A_115 = arith.constant 0 : index
    %swap3A_116 = arith.constant 2048 : index
    %swap3A_117 = vector.load %arg2[%swap3A_114, %swap3A_115, %swap3A_116] : memref<8x64x4096xf32, #tpu.memory_space<vmem>>, vector<1x64x2048xf32>
    %swap3A_118 = vector.shape_cast %swap3A_117 : vector<1x64x2048xf32> to vector<64x2048xf32>
    %swap3A_119 = vector.shape_cast %mul3A_113 : vector<64x2048xf32> to vector<1x64x2048xf32>
    tpu.vector_store %arg2[%swap3A_114, %swap3A_115, %swap3A_116], %swap3A_119 {strides = array<i32>} : memref<8x64x4096xf32, #tpu.memory_space<vmem>>, vector<1x64x2048xf32>,
    %get3A_120 = arith.constant 10240 : index
    %get3A_121 = arith.constant 0 : index
    %get3A_122 = vector.load %arg1[%get3A_120, %get3A_121] : memref<16384x128xf32, #tpu.memory_space<vmem>>, vector<2048x128xf32>
    %slice3A_123 = vector.extract_strided_slice %get3A_122 {offsets = [0, 0], sizes = [2048, 64], strides = [1, 1]} : vector<2048x128xf32> to vector<2048x64xf32>
    %transpose3A_124 = tpu.transpose %slice3A_123, [1, 0] : vector<2048x64xf32> -> vector<64x2048xf32>
    %mul3A_125 = arith.constant 8.000000e+00 : f32
    %mul3A_126 = vector.broadcast %mul3A_125 : f32 to vector<64x2048xf32>
    %mul3A_127 = arith.mulf %transpose3A_124, %mul3A_126 : vector<64x2048xf32>
    %swap3A_128 = arith.constant 5 : index
    %swap3A_129 = arith.constant 0 : index
    %swap3A_130 = arith.constant 0 : index
    %swap3A_131 = vector.load %arg2[%swap3A_128, %swap3A_129, %swap3A_130] : memref<8x64x4096xf32, #tpu.memory_space<vmem>>, vector<1x64x2048xf32>
    %swap3A_132 = vector.shape_cast %swap3A_131 : vector<1x64x2048xf32> to vector<64x2048xf32>
    %swap3A_133 = vector.shape_cast %mul3A_127 : vector<64x2048xf32> to vector<1x64x2048xf32>
    tpu.vector_store %arg2[%swap3A_128, %swap3A_129, %swap3A_130], %swap3A_133 {strides = array<i32>} : memref<8x64x4096xf32, #tpu.memory_space<vmem>>, vector<1x64x2048xf32>,
    %slice3A_134 = vector.extract_strided_slice %get3A_122 {offsets = [0, 64], sizes = [2048, 64], strides = [1, 1]} : vector<2048x128xf32> to vector<2048x64xf32>
    %transpose3A_135 = tpu.transpose %slice3A_134, [1, 0] : vector<2048x64xf32> -> vector<64x2048xf32>
    %mul3A_136 = arith.constant 8.000000e+00 : f32
    %mul3A_137 = vector.broadcast %mul3A_136 : f32 to vector<64x2048xf32>
    %mul3A_138 = arith.mulf %transpose3A_135, %mul3A_137 : vector<64x2048xf32>
    %swap3A_139 = arith.constant 5 : index
    %swap3A_140 = arith.constant 0 : index
    %swap3A_141 = arith.constant 2048 : index
    %swap3A_142 = vector.load %arg2[%swap3A_139, %swap3A_140, %swap3A_141] : memref<8x64x4096xf32, #tpu.memory_space<vmem>>, vector<1x64x2048xf32>
    %swap3A_143 = vector.shape_cast %swap3A_142 : vector<1x64x2048xf32> to vector<64x2048xf32>
    %swap3A_144 = vector.shape_cast %mul3A_138 : vector<64x2048xf32> to vector<1x64x2048xf32>
    tpu.vector_store %arg2[%swap3A_139, %swap3A_140, %swap3A_141], %swap3A_144 {strides = array<i32>} : memref<8x64x4096xf32, #tpu.memory_space<vmem>>, vector<1x64x2048xf32>,
    %get3A_145 = arith.constant 12288 : index
    %get3A_146 = arith.constant 0 : index
    %get3A_147 = vector.load %arg1[%get3A_145, %get3A_146] : memref<16384x128xf32, #tpu.memory_space<vmem>>, vector<2048x128xf32>
    %slice3A_148 = vector.extract_strided_slice %get3A_147 {offsets = [0, 0], sizes = [2048, 64], strides = [1, 1]} : vector<2048x128xf32> to vector<2048x64xf32>
    %transpose3A_149 = tpu.transpose %slice3A_148, [1, 0] : vector<2048x64xf32> -> vector<64x2048xf32>
    %mul3A_150 = arith.constant 8.000000e+00 : f32
    %mul3A_151 = vector.broadcast %mul3A_150 : f32 to vector<64x2048xf32>
    %mul3A_152 = arith.mulf %transpose3A_149, %mul3A_151 : vector<64x2048xf32>
    %swap3A_153 = arith.constant 6 : index
    %swap3A_154 = arith.constant 0 : index
    %swap3A_155 = arith.constant 0 : index
    %swap3A_156 = vector.load %arg2[%swap3A_153, %swap3A_154, %swap3A_155] : memref<8x64x4096xf32, #tpu.memory_space<vmem>>, vector<1x64x2048xf32>
    %swap3A_157 = vector.shape_cast %swap3A_156 : vector<1x64x2048xf32> to vector<64x2048xf32>
    %swap3A_158 = vector.shape_cast %mul3A_152 : vector<64x2048xf32> to vector<1x64x2048xf32>
    tpu.vector_store %arg2[%swap3A_153, %swap3A_154, %swap3A_155], %swap3A_158 {strides = array<i32>} : memref<8x64x4096xf32, #tpu.memory_space<vmem>>, vector<1x64x2048xf32>,
    %slice3A_159 = vector.extract_strided_slice %get3A_147 {offsets = [0, 64], sizes = [2048, 64], strides = [1, 1]} : vector<2048x128xf32> to vector<2048x64xf32>
    %transpose3A_160 = tpu.transpose %slice3A_159, [1, 0] : vector<2048x64xf32> -> vector<64x2048xf32>
    %mul3A_161 = arith.constant 8.000000e+00 : f32
    %mul3A_162 = vector.broadcast %mul3A_161 : f32 to vector<64x2048xf32>
    %mul3A_163 = arith.mulf %transpose3A_160, %mul3A_162 : vector<64x2048xf32>
    %swap3A_164 = arith.constant 6 : index
    %swap3A_165 = arith.constant 0 : index
    %swap3A_166 = arith.constant 2048 : index
    %swap3A_167 = vector.load %arg2[%swap3A_164, %swap3A_165, %swap3A_166] : memref<8x64x4096xf32, #tpu.memory_space<vmem>>, vector<1x64x2048xf32>
    %swap3A_168 = vector.shape_cast %swap3A_167 : vector<1x64x2048xf32> to vector<64x2048xf32>
    %swap3A_169 = vector.shape_cast %mul3A_163 : vector<64x2048xf32> to vector<1x64x2048xf32>
    tpu.vector_store %arg2[%swap3A_164, %swap3A_165, %swap3A_166], %swap3A_169 {strides = array<i32>} : memref<8x64x4096xf32, #tpu.memory_space<vmem>>, vector<1x64x2048xf32>,
    %get3A_170 = arith.constant 14336 : index
    %get3A_171 = arith.constant 0 : index
    %get3A_172 = vector.load %arg1[%get3A_170, %get3A_171] : memref<16384x128xf32, #tpu.memory_space<vmem>>, vector<2048x128xf32>
    %slice3A_173 = vector.extract_strided_slice %get3A_172 {offsets = [0, 0], sizes = [2048, 64], strides = [1, 1]} : vector<2048x128xf32> to vector<2048x64xf32>
    %transpose3A_174 = tpu.transpose %slice3A_173, [1, 0] : vector<2048x64xf32> -> vector<64x2048xf32>
    %mul3A_175 = arith.constant 8.000000e+00 : f32
    %mul3A_176 = vector.broadcast %mul3A_175 : f32 to vector<64x2048xf32>
    %mul3A_177 = arith.mulf %transpose3A_174, %mul3A_176 : vector<64x2048xf32>
    %swap3A_178 = arith.constant 7 : index
    %swap3A_179 = arith.constant 0 : index
    %swap3A_180 = arith.constant 0 : index
    %swap3A_181 = vector.load %arg2[%swap3A_178, %swap3A_179, %swap3A_180] : memref<8x64x4096xf32, #tpu.memory_space<vmem>>, vector<1x64x2048xf32>
    %swap3A_182 = vector.shape_cast %swap3A_181 : vector<1x64x2048xf32> to vector<64x2048xf32>
    %swap3A_183 = vector.shape_cast %mul3A_177 : vector<64x2048xf32> to vector<1x64x2048xf32>
    tpu.vector_store %arg2[%swap3A_178, %swap3A_179, %swap3A_180], %swap3A_183 {strides = array<i32>} : memref<8x64x4096xf32, #tpu.memory_space<vmem>>, vector<1x64x2048xf32>,
    %slice3A_184 = vector.extract_strided_slice %get3A_172 {offsets = [0, 64], sizes = [2048, 64], strides = [1, 1]} : vector<2048x128xf32> to vector<2048x64xf32>
    %transpose3A_185 = tpu.transpose %slice3A_184, [1, 0] : vector<2048x64xf32> -> vector<64x2048xf32>
    %mul3A_186 = arith.constant 8.000000e+00 : f32
    %mul3A_187 = vector.broadcast %mul3A_186 : f32 to vector<64x2048xf32>
    %mul3A_188 = arith.mulf %transpose3A_185, %mul3A_187 : vector<64x2048xf32>
    %swap3A_189 = arith.constant 7 : index
    %swap3A_190 = arith.constant 0 : index
    %swap3A_191 = arith.constant 2048 : index
    %swap3A_192 = vector.load %arg2[%swap3A_189, %swap3A_190, %swap3A_191] : memref<8x64x4096xf32, #tpu.memory_space<vmem>>, vector<1x64x2048xf32>
    %swap3A_193 = vector.shape_cast %swap3A_192 : vector<1x64x2048xf32> to vector<64x2048xf32>
    %swap3A_194 = vector.shape_cast %mul3A_188 : vector<64x2048xf32> to vector<1x64x2048xf32>
    tpu.vector_store %arg2[%swap3A_189, %swap3A_190, %swap3A_191], %swap3A_194 {strides = array<i32>} : memref<8x64x4096xf32, #tpu.memory_space<vmem>>, vector<1x64x2048xf32>,
    return
  }
  func.func @transform_0(%arg0: i32) -> (i32, i32) {
    %c0_i32 = arith.constant 0 : i32
    %c0_i32_0 = arith.constant 0 : i32
    return %arg0, %c0_i32 : i32, i32
  }
  func.func @transform_1(%arg0: i32) -> (i32, i32, i32) {
    %c0_i32 = arith.constant 0 : i32
    %c0_i32_0 = arith.constant 0 : i32
    %c0_i32_1 = arith.constant 0 : i32
    return %arg0, %c0_i32, %c0_i32_0 : i32, i32, i32
  }
}

</mosaic_0001>

<sc_bundles>
// kernel: kernel.5.cloned.1.call-start
scs
__scs_entry_jumppad:
0x0: {  	(pc) =	sbr.rel $0x88, $3  }
0x1: {  	(tag) =	ssettag $0x0;
	lr =	simm.s32 $0x1  }
0x2: {  	[smem:$0x3F9F] =	sst lr;
	_ =	strace $0xD0000000  }
0x3: {  	_ = 	snop  }
0x4: {  	_ = 	snop  }
0x5: {  	_ = 	snop  }
0x6: {  	_ = 	snop  }
0x7: {  	_ = 	snop  }
__scs_overlays_trampoline_lowered:
0x8: {  	[smem:$0x3FAE] =	sst s0  }
0x9: {  	[smem:$0x3FAF] =	sst s1  }
0xa: {  	[smem:$0x3FB0] =	sst s2  }
0xb: {  	[smem:$0x3FB1] =	sst s3  }
0xc: {  	[smem:$0x3FB2] =	sst s4  }
0xd: {  	[smem:$0x3FB3] =	sst s5  }
0xe: {  	[smem:$0x3FB4] =	sst s6  }
0xf: {  	[smem:$0x3FB5] =	sst s7  }
0x10: {  	[smem:$0x3FB6] =	sst s8  }
0x11: {  	[smem:$0x3FB7] =	sst s9;
	s0 =	simm.s32 @!p0 $0x0  }
0x12: {  	s1 =	sld [smem:$0x3F9D];
	s0 =	simm.s32 @p0 $0x1  }
0x13: {  	[smem:$0x3FB8] =	sst s0;
	s0 =	simm.s32 @!p1 $0x0  }
0x14: {  	s2 =	sld [smem:$0x3F9C];
	s0 =	simm.s32 @p1 $0x1  }
0x15: {  	[smem:$0x3FB9] =	sst s0;
	s0 =	simm.s32 @!p2 $0x0  }
0x16: {  	s3 =	sld [smem:$0x3FDB];
	s0 =	simm.s32 @p2 $0x1  }
0x17: {  	s4 =	simm.s32 $0x1BF5;
	[smem:$0x3FBB] =	sst s0  }
0x18: {  	s0 =	sld [smem:$0x3F9E];
	_ =	swait.ge [sflag:s4], $0x0  }
0x19: {  	s7 =	sld [smem:$0x3F9F]  }
0x1a: {  	s8 =	sadd.s32 $0xFFFFE003, lr  }
0x1b: {  	s9 =	sadd.s32 $0xFFFFFEF7, lr;
	s5 =	simm.s32 $0xFFFFFFFF;
	p2 =	slt.u32 s8, $0xFFFFF086  }
0x1c: {  	p1 =	slt.u32 s9, $0xF7A;
	s5 =	simm.s32 @!p2 $0x0  }
0x1d: {  	s5 =	simm.s32 @p1 $0x1;
	p0 =	seq.s32 s7, s2  }
0x1e: {  	s7 =	smul.u32 @!p0 $0xF7A, s2;
	p2 =	seq.s32 @!p0 s5, $0x0  }
0x1f: {  	s9 =	smul.u32 $0xF7A, s1;
	s8 =	simm.s32 @!p0 $0x1BF5;
	p2 =	por !p2, p0  }
0x20: {  	[sflag:s8] =	ssyncset.s32 @!p0 $0xFFFFF086;
	s6 =	sadd.s32 @!p0 s3, s7;
	s7 =	simm.s32 @!p0 $0x108  }
0x21: {  	s3 =	sadd.s32 s3, s9;
	s6 =	sadd.s32 @!p0 $0x88, s6;
	s7 =	simm.s32 @p2 $0x1082  }
0x22: {  	[simem:s7], [sflag:s8] =	dma.local @!p0 [hbm:s6], $0xF7A  }
0x23: {  	s9 =	sor.u32 $0xD0000000, s2;
	s6 =	simm.s32 $0x108;
	_ =	swait.ge @!p0 [sflag:s8], $0x0  }
0x24: {  	s3 =	sadd.s32 $0x88, s3;
	s6 =	simm.s32 @!p1 $0x1082;
	[sflag:s4] =	ssyncset.s32 $0xFFFFF086  }
0x25: {  	[simem:s6], [sflag:s4] =	dma.local [hbm:s3], $0xF7A  }
0x26: {  	[smem:$0x3F9F] =	sst s1;
	(tag) =	ssettag s2;
	_ =	strace s9  }
0x27: {  	s1 =	sld [smem:$0x3FAF]  }
0x28: {  	s2 =	sld [smem:$0x3FB0]  }
0x29: {  	s4 =	sld [smem:$0x3FB2]  }
0x2a: {  	p0 =	seq.s32 s5, $0x0;
	s5 =	sld [smem:$0x3FB3]  }
0x2b: {  	s6 =	sld [smem:$0x3FB4]  }
0x2c: {  	s7 =	sld [smem:$0x3FB5]  }
0x2d: {  	s3 =	simm.s32 $0x108;
	s8 =	sld [smem:$0x3FB6]  }
0x2e: {  	s3 =	simm.s32 @!p0 $0x1082;
	s9 =	sld [smem:$0x3FB7]  }
0x2f: {  	lr =	sadd.s32 s0, s3;
	s0 =	sld [smem:$0x3FAE]  }
0x30: {  	s3 =	sld [smem:$0x3FB1]  }
0x31: {  	[smem:$0x3FBA] =	sst s10  }
0x32: {  	s10 =	sld [smem:$0x3FB8];
	_ =	sdelay $0x3  }
0x33: {  	p0 =	seq.s32 s10, $0x1;
	s10 =	sld [smem:$0x3FBA];
	_ =	sdelay $0x3  }
0x34: {  	[smem:$0x3FBA] =	sst s10  }
0x35: {  	s10 =	sld [smem:$0x3FB9];
	_ =	sdelay $0x3  }
0x36: {  	p1 =	seq.s32 s10, $0x1;
	s10 =	sld [smem:$0x3FBA];
	_ =	sdelay $0x3  }
0x37: {  	[smem:$0x3FBA] =	sst s10  }
0x38: {  	s10 =	sld [smem:$0x3FBB]  }
0x39: {  	_ = 	snop;
	(pc) =	sbr.ind lr, $3  }
0x3a: {  	_ = 	snop  }
0x3b: {  	_ = 	snop  }
0x3c: {  	p2 =	seq.s32 s10, $0x1;
	s10 =	sld [smem:$0x3FBA]  }
0x3d: {  	_ =	shalt  }
0x3e: {  	_ =	shalt  }
0x3f: {  	_ =	shalt  }
0x40: {  	_ =	shalt  }
0x41: {  	_ =	shalt  }
0x42: {  	_ =	shalt  }
0x43: {  	_ =	shalt  }
0x44: {  	_ =	shalt  }
0x45: {  	_ =	shalt  }
0x46: {  	_ =	shalt  }
0x47: {  	_ =	shalt  }
0x48: {  	_ =	shalt  }
0x49: {  	_ =	shalt  }
0x4a: {  	_ =	shalt  }
0x4b: {  	_ =	shalt  }
0x4c: {  	_ =	shalt  }
0x4d: {  	_ =	shalt  }
0x4e: {  	_ =	shalt  }
0x4f: {  	_ =	shalt  }
0x50: {  	_ =	shalt  }
0x51: {  	_ =	shalt  }
0x52: {  	_ =	shalt  }
0x53: {  	_ =	shalt  }
0x54: {  	_ =	shalt  }
0x55: {  	_ =	shalt  }
0x56: {  	_ =	shalt  }
0x57: {  	_ =	shalt  }
0x58: {  	_ =	shalt  }
0x59: {  	_ =	shalt  }
0x5a: {  	_ =	shalt  }
0x5b: {  	_ =	shalt  }
0x5c: {  	_ =	shalt  }
0x5d: {  	_ =	shalt  }
0x5e: {  	_ =	shalt  }
0x5f: {  	_ =	shalt  }
0x60: {  	_ =	shalt  }
0x61: {  	_ =	shalt  }
0x62: {  	_ =	shalt  }
0x63: {  	_ =	shalt  }
0x64: {  	_ =	shalt  }
0x65: {  	_ =	shalt  }
0x66: {  	_ =	shalt  }
0x67: {  	_ =	shalt  }
0x68: {  	_ =	shalt  }
0x69: {  	_ =	shalt  }
0x6a: {  	_ =	shalt  }
0x6b: {  	_ =	shalt  }
0x6c: {  	_ =	shalt  }
0x6d: {  	_ =	shalt  }
0x6e: {  	_ =	shalt  }
0x6f: {  	_ =	shalt  }
0x70: {  	_ =	shalt  }
0x71: {  	_ =	shalt  }
0x72: {  	_ =	shalt  }
0x73: {  	_ =	shalt  }
0x74: {  	_ =	shalt  }
0x75: {  	_ =	shalt  }
0x76: {  	_ =	shalt  }
0x77: {  	_ =	shalt  }
0x78: {  	_ =	shalt  }
0x79: {  	_ =	shalt  }
0x7a: {  	_ =	shalt  }
0x7b: {  	_ =	shalt  }
0x7c: {  	_ =	shalt  }
0x7d: {  	_ =	shalt  }
0x7e: {  	_ =	shalt  }
0x7f: {  	_ =	shalt  }
0x80: {  	_ =	shalt  }
0x81: {  	_ =	shalt  }
0x82: {  	_ =	shalt  }
0x83: {  	_ =	shalt  }
0x84: {  	_ =	shalt  }
0x85: {  	_ =	shalt  }
0x86: {  	_ =	shalt  }
0x87: {  	_ =	shalt  }
.Lfunc_end0:
.L_simem_size_0:
called_computation_lowered:
.L_overlay_start_0:
0x88: {  	s2 =	sld [smem:$0x3FD9]  }
0x89: {  	s3 =	sld [smem:$0x3FFE];
	_ =	sdelay $0x1  }
0x8a: {  	s1 =	srdreg.scid  }
0x8b: {  	s0 =	sand.u32 $0x1, s1  }
0x8c: {  	s17 =	sshll.u32 s0, $0xA;
	s2 =	sadd.s32 s3, s2  }
0x8d: {  	s2 =	sadd.s32 s2, s17  }
0x8e: {  	[smem:$0x3FC6] =	sst s2  }
0x8f: {  	_ = 	snop  }
0x90: {  	s2 =	sld [smem:$0x3FD0];
	(tm) =	ssettm $0x1  }
0x91: {  	s18 =	sld [smem:$0x3FFB];
	_ =	sdelay $0x3  }
0x92: {  	_ =	strace s18  }
0x93: {  	s3 =	sld [smem:$0x3FFC];
	_ =	sdelay $0x3  }
0x94: {  	_ =	strace s3  }
0x95: {  	s3 =	sld [smem:$0x3FFD];
	_ =	sdelay $0x3  }
0x96: {  	_ =	strace s3  }
0x97: {  	_ =	strace $0x8FFFFFFF  }
0x98: {  	s19 =	sld [smem:$0x3FDB];
	_ =	sdelay $0x1  }
0x99: {  	s4 =	simm.s32 $_scs_section_size  }
0x9a: {  	s5 =	simm.s32 $_size__tile_overlayer_lowered;
	s6 =	simm.s32 $_tile_overlayer_lowered  }
0x9b: {  	s22 =	simm.s32 $0x1BFF;
	s21 =	sshll.u32 s6, $0x1;
	s3 =	sadd.s32 s4, s19  }
0x9c: {  	s7 =	simm.s32 $0x0;
	s20 =	sshll.u32 s5, $0x1;
	s5 =	sadd.s32 s21, s3  }
0x9d: {  	[timem:s7], [sflag:s22] =	dma.local [hbm:s5], s20  }
0x9e: {  	_ =	swait.ge [sflag:s22], s20  }
0x9f: {  	s4 =	ssub.s32 $0x0, s20;
	[sflag:s22] =	ssyncset.done $0x0  }
0xa0: {  	[sflag:s22] =	ssyncadd.s32 s4;
	_ =	sdelay $0x1  }
0xa1: {  	s23 =	simm.s32 $0x1B8B  }
0xa2: {  	_ =	swait.ge [sflag:s23], $0x1  }
0xa3: {  	[sflag:s23] =	ssyncset.done $0x0  }
0xa4: {  	s25 =	simm.s32 $0x1B8E;
	s24 =	sld [smem:$0x3FFE];
	[sflag:s23] =	ssyncadd.s32 $0xFFFFFFFF  }
0xa5: {  	s26 =	simm.s32 $execute0_lowered;
	[smem:$0x3FD2] =	sst s25  }
0xa6: {  	s5 =	sshll.u32 s26, $0x1;
	_ =	strace $0x80000046;
	[dreg:$0x1] =	wrdreg $0xFFFFFFFF  }
0xa7: {  	s28 =	simm.s32 $_size_execute0_lowered;
	s3 =	sadd.s32 s3, s5;
	[dreg:$0x0] =	wrdreg $0x0  }
0xa8: {  	s5 =	sshll.u32 s28, $0x1;
	[dreg:$0x2] =	wrdreg s3  }
0xa9: {  	[dreg:$0x3] =	wrdreg s5  }
0xaa: {  	[dreg:$0x4] =	wrdreg $0xC0  }
0xab: {  	_ =	task [dreg:s7], $0x5FFFF  }
0xac: {  	[dreg:$0x1] =	wrdreg $0xFFFFFFFF  }
0xad: {  	[dreg:$0x0] =	wrdreg $0x60  }
0xae: {  	[dreg:$0x2] =	wrdreg s24  }
0xaf: {  	[dreg:$0x3] =	wrdreg s2  }
0xb0: {  	[dreg:$0x4] =	wrdreg $0x9  }
0xb1: {  	_ =	task.clear_ibuf [dreg:s7], $0x5FFFF;
	_ =	strace $0x90000046  }
0xb2: {  	s29 =	simm.s32 $0x9;
	_ =	strace $0x80000048  }
0xb3: {  	_ =	swait.ge [sflag:s29], $0x1  }
0xb4: {  	[sflag:s29] =	ssyncadd.s32 $0xFFFFFFFF  }
0xb5: {  	_ =	strace $0x90000048  }
0xb6: {  	_ =	sfence  }
0xb7: {  	s30 =	sld [smem:$0x0];
	_ =	sdelay $0x2  }
0xb8: {  	s31 =	sshll.u32 s1, $0xD;
	s1 =	sshrl.u32 s1, $0x2  }
0xb9: {  	s3 =	sand.u32 $0x4000, s31;
	s1 =	sadd.s32 s1, s30  }
0xba: {  	s0 =	sor.u32 s3, s0;
	s1 =	sshll.u32 s1, $0x11  }
0xbb: {  	s0 =	sor.u32 s1, s0  }
0xbc: {  	s0 =	sadd.s32 $0x8F2B, s0  }
0xbd: {  	[sflag:s0] =	ssyncadd.remote.s32 $0x1  }
0xbe: {  	_ =	sfence.sel $0xFFFF  }
0xbf: {  	[dreg:$0x0] =	wrdreg $0xFFFFFFFF;
	(pc) =	sbr.abs _section_cstart, $3  }
0xc0: {  	[dreg:$0x1] =	wrdreg $0xFFFFFFFF  }
0xc1: {  	_ =	task.clear_ibuf [dreg:s7], $0x2FFFF;
	_ =	strace $0x9FFFFFFF  }
0xc2: {  	(tm) =	ssettm $0x7FFFFFFF  }
0xc3: {  	_ =	shalt  }
tec
execute0_lowered:
.L_overlay_start_1:
0x0: {  	(tag) =	ssettag $0x1  }
0x1: {  	v0 =	vimm.s32 $0x45054404;
	v1 =	vimm.s32 $0x47074606  }
0x2: {  	vm0 =	vcmask $0x1F10;
	v2 =	vimm.s32 $0x43034202;
	v3 =	vimm.s32 $0x4D0D4C0C  }
0x3: {  	v4 =	vimm.s32 $0x4F0F4E0E;
	v5 =	vimm.s32 $0x49094808;
	v6 =	vimm.s32 $0x4B0B4A0A  }
0x4: {  	v7 =	vimm.s32 $0x55155414;
	v8 =	vimm.s32 $0x57175616;
	v9 =	vimm.s32 $0x63236222  }
0x5: {  	v10 =	vimm.s32 $0x6D2D6C2C;
	v11 =	vimm.s32 $0x6F2F6E2E;
	v12 =	vimm.s32 $0x69296828  }
0x6: {  	v13 =	vimm.s32 $0x6B2B6A2A;
	v14 =	vimm.s32 $0xC383C282;
	v15 =	vimm.s32 $0xD191D090  }
0x7: {  	v16 =	vimm.s32 $0xD393D292;
	v17 =	vimm.s32 $0xF5B5F4B4;
	v18 =	vimm.s32 $0xF7B7F6B6  }
0x8: {  	v19 =	vimm.s32 $0xF1B1F0B0;
	v20 =	vimm.s32 $0xF3B3F2B2;
	vm14 =	vcmask $0x300  }
0x9: {  	vm13 =	vcmask $0x704;
	vm12 =	vcmask $0xB08;
	vm11 =	vcmask $0xF0C  }
0xa: {  	vm10 =	vcmask $0x1310;
	vm9 =	vcmask $0x1714;
	vm15 =	vcmask $0x1B18  }
0xb: {  	vm1 =	vcmask $0x1F1C;
	vm2 =	vcmask $0x2320;
	vm3 =	vcmask $0x2724  }
0xc: {  	vm4 =	vcmask $0x2B28;
	vm5 =	vcmask $0x2F2C;
	vm6 =	vcmask $0x3330  }
0xd: {  	vm7 =	vcmask $0x3734;
	vm8 =	vcmask $0x3B38;
	v21 =	vimm.s32 $0x16F  }
0xe: {  	v22 =	vimm.s32 $0x177;
	v23 =	vimm.s32 $0x17F;
	v24 =	vimm.s32 $0x1C7  }
0xf: {  	v25 =	vimm.s32 $0x1CF;
	v26 =	vimm.s32 $0x1D7;
	v27 =	vimm.s32 $0x1DF  }
0x10: {  	v28 =	vimm.s32 $0x1E7;
	v29 =	vimm.s32 $0x1EF;
	v30 =	vimm.s32 $0x1F7  }
0x11: {  	v31 =	vimm.s32 $0x1FF;
	v32 =	vimm.s32 $0x247;
	v33 =	vimm.s32 $0x24F  }
0x12: {  	v34 =	vimm.s32 $0x257;
	v35 =	vimm.s32 $0x25F;
	v36 =	vimm.s32 $0x267  }
0x13: {  	v37 =	vimm.s32 $0x26F;
	v38 =	vimm.s32 $0x277;
	v39 =	vimm.s32 $0x27F  }
0x14: {  	v40 =	vimm.s32 $0x2C7;
	v41 =	vimm.s32 $0x2CF;
	v42 =	vimm.s32 $0x2D7  }
0x15: {  	v43 =	vimm.s32 $0x2DF;
	v44 =	vimm.s32 $0x2E7;
	v45 =	vimm.s32 $0x2EF  }
0x16: {  	v46 =	vimm.s32 $0x2F7;
	v47 =	vimm.s32 $0x2FF;
	v48 =	vimm.s32 $0x347  }
0x17: {  	v49 =	vimm.s32 $0x34F;
	v50 =	vimm.s32 $0x357;
	v51 =	vimm.s32 $0x35F  }
0x18: {  	v52 =	vimm.s32 $0x367;
	v53 =	vimm.s32 $0x36F;
	v54 =	vimm.s32 $0x377  }
0x19: {  	v55 =	vimm.s32 $0x37F;
	v56 =	vimm.s32 $0x3C7;
	v57 =	vimm.s32 $0x3CF  }
0x1a: {  	v58 =	vimm.s32 $0x3D7;
	v59 =	vimm.s32 $0x3DF;
	v60 =	vimm.s32 $0x3E7  }
0x1b: {  	v61 =	vimm.s32 $0x3EF;
	v62 =	vimm.s32 $0x3F7;
	v63 =	vimm.s32 $0x3FF  }
0x1c: {  	v0 =	vunpack.c.0.s8.s32 v0;
	v1 =	vunpack.c.0.s8.s32 v1;
	v2 =	vunpack.c.0.s8.s32 v2  }
0x1d: {  	v3 =	vunpack.c.0.s8.s32 v3;
	v4 =	vunpack.c.0.s8.s32 v4;
	v5 =	vunpack.c.0.s8.s32 v5  }
0x1e: {  	v6 =	vunpack.c.0.s8.s32 v6;
	v9 =	vunpack.c.0.s8.s32 v9;
	v10 =	vunpack.c.0.s8.s32 v10  }
0x1f: {  	v11 =	vunpack.c.0.s8.s32 v11;
	v12 =	vunpack.c.0.s8.s32 v12;
	v13 =	vunpack.c.0.s8.s32 v13  }
0x20: {  	v15 =	vunpack.c.0.s8.s32 v15;
	v16 =	vunpack.c.0.s8.s32 v16;
	v17 =	vunpack.c.0.s8.s32 v17  }
0x21: {  	v18 =	vunpack.c.0.s8.s32 v18;
	v19 =	vunpack.c.0.s8.s32 v19;
	v20 =	vunpack.c.0.s8.s32 v20  }
0x22: {  	v21 =	vsel vm14, $0x128, v21;
	v22 =	vsel vm14, $0x130, v22;
	v23 =	vsel vm14, $0x138, v23  }
0x23: {  	v24 =	vsel vm14, $0x180, v24;
	v25 =	vsel vm14, $0x188, v25;
	v26 =	vsel vm14, $0x190, v26  }
0x24: {  	v27 =	vsel vm14, $0x198, v27;
	v28 =	vsel vm14, $0x1A0, v28;
	v29 =	vsel vm14, $0x1A8, v29  }
0x25: {  	v30 =	vsel vm14, $0x1B0, v30;
	v31 =	vsel vm14, $0x1B8, v31;
	v32 =	vsel vm14, $0x200, v32  }
0x26: {  	v33 =	vsel vm14, $0x208, v33;
	v34 =	vsel vm14, $0x210, v34;
	v35 =	vsel vm14, $0x218, v35  }
0x27: {  	v36 =	vsel vm14, $0x220, v36;
	v37 =	vsel vm14, $0x228, v37;
	v38 =	vsel vm14, $0x230, v38  }
0x28: {  	v39 =	vsel vm14, $0x238, v39;
	v40 =	vsel vm14, $0x280, v40;
	v41 =	vsel vm14, $0x288, v41  }
0x29: {  	v42 =	vsel vm14, $0x290, v42;
	v43 =	vsel vm14, $0x298, v43;
	v44 =	vsel vm14, $0x2A0, v44  }
0x2a: {  	v45 =	vsel vm14, $0x2A8, v45;
	v46 =	vsel vm14, $0x2B0, v46;
	v47 =	vsel vm14, $0x2B8, v47  }
0x2b: {  	v48 =	vsel vm14, $0x300, v48;
	v49 =	vsel vm14, $0x308, v49;
	v50 =	vsel vm14, $0x310, v50  }
0x2c: {  	v51 =	vsel vm14, $0x318, v51;
	v52 =	vsel vm14, $0x320, v52;
	v53 =	vsel vm14, $0x328, v53  }
0x2d: {  	v54 =	vsel vm14, $0x330, v54;
	v55 =	vsel vm14, $0x338, v55;
	v56 =	vsel vm14, $0x380, v56  }
0x2e: {  	v57 =	vsel vm14, $0x388, v57;
	v58 =	vsel vm14, $0x390, v58;
	v59 =	vsel vm14, $0x398, v59  }
0x2f: {  	v60 =	vsel vm14, $0x3A0, v60;
	v61 =	vsel vm14, $0x3A8, v61;
	v62 =	vsel vm14, $0x3B0, v62  }
0x30: {  	v63 =	vsel vm14, $0x3B8, v63;
	v21 =	vsel vm13, $0x168, v21;
	v22 =	vsel vm13, $0x170, v22  }
0x31: {  	v23 =	vsel vm13, $0x178, v23;
	v24 =	vsel vm13, $0x1C0, v24;
	v25 =	vsel vm13, $0x1C8, v25  }
0x32: {  	v26 =	vsel vm13, $0x1D0, v26;
	v27 =	vsel vm13, $0x1D8, v27;
	v28 =	vsel vm13, $0x1E0, v28  }
0x33: {  	v29 =	vsel vm13, $0x1E8, v29;
	v30 =	vsel vm13, $0x1F0, v30;
	v31 =	vsel vm13, $0x1F8, v31  }
0x34: {  	v32 =	vsel vm13, $0x240, v32;
	v33 =	vsel vm13, $0x248, v33;
	v34 =	vsel vm13, $0x250, v34  }
0x35: {  	v35 =	vsel vm13, $0x258, v35;
	v36 =	vsel vm13, $0x260, v36;
	v37 =	vsel vm13, $0x268, v37  }
0x36: {  	v38 =	vsel vm13, $0x270, v38;
	v39 =	vsel vm13, $0x278, v39;
	v40 =	vsel vm13, $0x2C0, v40  }
0x37: {  	v41 =	vsel vm13, $0x2C8, v41;
	v42 =	vsel vm13, $0x2D0, v42;
	v43 =	vsel vm13, $0x2D8, v43  }
0x38: {  	v44 =	vsel vm13, $0x2E0, v44;
	v45 =	vsel vm13, $0x2E8, v45;
	v46 =	vsel vm13, $0x2F0, v46  }
0x39: {  	v47 =	vsel vm13, $0x2F8, v47;
	v48 =	vsel vm13, $0x340, v48;
	v49 =	vsel vm13, $0x348, v49  }
0x3a: {  	v50 =	vsel vm13, $0x350, v50;
	v51 =	vsel vm13, $0x358, v51;
	v52 =	vsel vm13, $0x360, v52  }
0x3b: {  	v53 =	vsel vm13, $0x368, v53;
	v54 =	vsel vm13, $0x370, v54;
	v55 =	vsel vm13, $0x378, v55  }
0x3c: {  	v56 =	vsel vm13, $0x3C0, v56;
	v57 =	vsel vm13, $0x3C8, v57;
	v58 =	vsel vm13, $0x3D0, v58  }
0x3d: {  	v59 =	vsel vm13, $0x3D8, v59;
	v60 =	vsel vm13, $0x3E0, v60;
	v61 =	vsel vm13, $0x3E8, v61  }
0x3e: {  	v62 =	vsel vm13, $0x3F0, v62;
	v63 =	vsel vm13, $0x3F8, v63;
	v0 =	vsel vm0, v1, v0  }
0x3f: {  	v1 =	vimm.s32 $0x41014000;
	v21 =	vsel vm12, $0x129, v21;
	v22 =	vsel vm12, $0x131, v22  }
0x40: {  	v23 =	vsel vm12, $0x139, v23;
	v24 =	vsel vm12, $0x181, v24;
	v25 =	vsel vm12, $0x189, v25  }
0x41: {  	v26 =	vsel vm12, $0x191, v26;
	v27 =	vsel vm12, $0x199, v27;
	v28 =	vsel vm12, $0x1A1, v28  }
0x42: {  	v29 =	vsel vm12, $0x1A9, v29;
	v30 =	vsel vm12, $0x1B1, v30;
	v31 =	vsel vm12, $0x1B9, v31  }
0x43: {  	v32 =	vsel vm12, $0x201, v32;
	v33 =	vsel vm12, $0x209, v33;
	v34 =	vsel vm12, $0x211, v34  }
0x44: {  	v35 =	vsel vm12, $0x219, v35;
	v36 =	vsel vm12, $0x221, v36;
	v37 =	vsel vm12, $0x229, v37  }
0x45: {  	v38 =	vsel vm12, $0x231, v38;
	v39 =	vsel vm12, $0x239, v39;
	v40 =	vsel vm12, $0x281, v40  }
0x46: {  	v41 =	vsel vm12, $0x289, v41;
	v42 =	vsel vm12, $0x291, v42;
	v43 =	vsel vm12, $0x299, v43  }
0x47: {  	v44 =	vsel vm12, $0x2A1, v44;
	v45 =	vsel vm12, $0x2A9, v45;
	v46 =	vsel vm12, $0x2B1, v46  }
0x48: {  	v47 =	vsel vm12, $0x2B9, v47;
	v48 =	vsel vm12, $0x301, v48;
	v49 =	vsel vm12, $0x309, v49  }
0x49: {  	v50 =	vsel vm12, $0x311, v50;
	v51 =	vsel vm12, $0x319, v51;
	v52 =	vsel vm12, $0x321, v52  }
0x4a: {  	v53 =	vsel vm12, $0x329, v53;
	v54 =	vsel vm12, $0x331, v54;
	v55 =	vsel vm12, $0x339, v55  }
0x4b: {  	v56 =	vsel vm12, $0x381, v56;
	v57 =	vsel vm12, $0x389, v57;
	v58 =	vsel vm12, $0x391, v58  }
0x4c: {  	v59 =	vsel vm12, $0x399, v59;
	v60 =	vsel vm12, $0x3A1, v60;
	v61 =	vsel vm12, $0x3A9, v61  }
0x4d: {  	v62 =	vsel vm12, $0x3B1, v62;
	v63 =	vsel vm12, $0x3B9, v63;
	v1 =	vunpack.c.0.s8.s32 v1  }
0x4e: {  	v21 =	vsel vm11, $0x169, v21;
	v22 =	vsel vm11, $0x171, v22;
	v23 =	vsel vm11, $0x179, v23  }
0x4f: {  	v24 =	vsel vm11, $0x1C1, v24;
	v25 =	vsel vm11, $0x1C9, v25;
	v26 =	vsel vm11, $0x1D1, v26  }
0x50: {  	v27 =	vsel vm11, $0x1D9, v27;
	v28 =	vsel vm11, $0x1E1, v28;
	v29 =	vsel vm11, $0x1E9, v29  }
0x51: {  	v30 =	vsel vm11, $0x1F1, v30;
	v31 =	vsel vm11, $0x1F9, v31;
	v32 =	vsel vm11, $0x241, v32  }
0x52: {  	v33 =	vsel vm11, $0x249, v33;
	v34 =	vsel vm11, $0x251, v34;
	v35 =	vsel vm11, $0x259, v35  }
0x53: {  	v36 =	vsel vm11, $0x261, v36;
	v37 =	vsel vm11, $0x269, v37;
	v38 =	vsel vm11, $0x271, v38  }
0x54: {  	v39 =	vsel vm11, $0x279, v39;
	v40 =	vsel vm11, $0x2C1, v40;
	v41 =	vsel vm11, $0x2C9, v41  }
0x55: {  	v42 =	vsel vm11, $0x2D1, v42;
	v43 =	vsel vm11, $0x2D9, v43;
	v44 =	vsel vm11, $0x2E1, v44  }
0x56: {  	v45 =	vsel vm11, $0x2E9, v45;
	v46 =	vsel vm11, $0x2F1, v46;
	v47 =	vsel vm11, $0x2F9, v47  }
0x57: {  	v48 =	vsel vm11, $0x341, v48;
	v49 =	vsel vm11, $0x349, v49;
	v50 =	vsel vm11, $0x351, v50  }
0x58: {  	v51 =	vsel vm11, $0x359, v51;
	v52 =	vsel vm11, $0x361, v52;
	v53 =	vsel vm11, $0x369, v53  }
0x59: {  	v54 =	vsel vm11, $0x371, v54;
	v55 =	vsel vm11, $0x379, v55;
	v56 =	vsel vm11, $0x3C1, v56  }
0x5a: {  	v57 =	vsel vm11, $0x3C9, v57;
	v58 =	vsel vm11, $0x3D1, v58;
	v59 =	vsel vm11, $0x3D9, v59  }
0x5b: {  	v60 =	vsel vm11, $0x3E1, v60;
	v61 =	vsel vm11, $0x3E9, v61;
	v62 =	vsel vm11, $0x3F1, v62  }
0x5c: {  	v63 =	vsel vm11, $0x3F9, v63;
	v21 =	vsel vm10, $0x12A, v21;
	v22 =	vsel vm10, $0x132, v22  }
0x5d: {  	v23 =	vsel vm10, $0x13A, v23;
	v24 =	vsel vm10, $0x182, v24;
	v25 =	vsel vm10, $0x18A, v25  }
0x5e: {  	v26 =	vsel vm10, $0x192, v26;
	v27 =	vsel vm10, $0x19A, v27;
	v28 =	vsel vm10, $0x1A2, v28  }
0x5f: {  	v29 =	vsel vm10, $0x1AA, v29;
	v30 =	vsel vm10, $0x1B2, v30;
	v31 =	vsel vm10, $0x1BA, v31  }
0x60: {  	v32 =	vsel vm10, $0x202, v32;
	v33 =	vsel vm10, $0x20A, v33;
	v34 =	vsel vm10, $0x212, v34  }
0x61: {  	v35 =	vsel vm10, $0x21A, v35;
	v36 =	vsel vm10, $0x222, v36;
	v37 =	vsel vm10, $0x22A, v37  }
0x62: {  	v38 =	vsel vm10, $0x232, v38;
	v39 =	vsel vm10, $0x23A, v39;
	v40 =	vsel vm10, $0x282, v40  }
0x63: {  	v41 =	vsel vm10, $0x28A, v41;
	v42 =	vsel vm10, $0x292, v42;
	v43 =	vsel vm10, $0x29A, v43  }
0x64: {  	v44 =	vsel vm10, $0x2A2, v44;
	v45 =	vsel vm10, $0x2AA, v45;
	v46 =	vsel vm10, $0x2B2, v46  }
0x65: {  	v47 =	vsel vm10, $0x2BA, v47;
	v48 =	vsel vm10, $0x302, v48;
	v49 =	vsel vm10, $0x30A, v49  }
0x66: {  	v50 =	vsel vm10, $0x312, v50;
	v51 =	vsel vm10, $0x31A, v51;
	v52 =	vsel vm10, $0x322, v52  }
0x67: {  	v53 =	vsel vm10, $0x32A, v53;
	v54 =	vsel vm10, $0x332, v54;
	v55 =	vsel vm10, $0x33A, v55  }
0x68: {  	v56 =	vsel vm10, $0x382, v56;
	v57 =	vsel vm10, $0x38A, v57;
	v58 =	vsel vm10, $0x392, v58  }
0x69: {  	v59 =	vsel vm10, $0x39A, v59;
	v60 =	vsel vm10, $0x3A2, v60;
	v61 =	vsel vm10, $0x3AA, v61  }
0x6a: {  	v62 =	vsel vm10, $0x3B2, v62;
	v63 =	vsel vm10, $0x3BA, v63;
	v1 =	vsel vm0, v2, v1  }
0x6b: {  	v2 =	vunpack.c.0.s8.s32 v7;
	v7 =	vunpack.c.0.s8.s32 v8;
	v8 =	vimm.s32 $0x5B1B5A1A  }
0x6c: {  	v21 =	vsel vm9, $0x16A, v21;
	v22 =	vsel vm9, $0x172, v22;
	v23 =	vsel vm9, $0x17A, v23  }
0x6d: {  	v24 =	vsel vm9, $0x1C2, v24;
	v25 =	vsel vm9, $0x1CA, v25;
	v26 =	vsel vm9, $0x1D2, v26  }
0x6e: {  	v27 =	vsel vm9, $0x1DA, v27;
	v28 =	vsel vm9, $0x1E2, v28;
	v29 =	vsel vm9, $0x1EA, v29  }
0x6f: {  	v30 =	vsel vm9, $0x1F2, v30;
	v31 =	vsel vm9, $0x1FA, v31;
	v32 =	vsel vm9, $0x242, v32  }
0x70: {  	v33 =	vsel vm9, $0x24A, v33;
	v34 =	vsel vm9, $0x252, v34;
	v35 =	vsel vm9, $0x25A, v35  }
0x71: {  	v36 =	vsel vm9, $0x262, v36;
	v37 =	vsel vm9, $0x26A, v37;
	v38 =	vsel vm9, $0x272, v38  }
0x72: {  	v39 =	vsel vm9, $0x27A, v39;
	v40 =	vsel vm9, $0x2C2, v40;
	v41 =	vsel vm9, $0x2CA, v41  }
0x73: {  	v42 =	vsel vm9, $0x2D2, v42;
	v43 =	vsel vm9, $0x2DA, v43;
	v44 =	vsel vm9, $0x2E2, v44  }
0x74: {  	v45 =	vsel vm9, $0x2EA, v45;
	v46 =	vsel vm9, $0x2F2, v46;
	v47 =	vsel vm9, $0x2FA, v47  }
0x75: {  	v48 =	vsel vm9, $0x342, v48;
	v49 =	vsel vm9, $0x34A, v49;
	v50 =	vsel vm9, $0x352, v50  }
0x76: {  	v51 =	vsel vm9, $0x35A, v51;
	v52 =	vsel vm9, $0x362, v52;
	v53 =	vsel vm9, $0x36A, v53  }
0x77: {  	v54 =	vsel vm9, $0x372, v54;
	v55 =	vsel vm9, $0x37A, v55;
	v56 =	vsel vm9, $0x3C2, v56  }
0x78: {  	v57 =	vsel vm9, $0x3CA, v57;
	v58 =	vsel vm9, $0x3D2, v58;
	v59 =	vsel vm9, $0x3DA, v59  }
0x79: {  	v60 =	vsel vm9, $0x3E2, v60;
	v61 =	vsel vm9, $0x3EA, v61;
	v62 =	vsel vm9, $0x3F2, v62  }
0x7a: {  	v63 =	vsel vm9, $0x3FA, v63;
	v0 =	vcombine.low v1, v0;
	v1 =	vsel vm0, v4, v3  }
0x7b: {  	v3 =	vsel vm0, v6, v5;
	v4 =	vimm.s32 $0x53135212;
	v5 =	vimm.s32 $0x5D1D5C1C  }
0x7c: {  	v6 =	vimm.s32 $0x5F1F5E1E;
	v21 =	vsel vm15, $0x12B, v21;
	v22 =	vsel vm15, $0x133, v22  }
0x7d: {  	v23 =	vsel vm15, $0x13B, v23;
	v24 =	vsel vm15, $0x183, v24;
	v25 =	vsel vm15, $0x18B, v25  }
0x7e: {  	v26 =	vsel vm15, $0x193, v26;
	v27 =	vsel vm15, $0x19B, v27;
	v28 =	vsel vm15, $0x1A3, v28  }
0x7f: {  	v29 =	vsel vm15, $0x1AB, v29;
	v30 =	vsel vm15, $0x1B3, v30;
	v31 =	vsel vm15, $0x1BB, v31  }
0x80: {  	v32 =	vsel vm15, $0x203, v32;
	v33 =	vsel vm15, $0x20B, v33;
	v34 =	vsel vm15, $0x213, v34  }
0x81: {  	v35 =	vsel vm15, $0x21B, v35;
	v36 =	vsel vm15, $0x223, v36;
	v37 =	vsel vm15, $0x22B, v37  }
0x82: {  	v38 =	vsel vm15, $0x233, v38;
	v39 =	vsel vm15, $0x23B, v39;
	v40 =	vsel vm15, $0x283, v40  }
0x83: {  	v41 =	vsel vm15, $0x28B, v41;
	v42 =	vsel vm15, $0x293, v42;
	v43 =	vsel vm15, $0x29B, v43  }
0x84: {  	v44 =	vsel vm15, $0x2A3, v44;
	v45 =	vsel vm15, $0x2AB, v45;
	v46 =	vsel vm15, $0x2B3, v46  }
0x85: {  	v47 =	vsel vm15, $0x2BB, v47;
	v48 =	vsel vm15, $0x303, v48;
	v49 =	vsel vm15, $0x30B, v49  }
0x86: {  	v50 =	vsel vm15, $0x313, v50;
	v51 =	vsel vm15, $0x31B, v51;
	v52 =	vsel vm15, $0x323, v52  }
0x87: {  	v53 =	vsel vm15, $0x32B, v53;
	v54 =	vsel vm15, $0x333, v54;
	v55 =	vsel vm15, $0x33B, v55  }
0x88: {  	v56 =	vsel vm15, $0x383, v56;
	v57 =	vsel vm15, $0x38B, v57;
	v58 =	vsel vm15, $0x393, v58  }
0x89: {  	v59 =	vsel vm15, $0x39B, v59;
	v60 =	vsel vm15, $0x3A3, v60;
	v61 =	vsel vm15, $0x3AB, v61  }
0x8a: {  	v62 =	vsel vm15, $0x3B3, v62;
	v63 =	vsel vm15, $0x3BB, v63;
	v1 =	vcombine.low v3, v1  }
0x8b: {  	v2 =	vsel vm0, v7, v2;
	v3 =	vimm.s32 $0x51115010;
	v4 =	vunpack.c.0.s8.s32 v4  }
0x8c: {  	v5 =	vunpack.c.0.s8.s32 v5;
	v6 =	vunpack.c.0.s8.s32 v6;
	v7 =	vimm.s32 $0x59195818  }
0x8d: {  	v21 =	vsel vm1, $0x16B, v21;
	v22 =	vsel vm1, $0x173, v22;
	v23 =	vsel vm1, $0x17B, v23  }
0x8e: {  	v24 =	vsel vm1, $0x1C3, v24;
	v25 =	vsel vm1, $0x1CB, v25;
	v26 =	vsel vm1, $0x1D3, v26  }
0x8f: {  	v27 =	vsel vm1, $0x1DB, v27;
	v28 =	vsel vm1, $0x1E3, v28;
	v29 =	vsel vm1, $0x1EB, v29  }
0x90: {  	v30 =	vsel vm1, $0x1F3, v30;
	v31 =	vsel vm1, $0x1FB, v31;
	v32 =	vsel vm1, $0x243, v32  }
0x91: {  	v33 =	vsel vm1, $0x24B, v33;
	v34 =	vsel vm1, $0x253, v34;
	v35 =	vsel vm1, $0x25B, v35  }
0x92: {  	v36 =	vsel vm1, $0x263, v36;
	v37 =	vsel vm1, $0x26B, v37;
	v38 =	vsel vm1, $0x273, v38  }
0x93: {  	v39 =	vsel vm1, $0x27B, v39;
	v40 =	vsel vm1, $0x2C3, v40;
	v41 =	vsel vm1, $0x2CB, v41  }
0x94: {  	v42 =	vsel vm1, $0x2D3, v42;
	v43 =	vsel vm1, $0x2DB, v43;
	v44 =	vsel vm1, $0x2E3, v44  }
0x95: {  	v45 =	vsel vm1, $0x2EB, v45;
	v46 =	vsel vm1, $0x2F3, v46;
	v47 =	vsel vm1, $0x2FB, v47  }
0x96: {  	v48 =	vsel vm1, $0x343, v48;
	v49 =	vsel vm1, $0x34B, v49;
	v50 =	vsel vm1, $0x353, v50  }
0x97: {  	v51 =	vsel vm1, $0x35B, v51;
	v52 =	vsel vm1, $0x363, v52;
	v53 =	vsel vm1, $0x36B, v53  }
0x98: {  	v54 =	vsel vm1, $0x373, v54;
	v55 =	vsel vm1, $0x37B, v55;
	v56 =	vsel vm1, $0x3C3, v56  }
0x99: {  	v57 =	vsel vm1, $0x3CB, v57;
	v58 =	vsel vm1, $0x3D3, v58;
	v59 =	vsel vm1, $0x3DB, v59  }
0x9a: {  	v60 =	vsel vm1, $0x3E3, v60;
	v61 =	vsel vm1, $0x3EB, v61;
	v62 =	vsel vm1, $0x3F3, v62  }
0x9b: {  	v63 =	vsel vm1, $0x3FB, v63;
	v3 =	vunpack.c.0.s8.s32 v3;
	v21 =	vsel vm2, $0x12C, v21  }
0x9c: {  	v22 =	vsel vm2, $0x134, v22;
	v23 =	vsel vm2, $0x13C, v23;
	v24 =	vsel vm2, $0x184, v24  }
0x9d: {  	v25 =	vsel vm2, $0x18C, v25;
	v26 =	vsel vm2, $0x194, v26;
	v27 =	vsel vm2, $0x19C, v27  }
0x9e: {  	v28 =	vsel vm2, $0x1A4, v28;
	v29 =	vsel vm2, $0x1AC, v29;
	v30 =	vsel vm2, $0x1B4, v30  }
0x9f: {  	v31 =	vsel vm2, $0x1BC, v31;
	v32 =	vsel vm2, $0x204, v32;
	v33 =	vsel vm2, $0x20C, v33  }
0xa0: {  	v34 =	vsel vm2, $0x214, v34;
	v35 =	vsel vm2, $0x21C, v35;
	v36 =	vsel vm2, $0x224, v36  }
0xa1: {  	v37 =	vsel vm2, $0x22C, v37;
	v38 =	vsel vm2, $0x234, v38;
	v39 =	vsel vm2, $0x23C, v39  }
0xa2: {  	v40 =	vsel vm2, $0x284, v40;
	v41 =	vsel vm2, $0x28C, v41;
	v42 =	vsel vm2, $0x294, v42  }
0xa3: {  	v43 =	vsel vm2, $0x29C, v43;
	v44 =	vsel vm2, $0x2A4, v44;
	v45 =	vsel vm2, $0x2AC, v45  }
0xa4: {  	v46 =	vsel vm2, $0x2B4, v46;
	v47 =	vsel vm2, $0x2BC, v47;
	v48 =	vsel vm2, $0x304, v48  }
0xa5: {  	v49 =	vsel vm2, $0x30C, v49;
	v50 =	vsel vm2, $0x314, v50;
	v51 =	vsel vm2, $0x31C, v51  }
0xa6: {  	v52 =	vsel vm2, $0x324, v52;
	v53 =	vsel vm2, $0x32C, v53;
	v54 =	vsel vm2, $0x334, v54  }
0xa7: {  	v55 =	vsel vm2, $0x33C, v55;
	v56 =	vsel vm2, $0x384, v56;
	v57 =	vsel vm2, $0x38C, v57  }
0xa8: {  	v58 =	vsel vm2, $0x394, v58;
	v59 =	vsel vm2, $0x39C, v59;
	v60 =	vsel vm2, $0x3A4, v60  }
0xa9: {  	v61 =	vsel vm2, $0x3AC, v61;
	v62 =	vsel vm2, $0x3B4, v62;
	v63 =	vsel vm2, $0x3BC, v63  }
0xaa: {  	v5 =	vsel vm0, v6, v5;
	v6 =	vimm.s32 $0x65256424;
	v21 =	vsel vm3, $0x16C, v21  }
0xab: {  	v22 =	vsel vm3, $0x174, v22;
	v23 =	vsel vm3, $0x17C, v23;
	v24 =	vsel vm3, $0x1C4, v24  }
0xac: {  	v25 =	vsel vm3, $0x1CC, v25;
	v26 =	vsel vm3, $0x1D4, v26;
	v27 =	vsel vm3, $0x1DC, v27  }
0xad: {  	v28 =	vsel vm3, $0x1E4, v28;
	v29 =	vsel vm3, $0x1EC, v29;
	v30 =	vsel vm3, $0x1F4, v30  }
0xae: {  	v31 =	vsel vm3, $0x1FC, v31;
	v32 =	vsel vm3, $0x244, v32;
	v33 =	vsel vm3, $0x24C, v33  }
0xaf: {  	v34 =	vsel vm3, $0x254, v34;
	v35 =	vsel vm3, $0x25C, v35;
	v36 =	vsel vm3, $0x264, v36  }
0xb0: {  	v37 =	vsel vm3, $0x26C, v37;
	v38 =	vsel vm3, $0x274, v38;
	v39 =	vsel vm3, $0x27C, v39  }
0xb1: {  	v40 =	vsel vm3, $0x2C4, v40;
	v41 =	vsel vm3, $0x2CC, v41;
	v42 =	vsel vm3, $0x2D4, v42  }
0xb2: {  	v43 =	vsel vm3, $0x2DC, v43;
	v44 =	vsel vm3, $0x2E4, v44;
	v45 =	vsel vm3, $0x2EC, v45  }
0xb3: {  	v46 =	vsel vm3, $0x2F4, v46;
	v47 =	vsel vm3, $0x2FC, v47;
	v48 =	vsel vm3, $0x344, v48  }
0xb4: {  	v49 =	vsel vm3, $0x34C, v49;
	v50 =	vsel vm3, $0x354, v50;
	v51 =	vsel vm3, $0x35C, v51  }
0xb5: {  	v52 =	vsel vm3, $0x364, v52;
	v53 =	vsel vm3, $0x36C, v53;
	v54 =	vsel vm3, $0x374, v54  }
0xb6: {  	v55 =	vsel vm3, $0x37C, v55;
	v56 =	vsel vm3, $0x3C4, v56;
	v57 =	vsel vm3, $0x3CC, v57  }
0xb7: {  	v58 =	vsel vm3, $0x3D4, v58;
	v59 =	vsel vm3, $0x3DC, v59;
	v60 =	vsel vm3, $0x3E4, v60  }
0xb8: {  	v61 =	vsel vm3, $0x3EC, v61;
	v62 =	vsel vm3, $0x3F4, v62;
	v63 =	vsel vm3, $0x3FC, v63  }
0xb9: {  	v3 =	vsel vm0, v4, v3;
	v4 =	vunpack.c.0.s8.s32 v7;
	v7 =	vunpack.c.0.s8.s32 v8  }
0xba: {  	v8 =	vimm.s32 $0x67276626;
	v6 =	vunpack.c.0.s8.s32 v6;
	v21 =	vsel vm4, $0x12D, v21  }
0xbb: {  	v22 =	vsel vm4, $0x135, v22;
	v23 =	vsel vm4, $0x13D, v23;
	v24 =	vsel vm4, $0x185, v24  }
0xbc: {  	v25 =	vsel vm4, $0x18D, v25;
	v26 =	vsel vm4, $0x195, v26;
	v27 =	vsel vm4, $0x19D, v27  }
0xbd: {  	v28 =	vsel vm4, $0x1A5, v28;
	v29 =	vsel vm4, $0x1AD, v29;
	v30 =	vsel vm4, $0x1B5, v30  }
0xbe: {  	v31 =	vsel vm4, $0x1BD, v31;
	v32 =	vsel vm4, $0x205, v32;
	v33 =	vsel vm4, $0x20D, v33  }
0xbf: {  	v34 =	vsel vm4, $0x215, v34;
	v35 =	vsel vm4, $0x21D, v35;
	v36 =	vsel vm4, $0x225, v36  }
0xc0: {  	v37 =	vsel vm4, $0x22D, v37;
	v38 =	vsel vm4, $0x235, v38;
	v39 =	vsel vm4, $0x23D, v39  }
0xc1: {  	v40 =	vsel vm4, $0x285, v40;
	v41 =	vsel vm4, $0x28D, v41;
	v42 =	vsel vm4, $0x295, v42  }
0xc2: {  	v43 =	vsel vm4, $0x29D, v43;
	v44 =	vsel vm4, $0x2A5, v44;
	v45 =	vsel vm4, $0x2AD, v45  }
0xc3: {  	v46 =	vsel vm4, $0x2B5, v46;
	v47 =	vsel vm4, $0x2BD, v47;
	v48 =	vsel vm4, $0x305, v48  }
0xc4: {  	v49 =	vsel vm4, $0x30D, v49;
	v50 =	vsel vm4, $0x315, v50;
	v51 =	vsel vm4, $0x31D, v51  }
0xc5: {  	v52 =	vsel vm4, $0x325, v52;
	v53 =	vsel vm4, $0x32D, v53;
	v54 =	vsel vm4, $0x335, v54  }
0xc6: {  	v55 =	vsel vm4, $0x33D, v55;
	v56 =	vsel vm4, $0x385, v56;
	v57 =	vsel vm4, $0x38D, v57  }
0xc7: {  	v58 =	vsel vm4, $0x395, v58;
	v59 =	vsel vm4, $0x39D, v59;
	v60 =	vsel vm4, $0x3A5, v60  }
0xc8: {  	v61 =	vsel vm4, $0x3AD, v61;
	v62 =	vsel vm4, $0x3B5, v62;
	v63 =	vsel vm4, $0x3BD, v63  }
0xc9: {  	v2 =	vcombine.low v3, v2;
	v21 =	vsel vm5, $0x16D, v21;
	v22 =	vsel vm5, $0x175, v22  }
0xca: {  	v23 =	vsel vm5, $0x17D, v23;
	v24 =	vsel vm5, $0x1C5, v24;
	v25 =	vsel vm5, $0x1CD, v25  }
0xcb: {  	v26 =	vsel vm5, $0x1D5, v26;
	v27 =	vsel vm5, $0x1DD, v27;
	v28 =	vsel vm5, $0x1E5, v28  }
0xcc: {  	v29 =	vsel vm5, $0x1ED, v29;
	v30 =	vsel vm5, $0x1F5, v30;
	v31 =	vsel vm5, $0x1FD, v31  }
0xcd: {  	v32 =	vsel vm5, $0x245, v32;
	v33 =	vsel vm5, $0x24D, v33;
	v34 =	vsel vm5, $0x255, v34  }
0xce: {  	v35 =	vsel vm5, $0x25D, v35;
	v36 =	vsel vm5, $0x265, v36;
	v37 =	vsel vm5, $0x26D, v37  }
0xcf: {  	v38 =	vsel vm5, $0x275, v38;
	v39 =	vsel vm5, $0x27D, v39;
	v40 =	vsel vm5, $0x2C5, v40  }
0xd0: {  	v41 =	vsel vm5, $0x2CD, v41;
	v42 =	vsel vm5, $0x2D5, v42;
	v43 =	vsel vm5, $0x2DD, v43  }
0xd1: {  	v44 =	vsel vm5, $0x2E5, v44;
	v45 =	vsel vm5, $0x2ED, v45;
	v46 =	vsel vm5, $0x2F5, v46  }
0xd2: {  	v47 =	vsel vm5, $0x2FD, v47;
	v48 =	vsel vm5, $0x345, v48;
	v49 =	vsel vm5, $0x34D, v49  }
0xd3: {  	v50 =	vsel vm5, $0x355, v50;
	v51 =	vsel vm5, $0x35D, v51;
	v52 =	vsel vm5, $0x365, v52  }
0xd4: {  	v53 =	vsel vm5, $0x36D, v53;
	v54 =	vsel vm5, $0x375, v54;
	v55 =	vsel vm5, $0x37D, v55  }
0xd5: {  	v56 =	vsel vm5, $0x3C5, v56;
	v57 =	vsel vm5, $0x3CD, v57;
	v58 =	vsel vm5, $0x3D5, v58  }
0xd6: {  	v59 =	vsel vm5, $0x3DD, v59;
	v60 =	vsel vm5, $0x3E5, v60;
	v61 =	vsel vm5, $0x3ED, v61  }
0xd7: {  	v62 =	vsel vm5, $0x3F5, v62;
	v63 =	vsel vm5, $0x3FD, v63;
	v4 =	vsel vm0, v7, v4  }
0xd8: {  	v7 =	vunpack.c.0.s8.s32 v8;
	v8 =	vimm.s32 $0x61216020;
	v21 =	vsel vm6, $0x12E, v21  }
0xd9: {  	v22 =	vsel vm6, $0x136, v22;
	v23 =	vsel vm6, $0x13E, v23;
	v24 =	vsel vm6, $0x186, v24  }
0xda: {  	v25 =	vsel vm6, $0x18E, v25;
	v26 =	vsel vm6, $0x196, v26;
	v27 =	vsel vm6, $0x19E, v27  }
0xdb: {  	v28 =	vsel vm6, $0x1A6, v28;
	v29 =	vsel vm6, $0x1AE, v29;
	v30 =	vsel vm6, $0x1B6, v30  }
0xdc: {  	v31 =	vsel vm6, $0x1BE, v31;
	v32 =	vsel vm6, $0x206, v32;
	v33 =	vsel vm6, $0x20E, v33  }
0xdd: {  	v34 =	vsel vm6, $0x216, v34;
	v35 =	vsel vm6, $0x21E, v35;
	v36 =	vsel vm6, $0x226, v36  }
0xde: {  	v37 =	vsel vm6, $0x22E, v37;
	v38 =	vsel vm6, $0x236, v38;
	v39 =	vsel vm6, $0x23E, v39  }
0xdf: {  	v40 =	vsel vm6, $0x286, v40;
	v41 =	vsel vm6, $0x28E, v41;
	v42 =	vsel vm6, $0x296, v42  }
0xe0: {  	v43 =	vsel vm6, $0x29E, v43;
	v44 =	vsel vm6, $0x2A6, v44;
	v45 =	vsel vm6, $0x2AE, v45  }
0xe1: {  	v46 =	vsel vm6, $0x2B6, v46;
	v47 =	vsel vm6, $0x2BE, v47;
	v48 =	vsel vm6, $0x306, v48  }
0xe2: {  	v49 =	vsel vm6, $0x30E, v49;
	v50 =	vsel vm6, $0x316, v50;
	v51 =	vsel vm6, $0x31E, v51  }
0xe3: {  	v52 =	vsel vm6, $0x326, v52;
	v53 =	vsel vm6, $0x32E, v53;
	v54 =	vsel vm6, $0x336, v54  }
0xe4: {  	v55 =	vsel vm6, $0x33E, v55;
	v56 =	vsel vm6, $0x386, v56;
	v57 =	vsel vm6, $0x38E, v57  }
0xe5: {  	v58 =	vsel vm6, $0x396, v58;
	v59 =	vsel vm6, $0x39E, v59;
	v60 =	vsel vm6, $0x3A6, v60  }
0xe6: {  	v61 =	vsel vm6, $0x3AE, v61;
	v62 =	vsel vm6, $0x3B6, v62;
	v63 =	vsel vm6, $0x3BE, v63  }
0xe7: {  	v8 =	vunpack.c.0.s8.s32 v8;
	v3 =	vcombine.low v4, v5;
	v21 =	vsel vm7, $0x16E, v21  }
0xe8: {  	v22 =	vsel vm7, $0x176, v22;
	v23 =	vsel vm7, $0x17E, v23;
	v24 =	vsel vm7, $0x1C6, v24  }
0xe9: {  	v25 =	vsel vm7, $0x1CE, v25;
	v26 =	vsel vm7, $0x1D6, v26;
	v27 =	vsel vm7, $0x1DE, v27  }
0xea: {  	v28 =	vsel vm7, $0x1E6, v28;
	v29 =	vsel vm7, $0x1EE, v29;
	v30 =	vsel vm7, $0x1F6, v30  }
0xeb: {  	v31 =	vsel vm7, $0x1FE, v31;
	v32 =	vsel vm7, $0x246, v32;
	v33 =	vsel vm7, $0x24E, v33  }
0xec: {  	v34 =	vsel vm7, $0x256, v34;
	v35 =	vsel vm7, $0x25E, v35;
	v36 =	vsel vm7, $0x266, v36  }
0xed: {  	v37 =	vsel vm7, $0x26E, v37;
	v38 =	vsel vm7, $0x276, v38;
	v39 =	vsel vm7, $0x27E, v39  }
0xee: {  	v40 =	vsel vm7, $0x2C6, v40;
	v41 =	vsel vm7, $0x2CE, v41;
	v42 =	vsel vm7, $0x2D6, v42  }
0xef: {  	v43 =	vsel vm7, $0x2DE, v43;
	v44 =	vsel vm7, $0x2E6, v44;
	v45 =	vsel vm7, $0x2EE, v45  }
0xf0: {  	v46 =	vsel vm7, $0x2F6, v46;
	v47 =	vsel vm7, $0x2FE, v47;
	v48 =	vsel vm7, $0x346, v48  }
0xf1: {  	v49 =	vsel vm7, $0x34E, v49;
	v50 =	vsel vm7, $0x356, v50;
	v51 =	vsel vm7, $0x35E, v51  }
0xf2: {  	v52 =	vsel vm7, $0x366, v52;
	v53 =	vsel vm7, $0x36E, v53;
	v54 =	vsel vm7, $0x376, v54  }
0xf3: {  	v55 =	vsel vm7, $0x37E, v55;
	v56 =	vsel vm7, $0x3C6, v56;
	v57 =	vsel vm7, $0x3CE, v57  }
0xf4: {  	v58 =	vsel vm7, $0x3D6, v58;
	v59 =	vsel vm7, $0x3DE, v59;
	v60 =	vsel vm7, $0x3E6, v60  }
0xf5: {  	v61 =	vsel vm7, $0x3EE, v61;
	v62 =	vsel vm7, $0x3F6, v62;
	v63 =	vsel vm7, $0x3FE, v63  }
0xf6: {  	v4 =	vsel vm0, v7, v6;
	v6 =	vsel vm0, v11, v10;
	v7 =	vsel vm0, v13, v12  }
0xf7: {  	v10 =	vimm.s32 $0x71317030;
	v11 =	vimm.s32 $0x73337232;
	v12 =	vimm.s32 $0x7D3D7C3C  }
0xf8: {  	v13 =	vimm.s32 $0x7F3F7E3E;
	v21 =	vsel vm8, $0x12F, v21;
	v22 =	vsel vm8, $0x137, v22  }
0xf9: {  	v23 =	vsel vm8, $0x13F, v23;
	v24 =	vsel vm8, $0x187, v24;
	v25 =	vsel vm8, $0x18F, v25  }
0xfa: {  	v26 =	vsel vm8, $0x197, v26;
	v27 =	vsel vm8, $0x19F, v27;
	v28 =	vsel vm8, $0x1A7, v28  }
0xfb: {  	v29 =	vsel vm8, $0x1AF, v29;
	v30 =	vsel vm8, $0x1B7, v30;
	v31 =	vsel vm8, $0x1BF, v31  }
0xfc: {  	v32 =	vsel vm8, $0x207, v32;
	v33 =	vsel vm8, $0x20F, v33;
	v34 =	vsel vm8, $0x217, v34  }
0xfd: {  	v35 =	vsel vm8, $0x21F, v35;
	v36 =	vsel vm8, $0x227, v36;
	v37 =	vsel vm8, $0x22F, v37  }
0xfe: {  	v38 =	vsel vm8, $0x237, v38;
	v39 =	vsel vm8, $0x23F, v39;
	v40 =	vsel vm8, $0x287, v40  }
0xff: {  	v41 =	vsel vm8, $0x28F, v41;
	v42 =	vsel vm8, $0x297, v42;
	v43 =	vsel vm8, $0x29F, v43  }
0x100: {  	v44 =	vsel vm8, $0x2A7, v44;
	v45 =	vsel vm8, $0x2AF, v45;
	v46 =	vsel vm8, $0x2B7, v46  }
0x101: {  	v47 =	vsel vm8, $0x2BF, v47;
	v48 =	vsel vm8, $0x307, v48;
	v49 =	vsel vm8, $0x30F, v49  }
0x102: {  	v50 =	vsel vm8, $0x317, v50;
	v51 =	vsel vm8, $0x31F, v51;
	v52 =	vsel vm8, $0x327, v52  }
0x103: {  	v53 =	vsel vm8, $0x32F, v53;
	v54 =	vsel vm8, $0x337, v54;
	v55 =	vsel vm8, $0x33F, v55  }
0x104: {  	v56 =	vsel vm8, $0x387, v56;
	v57 =	vsel vm8, $0x38F, v57;
	v58 =	vsel vm8, $0x397, v58  }
0x105: {  	v59 =	vsel vm8, $0x39F, v59;
	v60 =	vsel vm8, $0x3A7, v60;
	v5 =	vsel vm0, v9, v8  }
0x106: {  	v8 =	vimm.s32 $0x75357434;
	v9 =	vimm.s32 $0x77377636;
	v10 =	vunpack.c.0.s8.s32 v10  }
0x107: {  	v11 =	vunpack.c.0.s8.s32 v11;
	v12 =	vunpack.c.0.s8.s32 v12;
	v13 =	vunpack.c.0.s8.s32 v13  }
0x108: {  	v8 =	vunpack.c.0.s8.s32 v8;
	v9 =	vunpack.c.0.s8.s32 v9;
	v4 =	vcombine.low v5, v4  }
0x109: {  	v5 =	vcombine.low v7, v6;
	v7 =	vsel vm0, v11, v10;
	v10 =	vimm.s32 $0x7B3B7A3A  }
0x10a: {  	v11 =	vimm.s32 $0xC585C484;
	v6 =	vsel vm0, v9, v8;
	v9 =	vimm.s32 $0x79397838  }
0x10b: {  	v8 =	vsel vm0, v13, v12;
	v10 =	vunpack.c.0.s8.s32 v10;
	v9 =	vunpack.c.0.s8.s32 v9  }
0x10c: {  	v11 =	vunpack.c.0.s8.s32 v11;
	v12 =	vimm.s32 $0xC787C686;
	v13 =	vimm.s32 $0xC181C080  }
0x10d: {  	v12 =	vunpack.c.0.s8.s32 v12;
	v6 =	vcombine.low v7, v6;
	v9 =	vsel vm0, v10, v9  }
0x10e: {  	v10 =	vunpack.c.0.s8.s32 v13;
	v13 =	vunpack.c.0.s8.s32 v14;
	v14 =	vimm.s32 $0xD797D696  }
0x10f: {  	v7 =	vcombine.low v9, v8;
	v8 =	vsel vm0, v12, v11;
	v11 =	vimm.s32 $0xCF8FCE8E  }
0x110: {  	v12 =	vimm.s32 $0xCB8BCA8A;
	v14 =	vunpack.c.0.s8.s32 v14;
	v9 =	vsel vm0, v13, v10  }
0x111: {  	v10 =	vimm.s32 $0xCD8DCC8C;
	v13 =	vimm.s32 $0xD595D494;
	v8 =	vcombine.low v9, v8  }
0x112: {  	v9 =	vunpack.c.0.s8.s32 v10;
	v10 =	vunpack.c.0.s8.s32 v11;
	v11 =	vimm.s32 $0xC989C888  }
0x113: {  	v12 =	vunpack.c.0.s8.s32 v12;
	v13 =	vunpack.c.0.s8.s32 v13;
	v11 =	vunpack.c.0.s8.s32 v11  }
0x114: {  	v61 =	vsel vm8, $0x3AF, v61;
	v9 =	vsel vm0, v10, v9;
	v8 =	vand.u32 $0xFF, v8  }
0x115: {  	v10 =	vsel vm0, v12, v11;
	v11 =	vimm.s32 $0xDD9DDC9C;
	v12 =	vsel vm0, v14, v13  }
0x116: {  	v13 =	vsel vm0, v16, v15;
	v14 =	vimm.s32 $0xDF9FDE9E;
	v15 =	vimm.s32 $0xD999D898  }
0x117: {  	v16 =	vimm.s32 $0xDB9BDA9A;
	v11 =	vunpack.c.0.s8.s32 v11;
	v14 =	vunpack.c.0.s8.s32 v14  }
0x118: {  	v15 =	vunpack.c.0.s8.s32 v15;
	v16 =	vunpack.c.0.s8.s32 v16;
	v9 =	vcombine.low v10, v9  }
0x119: {  	v10 =	vcombine.low v13, v12;
	v13 =	vimm.s32 $0xE5A5E4A4;
	v11 =	vsel vm0, v14, v11  }
0x11a: {  	v12 =	vsel vm0, v16, v15;
	v14 =	vimm.s32 $0xE1A1E0A0;
	v15 =	vimm.s32 $0xE3A3E2A2  }
0x11b: {  	v11 =	vcombine.low v12, v11;
	v12 =	vunpack.c.0.s8.s32 v13;
	v13 =	vimm.s32 $0xE7A7E6A6  }
0x11c: {  	v14 =	vunpack.c.0.s8.s32 v14;
	v15 =	vunpack.c.0.s8.s32 v15;
	v13 =	vunpack.c.0.s8.s32 v13  }
0x11d: {  	v62 =	vsel vm8, $0x3B7, v62;
	v63 =	vsel vm8, $0x3BF, v63;
	[tilespmem:$0x1FFE0] =	vst v8;
	v8 =	vand.u32 $0xFF, v9  }
0x11e: {  	v16 =	vimm.s32 $0xEBABEAAA;
	v12 =	vsel vm0, v13, v12;
	v13 =	vsel vm0, v15, v14  }
0x11f: {  	v14 =	vimm.s32 $0xEDADECAC;
	v15 =	vimm.s32 $0xEFAFEEAE;
	v12 =	vcombine.low v13, v12  }
0x120: {  	v13 =	vunpack.c.0.s8.s32 v14;
	v14 =	vunpack.c.0.s8.s32 v15;
	v15 =	vimm.s32 $0xE9A9E8A8  }
0x121: {  	v10 =	vand.u32 $0xFF, v10;
	v16 =	vunpack.c.0.s8.s32 v16;
	v15 =	vunpack.c.0.s8.s32 v15  }
0x122: {  	v11 =	vand.u32 $0xFF, v11;
	v12 =	vand.u32 $0xFF, v12;
	v13 =	vsel vm0, v14, v13  }
0x123: {  	v14 =	vsel vm0, v16, v15;
	v15 =	vsel vm0, v20, v19;
	v16 =	vimm.s32 $0xFFBFFEBE  }
0x124: {  	v19 =	vimm.s32 $0xFBBBFABA;
	v20 =	vimm.s32 $0x167;
	v13 =	vcombine.low v14, v13  }
0x125: {  	v14 =	vsel vm0, v18, v17;
	v16 =	vunpack.c.0.s8.s32 v16;
	v17 =	vimm.s32 $0xF9B9F8B8  }
0x126: {  	v18 =	vimm.s32 $0x147;
	v19 =	vunpack.c.0.s8.s32 v19;
	v20 =	vsel vm14, $0x120, v20  }
0x127: {  	v14 =	vcombine.low v15, v14;
	v15 =	vimm.s32 $0xFDBDFCBC;
	v17 =	vunpack.c.0.s8.s32 v17  }
0x128: {  	v18 =	vsel vm14, $0x100, v18;
	v20 =	vsel vm13, $0x160, v20;
	v15 =	vunpack.c.0.s8.s32 v15  }
0x129: {  	v18 =	vsel vm13, $0x140, v18;
	v13 =	vand.u32 $0xFF, v13;
	v20 =	vsel vm12, $0x121, v20  }
0x12a: {  	v17 =	vsel vm0, v19, v17;
	v14 =	vand.u32 $0xFF, v14;
	v19 =	vimm.s32 $0x15F  }
0x12b: {  	v20 =	vsel vm11, $0x161, v20;
	v15 =	vsel vm0, v16, v15;
	v16 =	vsel vm12, $0x101, v18  }
0x12c: {  	v18 =	vimm.s32 $0x157;
	v19 =	vsel vm14, $0x118, v19;
	v20 =	vsel vm10, $0x122, v20  }
0x12d: {  	v16 =	vsel vm11, $0x141, v16;
	v15 =	vcombine.low v17, v15;
	v17 =	vimm.s32 $0x14F  }
0x12e: {  	v18 =	vsel vm14, $0x110, v18;
	v19 =	vsel vm13, $0x158, v19;
	v20 =	vsel vm9, $0x162, v20  }
0x12f: {  	s0 =	rddreg [dreg:$0x0];
	v16 =	vsel vm10, $0x102, v16;
	v17 =	vsel vm14, $0x108, v17;
	v18 =	vsel vm13, $0x150, v18  }
0x130: {  	s1 =	rddreg [dreg:$0x1];
	s3 =	srdreg.scid;
	s2 =	simm.s32 $0x0;
	v19 =	vsel vm12, $0x119, v19;
	v20 =	vsel vm15, $0x123, v20;
	v16 =	vsel vm9, $0x142, v16  }
0x131: {  	s9 =	stileid.u32;
	s17 =	simm.s32 $0x80;
	s10 =	simm.s32 $0x2;
	v15 =	vand.u32 $0xFF, v15;
	v17 =	vsel vm13, $0x148, v17;
	v18 =	vsel vm12, $0x111, v18  }
0x132: {  	s11 =	simm.s32 $0xA;
	s14 =	simm.s32 $0xB;
	s6 =	sand.u32 $0x1, s3;
	v19 =	vsel vm11, $0x159, v19;
	v20 =	vsel vm1, $0x163, v20;
	v16 =	vsel vm15, $0x103, v16  }
0x133: {  	s15 =	simm.s32 $0xC;
	s4 =	sshll.u32 s9, $0x7;
	s5 =	sshll.u32 s6, $0x6;
	v17 =	vsel vm12, $0x109, v17;
	v18 =	vsel vm11, $0x151, v18;
	v19 =	vsel vm10, $0x11A, v19  }
0x134: {  	s18 =	simm.s32 $0xD;
	s3 =	sadd.s32 $0x400, s0;
	s5 =	sor.u32 s5, s4;
	v20 =	vsel vm2, $0x124, v20;
	v16 =	vsel vm1, $0x143, v16;
	v17 =	vsel vm11, $0x149, v17  }
0x135: {  	s0 =	sadd.s32 $0x7A1600, s0;
	s4 =	sshrl.u32 s5, $0x3;
	s20 =	sshll.u32 s5, $0x4;
	v18 =	vsel vm10, $0x112, v18;
	v19 =	vsel vm9, $0x15A, v19;
	v20 =	vsel vm3, $0x164, v20  }
0x136: {  	s28 =	simm.s32 $0xE800;
	s4 =	sadd.s32 s1, s4;
	s1 =	sadd.s32 s20, s0;
	v16 =	vsel vm2, $0x104, v16;
	v17 =	vsel vm10, $0x10A, v17;
	v18 =	vsel vm9, $0x152, v18  }
0x137: {  	s16 =	simm.s32 $0x5;
	[smem:$0x7FF] =	sst s2;
	s21 =	sadd.s32 $0x600000, s1;
	[tilespmem:$0x1FFF0] =	vst v8;
	v19 =	vsel vm15, $0x11B, v19;
	v20 =	vsel vm4, $0x125, v20;
	v16 =	vsel vm3, $0x144, v16  }
0x138: {  	s22 =	sadd.s32 $0x608000, s1;
	_ =	strace $0x80000047;
	[dreg:$0x3] =	wrdreg s21;
	v17 =	vsel vm9, $0x14A, v17;
	v18 =	vsel vm15, $0x113, v18;
	v19 =	vsel vm1, $0x15B, v19  }
0x139: {  	s30 =	sshll.u32 s9, $0xB;
	s23 =	sadd.s32 $0x610000, s1;
	[dreg:$0x4] =	wrdreg s22;
	v20 =	vsel vm5, $0x165, v20;
	v16 =	vsel vm4, $0x105, v16;
	v17 =	vsel vm15, $0x10B, v17  }
0x13a: {  	s9 =	simm.s32 $0x9;
	s24 =	sadd.s32 $0x618000, s1;
	[dreg:$0x5] =	wrdreg s23;
	v18 =	vsel vm1, $0x153, v18;
	v19 =	vsel vm2, $0x11C, v19;
	v20 =	vsel vm6, $0x126, v20  }
0x13b: {  	s7 =	ssub.s32 $0x2, s6;
	s25 =	sadd.s32 $0x620000, s1;
	[dreg:$0x6] =	wrdreg s24;
	v17 =	vsel vm1, $0x14B, v17;
	v16 =	vsel vm5, $0x145, v16;
	v18 =	vsel vm2, $0x114, v18  }
0x13c: {  	s31 =	sshll.u32 s6, $0xA;
	s26 =	sadd.s32 $0x628000, s1;
	[dreg:$0x7] =	wrdreg s25;
	v19 =	vsel vm3, $0x15C, v19;
	v20 =	vsel vm7, $0x166, v20;
	v17 =	vsel vm2, $0x10C, v17  }
0x13d: {  	s8 =	sshrl.u32 s7, $0x1;
	s29 =	sadd.s32 $0x630000, s1;
	[dreg:$0x8] =	wrdreg s26;
	v18 =	vsel vm3, $0x154, v18;
	v16 =	vsel vm6, $0x106, v16;
	v19 =	vsel vm4, $0x11D, v19  }
0x13e: {  	s7 =	ssub.s32 s7, s8;
	s1 =	sadd.s32 $0x638000, s1;
	[dreg:$0x9] =	wrdreg s29;
	v20 =	vsel vm8, $0x127, v20;
	v17 =	vsel vm3, $0x14C, v17;
	v18 =	vsel vm4, $0x115, v18  }
0x13f: {  	s7 =	smax.u32 s7, $0x1;
	s0 =	sadd.s32 s30, s0;
	[dreg:$0xa] =	wrdreg s1;
	v16 =	vsel vm7, $0x146, v16;
	v19 =	vsel vm5, $0x15D, v19;
	v17 =	vsel vm4, $0x10D, v17  }
0x140: {  	s6 =	simm.s32 $0x3;
	s0 =	sadd.s32 s31, s0;
	[dreg:$0xb] =	wrdreg s7;
	v18 =	vsel vm5, $0x155, v18;
	v16 =	vsel vm8, $0x107, v16;
	v17 =	vsel vm5, $0x14D, v17  }
0x141: {  	s8 =	simm.s32 $0x8800;
	s5 =	sadd.s32 $0x100, s4;
	[dreg:$0xc] =	wrdreg s0;
	v19 =	vsel vm6, $0x11E, v19;
	v18 =	vsel vm6, $0x116, v18;
	v17 =	vsel vm6, $0x10E, v17  }
0x142: {  	s21 =	simm.s32 $0x11;
	s23 =	simm.s32 $0x6400;
	s7 =	simm.s32 $0x1;
	v19 =	vsel vm7, $0x15E, v19;
	v18 =	vsel vm7, $0x156, v18;
	v17 =	vsel vm7, $0x14E, v17  }
0x143: {  	s0 =	simm.s32 $0x0;
	s25 =	simm.s32 $0x6;
	s24 =	simm.s32 $0x12800;
	v19 =	vsel vm8, $0x11F, v19;
	v18 =	vsel vm8, $0x117, v18;
	v17 =	vsel vm8, $0x10F, v17  }
.LBB2_1:
0x144: {  	s1 =	simm.s32 $0x200;
	s19 =	sadd.s32 $0x0, s4;
	s31 =	simm.s32 $0x0  }
.LBB2_2:
0x145: {  	[tilespmem:s31], [sflag:$0x11] =	stream.linear.gather [hbm4b:s19+s2], $0x40, $0x38;
	[tilespmem:$0x16800] =	vst v63  }
0x146: {  	s31 =	smov.u32 s1;
	p0 =	sne.s32 s1, $0x18E00  }
.Ltmp0:
0x147: {  	s1 =	sadd.s32 $0x200, s1;
	(pc) =	sbr.rel @p0 .LBB2_2-.Ltmp0, $2  }
0x148: {  	_ =	sdelay $0x2  }
0x149: {  	s19 =	sadd.s32 s31, s4;
	s31 =	sshra.s32 s31, $0x2  }
0x14a: {  	[dreg:$0xd] =	wrdreg s0  }
0x14b: {  	[tilespmem:s31], [sflag:$0x11] =	stream.linear.gather [hbm4b:s19+s2], $0x40, $0x38;
	[tilespmem:$0x16800] =	vst v63  }
0x14c: {  	_ =	swait.ge [sflag:s21], $0x3200  }
0x14d: {  	s1 =	simm.s32 $0x200;
	[sflag:s21] =	ssyncset.done $0x0  }
0x14e: {  	s19 =	sadd.s32 $0x0, s5;
	s31 =	simm.s32 $0x40;
	[sflag:s21] =	ssyncadd.s32 $0xFFFFCE00  }
.LBB2_4:
0x14f: {  	[tilespmem:s31], [sflag:$0x11] =	stream.linear.gather [hbm4b:s19+s2], $0x40, $0x38;
	[tilespmem:$0x16800] =	vst v63  }
0x150: {  	s19 =	smov.u32 s1;
	p0 =	sne.s32 s1, $0x18E00  }
.Ltmp1:
0x151: {  	s1 =	sadd.s32 $0x200, s1;
	(pc) =	sbr.rel @p0 .LBB2_4-.Ltmp1, $3  }
0x152: {  	_ =	sdelay $0x1  }
0x153: {  	s31 =	sshra.s32 s19, $0x2  }
0x154: {  	s19 =	sadd.s32 s19, s5;
	s31 =	sadd.s32 $0x40, s31  }
0x155: {  	[tilespmem:s31], [sflag:$0x11] =	stream.linear.gather [hbm4b:s19+s2], $0x40, $0x38;
	[tilespmem:$0x16800] =	vst v63  }
0x156: {  	_ =	swait.ge [sflag:s21], $0x3200  }
0x157: {  	[sflag:s21] =	ssyncset.done $0x0  }
0x158: {  	[sflag:s21] =	ssyncadd.s32 $0xFFFFCE00  }
0x159: {  	v8 =	vld.idx.msk [tilespmem:v0+s2+$0x0], $0xffff;
	_ =	sdelay $0x4  }
0x15a: {  	[tilespmem:$0x6400] =	vst v8  }
0x15b: {  	v8 =	vld.idx.msk [tilespmem:v1+s2+$0x0], $0xffff;
	_ =	sdelay $0x4  }
0x15c: {  	[tilespmem:$0x6410] =	vst v8  }
0x15d: {  	v8 =	vld.idx.msk [tilespmem:v2+s2+$0x0], $0xffff;
	_ =	sdelay $0x4  }
0x15e: {  	[tilespmem:$0x6420] =	vst v8  }
0x15f: {  	v8 =	vld.idx.msk [tilespmem:v3+s2+$0x0], $0xffff;
	_ =	sdelay $0x4  }
0x160: {  	[tilespmem:$0x6430] =	vst v8  }
0x161: {  	v8 =	vld.idx.msk [tilespmem:v4+s2+$0x0], $0xffff;
	_ =	sdelay $0x4  }
0x162: {  	[tilespmem:$0x6440] =	vst v8  }
0x163: {  	v8 =	vld.idx.msk [tilespmem:v5+s2+$0x0], $0xffff;
	_ =	sdelay $0x4  }
0x164: {  	[tilespmem:$0x6450] =	vst v8  }
0x165: {  	v8 =	vld.idx.msk [tilespmem:v6+s2+$0x0], $0xffff;
	_ =	sdelay $0x4  }
0x166: {  	[tilespmem:$0x6460] =	vst v8  }
0x167: {  	v8 =	vld.idx.msk [tilespmem:v7+s2+$0x0], $0xffff;
	_ =	sdelay $0x4  }
0x168: {  	[tilespmem:$0x6470] =	vst v8;
	v8 =	vld [tilespmem:$0x1FFE0];
	_ =	sdelay $0x5  }
0x169: {  	s0 =	simm.s32 $0x6800  }
0x16a: {  	[tilespmem:s0], [sflag:$0x1] =	stream.indirect.gather [hbm4b:s3+s17], $0x40, s23, s17, $0xb8;
	[tilespmem:$0x16800] =	vst v63  }
0x16b: {  	v8 =	vld.idx.msk [tilespmem:v8+s2+$0x0], $0xffff;
	_ =	sdelay $0x4  }
0x16c: {  	[tilespmem:$0x6480] =	vst v8;
	v8 =	vld [tilespmem:$0x1FFF0];
	_ =	sdelay $0x7  }
0x16d: {  	v8 =	vld.idx.msk [tilespmem:v8+s2+$0x0], $0xffff;
	_ =	sdelay $0x4  }
0x16e: {  	[tilespmem:$0x6490] =	vst v8  }
0x16f: {  	v8 =	vld.idx.msk [tilespmem:v10+s2+$0x0], $0xffff;
	_ =	sdelay $0x4  }
0x170: {  	[tilespmem:$0x64A0] =	vst v8  }
0x171: {  	v8 =	vld.idx.msk [tilespmem:v11+s2+$0x0], $0xffff;
	_ =	sdelay $0x4  }
0x172: {  	[tilespmem:$0x64B0] =	vst v8  }
0x173: {  	v8 =	vld.idx.msk [tilespmem:v12+s2+$0x0], $0xffff;
	_ =	sdelay $0x4  }
0x174: {  	[tilespmem:$0x64C0] =	vst v8  }
0x175: {  	v8 =	vld.idx.msk [tilespmem:v13+s2+$0x0], $0xffff;
	_ =	sdelay $0x4  }
0x176: {  	[tilespmem:$0x64D0] =	vst v8  }
0x177: {  	v8 =	vld.idx.msk [tilespmem:v14+s2+$0x0], $0xffff;
	_ =	sdelay $0x4  }
0x178: {  	[tilespmem:$0x64E0] =	vst v8  }
0x179: {  	v8 =	vld.idx.msk [tilespmem:v15+s2+$0x0], $0xffff;
	_ =	sdelay $0x4  }
0x17a: {  	s1 =	simm.s32 $0x6480;
	s26 =	simm.s32 $0x8800;
	[tilespmem:$0x64F0] =	vst v8  }
0x17b: {  	[tilespmem:s26], [sflag:$0x2] =	stream.indirect.gather [hbm4b:s3+s17], $0x40, s1, s17, $0xb8;
	[tilespmem:$0x16800] =	vst v63  }
0x17c: {  	v8 =	vld.idx.msk [tilespmem:v16+s2+$0x0], $0xffff;
	_ =	sdelay $0x4  }
0x17d: {  	[tilespmem:$0x6500] =	vst v8  }
0x17e: {  	v8 =	vld.idx.msk [tilespmem:v17+s2+$0x0], $0xffff;
	_ =	sdelay $0x4  }
0x17f: {  	[tilespmem:$0x6510] =	vst v8  }
0x180: {  	v8 =	vld.idx.msk [tilespmem:v18+s2+$0x0], $0xffff;
	_ =	sdelay $0x4  }
0x181: {  	[tilespmem:$0x6520] =	vst v8  }
0x182: {  	v8 =	vld.idx.msk [tilespmem:v19+s2+$0x0], $0xffff;
	_ =	sdelay $0x4  }
0x183: {  	[tilespmem:$0x6530] =	vst v8  }
0x184: {  	v8 =	vld.idx.msk [tilespmem:v20+s2+$0x0], $0xffff;
	_ =	sdelay $0x4  }
0x185: {  	[tilespmem:$0x6540] =	vst v8  }
0x186: {  	v8 =	vld.idx.msk [tilespmem:v21+s2+$0x0], $0xffff;
	_ =	sdelay $0x4  }
0x187: {  	[tilespmem:$0x6550] =	vst v8  }
0x188: {  	v8 =	vld.idx.msk [tilespmem:v22+s2+$0x0], $0xffff;
	_ =	sdelay $0x4  }
0x189: {  	[tilespmem:$0x6560] =	vst v8  }
0x18a: {  	v8 =	vld.idx.msk [tilespmem:v23+s2+$0x0], $0xffff;
	_ =	sdelay $0x4  }
0x18b: {  	s29 =	simm.s32 $0x6500;
	s30 =	simm.s32 $0xA800;
	[tilespmem:$0x6570] =	vst v8  }
0x18c: {  	[tilespmem:s30], [sflag:$0x3] =	stream.indirect.gather [hbm4b:s3+s17], $0x40, s29, s17, $0xb8;
	[tilespmem:$0x16800] =	vst v63  }
0x18d: {  	v8 =	vld.idx.msk [tilespmem:v24+s2+$0x0], $0xffff;
	_ =	sdelay $0x4  }
0x18e: {  	[tilespmem:$0x6580] =	vst v8  }
0x18f: {  	v8 =	vld.idx.msk [tilespmem:v25+s2+$0x0], $0xffff;
	_ =	sdelay $0x4  }
0x190: {  	[tilespmem:$0x6590] =	vst v8  }
0x191: {  	v8 =	vld.idx.msk [tilespmem:v26+s2+$0x0], $0xffff;
	_ =	sdelay $0x4  }
0x192: {  	[tilespmem:$0x65A0] =	vst v8  }
0x193: {  	v8 =	vld.idx.msk [tilespmem:v27+s2+$0x0], $0xffff;
	_ =	sdelay $0x4  }
0x194: {  	[tilespmem:$0x65B0] =	vst v8  }
0x195: {  	v8 =	vld.idx.msk [tilespmem:v28+s2+$0x0], $0xffff;
	_ =	sdelay $0x4  }
0x196: {  	[tilespmem:$0x65C0] =	vst v8  }
0x197: {  	v8 =	vld.idx.msk [tilespmem:v29+s2+$0x0], $0xffff;
	_ =	sdelay $0x4  }
0x198: {  	[tilespmem:$0x65D0] =	vst v8  }
0x199: {  	v8 =	vld.idx.msk [tilespmem:v30+s2+$0x0], $0xffff;
	_ =	sdelay $0x4  }
0x19a: {  	[tilespmem:$0x65E0] =	vst v8  }
0x19b: {  	v8 =	vld.idx.msk [tilespmem:v31+s2+$0x0], $0xffff;
	_ =	sdelay $0x4  }
0x19c: {  	s12 =	simm.s32 $0xC800;
	s0 =	simm.s32 $0x6580;
	[tilespmem:$0x65F0] =	vst v8  }
0x19d: {  	[tilespmem:s12], [sflag:$0x4] =	stream.indirect.gather [hbm4b:s3+s17], $0x40, s0, s17, $0xb8;
	[tilespmem:$0x16800] =	vst v63  }
0x19e: {  	v8 =	vld.idx.msk [tilespmem:v32+s2+$0x0], $0xffff;
	_ =	sdelay $0x4  }
0x19f: {  	[tilespmem:$0x6600] =	vst v8  }
0x1a0: {  	v8 =	vld.idx.msk [tilespmem:v33+s2+$0x0], $0xffff;
	_ =	sdelay $0x4  }
0x1a1: {  	[tilespmem:$0x6610] =	vst v8  }
0x1a2: {  	v8 =	vld.idx.msk [tilespmem:v34+s2+$0x0], $0xffff;
	_ =	sdelay $0x4  }
0x1a3: {  	[tilespmem:$0x6620] =	vst v8  }
0x1a4: {  	v8 =	vld.idx.msk [tilespmem:v35+s2+$0x0], $0xffff;
	_ =	sdelay $0x4  }
0x1a5: {  	[tilespmem:$0x6630] =	vst v8  }
0x1a6: {  	v8 =	vld.idx.msk [tilespmem:v36+s2+$0x0], $0xffff;
	_ =	sdelay $0x4  }
0x1a7: {  	[tilespmem:$0x6640] =	vst v8  }
0x1a8: {  	v8 =	vld.idx.msk [tilespmem:v37+s2+$0x0], $0xffff;
	_ =	sdelay $0x4  }
0x1a9: {  	[tilespmem:$0x6650] =	vst v8  }
0x1aa: {  	v8 =	vld.idx.msk [tilespmem:v38+s2+$0x0], $0xffff;
	_ =	sdelay $0x4  }
0x1ab: {  	[tilespmem:$0x6660] =	vst v8  }
0x1ac: {  	v8 =	vld.idx.msk [tilespmem:v39+s2+$0x0], $0xffff;
	_ =	sdelay $0x4  }
0x1ad: {  	s13 =	simm.s32 $0x6600;
	s19 =	simm.s32 $0xE800;
	[tilespmem:$0x6670] =	vst v8  }
0x1ae: {  	[tilespmem:s19], [sflag:$0x5] =	stream.indirect.gather [hbm4b:s3+s17], $0x40, s13, s17, $0xb8;
	[tilespmem:$0x16800] =	vst v63  }
0x1af: {  	v8 =	vld.idx.msk [tilespmem:v40+s2+$0x0], $0xffff;
	_ =	sdelay $0x4  }
0x1b0: {  	[tilespmem:$0x6680] =	vst v8  }
0x1b1: {  	v8 =	vld.idx.msk [tilespmem:v41+s2+$0x0], $0xffff;
	_ =	sdelay $0x4  }
0x1b2: {  	[tilespmem:$0x6690] =	vst v8  }
0x1b3: {  	v8 =	vld.idx.msk [tilespmem:v42+s2+$0x0], $0xffff;
	_ =	sdelay $0x4  }
0x1b4: {  	[tilespmem:$0x66A0] =	vst v8  }
0x1b5: {  	v8 =	vld.idx.msk [tilespmem:v43+s2+$0x0], $0xffff;
	_ =	sdelay $0x4  }
0x1b6: {  	[tilespmem:$0x66B0] =	vst v8  }
0x1b7: {  	v8 =	vld.idx.msk [tilespmem:v44+s2+$0x0], $0xffff;
	_ =	sdelay $0x4  }
0x1b8: {  	[tilespmem:$0x66C0] =	vst v8  }
0x1b9: {  	v8 =	vld.idx.msk [tilespmem:v45+s2+$0x0], $0xffff;
	_ =	sdelay $0x4  }
0x1ba: {  	[tilespmem:$0x66D0] =	vst v8  }
0x1bb: {  	v8 =	vld.idx.msk [tilespmem:v46+s2+$0x0], $0xffff;
	_ =	sdelay $0x4  }
0x1bc: {  	[tilespmem:$0x66E0] =	vst v8  }
0x1bd: {  	v8 =	vld.idx.msk [tilespmem:v47+s2+$0x0], $0xffff;
	_ =	sdelay $0x4  }
0x1be: {  	s20 =	simm.s32 $0x6680;
	s21 =	simm.s32 $0x10800;
	[tilespmem:$0x66F0] =	vst v8  }
0x1bf: {  	[tilespmem:s21], [sflag:$0x6] =	stream.indirect.gather [hbm4b:s3+s17], $0x40, s20, s17, $0xb8;
	[tilespmem:$0x16800] =	vst v63  }
0x1c0: {  	v8 =	vld.idx.msk [tilespmem:v48+s2+$0x0], $0xffff;
	_ =	sdelay $0x4  }
0x1c1: {  	[tilespmem:$0x6700] =	vst v8  }
0x1c2: {  	v8 =	vld.idx.msk [tilespmem:v49+s2+$0x0], $0xffff;
	_ =	sdelay $0x4  }
0x1c3: {  	[tilespmem:$0x6710] =	vst v8  }
0x1c4: {  	v8 =	vld.idx.msk [tilespmem:v50+s2+$0x0], $0xffff;
	_ =	sdelay $0x4  }
0x1c5: {  	[tilespmem:$0x6720] =	vst v8  }
0x1c6: {  	v8 =	vld.idx.msk [tilespmem:v51+s2+$0x0], $0xffff;
	_ =	sdelay $0x4  }
0x1c7: {  	[tilespmem:$0x6730] =	vst v8  }
0x1c8: {  	v8 =	vld.idx.msk [tilespmem:v52+s2+$0x0], $0xffff;
	_ =	sdelay $0x4  }
0x1c9: {  	[tilespmem:$0x6740] =	vst v8  }
0x1ca: {  	v8 =	vld.idx.msk [tilespmem:v53+s2+$0x0], $0xffff;
	_ =	sdelay $0x4  }
0x1cb: {  	[tilespmem:$0x6750] =	vst v8  }
0x1cc: {  	v8 =	vld.idx.msk [tilespmem:v54+s2+$0x0], $0xffff;
	_ =	sdelay $0x4  }
0x1cd: {  	[tilespmem:$0x6760] =	vst v8  }
0x1ce: {  	v8 =	vld.idx.msk [tilespmem:v55+s2+$0x0], $0xffff;
	_ =	sdelay $0x4  }
0x1cf: {  	s22 =	simm.s32 $0x12800;
	s26 =	simm.s32 $0x6700;
	[tilespmem:$0x6770] =	vst v8  }
0x1d0: {  	[tilespmem:s22], [sflag:$0x7] =	stream.indirect.gather [hbm4b:s3+s17], $0x40, s26, s17, $0xb8;
	[tilespmem:$0x16800] =	vst v63  }
0x1d1: {  	v8 =	vld.idx.msk [tilespmem:v56+s2+$0x0], $0xffff;
	_ =	sdelay $0x4  }
0x1d2: {  	[tilespmem:$0x6780] =	vst v8  }
0x1d3: {  	v8 =	vld.idx.msk [tilespmem:v57+s2+$0x0], $0xffff;
	_ =	sdelay $0x4  }
0x1d4: {  	[tilespmem:$0x6790] =	vst v8  }
0x1d5: {  	v8 =	vld.idx.msk [tilespmem:v58+s2+$0x0], $0xffff;
	_ =	sdelay $0x4  }
0x1d6: {  	[tilespmem:$0x67A0] =	vst v8  }
0x1d7: {  	v8 =	vld.idx.msk [tilespmem:v59+s2+$0x0], $0xffff;
	_ =	sdelay $0x4  }
0x1d8: {  	[tilespmem:$0x67B0] =	vst v8  }
0x1d9: {  	v8 =	vld.idx.msk [tilespmem:v60+s2+$0x0], $0xffff;
	_ =	sdelay $0x4  }
0x1da: {  	[tilespmem:$0x67C0] =	vst v8  }
0x1db: {  	v8 =	vld.idx.msk [tilespmem:v61+s2+$0x0], $0xffff;
	_ =	sdelay $0x4  }
0x1dc: {  	[tilespmem:$0x67D0] =	vst v8  }
0x1dd: {  	v8 =	vld.idx.msk [tilespmem:v62+s2+$0x0], $0xffff;
	_ =	sdelay $0x4  }
0x1de: {  	[tilespmem:$0x67E0] =	vst v8  }
0x1df: {  	v8 =	vld.idx.msk [tilespmem:v63+s2+$0x0], $0xffff;
	_ =	sdelay $0x3  }
0x1e0: {  	s31 =	simm.s32 $0xF  }
0x1e1: {  	s1 =	rddreg [dreg:$0xc];
	s29 =	simm.s32 $0x6780;
	s30 =	simm.s32 $0x14800;
	[tilespmem:$0x67F0] =	vst v8  }
0x1e2: {  	[tilespmem:s30], [sflag:$0x8] =	stream.indirect.gather [hbm4b:s3+s17], $0x40, s29, s17, $0xb8;
	[tilespmem:$0x16800] =	vst v63  }
.LBB2_6:
0x1e3: {  	_ =	swait.ge [sflag:s7], $0x2000;
	s19 =	sshll.u32 s31, $0x7  }
0x1e4: {  	[sflag:s7] =	ssyncset.done $0x0;
	s21 =	sadd.s32 $0xFFFFFC80, s19  }
0x1e5: {  	s26 =	simm.s32 $0x6800;
	[sflag:s7] =	ssyncadd.s32 $0xFFFFE000;
	v8 =	vor.u32 s21, v0  }
0x1e6: {  	[hbm4b:s1+s2] =	stream.linear.scatter [tilespmem:s26], [sflag:$0x9], $0x2000, $0x38;
	[tilespmem:$0x16800] =	vst v63  }
0x1e7: {  	_ =	swait.ge [sflag:s9], $0x2000  }
0x1e8: {  	[sflag:s9] =	ssyncset.done $0x0  }
0x1e9: {  	[sflag:s9] =	ssyncadd.s32 $0xFFFFE000  }
0x1ea: {  	v8 =	vld.idx.msk [tilespmem:v8+s2+$0x0], $0xffff  }
0x1eb: {  	v9 =	vor.u32 s21, v1;
	_ =	sdelay $0x3  }
0x1ec: {  	[tilespmem:$0x6400] =	vst v8  }
0x1ed: {  	v8 =	vld.idx.msk [tilespmem:v9+s2+$0x0], $0xffff  }
0x1ee: {  	v9 =	vor.u32 s21, v2;
	_ =	sdelay $0x3  }
0x1ef: {  	[tilespmem:$0x6410] =	vst v8  }
0x1f0: {  	v8 =	vld.idx.msk [tilespmem:v9+s2+$0x0], $0xffff  }
0x1f1: {  	v9 =	vor.u32 s21, v3;
	_ =	sdelay $0x3  }
0x1f2: {  	[tilespmem:$0x6420] =	vst v8  }
0x1f3: {  	v8 =	vld.idx.msk [tilespmem:v9+s2+$0x0], $0xffff  }
0x1f4: {  	v9 =	vor.u32 s21, v4;
	_ =	sdelay $0x3  }
0x1f5: {  	[tilespmem:$0x6430] =	vst v8  }
0x1f6: {  	v8 =	vld.idx.msk [tilespmem:v9+s2+$0x0], $0xffff  }
0x1f7: {  	v9 =	vor.u32 s21, v5;
	_ =	sdelay $0x3  }
0x1f8: {  	[tilespmem:$0x6440] =	vst v8  }
0x1f9: {  	v8 =	vld.idx.msk [tilespmem:v9+s2+$0x0], $0xffff  }
0x1fa: {  	v9 =	vor.u32 s21, v6;
	_ =	sdelay $0x3  }
0x1fb: {  	[tilespmem:$0x6450] =	vst v8  }
0x1fc: {  	v8 =	vld.idx.msk [tilespmem:v9+s2+$0x0], $0xffff  }
0x1fd: {  	v9 =	vor.u32 s21, v7;
	_ =	sdelay $0x3  }
0x1fe: {  	[tilespmem:$0x6460] =	vst v8  }
0x1ff: {  	v8 =	vld.idx.msk [tilespmem:v9+s2+$0x0], $0xffff;
	_ =	sdelay $0x4  }
0x200: {  	[tilespmem:$0x6470] =	vst v8  }
0x201: {  	[tilespmem:s26], [sflag:$0x1] =	stream.indirect.gather [hbm4b:s3+s17], $0x40, s23, s17, $0xb8;
	[tilespmem:$0x16800] =	vst v63  }
0x202: {  	_ =	swait.ge [sflag:s10], $0x2000  }
0x203: {  	s9 =	sadd.s32 $0xFFFFFD00, s19;
	[sflag:s10] =	ssyncset.done $0x0  }
0x204: {  	s12 =	sadd.s32 $0x8000, s1;
	s13 =	simm.s32 $0x8800;
	v8 =	vor.u32 s9, v0;
	[sflag:s10] =	ssyncadd.s32 $0xFFFFE000  }
0x205: {  	[hbm4b:s12+s2] =	stream.linear.scatter [tilespmem:s13], [sflag:$0xA], $0x2000, $0x38;
	[tilespmem:$0x16800] =	vst v63  }
0x206: {  	_ =	swait.ge [sflag:s11], $0x2000  }
0x207: {  	[sflag:s11] =	ssyncset.done $0x0  }
0x208: {  	[sflag:s11] =	ssyncadd.s32 $0xFFFFE000  }
0x209: {  	v8 =	vld.idx.msk [tilespmem:v8+s2+$0x0], $0xffff  }
0x20a: {  	v9 =	vor.u32 s9, v1;
	_ =	sdelay $0x3  }
0x20b: {  	[tilespmem:$0x6480] =	vst v8  }
0x20c: {  	v8 =	vld.idx.msk [tilespmem:v9+s2+$0x0], $0xffff  }
0x20d: {  	v9 =	vor.u32 s9, v2;
	_ =	sdelay $0x3  }
0x20e: {  	[tilespmem:$0x6490] =	vst v8  }
0x20f: {  	v8 =	vld.idx.msk [tilespmem:v9+s2+$0x0], $0xffff  }
0x210: {  	v9 =	vor.u32 s9, v3;
	_ =	sdelay $0x3  }
0x211: {  	[tilespmem:$0x64A0] =	vst v8  }
0x212: {  	v8 =	vld.idx.msk [tilespmem:v9+s2+$0x0], $0xffff  }
0x213: {  	v9 =	vor.u32 s9, v4;
	_ =	sdelay $0x3  }
0x214: {  	[tilespmem:$0x64B0] =	vst v8  }
0x215: {  	v8 =	vld.idx.msk [tilespmem:v9+s2+$0x0], $0xffff  }
0x216: {  	v9 =	vor.u32 s9, v5;
	_ =	sdelay $0x3  }
0x217: {  	[tilespmem:$0x64C0] =	vst v8  }
0x218: {  	v8 =	vld.idx.msk [tilespmem:v9+s2+$0x0], $0xffff  }
0x219: {  	v9 =	vor.u32 s9, v6;
	_ =	sdelay $0x3  }
0x21a: {  	[tilespmem:$0x64D0] =	vst v8  }
0x21b: {  	v8 =	vld.idx.msk [tilespmem:v9+s2+$0x0], $0xffff  }
0x21c: {  	v9 =	vor.u32 s9, v7;
	_ =	sdelay $0x3  }
0x21d: {  	[tilespmem:$0x64E0] =	vst v8  }
0x21e: {  	v8 =	vld.idx.msk [tilespmem:v9+s2+$0x0], $0xffff;
	_ =	sdelay $0x4  }
0x21f: {  	s12 =	simm.s32 $0x6480;
	[tilespmem:$0x64F0] =	vst v8  }
0x220: {  	[tilespmem:s13], [sflag:$0x2] =	stream.indirect.gather [hbm4b:s3+s17], $0x40, s12, s17, $0xb8;
	[tilespmem:$0x16800] =	vst v63  }
0x221: {  	_ =	swait.ge [sflag:s6], $0x2000  }
0x222: {  	s20 =	sadd.s32 $0xFFFFFD80, s19;
	[sflag:s6] =	ssyncset.done $0x0  }
0x223: {  	s22 =	sadd.s32 $0x10000, s1;
	v8 =	vor.u32 s20, v0;
	s13 =	simm.s32 $0xA800;
	[sflag:s6] =	ssyncadd.s32 $0xFFFFE000  }
0x224: {  	[hbm4b:s22+s2] =	stream.linear.scatter [tilespmem:s13], [sflag:$0xB], $0x2000, $0x38;
	[tilespmem:$0x16800] =	vst v63  }
0x225: {  	_ =	swait.ge [sflag:s14], $0x2000  }
0x226: {  	[sflag:s14] =	ssyncset.done $0x0  }
0x227: {  	[sflag:s14] =	ssyncadd.s32 $0xFFFFE000  }
0x228: {  	v8 =	vld.idx.msk [tilespmem:v8+s2+$0x0], $0xffff  }
0x229: {  	v9 =	vor.u32 s20, v1;
	_ =	sdelay $0x3  }
0x22a: {  	[tilespmem:$0x6500] =	vst v8  }
0x22b: {  	v8 =	vld.idx.msk [tilespmem:v9+s2+$0x0], $0xffff  }
0x22c: {  	v9 =	vor.u32 s20, v2;
	_ =	sdelay $0x3  }
0x22d: {  	[tilespmem:$0x6510] =	vst v8  }
0x22e: {  	v8 =	vld.idx.msk [tilespmem:v9+s2+$0x0], $0xffff  }
0x22f: {  	v9 =	vor.u32 s20, v3;
	_ =	sdelay $0x3  }
0x230: {  	[tilespmem:$0x6520] =	vst v8  }
0x231: {  	v8 =	vld.idx.msk [tilespmem:v9+s2+$0x0], $0xffff  }
0x232: {  	v9 =	vor.u32 s20, v4;
	_ =	sdelay $0x3  }
0x233: {  	[tilespmem:$0x6530] =	vst v8  }
0x234: {  	v8 =	vld.idx.msk [tilespmem:v9+s2+$0x0], $0xffff  }
0x235: {  	v9 =	vor.u32 s20, v5;
	_ =	sdelay $0x3  }
0x236: {  	[tilespmem:$0x6540] =	vst v8  }
0x237: {  	v8 =	vld.idx.msk [tilespmem:v9+s2+$0x0], $0xffff  }
0x238: {  	v9 =	vor.u32 s20, v6;
	_ =	sdelay $0x3  }
0x239: {  	[tilespmem:$0x6550] =	vst v8  }
0x23a: {  	v8 =	vld.idx.msk [tilespmem:v9+s2+$0x0], $0xffff  }
0x23b: {  	v9 =	vor.u32 s20, v7;
	_ =	sdelay $0x3  }
0x23c: {  	[tilespmem:$0x6560] =	vst v8  }
0x23d: {  	v8 =	vld.idx.msk [tilespmem:v9+s2+$0x0], $0xffff;
	_ =	sdelay $0x4  }
0x23e: {  	s20 =	simm.s32 $0x6500;
	[tilespmem:$0x6570] =	vst v8  }
0x23f: {  	[tilespmem:s13], [sflag:$0x3] =	stream.indirect.gather [hbm4b:s3+s17], $0x40, s20, s17, $0xb8;
	[tilespmem:$0x16800] =	vst v63  }
0x240: {  	s13 =	simm.s32 $0x4  }
0x241: {  	_ =	swait.ge [sflag:s13], $0x2000  }
0x242: {  	s26 =	sadd.s32 $0xFFFFFE00, s19;
	[sflag:s13] =	ssyncset.done $0x0  }
0x243: {  	s22 =	simm.s32 $0xC800;
	v8 =	vor.u32 s26, v0;
	s20 =	sadd.s32 $0x18000, s1;
	[sflag:s13] =	ssyncadd.s32 $0xFFFFE000  }
0x244: {  	[hbm4b:s20+s2] =	stream.linear.scatter [tilespmem:s22], [sflag:$0xC], $0x2000, $0x38;
	[tilespmem:$0x16800] =	vst v63  }
0x245: {  	_ =	swait.ge [sflag:s15], $0x2000  }
0x246: {  	[sflag:s15] =	ssyncset.done $0x0  }
0x247: {  	[sflag:s15] =	ssyncadd.s32 $0xFFFFE000  }
0x248: {  	v8 =	vld.idx.msk [tilespmem:v8+s2+$0x0], $0xffff  }
0x249: {  	v9 =	vor.u32 s26, v1;
	_ =	sdelay $0x3  }
0x24a: {  	[tilespmem:$0x6580] =	vst v8  }
0x24b: {  	v8 =	vld.idx.msk [tilespmem:v9+s2+$0x0], $0xffff  }
0x24c: {  	v9 =	vor.u32 s26, v2;
	_ =	sdelay $0x3  }
0x24d: {  	[tilespmem:$0x6590] =	vst v8  }
0x24e: {  	v8 =	vld.idx.msk [tilespmem:v9+s2+$0x0], $0xffff  }
0x24f: {  	v9 =	vor.u32 s26, v3;
	_ =	sdelay $0x3  }
0x250: {  	[tilespmem:$0x65A0] =	vst v8  }
0x251: {  	v8 =	vld.idx.msk [tilespmem:v9+s2+$0x0], $0xffff  }
0x252: {  	v9 =	vor.u32 s26, v4;
	_ =	sdelay $0x3  }
0x253: {  	[tilespmem:$0x65B0] =	vst v8  }
0x254: {  	v8 =	vld.idx.msk [tilespmem:v9+s2+$0x0], $0xffff  }
0x255: {  	v9 =	vor.u32 s26, v5;
	_ =	sdelay $0x3  }
0x256: {  	[tilespmem:$0x65C0] =	vst v8  }
0x257: {  	v8 =	vld.idx.msk [tilespmem:v9+s2+$0x0], $0xffff  }
0x258: {  	v9 =	vor.u32 s26, v6;
	_ =	sdelay $0x3  }
0x259: {  	[tilespmem:$0x65D0] =	vst v8  }
0x25a: {  	v8 =	vld.idx.msk [tilespmem:v9+s2+$0x0], $0xffff  }
0x25b: {  	v9 =	vor.u32 s26, v7;
	_ =	sdelay $0x3  }
0x25c: {  	[tilespmem:$0x65E0] =	vst v8  }
0x25d: {  	v8 =	vld.idx.msk [tilespmem:v9+s2+$0x0], $0xffff;
	_ =	sdelay $0x4  }
0x25e: {  	s23 =	simm.s32 $0x6580;
	[tilespmem:$0x65F0] =	vst v8  }
0x25f: {  	[tilespmem:s22], [sflag:$0x4] =	stream.indirect.gather [hbm4b:s3+s17], $0x40, s23, s17, $0xb8;
	[tilespmem:$0x16800] =	vst v63  }
0x260: {  	_ =	swait.ge [sflag:s16], $0x2000  }
0x261: {  	s21 =	sadd.s32 $0xFFFFFE80, s19;
	[sflag:s16] =	ssyncset.done $0x0  }
0x262: {  	s29 =	simm.s32 $0xE800;
	s26 =	sadd.s32 $0x20000, s1;
	v8 =	vor.u32 s21, v0;
	[sflag:s16] =	ssyncadd.s32 $0xFFFFE000  }
0x263: {  	[hbm4b:s26+s2] =	stream.linear.scatter [tilespmem:s29], [sflag:$0xD], $0x2000, $0x38;
	[tilespmem:$0x16800] =	vst v63  }
0x264: {  	_ =	swait.ge [sflag:s18], $0x2000  }
0x265: {  	[sflag:s18] =	ssyncset.done $0x0  }
0x266: {  	[sflag:s18] =	ssyncadd.s32 $0xFFFFE000  }
0x267: {  	v8 =	vld.idx.msk [tilespmem:v8+s2+$0x0], $0xffff  }
0x268: {  	v9 =	vor.u32 s21, v1;
	_ =	sdelay $0x3  }
0x269: {  	[tilespmem:$0x6600] =	vst v8  }
0x26a: {  	v8 =	vld.idx.msk [tilespmem:v9+s2+$0x0], $0xffff  }
0x26b: {  	v9 =	vor.u32 s21, v2;
	_ =	sdelay $0x3  }
0x26c: {  	[tilespmem:$0x6610] =	vst v8  }
0x26d: {  	v8 =	vld.idx.msk [tilespmem:v9+s2+$0x0], $0xffff  }
0x26e: {  	v9 =	vor.u32 s21, v3;
	_ =	sdelay $0x3  }
0x26f: {  	[tilespmem:$0x6620] =	vst v8  }
0x270: {  	v8 =	vld.idx.msk [tilespmem:v9+s2+$0x0], $0xffff  }
0x271: {  	v9 =	vor.u32 s21, v4;
	_ =	sdelay $0x3  }
0x272: {  	[tilespmem:$0x6630] =	vst v8  }
0x273: {  	v8 =	vld.idx.msk [tilespmem:v9+s2+$0x0], $0xffff  }
0x274: {  	v9 =	vor.u32 s21, v5;
	_ =	sdelay $0x3  }
0x275: {  	[tilespmem:$0x6640] =	vst v8  }
0x276: {  	v8 =	vld.idx.msk [tilespmem:v9+s2+$0x0], $0xffff  }
0x277: {  	v9 =	vor.u32 s21, v6;
	_ =	sdelay $0x3  }
0x278: {  	[tilespmem:$0x6650] =	vst v8  }
0x279: {  	v8 =	vld.idx.msk [tilespmem:v9+s2+$0x0], $0xffff  }
0x27a: {  	v9 =	vor.u32 s21, v7;
	_ =	sdelay $0x3  }
0x27b: {  	[tilespmem:$0x6660] =	vst v8  }
0x27c: {  	v8 =	vld.idx.msk [tilespmem:v9+s2+$0x0], $0xffff;
	_ =	sdelay $0x4  }
0x27d: {  	s26 =	simm.s32 $0x6600;
	[tilespmem:$0x6670] =	vst v8  }
0x27e: {  	[tilespmem:s29], [sflag:$0x5] =	stream.indirect.gather [hbm4b:s3+s17], $0x40, s26, s17, $0xb8;
	[tilespmem:$0x16800] =	vst v63  }
0x27f: {  	_ =	swait.ge [sflag:s25], $0x2000  }
0x280: {  	s22 =	simm.s32 $0xE;
	s21 =	sadd.s32 $0xFFFFFF00, s19;
	[sflag:s25] =	ssyncset.done $0x0  }
0x281: {  	s23 =	sadd.s32 $0x28000, s1;
	v8 =	vor.u32 s21, v0;
	s26 =	simm.s32 $0x10800;
	[sflag:s25] =	ssyncadd.s32 $0xFFFFE000  }
0x282: {  	[hbm4b:s23+s2] =	stream.linear.scatter [tilespmem:s26], [sflag:$0xE], $0x2000, $0x38;
	[tilespmem:$0x16800] =	vst v63  }
0x283: {  	_ =	swait.ge [sflag:s22], $0x2000  }
0x284: {  	[sflag:s22] =	ssyncset.done $0x0  }
0x285: {  	[sflag:s22] =	ssyncadd.s32 $0xFFFFE000  }
0x286: {  	v8 =	vld.idx.msk [tilespmem:v8+s2+$0x0], $0xffff  }
0x287: {  	v9 =	vor.u32 s21, v1;
	_ =	sdelay $0x3  }
0x288: {  	[tilespmem:$0x6680] =	vst v8  }
0x289: {  	v8 =	vld.idx.msk [tilespmem:v9+s2+$0x0], $0xffff  }
0x28a: {  	v9 =	vor.u32 s21, v2;
	_ =	sdelay $0x3  }
0x28b: {  	[tilespmem:$0x6690] =	vst v8  }
0x28c: {  	v8 =	vld.idx.msk [tilespmem:v9+s2+$0x0], $0xffff  }
0x28d: {  	v9 =	vor.u32 s21, v3;
	_ =	sdelay $0x3  }
0x28e: {  	[tilespmem:$0x66A0] =	vst v8  }
0x28f: {  	v8 =	vld.idx.msk [tilespmem:v9+s2+$0x0], $0xffff  }
0x290: {  	v9 =	vor.u32 s21, v4;
	_ =	sdelay $0x3  }
0x291: {  	[tilespmem:$0x66B0] =	vst v8  }
0x292: {  	v8 =	vld.idx.msk [tilespmem:v9+s2+$0x0], $0xffff  }
0x293: {  	v9 =	vor.u32 s21, v5;
	_ =	sdelay $0x3  }
0x294: {  	[tilespmem:$0x66C0] =	vst v8  }
0x295: {  	v8 =	vld.idx.msk [tilespmem:v9+s2+$0x0], $0xffff  }
0x296: {  	v9 =	vor.u32 s21, v6;
	_ =	sdelay $0x3  }
0x297: {  	[tilespmem:$0x66D0] =	vst v8  }
0x298: {  	v8 =	vld.idx.msk [tilespmem:v9+s2+$0x0], $0xffff  }
0x299: {  	v9 =	vor.u32 s21, v7;
	_ =	sdelay $0x3  }
0x29a: {  	[tilespmem:$0x66E0] =	vst v8  }
0x29b: {  	v8 =	vld.idx.msk [tilespmem:v9+s2+$0x0], $0xffff;
	_ =	sdelay $0x4  }
0x29c: {  	s23 =	simm.s32 $0x6680;
	[tilespmem:$0x66F0] =	vst v8  }
0x29d: {  	[tilespmem:s26], [sflag:$0x6] =	stream.indirect.gather [hbm4b:s3+s17], $0x40, s23, s17, $0xb8;
	[tilespmem:$0x16800] =	vst v63  }
0x29e: {  	s26 =	simm.s32 $0x7  }
0x29f: {  	_ =	swait.ge [sflag:s26], $0x2000  }
0x2a0: {  	[sflag:s26] =	ssyncset.done $0x0  }
0x2a1: {  	s21 =	sadd.s32 $0xFFFFFF80, s19;
	[sflag:s26] =	ssyncadd.s32 $0xFFFFE000;
	s26 =	sadd.s32 $0x30000, s1  }
0x2a2: {  	v8 =	vor.u32 s21, v0;
	[hbm4b:s26+s2] =	stream.linear.scatter [tilespmem:s24], [sflag:$0xF], $0x2000, $0x38;
	[tilespmem:$0x16800] =	vst v63  }
0x2a3: {  	s26 =	simm.s32 $0xF  }
0x2a4: {  	_ =	swait.ge [sflag:s26], $0x2000  }
0x2a5: {  	[sflag:s26] =	ssyncset.done $0x0  }
0x2a6: {  	[sflag:s26] =	ssyncadd.s32 $0xFFFFE000  }
0x2a7: {  	v8 =	vld.idx.msk [tilespmem:v8+s2+$0x0], $0xffff  }
0x2a8: {  	v9 =	vor.u32 s21, v1;
	_ =	sdelay $0x3  }
0x2a9: {  	[tilespmem:$0x6700] =	vst v8  }
0x2aa: {  	v8 =	vld.idx.msk [tilespmem:v9+s2+$0x0], $0xffff  }
0x2ab: {  	v9 =	vor.u32 s21, v2;
	_ =	sdelay $0x3  }
0x2ac: {  	[tilespmem:$0x6710] =	vst v8  }
0x2ad: {  	v8 =	vld.idx.msk [tilespmem:v9+s2+$0x0], $0xffff  }
0x2ae: {  	v9 =	vor.u32 s21, v3;
	_ =	sdelay $0x3  }
0x2af: {  	[tilespmem:$0x6720] =	vst v8  }
0x2b0: {  	v8 =	vld.idx.msk [tilespmem:v9+s2+$0x0], $0xffff  }
0x2b1: {  	v9 =	vor.u32 s21, v4;
	_ =	sdelay $0x3  }
0x2b2: {  	[tilespmem:$0x6730] =	vst v8  }
0x2b3: {  	v8 =	vld.idx.msk [tilespmem:v9+s2+$0x0], $0xffff  }
0x2b4: {  	v9 =	vor.u32 s21, v5;
	_ =	sdelay $0x3  }
0x2b5: {  	[tilespmem:$0x6740] =	vst v8  }
0x2b6: {  	v8 =	vld.idx.msk [tilespmem:v9+s2+$0x0], $0xffff  }
0x2b7: {  	v9 =	vor.u32 s21, v6;
	_ =	sdelay $0x3  }
0x2b8: {  	[tilespmem:$0x6750] =	vst v8  }
0x2b9: {  	v8 =	vld.idx.msk [tilespmem:v9+s2+$0x0], $0xffff  }
0x2ba: {  	v9 =	vor.u32 s21, v7;
	_ =	sdelay $0x3  }
0x2bb: {  	[tilespmem:$0x6760] =	vst v8  }
0x2bc: {  	v8 =	vld.idx.msk [tilespmem:v9+s2+$0x0], $0xffff;
	_ =	sdelay $0x4  }
0x2bd: {  	s21 =	simm.s32 $0x6700;
	[tilespmem:$0x6770] =	vst v8  }
0x2be: {  	[tilespmem:s24], [sflag:$0x7] =	stream.indirect.gather [hbm4b:s3+s17], $0x40, s21, s17, $0xb8;
	[tilespmem:$0x16800] =	vst v63  }
0x2bf: {  	s21 =	simm.s32 $0x8  }
0x2c0: {  	_ =	swait.ge [sflag:s21], $0x2000  }
0x2c1: {  	[sflag:s21] =	ssyncset.done $0x0  }
0x2c2: {  	s30 =	simm.s32 $0x14800;
	[sflag:s21] =	ssyncadd.s32 $0xFFFFE000;
	s21 =	sadd.s32 $0x38000, s1  }
0x2c3: {  	v8 =	vor.u32 s19, v0;
	[hbm4b:s21+s2] =	stream.linear.scatter [tilespmem:s30], [sflag:$0x10], $0x2000, $0x38;
	[tilespmem:$0x16800] =	vst v63  }
0x2c4: {  	s30 =	simm.s32 $0x10  }
0x2c5: {  	_ =	swait.ge [sflag:s30], $0x2000  }
0x2c6: {  	[sflag:s30] =	ssyncset.done $0x0  }
0x2c7: {  	[sflag:s30] =	ssyncadd.s32 $0xFFFFE000  }
0x2c8: {  	v8 =	vld.idx.msk [tilespmem:v8+s2+$0x0], $0xffff  }
0x2c9: {  	v9 =	vor.u32 s19, v1;
	_ =	sdelay $0x3  }
0x2ca: {  	[tilespmem:$0x6780] =	vst v8  }
0x2cb: {  	v8 =	vld.idx.msk [tilespmem:v9+s2+$0x0], $0xffff  }
0x2cc: {  	v9 =	vor.u32 s19, v2;
	_ =	sdelay $0x3  }
0x2cd: {  	[tilespmem:$0x6790] =	vst v8  }
0x2ce: {  	v8 =	vld.idx.msk [tilespmem:v9+s2+$0x0], $0xffff  }
0x2cf: {  	v9 =	vor.u32 s19, v3;
	_ =	sdelay $0x3  }
0x2d0: {  	[tilespmem:$0x67A0] =	vst v8  }
0x2d1: {  	v8 =	vld.idx.msk [tilespmem:v9+s2+$0x0], $0xffff  }
0x2d2: {  	v9 =	vor.u32 s19, v4;
	_ =	sdelay $0x3  }
0x2d3: {  	[tilespmem:$0x67B0] =	vst v8  }
0x2d4: {  	v8 =	vld.idx.msk [tilespmem:v9+s2+$0x0], $0xffff  }
0x2d5: {  	v9 =	vor.u32 s19, v5;
	_ =	sdelay $0x3  }
0x2d6: {  	[tilespmem:$0x67C0] =	vst v8  }
0x2d7: {  	v8 =	vld.idx.msk [tilespmem:v9+s2+$0x0], $0xffff  }
0x2d8: {  	v9 =	vor.u32 s19, v6;
	_ =	sdelay $0x3  }
0x2d9: {  	[tilespmem:$0x67D0] =	vst v8  }
0x2da: {  	v8 =	vld.idx.msk [tilespmem:v9+s2+$0x0], $0xffff  }
0x2db: {  	v9 =	vor.u32 s19, v7;
	_ =	sdelay $0x3  }
0x2dc: {  	[tilespmem:$0x67E0] =	vst v8  }
0x2dd: {  	v8 =	vld.idx.msk [tilespmem:v9+s2+$0x0], $0xffff  }
0x2de: {  	s0 =	simm.s32 $0x6800;
	p0 =	sne.s32 s31, $0xC7  }
.Ltmp2:
0x2df: {  	s31 =	sadd.s32 $0x8, s31;
	s7 =	simm.s32 $0x1;
	(pc) =	sbr.rel @p0 .LBB2_6-.Ltmp2, $4  }
0x2e0: {  	s9 =	simm.s32 $0x9;
	s12 =	simm.s32 $0xA800;
	s20 =	simm.s32 $0xC800  }
0x2e1: {  	s29 =	simm.s32 $0x10800;
	s23 =	simm.s32 $0x6400;
	s26 =	simm.s32 $0x12800  }
0x2e2: {  	s1 =	sadd.s32 $0x40000, s1;
	s21 =	simm.s32 $0x14800;
	s19 =	simm.s32 $0x6780;
	[tilespmem:$0x67F0] =	vst v8  }
0x2e3: {  	[tilespmem:s21], [sflag:$0x8] =	stream.indirect.gather [hbm4b:s3+s17], $0x40, s19, s17, $0xb8;
	[tilespmem:$0x16800] =	vst v63  }
0x2e4: {  	_ =	swait.ge [sflag:s7], $0x2000  }
0x2e5: {  	[sflag:s7] =	ssyncset.done $0x0  }
0x2e6: {  	s1 =	rddreg [dreg:$0x3];
	[sflag:s7] =	ssyncadd.s32 $0xFFFFE000  }
0x2e7: {  	[hbm4b:s1+s2] =	stream.linear.scatter [tilespmem:s0], [sflag:$0x9], $0x2000, $0x38;
	[tilespmem:$0x16800] =	vst v63  }
0x2e8: {  	_ =	swait.ge [sflag:s9], $0x2000  }
0x2e9: {  	[sflag:s9] =	ssyncset.done $0x0  }
0x2ea: {  	[sflag:s9] =	ssyncadd.s32 $0xFFFFE000  }
0x2eb: {  	_ =	swait.ge [sflag:s10], $0x2000  }
0x2ec: {  	[sflag:s10] =	ssyncset.done $0x0  }
0x2ed: {  	s0 =	rddreg [dreg:$0x4];
	[sflag:s10] =	ssyncadd.s32 $0xFFFFE000  }
0x2ee: {  	[hbm4b:s0+s2] =	stream.linear.scatter [tilespmem:s8], [sflag:$0xA], $0x2000, $0x38;
	[tilespmem:$0x16800] =	vst v63  }
0x2ef: {  	_ =	swait.ge [sflag:s11], $0x2000  }
0x2f0: {  	[sflag:s11] =	ssyncset.done $0x0  }
0x2f1: {  	[sflag:s11] =	ssyncadd.s32 $0xFFFFE000  }
0x2f2: {  	_ =	swait.ge [sflag:s6], $0x2000  }
0x2f3: {  	[sflag:s6] =	ssyncset.done $0x0  }
0x2f4: {  	s19 =	rddreg [dreg:$0x5];
	[sflag:s6] =	ssyncadd.s32 $0xFFFFE000  }
0x2f5: {  	[hbm4b:s19+s2] =	stream.linear.scatter [tilespmem:s12], [sflag:$0xB], $0x2000, $0x38;
	[tilespmem:$0x16800] =	vst v63  }
0x2f6: {  	_ =	swait.ge [sflag:s14], $0x2000  }
0x2f7: {  	[sflag:s14] =	ssyncset.done $0x0  }
0x2f8: {  	[sflag:s14] =	ssyncadd.s32 $0xFFFFE000  }
0x2f9: {  	_ =	swait.ge [sflag:s13], $0x2000  }
0x2fa: {  	[sflag:s13] =	ssyncset.done $0x0  }
0x2fb: {  	s31 =	rddreg [dreg:$0x6];
	[sflag:s13] =	ssyncadd.s32 $0xFFFFE000  }
0x2fc: {  	[hbm4b:s31+s2] =	stream.linear.scatter [tilespmem:s20], [sflag:$0xC], $0x2000, $0x38;
	[tilespmem:$0x16800] =	vst v63  }
0x2fd: {  	_ =	swait.ge [sflag:s15], $0x2000  }
0x2fe: {  	[sflag:s15] =	ssyncset.done $0x0  }
0x2ff: {  	[sflag:s15] =	ssyncadd.s32 $0xFFFFE000  }
0x300: {  	_ =	swait.ge [sflag:s16], $0x2000  }
0x301: {  	[sflag:s16] =	ssyncset.done $0x0  }
0x302: {  	s0 =	rddreg [dreg:$0x7];
	[sflag:s16] =	ssyncadd.s32 $0xFFFFE000  }
0x303: {  	[hbm4b:s0+s2] =	stream.linear.scatter [tilespmem:s28], [sflag:$0xD], $0x2000, $0x38;
	[tilespmem:$0x16800] =	vst v63  }
0x304: {  	_ =	swait.ge [sflag:s18], $0x2000  }
0x305: {  	[sflag:s18] =	ssyncset.done $0x0  }
0x306: {  	[sflag:s18] =	ssyncadd.s32 $0xFFFFE000  }
0x307: {  	_ =	swait.ge [sflag:s25], $0x2000  }
0x308: {  	[sflag:s25] =	ssyncset.done $0x0  }
0x309: {  	s12 =	rddreg [dreg:$0x8];
	[sflag:s25] =	ssyncadd.s32 $0xFFFFE000  }
0x30a: {  	[hbm4b:s12+s2] =	stream.linear.scatter [tilespmem:s29], [sflag:$0xE], $0x2000, $0x38;
	[tilespmem:$0x16800] =	vst v63  }
0x30b: {  	_ =	swait.ge [sflag:s22], $0x2000  }
0x30c: {  	[sflag:s22] =	ssyncset.done $0x0  }
0x30d: {  	s13 =	simm.s32 $0x7;
	[sflag:s22] =	ssyncadd.s32 $0xFFFFE000  }
0x30e: {  	_ =	swait.ge [sflag:s13], $0x2000  }
0x30f: {  	[sflag:s13] =	ssyncset.done $0x0  }
0x310: {  	s20 =	simm.s32 $0xF;
	s19 =	rddreg [dreg:$0x9];
	[sflag:s13] =	ssyncadd.s32 $0xFFFFE000  }
0x311: {  	[hbm4b:s19+s2] =	stream.linear.scatter [tilespmem:s26], [sflag:$0xF], $0x2000, $0x38;
	[tilespmem:$0x16800] =	vst v63  }
0x312: {  	_ =	swait.ge [sflag:s20], $0x2000  }
0x313: {  	[sflag:s20] =	ssyncset.done $0x0  }
0x314: {  	s22 =	simm.s32 $0x8;
	[sflag:s20] =	ssyncadd.s32 $0xFFFFE000  }
0x315: {  	_ =	swait.ge [sflag:s22], $0x2000  }
0x316: {  	[sflag:s22] =	ssyncset.done $0x0  }
0x317: {  	s26 =	rddreg [dreg:$0xa];
	[sflag:s22] =	ssyncadd.s32 $0xFFFFE000  }
0x318: {  	[hbm4b:s26+s2] =	stream.linear.scatter [tilespmem:s21], [sflag:$0x10], $0x2000, $0x38;
	[tilespmem:$0x16800] =	vst v63  }
0x319: {  	_ =	swait.ge [sflag:s30], $0x2000  }
0x31a: {  	s29 =	rddreg [dreg:$0xd]  }
0x31b: {  	s31 =	rddreg [dreg:$0xb];
	s0 =	sadd.s32 $0x1, s29  }
0x31c: {  	p0 =	sne.s32 s0, s31  }
.Ltmp3:
0x31d: {  	_ = 	snop;
	(pc) =	sbr.rel @p0 .LBB2_1-.Ltmp3, $3  }
0x31e: {  	_ =	sdelay $0x1  }
0x31f: {  	[sflag:s30] =	ssyncset.done $0x0  }
0x320: {  	s21 =	simm.s32 $0x11;
	[sflag:s30] =	ssyncadd.s32 $0xFFFFE000  }
0x321: {  	_ =	sfence.sel $0x180000  }
0x322: {  	[bflag:$0x0] =	sbarrier.arrive $0xFFFF  }
0x323: {  	_ =	strace $0x90000047  }
0x324: {  	s0 =	stileid.u32;
	[bflag:$0x2] =	sbarrier.arrive $0xFFFF  }
0x325: {  	p0 =	sne.s32 s0, $0x0;
	s0 =	rddreg [dreg:$0x2]  }
0x326: {  	s0 =	sadd.s32 @!p0 $0x100000, s0  }
0x327: {  	[sflag:s0] =	ssyncadd.tile.s32 @!p0 $0x1;
	_ =	shalt  }
.Lfunc_end2:
_tile_overlayer_lowered:
.L_overlay_start_2:
0x328: {  	(tag) =	ssettag $0x2  }
0x329: {  	s0 =	rddreg [dreg:$0x0];
	s2 =	stileid.u32  }
0x32a: {  	s1 =	rddreg [dreg:$0x1];
	p0 =	sne.s32 s2, $0x0  }
0x32b: {  	s3 =	rddreg [dreg:$0x2];
	[bflag:$0x3] =	sbarrier.arrive $0xFFFF;
	s2 =	simm.s32 @!p0 $0x1C11  }
0x32c: {  	[timem:s3], [sflag:s2] =	dma.local @!p0 [hbm:s0], s1  }
0x32d: {  	s0 =	simm.s32 @!p0 $0x11  }
0x32e: {  	_ =	swait.ge @!p0 [sflag:s0], s1  }
0x32f: {  	s1 =	ssub.s32 @!p0 $0x0, s1;
	[sflag:s0] =	ssyncset.done @!p0 $0x0  }
0x330: {  	[sflag:s0] =	ssyncadd.s32 @!p0 s1  }
0x331: {  	[bflag:$0x3] =	sbarrier.arrive $0xFFFF  }
0x332: {  	_ =	shalt  }

</sc_bundles>
